<compile_context>
chip_gen: v7x
topology: tpu7x:2x2x1
jax: 0.10.2.dev20260603
libtpu: 0.0.44.dev20260713+nightly
codegen_flags: <defaults>
</compile_context>

<pallas_src>
import functools

import jax
import jax.numpy as jnp
from jax import lax
from jax.experimental import pallas as pl
from jax.experimental.pallas import tpu as pltpu
from jax.experimental.pallas import tpu_sc as plsc

B = 4096
L = 200
EMBED = 128
SUB = 128
NUM_CLASSES = 10000

NC, NS = 2, 16
NW = NC * NS
CL0 = 104
CL1 = 96
NCH = 2
VEC = 16

NBUF = 4
NSPLIT = 4
BS = B // NSPLIT


def _sc_pool(table, idxa, idxb, bs):
    rpw = bs // NW
    nchk = rpw * NCH
    ngrp = nchk // NBUF
    mesh = plsc.VectorSubcoreMesh(core_axis_name="c", subcore_axis_name="s")

    @functools.partial(
        pl.kernel,
        out_type=jax.ShapeDtypeStruct((bs, EMBED), jnp.float32),
        mesh=mesh,
        scratch_types=[
            pltpu.VMEM((rpw, CL0), jnp.int32),
            pltpu.VMEM((rpw, CL1), jnp.int32),
            pltpu.VMEM((NBUF // 2, CL0, EMBED), jnp.float32),
            pltpu.VMEM((NBUF // 2, CL1, EMBED), jnp.float32),
            pltpu.VMEM((rpw, EMBED), jnp.float32),
            [pltpu.SemaphoreType.DMA] * NBUF,
        ],
    )
    def k(table_hbm, idxa_hbm, idxb_hbm, out_hbm, idxa_v, idxb_v,
          gbufa, gbufb, obuf, sems):
        wid = lax.axis_index("s") * NC + lax.axis_index("c")
        base = wid * rpw
        pltpu.sync_copy(idxa_hbm.at[pl.ds(base, rpw)], idxa_v)
        pltpu.sync_copy(idxb_hbm.at[pl.ds(base, rpw)], idxb_v)

        def src(t, c):
            r = t // 2
            if c == 0:
                return table_hbm.at[idxa_v.at[r]]
            return table_hbm.at[idxb_v.at[r]]

        def dstbuf(b):
            c = b % 2
            return (gbufa if c == 0 else gbufb).at[b // 2]

        def add_row_a(hb, j, acc):
            return tuple(
                acc[kk] + gbufa[hb, j, pl.ds(VEC * kk, VEC)]
                for kk in range(EMBED // VEC)
            )

        def add_row_b(hb, j, acc):
            return tuple(
                acc[kk] + gbufb[hb, j, pl.ds(VEC * kk, VEC)]
                for kk in range(EMBED // VEC)
            )

        for b in range(NBUF):
            pltpu.async_copy(src(jnp.int32(b), b % 2), dstbuf(b), sems[b])

        zeros = tuple(jnp.zeros((VEC,), jnp.float32)
                      for _ in range(EMBED // VEC))
        scale = jnp.float32(1.0 / L)

        def group_body(g, acc):
            for b in range(NBUF):
                t = g * NBUF + b
                c = b % 2
                pltpu.make_async_copy(src(t, c), dstbuf(b), sems[b]).wait()
                if c == 0:
                    acc = lax.fori_loop(
                        0, CL0, functools.partial(add_row_a, b // 2), acc
                    )
                else:
                    acc = lax.fori_loop(
                        0, CL1, functools.partial(add_row_b, b // 2), acc
                    )
                    r = g * (NBUF // NCH) + b // NCH
                    for kk in range(EMBED // VEC):
                        obuf[r, pl.ds(VEC * kk, VEC)] = acc[kk] * scale
                    acc = zeros
                nxt = t + NBUF

                @pl.when(nxt < nchk)
                def _():
                    pltpu.async_copy(src(nxt, c), dstbuf(b), sems[b])
            return acc

        lax.fori_loop(0, ngrp, group_body, zeros)
        pltpu.sync_copy(obuf, out_hbm.at[pl.ds(base, rpw)])

    return k(table, idxa, idxb)


BM = 512
BN = 1024


def _mm_kernel(p_ref, s_ref, w_ref, b_ref, o_ref):
    p = p_ref[...].astype(jnp.bfloat16)
    s = s_ref[...].astype(jnp.bfloat16)
    w = w_ref[...].astype(jnp.bfloat16)
    dn = (((1,), (1,)), ((), ()))
    acc = lax.dot_general(p, w[:, :EMBED], dn,
                          preferred_element_type=jnp.float32)
    acc = acc + lax.dot_general(s, w[:, EMBED:], dn,
                                preferred_element_type=jnp.float32)
    o_ref[...] = acc + b_ref[...]


def _tc_classify(pooled, sub, W_cls, b_cls, bs):
    grid = (bs // BM, pl.cdiv(NUM_CLASSES, BN))
    return pl.pallas_call(
        _mm_kernel,
        grid=grid,
        in_specs=[
            pl.BlockSpec((BM, EMBED), lambda i, j: (i, 0)),
            pl.BlockSpec((BM, SUB), lambda i, j: (i, 0)),
            pl.BlockSpec((BN, EMBED + SUB), lambda i, j: (j, 0)),
            pl.BlockSpec((1, BN), lambda i, j: (0, j)),
        ],
        out_specs=pl.BlockSpec((BM, BN), lambda i, j: (i, j)),
        out_shape=jax.ShapeDtypeStruct((bs, NUM_CLASSES), jnp.float32),
        compiler_params=pltpu.CompilerParams(
            dimension_semantics=("parallel", "parallel"),
        ),
    )(pooled, sub, W_cls, b_cls.reshape(1, NUM_CLASSES))


def kernel(word_input, sub_category_input, table, W_cls, b_cls):
    idx = word_input.astype(jnp.int32)
    idxa = idx[:, :CL0]
    idxb = idx[:, CL0:]
    parts = []
    for k in range(NSPLIT):
        ia = lax.slice_in_dim(idxa, k * BS, (k + 1) * BS)
        ib = lax.slice_in_dim(idxb, k * BS, (k + 1) * BS)
        parts.append(_sc_pool(table, ia, ib, BS))
    pooled = jnp.concatenate(parts, axis=0)
    return _tc_classify(pooled, sub_category_input, W_cls, b_cls, B)

# --- scband reference (transcript-rebuilt; emitter-appended) ---
"""Pipeline reference for scband-keyword-category-model-90091234001248 (READ-ONLY COPY).

The authoritative reference and input builder live on the scoring server;
editing this copy changes nothing except your own understanding.
"""

import jax, jax.numpy as jnp
import numpy as np

VOCAB = 100000
EMBED = 128
PAD = 0
SUB = 128
NUM_CLASSES = 10000
B = 4096
L = 200


def setup_inputs(seed: int = 0) -> dict:
    key = jax.random.key(seed)
    k1, k2, k3, k4 = jax.random.split(key, 4)
    word_input = jax.random.randint(k1, (B, L), 0, VOCAB, dtype=jnp.int64)
    sub_category_input = jax.random.normal(k2, (B, SUB), dtype=jnp.float32)
    # embedding table; padding_idx row zeroed like nn.Embedding(padding_idx=0)
    table = jax.random.normal(k3, (VOCAB, EMBED), dtype=jnp.float32) * 0.02
    table = table.at[PAD].set(0.0)
    # classifier Linear(embed_dim + sub_category_size, num_classes)
    W_cls = jax.random.normal(k4, (NUM_CLASSES, EMBED + SUB), dtype=jnp.float32) * 0.02
    b_cls = jnp.zeros((NUM_CLASSES,), dtype=jnp.float32)
    return {
        "word_input": word_input,
        "sub_category_input": sub_category_input,
        "table": table,
        "W_cls": W_cls,
        "b_cls": b_cls,
    }


def reference(word_input, sub_category_input, table, W_cls, b_cls):
    # embedding lookup (gather); mask ensures padding_idx contributes zeros
    emb = jnp.take(table, word_input, axis=0)  # [B, L, EMBED]
    pad_mask = (word_input != PAD)[..., None].astype(emb.dtype)
    emb = emb * pad_mask
    pooled = emb.mean(axis=1)  # [B, EMBED]
    x = jnp.concatenate([pooled, sub_category_input], axis=1)  # [B, EMBED+SUB]
    # dropout with p=0.0 is identity
    out = x @ W_cls.T + b_cls  # [B, NUM_CLASSES]
    return out

if __name__ == "__main__":
    import jax
    _d = setup_inputs()
    print(jax.jit(kernel)(*tuple(_d.values())))

</pallas_src>

<mosaic_0001>
#map = affine_map<(d0, d1) -> (0, 0)>
module attributes {stable_mosaic.version = 14 : i64} {
  func.func @k(%arg0: i32, %arg1: i32, %arg2: memref<100000x128xf32, #tpu.memory_space<hbm>>, %arg3: memref<1024x104xi32, #tpu.memory_space<hbm>>, %arg4: memref<1024x96xi32, #tpu.memory_space<hbm>>, %arg5: memref<1024x128xf32, #tpu.memory_space<hbm>>, %arg6: memref<32x104xi32, #tpu.memory_space<vmem>>, %arg7: memref<32x96xi32, #tpu.memory_space<vmem>>, %arg8: memref<2x104x128xf32, #tpu.memory_space<vmem>>, %arg9: memref<2x96x128xf32, #tpu.memory_space<vmem>>, %arg10: memref<32x128xf32, #tpu.memory_space<vmem>>, %arg11: memref<!tpu.dma_semaphore, #tpu.memory_space<semaphore_mem>>, %arg12: memref<!tpu.dma_semaphore, #tpu.memory_space<semaphore_mem>>, %arg13: memref<!tpu.dma_semaphore, #tpu.memory_space<semaphore_mem>>, %arg14: memref<!tpu.dma_semaphore, #tpu.memory_space<semaphore_mem>>) attributes {dimension_semantics = [#tpu.dimension_semantics<core_parallel>, #tpu.dimension_semantics<subcore_parallel>], iteration_bounds = array<i64: 2, 16>, scalar_prefetch = 0 : i64, scratch_operands = 9 : i64, tpu.core_type = #tpu.core_type<sc_vector_subcore>, window_params = [{transform_indices = #map}, {transform_indices = #map}, {transform_indices = #map}, {transform_indices = #map}]} {
    %mul3A = arith.constant 2 : i32
    %mul3A_0 = arith.muli %arg1, %mul3A : i32
    %add3A = arith.addi %mul3A_0, %arg0 : i32
    %mul3A_1 = arith.constant 32 : i32
    %mul3A_2 = arith.muli %add3A, %mul3A_1 : i32
    "tpu.region"() ({
      %run_scoped3A = tpu.sem_alloc : memref<!tpu.dma_semaphore, #tpu.memory_space<semaphore_mem>>
      %dma_start3A_159 = arith.constant 0 : i32
      %dma_start3A_160 = tpu.memref_slice %arg3[%mul3A_2, %dma_start3A_159] : memref<1024x104xi32, #tpu.memory_space<hbm>> -> memref<32x104xi32, #tpu.memory_space<hbm>>
      %dma_start3A_161 = arith.constant 0 : i32
      %dma_start3A_162 = tpu.memref_slice %arg3[%mul3A_2, %dma_start3A_161] : memref<1024x104xi32, #tpu.memory_space<hbm>> -> memref<32x104xi32, #tpu.memory_space<hbm>>
      tpu.enqueue_dma source(%dma_start3A_162 : memref<32x104xi32, #tpu.memory_space<hbm>>) target(%arg6 : memref<32x104xi32, #tpu.memory_space<vmem>>) target_semaphore(%run_scoped3A : memref<!tpu.dma_semaphore, #tpu.memory_space<semaphore_mem>>)
      %dma_wait3A = arith.constant 0 : i32
      %dma_wait3A_163 = tpu.memref_slice %arg3[%mul3A_2, %dma_wait3A] : memref<1024x104xi32, #tpu.memory_space<hbm>> -> memref<32x104xi32, #tpu.memory_space<hbm>>
      %dma_wait3A_164 = arith.constant 0 : i32
      %dma_wait3A_165 = tpu.memref_slice %arg3[%mul3A_2, %dma_wait3A_164] : memref<1024x104xi32, #tpu.memory_space<hbm>> -> memref<32x104xi32, #tpu.memory_space<hbm>>
      tpu.wait_dma2 semaphore(%run_scoped3A : memref<!tpu.dma_semaphore, #tpu.memory_space<semaphore_mem>>) src(%dma_wait3A_165 : memref<32x104xi32, #tpu.memory_space<hbm>>) dst(%arg6 : memref<32x104xi32, #tpu.memory_space<vmem>>)
      tpu.yield
    }) : () -> ()
    "tpu.region"() ({
      %run_scoped3A = tpu.sem_alloc : memref<!tpu.dma_semaphore, #tpu.memory_space<semaphore_mem>>
      %dma_start3A_159 = arith.constant 0 : i32
      %dma_start3A_160 = tpu.memref_slice %arg4[%mul3A_2, %dma_start3A_159] : memref<1024x96xi32, #tpu.memory_space<hbm>> -> memref<32x96xi32, #tpu.memory_space<hbm>>
      %dma_start3A_161 = arith.constant 0 : i32
      %dma_start3A_162 = tpu.memref_slice %arg4[%mul3A_2, %dma_start3A_161] : memref<1024x96xi32, #tpu.memory_space<hbm>> -> memref<32x96xi32, #tpu.memory_space<hbm>>
      tpu.enqueue_dma source(%dma_start3A_162 : memref<32x96xi32, #tpu.memory_space<hbm>>) target(%arg7 : memref<32x96xi32, #tpu.memory_space<vmem>>) target_semaphore(%run_scoped3A : memref<!tpu.dma_semaphore, #tpu.memory_space<semaphore_mem>>)
      %dma_wait3A = arith.constant 0 : i32
      %dma_wait3A_163 = tpu.memref_slice %arg4[%mul3A_2, %dma_wait3A] : memref<1024x96xi32, #tpu.memory_space<hbm>> -> memref<32x96xi32, #tpu.memory_space<hbm>>
      %dma_wait3A_164 = arith.constant 0 : i32
      %dma_wait3A_165 = tpu.memref_slice %arg4[%mul3A_2, %dma_wait3A_164] : memref<1024x96xi32, #tpu.memory_space<hbm>> -> memref<32x96xi32, #tpu.memory_space<hbm>>
      tpu.wait_dma2 semaphore(%run_scoped3A : memref<!tpu.dma_semaphore, #tpu.memory_space<semaphore_mem>>) src(%dma_wait3A_165 : memref<32x96xi32, #tpu.memory_space<hbm>>) dst(%arg7 : memref<32x96xi32, #tpu.memory_space<vmem>>)
      tpu.yield
    }) : () -> ()
    %jit3A = arith.constant 0 : i32
    %jit3A_3 = arith.constant 2 : i32
    %div3A = arith.divsi %jit3A, %jit3A_3 : i32
    %sign3A = arith.constant 0 : i32
    %sign3A_4 = arith.cmpi sgt, %jit3A, %sign3A : i32
    %sign3A_5 = arith.extui %sign3A_4 : i1 to i32
    %sign3A_6 = arith.constant 0 : i32
    %sign3A_7 = arith.cmpi slt, %jit3A, %sign3A_6 : i32
    %sign3A_8 = arith.extui %sign3A_7 : i1 to i32
    %sign3A_9 = arith.subi %sign3A_5, %sign3A_8 : i32
    %sign3A_10 = arith.constant 0 : i32
    %sign3A_11 = arith.cmpi sgt, %jit3A_3, %sign3A_10 : i32
    %sign3A_12 = arith.extui %sign3A_11 : i1 to i32
    %sign3A_13 = arith.constant 0 : i32
    %sign3A_14 = arith.cmpi slt, %jit3A_3, %sign3A_13 : i32
    %sign3A_15 = arith.extui %sign3A_14 : i1 to i32
    %sign3A_16 = arith.subi %sign3A_12, %sign3A_15 : i32
    %ne3A = arith.cmpi ne, %sign3A_9, %sign3A_16 : i32
    %rem3A = arith.remsi %jit3A, %jit3A_3 : i32
    %ne3A_17 = arith.constant 0 : i32
    %ne3A_18 = arith.cmpi ne, %rem3A, %ne3A_17 : i32
    %and3A = arith.andi %ne3A, %ne3A_18 : i1
    %sub3A = arith.constant 1 : i32
    %sub3A_19 = arith.subi %div3A, %sub3A : i32
    %select_n3A = arith.select %and3A, %sub3A_19, %div3A : i32
    %dma_start3A = arith.constant 0 : i32
    %dma_start3A_20 = arith.constant 0 : i32
    %dma_start3A_21 = arith.constant 0 : i32
    %dma_start3A_22 = tpu.memref_slice %arg8[%dma_start3A, %dma_start3A_20, %dma_start3A_21] : memref<2x104x128xf32, #tpu.memory_space<vmem>> -> memref<1x104x128xf32, #tpu.memory_space<vmem>>
    %dma_start3A_23 = tpu.memref_squeeze %dma_start3A_22 : memref<1x104x128xf32, #tpu.memory_space<vmem>> -> memref<104x128xf32, #tpu.memory_space<vmem>>
    %dma_start3A_24 = arith.constant 0 : i32
    %dma_start3A_25 = tpu.memref_slice %arg6[%select_n3A, %dma_start3A_24] : memref<32x104xi32, #tpu.memory_space<vmem>> -> memref<1x104xi32, #tpu.memory_space<vmem>>
    %dma_start3A_26 = tpu.memref_squeeze %dma_start3A_25 : memref<1x104xi32, #tpu.memory_space<vmem>> -> memref<104xi32, #tpu.memory_space<vmem>>
    %dma_start3A_27 = arith.constant 0 : i32
    %dma_start3A_28 = arith.constant 0 : i32
    %dma_start3A_29 = tpu.memref_slice %arg2[%dma_start3A_27, %dma_start3A_28] : memref<100000x128xf32, #tpu.memory_space<hbm>> -> memref<100000x128xf32, #tpu.memory_space<hbm>>
    tpu.enqueue_indirect_dma source(%dma_start3A_29 : memref<100000x128xf32, #tpu.memory_space<hbm>>) target(%dma_start3A_23 : memref<104x128xf32, #tpu.memory_space<vmem>>) offsets(%dma_start3A_26 : memref<104xi32, #tpu.memory_space<vmem>>) semaphore(%arg11 : memref<!tpu.dma_semaphore, #tpu.memory_space<semaphore_mem>>)
    %jit3A_30 = arith.constant 1 : i32
    %jit3A_31 = arith.constant 2 : i32
    %div3A_32 = arith.divsi %jit3A_30, %jit3A_31 : i32
    %sign3A_33 = arith.constant 0 : i32
    %sign3A_34 = arith.cmpi sgt, %jit3A_30, %sign3A_33 : i32
    %sign3A_35 = arith.extui %sign3A_34 : i1 to i32
    %sign3A_36 = arith.constant 0 : i32
    %sign3A_37 = arith.cmpi slt, %jit3A_30, %sign3A_36 : i32
    %sign3A_38 = arith.extui %sign3A_37 : i1 to i32
    %sign3A_39 = arith.subi %sign3A_35, %sign3A_38 : i32
    %sign3A_40 = arith.constant 0 : i32
    %sign3A_41 = arith.cmpi sgt, %jit3A_31, %sign3A_40 : i32
    %sign3A_42 = arith.extui %sign3A_41 : i1 to i32
    %sign3A_43 = arith.constant 0 : i32
    %sign3A_44 = arith.cmpi slt, %jit3A_31, %sign3A_43 : i32
    %sign3A_45 = arith.extui %sign3A_44 : i1 to i32
    %sign3A_46 = arith.subi %sign3A_42, %sign3A_45 : i32
    %ne3A_47 = arith.cmpi ne, %sign3A_39, %sign3A_46 : i32
    %rem3A_48 = arith.remsi %jit3A_30, %jit3A_31 : i32
    %ne3A_49 = arith.constant 0 : i32
    %ne3A_50 = arith.cmpi ne, %rem3A_48, %ne3A_49 : i32
    %and3A_51 = arith.andi %ne3A_47, %ne3A_50 : i1
    %sub3A_52 = arith.constant 1 : i32
    %sub3A_53 = arith.subi %div3A_32, %sub3A_52 : i32
    %select_n3A_54 = arith.select %and3A_51, %sub3A_53, %div3A_32 : i32
    %dma_start3A_55 = arith.constant 0 : i32
    %dma_start3A_56 = arith.constant 0 : i32
    %dma_start3A_57 = arith.constant 0 : i32
    %dma_start3A_58 = tpu.memref_slice %arg9[%dma_start3A_55, %dma_start3A_56, %dma_start3A_57] : memref<2x96x128xf32, #tpu.memory_space<vmem>> -> memref<1x96x128xf32, #tpu.memory_space<vmem>>
    %dma_start3A_59 = tpu.memref_squeeze %dma_start3A_58 : memref<1x96x128xf32, #tpu.memory_space<vmem>> -> memref<96x128xf32, #tpu.memory_space<vmem>>
    %dma_start3A_60 = arith.constant 0 : i32
    %dma_start3A_61 = tpu.memref_slice %arg7[%select_n3A_54, %dma_start3A_60] : memref<32x96xi32, #tpu.memory_space<vmem>> -> memref<1x96xi32, #tpu.memory_space<vmem>>
    %dma_start3A_62 = tpu.memref_squeeze %dma_start3A_61 : memref<1x96xi32, #tpu.memory_space<vmem>> -> memref<96xi32, #tpu.memory_space<vmem>>
    %dma_start3A_63 = arith.constant 0 : i32
    %dma_start3A_64 = arith.constant 0 : i32
    %dma_start3A_65 = tpu.memref_slice %arg2[%dma_start3A_63, %dma_start3A_64] : memref<100000x128xf32, #tpu.memory_space<hbm>> -> memref<100000x128xf32, #tpu.memory_space<hbm>>
    tpu.enqueue_indirect_dma source(%dma_start3A_65 : memref<100000x128xf32, #tpu.memory_space<hbm>>) target(%dma_start3A_59 : memref<96x128xf32, #tpu.memory_space<vmem>>) offsets(%dma_start3A_62 : memref<96xi32, #tpu.memory_space<vmem>>) semaphore(%arg12 : memref<!tpu.dma_semaphore, #tpu.memory_space<semaphore_mem>>)
    %jit3A_66 = arith.constant 2 : i32
    %jit3A_67 = arith.constant 2 : i32
    %div3A_68 = arith.divsi %jit3A_66, %jit3A_67 : i32
    %sign3A_69 = arith.constant 0 : i32
    %sign3A_70 = arith.cmpi sgt, %jit3A_66, %sign3A_69 : i32
    %sign3A_71 = arith.extui %sign3A_70 : i1 to i32
    %sign3A_72 = arith.constant 0 : i32
    %sign3A_73 = arith.cmpi slt, %jit3A_66, %sign3A_72 : i32
    %sign3A_74 = arith.extui %sign3A_73 : i1 to i32
    %sign3A_75 = arith.subi %sign3A_71, %sign3A_74 : i32
    %sign3A_76 = arith.constant 0 : i32
    %sign3A_77 = arith.cmpi sgt, %jit3A_67, %sign3A_76 : i32
    %sign3A_78 = arith.extui %sign3A_77 : i1 to i32
    %sign3A_79 = arith.constant 0 : i32
    %sign3A_80 = arith.cmpi slt, %jit3A_67, %sign3A_79 : i32
    %sign3A_81 = arith.extui %sign3A_80 : i1 to i32
    %sign3A_82 = arith.subi %sign3A_78, %sign3A_81 : i32
    %ne3A_83 = arith.cmpi ne, %sign3A_75, %sign3A_82 : i32
    %rem3A_84 = arith.remsi %jit3A_66, %jit3A_67 : i32
    %ne3A_85 = arith.constant 0 : i32
    %ne3A_86 = arith.cmpi ne, %rem3A_84, %ne3A_85 : i32
    %and3A_87 = arith.andi %ne3A_83, %ne3A_86 : i1
    %sub3A_88 = arith.constant 1 : i32
    %sub3A_89 = arith.subi %div3A_68, %sub3A_88 : i32
    %select_n3A_90 = arith.select %and3A_87, %sub3A_89, %div3A_68 : i32
    %dma_start3A_91 = arith.constant 1 : i32
    %dma_start3A_92 = arith.constant 0 : i32
    %dma_start3A_93 = arith.constant 0 : i32
    %dma_start3A_94 = tpu.memref_slice %arg8[%dma_start3A_91, %dma_start3A_92, %dma_start3A_93] : memref<2x104x128xf32, #tpu.memory_space<vmem>> -> memref<1x104x128xf32, #tpu.memory_space<vmem>>
    %dma_start3A_95 = tpu.memref_squeeze %dma_start3A_94 : memref<1x104x128xf32, #tpu.memory_space<vmem>> -> memref<104x128xf32, #tpu.memory_space<vmem>>
    %dma_start3A_96 = arith.constant 0 : i32
    %dma_start3A_97 = tpu.memref_slice %arg6[%select_n3A_90, %dma_start3A_96] : memref<32x104xi32, #tpu.memory_space<vmem>> -> memref<1x104xi32, #tpu.memory_space<vmem>>
    %dma_start3A_98 = tpu.memref_squeeze %dma_start3A_97 : memref<1x104xi32, #tpu.memory_space<vmem>> -> memref<104xi32, #tpu.memory_space<vmem>>
    %dma_start3A_99 = arith.constant 0 : i32
    %dma_start3A_100 = arith.constant 0 : i32
    %dma_start3A_101 = tpu.memref_slice %arg2[%dma_start3A_99, %dma_start3A_100] : memref<100000x128xf32, #tpu.memory_space<hbm>> -> memref<100000x128xf32, #tpu.memory_space<hbm>>
    tpu.enqueue_indirect_dma source(%dma_start3A_101 : memref<100000x128xf32, #tpu.memory_space<hbm>>) target(%dma_start3A_95 : memref<104x128xf32, #tpu.memory_space<vmem>>) offsets(%dma_start3A_98 : memref<104xi32, #tpu.memory_space<vmem>>) semaphore(%arg13 : memref<!tpu.dma_semaphore, #tpu.memory_space<semaphore_mem>>)
    %jit3A_102 = arith.constant 3 : i32
    %jit3A_103 = arith.constant 2 : i32
    %div3A_104 = arith.divsi %jit3A_102, %jit3A_103 : i32
    %sign3A_105 = arith.constant 0 : i32
    %sign3A_106 = arith.cmpi sgt, %jit3A_102, %sign3A_105 : i32
    %sign3A_107 = arith.extui %sign3A_106 : i1 to i32
    %sign3A_108 = arith.constant 0 : i32
    %sign3A_109 = arith.cmpi slt, %jit3A_102, %sign3A_108 : i32
    %sign3A_110 = arith.extui %sign3A_109 : i1 to i32
    %sign3A_111 = arith.subi %sign3A_107, %sign3A_110 : i32
    %sign3A_112 = arith.constant 0 : i32
    %sign3A_113 = arith.cmpi sgt, %jit3A_103, %sign3A_112 : i32
    %sign3A_114 = arith.extui %sign3A_113 : i1 to i32
    %sign3A_115 = arith.constant 0 : i32
    %sign3A_116 = arith.cmpi slt, %jit3A_103, %sign3A_115 : i32
    %sign3A_117 = arith.extui %sign3A_116 : i1 to i32
    %sign3A_118 = arith.subi %sign3A_114, %sign3A_117 : i32
    %ne3A_119 = arith.cmpi ne, %sign3A_111, %sign3A_118 : i32
    %rem3A_120 = arith.remsi %jit3A_102, %jit3A_103 : i32
    %ne3A_121 = arith.constant 0 : i32
    %ne3A_122 = arith.cmpi ne, %rem3A_120, %ne3A_121 : i32
    %and3A_123 = arith.andi %ne3A_119, %ne3A_122 : i1
    %sub3A_124 = arith.constant 1 : i32
    %sub3A_125 = arith.subi %div3A_104, %sub3A_124 : i32
    %select_n3A_126 = arith.select %and3A_123, %sub3A_125, %div3A_104 : i32
    %dma_start3A_127 = arith.constant 1 : i32
    %dma_start3A_128 = arith.constant 0 : i32
    %dma_start3A_129 = arith.constant 0 : i32
    %dma_start3A_130 = tpu.memref_slice %arg9[%dma_start3A_127, %dma_start3A_128, %dma_start3A_129] : memref<2x96x128xf32, #tpu.memory_space<vmem>> -> memref<1x96x128xf32, #tpu.memory_space<vmem>>
    %dma_start3A_131 = tpu.memref_squeeze %dma_start3A_130 : memref<1x96x128xf32, #tpu.memory_space<vmem>> -> memref<96x128xf32, #tpu.memory_space<vmem>>
    %dma_start3A_132 = arith.constant 0 : i32
    %dma_start3A_133 = tpu.memref_slice %arg7[%select_n3A_126, %dma_start3A_132] : memref<32x96xi32, #tpu.memory_space<vmem>> -> memref<1x96xi32, #tpu.memory_space<vmem>>
    %dma_start3A_134 = tpu.memref_squeeze %dma_start3A_133 : memref<1x96xi32, #tpu.memory_space<vmem>> -> memref<96xi32, #tpu.memory_space<vmem>>
    %dma_start3A_135 = arith.constant 0 : i32
    %dma_start3A_136 = arith.constant 0 : i32
    %dma_start3A_137 = tpu.memref_slice %arg2[%dma_start3A_135, %dma_start3A_136] : memref<100000x128xf32, #tpu.memory_space<hbm>> -> memref<100000x128xf32, #tpu.memory_space<hbm>>
    tpu.enqueue_indirect_dma source(%dma_start3A_137 : memref<100000x128xf32, #tpu.memory_space<hbm>>) target(%dma_start3A_131 : memref<96x128xf32, #tpu.memory_space<vmem>>) offsets(%dma_start3A_134 : memref<96xi32, #tpu.memory_space<vmem>>) semaphore(%arg14 : memref<!tpu.dma_semaphore, #tpu.memory_space<semaphore_mem>>)
    %broadcast_in_dim3A = arith.constant 0.000000e+00 : f32
    %broadcast_in_dim3A_138 = vector.broadcast %broadcast_in_dim3A : f32 to vector<16xf32>
    %broadcast_in_dim3A_139 = arith.constant 0.000000e+00 : f32
    %broadcast_in_dim3A_140 = vector.broadcast %broadcast_in_dim3A_139 : f32 to vector<16xf32>
    %broadcast_in_dim3A_141 = arith.constant 0.000000e+00 : f32
    %broadcast_in_dim3A_142 = vector.broadcast %broadcast_in_dim3A_141 : f32 to vector<16xf32>
    %broadcast_in_dim3A_143 = arith.constant 0.000000e+00 : f32
    %broadcast_in_dim3A_144 = vector.broadcast %broadcast_in_dim3A_143 : f32 to vector<16xf32>
    %broadcast_in_dim3A_145 = arith.constant 0.000000e+00 : f32
    %broadcast_in_dim3A_146 = vector.broadcast %broadcast_in_dim3A_145 : f32 to vector<16xf32>
    %broadcast_in_dim3A_147 = arith.constant 0.000000e+00 : f32
    %broadcast_in_dim3A_148 = vector.broadcast %broadcast_in_dim3A_147 : f32 to vector<16xf32>
    %broadcast_in_dim3A_149 = arith.constant 0.000000e+00 : f32
    %broadcast_in_dim3A_150 = vector.broadcast %broadcast_in_dim3A_149 : f32 to vector<16xf32>
    %broadcast_in_dim3A_151 = arith.constant 0.000000e+00 : f32
    %broadcast_in_dim3A_152 = vector.broadcast %broadcast_in_dim3A_151 : f32 to vector<16xf32>
    %scan3A = arith.constant 5.000000e-03 : f32
    %scan3A_153 = arith.constant 0 : i32
    %scan3A_154 = arith.constant 16 : i32
    %scan3A_155 = arith.addi %scan3A_153, %scan3A_154 : i32
    %scan3A_156 = arith.constant 1 : i32
    %scan3A_157:8 = scf.for %scan3A_159 = %scan3A_153 to %scan3A_155 step %scan3A_156 iter_args(%scan3A_160 = %broadcast_in_dim3A_138, %scan3A_161 = %broadcast_in_dim3A_140, %scan3A_162 = %broadcast_in_dim3A_142, %scan3A_163 = %broadcast_in_dim3A_144, %scan3A_164 = %broadcast_in_dim3A_146, %scan3A_165 = %broadcast_in_dim3A_148, %scan3A_166 = %broadcast_in_dim3A_150, %scan3A_167 = %broadcast_in_dim3A_152) -> (vector<16xf32>, vector<16xf32>, vector<16xf32>, vector<16xf32>, vector<16xf32>, vector<16xf32>, vector<16xf32>, vector<16xf32>)  : i32 {
      %mul3A_168 = arith.constant 4 : i32
      %mul3A_169 = arith.muli %scan3A_159, %mul3A_168 : i32
      %add3A_170 = arith.constant 0 : i32
      %add3A_171 = arith.addi %mul3A_169, %add3A_170 : i32
      %jit3A_172 = arith.constant 2 : i32
      %div3A_173 = arith.divsi %add3A_171, %jit3A_172 : i32
      %sign3A_174 = arith.constant 0 : i32
      %sign3A_175 = arith.cmpi sgt, %add3A_171, %sign3A_174 : i32
      %sign3A_176 = arith.extui %sign3A_175 : i1 to i32
      %sign3A_177 = arith.constant 0 : i32
      %sign3A_178 = arith.cmpi slt, %add3A_171, %sign3A_177 : i32
      %sign3A_179 = arith.extui %sign3A_178 : i1 to i32
      %sign3A_180 = arith.subi %sign3A_176, %sign3A_179 : i32
      %sign3A_181 = arith.constant 0 : i32
      %sign3A_182 = arith.cmpi sgt, %jit3A_172, %sign3A_181 : i32
      %sign3A_183 = arith.extui %sign3A_182 : i1 to i32
      %sign3A_184 = arith.constant 0 : i32
      %sign3A_185 = arith.cmpi slt, %jit3A_172, %sign3A_184 : i32
      %sign3A_186 = arith.extui %sign3A_185 : i1 to i32
      %sign3A_187 = arith.subi %sign3A_183, %sign3A_186 : i32
      %ne3A_188 = arith.cmpi ne, %sign3A_180, %sign3A_187 : i32
      %rem3A_189 = arith.remsi %add3A_171, %jit3A_172 : i32
      %ne3A_190 = arith.constant 0 : i32
      %ne3A_191 = arith.cmpi ne, %rem3A_189, %ne3A_190 : i32
      %and3A_192 = arith.andi %ne3A_188, %ne3A_191 : i1
      %sub3A_193 = arith.constant 1 : i32
      %sub3A_194 = arith.subi %div3A_173, %sub3A_193 : i32
      %select_n3A_195 = arith.select %and3A_192, %sub3A_194, %div3A_173 : i32
      %dma_wait3A = arith.constant 0 : i32
      %dma_wait3A_196 = arith.constant 0 : i32
      %dma_wait3A_197 = arith.constant 0 : i32
      %dma_wait3A_198 = tpu.memref_slice %arg8[%dma_wait3A, %dma_wait3A_196, %dma_wait3A_197] : memref<2x104x128xf32, #tpu.memory_space<vmem>> -> memref<1x104x128xf32, #tpu.memory_space<vmem>>
      %dma_wait3A_199 = tpu.memref_squeeze %dma_wait3A_198 : memref<1x104x128xf32, #tpu.memory_space<vmem>> -> memref<104x128xf32, #tpu.memory_space<vmem>>
      %dma_wait3A_200 = arith.constant 0 : i32
      %dma_wait3A_201 = tpu.memref_slice %arg6[%select_n3A_195, %dma_wait3A_200] : memref<32x104xi32, #tpu.memory_space<vmem>> -> memref<1x104xi32, #tpu.memory_space<vmem>>
      %dma_wait3A_202 = tpu.memref_squeeze %dma_wait3A_201 : memref<1x104xi32, #tpu.memory_space<vmem>> -> memref<104xi32, #tpu.memory_space<vmem>>
      %dma_wait3A_203 = arith.constant 0 : i32
      %dma_wait3A_204 = arith.constant 0 : i32
      %dma_wait3A_205 = tpu.memref_slice %arg2[%dma_wait3A_203, %dma_wait3A_204] : memref<100000x128xf32, #tpu.memory_space<hbm>> -> memref<100000x128xf32, #tpu.memory_space<hbm>>
      tpu.wait_indirect_dma semaphore(%arg11 : memref<!tpu.dma_semaphore, #tpu.memory_space<semaphore_mem>>) src(%dma_wait3A_205 : memref<100000x128xf32, #tpu.memory_space<hbm>>) dst(%dma_wait3A_199 : memref<104x128xf32, #tpu.memory_space<vmem>>)
      %scan3A_206 = arith.constant 0 : i32
      %scan3A_207 = arith.constant 104 : i32
      %scan3A_208 = arith.addi %scan3A_206, %scan3A_207 : i32
      %scan3A_209 = arith.constant 1 : i32
      %scan3A_210:8 = scf.for %scan3A_491 = %scan3A_206 to %scan3A_208 step %scan3A_209 iter_args(%scan3A_492 = %scan3A_160, %scan3A_493 = %scan3A_161, %scan3A_494 = %scan3A_162, %scan3A_495 = %scan3A_163, %scan3A_496 = %scan3A_164, %scan3A_497 = %scan3A_165, %scan3A_498 = %scan3A_166, %scan3A_499 = %scan3A_167) -> (vector<16xf32>, vector<16xf32>, vector<16xf32>, vector<16xf32>, vector<16xf32>, vector<16xf32>, vector<16xf32>, vector<16xf32>)  : i32 {
        %get3A = arith.constant 0 : i32
        %get3A_500 = arith.index_cast %get3A : i32 to index
        %get3A_501 = arith.index_cast %scan3A_491 : i32 to index
        %get3A_502 = arith.constant 0 : index
        %get3A_503 = tpu.vector_load %arg8[%get3A_500, %get3A_501, %get3A_502] {strides = array<i32>} : memref<2x104x128xf32, #tpu.memory_space<vmem>>, vector<1x1x16xf32>,
        %get3A_504 = vector.shape_cast %get3A_503 : vector<1x1x16xf32> to vector<16xf32>
        %add3A_505 = arith.addf %scan3A_492, %get3A_504 : vector<16xf32>
        %get3A_506 = arith.constant 0 : i32
        %get3A_507 = arith.index_cast %get3A_506 : i32 to index
        %get3A_508 = arith.index_cast %scan3A_491 : i32 to index
        %get3A_509 = arith.constant 16 : index
        %get3A_510 = tpu.vector_load %arg8[%get3A_507, %get3A_508, %get3A_509] {strides = array<i32>} : memref<2x104x128xf32, #tpu.memory_space<vmem>>, vector<1x1x16xf32>,
        %get3A_511 = vector.shape_cast %get3A_510 : vector<1x1x16xf32> to vector<16xf32>
        %add3A_512 = arith.addf %scan3A_493, %get3A_511 : vector<16xf32>
        %get3A_513 = arith.constant 0 : i32
        %get3A_514 = arith.index_cast %get3A_513 : i32 to index
        %get3A_515 = arith.index_cast %scan3A_491 : i32 to index
        %get3A_516 = arith.constant 32 : index
        %get3A_517 = tpu.vector_load %arg8[%get3A_514, %get3A_515, %get3A_516] {strides = array<i32>} : memref<2x104x128xf32, #tpu.memory_space<vmem>>, vector<1x1x16xf32>,
        %get3A_518 = vector.shape_cast %get3A_517 : vector<1x1x16xf32> to vector<16xf32>
        %add3A_519 = arith.addf %scan3A_494, %get3A_518 : vector<16xf32>
        %get3A_520 = arith.constant 0 : i32
        %get3A_521 = arith.index_cast %get3A_520 : i32 to index
        %get3A_522 = arith.index_cast %scan3A_491 : i32 to index
        %get3A_523 = arith.constant 48 : index
        %get3A_524 = tpu.vector_load %arg8[%get3A_521, %get3A_522, %get3A_523] {strides = array<i32>} : memref<2x104x128xf32, #tpu.memory_space<vmem>>, vector<1x1x16xf32>,
        %get3A_525 = vector.shape_cast %get3A_524 : vector<1x1x16xf32> to vector<16xf32>
        %add3A_526 = arith.addf %scan3A_495, %get3A_525 : vector<16xf32>
        %get3A_527 = arith.constant 0 : i32
        %get3A_528 = arith.index_cast %get3A_527 : i32 to index
        %get3A_529 = arith.index_cast %scan3A_491 : i32 to index
        %get3A_530 = arith.constant 64 : index
        %get3A_531 = tpu.vector_load %arg8[%get3A_528, %get3A_529, %get3A_530] {strides = array<i32>} : memref<2x104x128xf32, #tpu.memory_space<vmem>>, vector<1x1x16xf32>,
        %get3A_532 = vector.shape_cast %get3A_531 : vector<1x1x16xf32> to vector<16xf32>
        %add3A_533 = arith.addf %scan3A_496, %get3A_532 : vector<16xf32>
        %get3A_534 = arith.constant 0 : i32
        %get3A_535 = arith.index_cast %get3A_534 : i32 to index
        %get3A_536 = arith.index_cast %scan3A_491 : i32 to index
        %get3A_537 = arith.constant 80 : index
        %get3A_538 = tpu.vector_load %arg8[%get3A_535, %get3A_536, %get3A_537] {strides = array<i32>} : memref<2x104x128xf32, #tpu.memory_space<vmem>>, vector<1x1x16xf32>,
        %get3A_539 = vector.shape_cast %get3A_538 : vector<1x1x16xf32> to vector<16xf32>
        %add3A_540 = arith.addf %scan3A_497, %get3A_539 : vector<16xf32>
        %get3A_541 = arith.constant 0 : i32
        %get3A_542 = arith.index_cast %get3A_541 : i32 to index
        %get3A_543 = arith.index_cast %scan3A_491 : i32 to index
        %get3A_544 = arith.constant 96 : index
        %get3A_545 = tpu.vector_load %arg8[%get3A_542, %get3A_543, %get3A_544] {strides = array<i32>} : memref<2x104x128xf32, #tpu.memory_space<vmem>>, vector<1x1x16xf32>,
        %get3A_546 = vector.shape_cast %get3A_545 : vector<1x1x16xf32> to vector<16xf32>
        %add3A_547 = arith.addf %scan3A_498, %get3A_546 : vector<16xf32>
        %get3A_548 = arith.constant 0 : i32
        %get3A_549 = arith.index_cast %get3A_548 : i32 to index
        %get3A_550 = arith.index_cast %scan3A_491 : i32 to index
        %get3A_551 = arith.constant 112 : index
        %get3A_552 = tpu.vector_load %arg8[%get3A_549, %get3A_550, %get3A_551] {strides = array<i32>} : memref<2x104x128xf32, #tpu.memory_space<vmem>>, vector<1x1x16xf32>,
        %get3A_553 = vector.shape_cast %get3A_552 : vector<1x1x16xf32> to vector<16xf32>
        %add3A_554 = arith.addf %scan3A_499, %get3A_553 : vector<16xf32>
        scf.yield %add3A_505, %add3A_512, %add3A_519, %add3A_526, %add3A_533, %add3A_540, %add3A_547, %add3A_554 : vector<16xf32>, vector<16xf32>, vector<16xf32>, vector<16xf32>, vector<16xf32>, vector<16xf32>, vector<16xf32>, vector<16xf32>
      }
      %scan3A_211 = arith.constant 104 : i32
      %add3A_212 = arith.constant 4 : i32
      %add3A_213 = arith.addi %add3A_171, %add3A_212 : i32
      %lt3A = arith.constant 64 : i32
      %lt3A_214 = arith.cmpi slt, %add3A_213, %lt3A : i32
      %convert_element_type3A = arith.extui %lt3A_214 : i1 to i32
      %cond3A = arith.constant 0 : i32
      %cond3A_215 = arith.cmpi ne, %convert_element_type3A, %cond3A : i32
      scf.if %cond3A_215 {
        %jit3A_491 = arith.constant 2 : i32
        %div3A_492 = arith.divsi %add3A_213, %jit3A_491 : i32
        %sign3A_493 = arith.constant 0 : i32
        %sign3A_494 = arith.cmpi sgt, %add3A_213, %sign3A_493 : i32
        %sign3A_495 = arith.extui %sign3A_494 : i1 to i32
        %sign3A_496 = arith.constant 0 : i32
        %sign3A_497 = arith.cmpi slt, %add3A_213, %sign3A_496 : i32
        %sign3A_498 = arith.extui %sign3A_497 : i1 to i32
        %sign3A_499 = arith.subi %sign3A_495, %sign3A_498 : i32
        %sign3A_500 = arith.constant 0 : i32
        %sign3A_501 = arith.cmpi sgt, %jit3A_491, %sign3A_500 : i32
        %sign3A_502 = arith.extui %sign3A_501 : i1 to i32
        %sign3A_503 = arith.constant 0 : i32
        %sign3A_504 = arith.cmpi slt, %jit3A_491, %sign3A_503 : i32
        %sign3A_505 = arith.extui %sign3A_504 : i1 to i32
        %sign3A_506 = arith.subi %sign3A_502, %sign3A_505 : i32
        %ne3A_507 = arith.cmpi ne, %sign3A_499, %sign3A_506 : i32
        %rem3A_508 = arith.remsi %add3A_213, %jit3A_491 : i32
        %ne3A_509 = arith.constant 0 : i32
        %ne3A_510 = arith.cmpi ne, %rem3A_508, %ne3A_509 : i32
        %and3A_511 = arith.andi %ne3A_507, %ne3A_510 : i1
        %sub3A_512 = arith.constant 1 : i32
        %sub3A_513 = arith.subi %div3A_492, %sub3A_512 : i32
        %select_n3A_514 = arith.select %and3A_511, %sub3A_513, %div3A_492 : i32
        %dma_start3A_515 = arith.constant 0 : i32
        %dma_start3A_516 = arith.constant 0 : i32
        %dma_start3A_517 = arith.constant 0 : i32
        %dma_start3A_518 = tpu.memref_slice %arg8[%dma_start3A_515, %dma_start3A_516, %dma_start3A_517] : memref<2x104x128xf32, #tpu.memory_space<vmem>> -> memref<1x104x128xf32, #tpu.memory_space<vmem>>
        %dma_start3A_519 = tpu.memref_squeeze %dma_start3A_518 : memref<1x104x128xf32, #tpu.memory_space<vmem>> -> memref<104x128xf32, #tpu.memory_space<vmem>>
        %dma_start3A_520 = arith.constant 0 : i32
        %dma_start3A_521 = tpu.memref_slice %arg6[%select_n3A_514, %dma_start3A_520] : memref<32x104xi32, #tpu.memory_space<vmem>> -> memref<1x104xi32, #tpu.memory_space<vmem>>
        %dma_start3A_522 = tpu.memref_squeeze %dma_start3A_521 : memref<1x104xi32, #tpu.memory_space<vmem>> -> memref<104xi32, #tpu.memory_space<vmem>>
        %dma_start3A_523 = arith.constant 0 : i32
        %dma_start3A_524 = arith.constant 0 : i32
        %dma_start3A_525 = tpu.memref_slice %arg2[%dma_start3A_523, %dma_start3A_524] : memref<100000x128xf32, #tpu.memory_space<hbm>> -> memref<100000x128xf32, #tpu.memory_space<hbm>>
        tpu.enqueue_indirect_dma source(%dma_start3A_525 : memref<100000x128xf32, #tpu.memory_space<hbm>>) target(%dma_start3A_519 : memref<104x128xf32, #tpu.memory_space<vmem>>) offsets(%dma_start3A_522 : memref<104xi32, #tpu.memory_space<vmem>>) semaphore(%arg11 : memref<!tpu.dma_semaphore, #tpu.memory_space<semaphore_mem>>)
      } else {
      }
      %mul3A_216 = arith.constant 4 : i32
      %mul3A_217 = arith.muli %scan3A_159, %mul3A_216 : i32
      %add3A_218 = arith.constant 1 : i32
      %add3A_219 = arith.addi %mul3A_217, %add3A_218 : i32
      %jit3A_220 = arith.constant 2 : i32
      %div3A_221 = arith.divsi %add3A_219, %jit3A_220 : i32
      %sign3A_222 = arith.constant 0 : i32
      %sign3A_223 = arith.cmpi sgt, %add3A_219, %sign3A_222 : i32
      %sign3A_224 = arith.extui %sign3A_223 : i1 to i32
      %sign3A_225 = arith.constant 0 : i32
      %sign3A_226 = arith.cmpi slt, %add3A_219, %sign3A_225 : i32
      %sign3A_227 = arith.extui %sign3A_226 : i1 to i32
      %sign3A_228 = arith.subi %sign3A_224, %sign3A_227 : i32
      %sign3A_229 = arith.constant 0 : i32
      %sign3A_230 = arith.cmpi sgt, %jit3A_220, %sign3A_229 : i32
      %sign3A_231 = arith.extui %sign3A_230 : i1 to i32
      %sign3A_232 = arith.constant 0 : i32
      %sign3A_233 = arith.cmpi slt, %jit3A_220, %sign3A_232 : i32
      %sign3A_234 = arith.extui %sign3A_233 : i1 to i32
      %sign3A_235 = arith.subi %sign3A_231, %sign3A_234 : i32
      %ne3A_236 = arith.cmpi ne, %sign3A_228, %sign3A_235 : i32
      %rem3A_237 = arith.remsi %add3A_219, %jit3A_220 : i32
      %ne3A_238 = arith.constant 0 : i32
      %ne3A_239 = arith.cmpi ne, %rem3A_237, %ne3A_238 : i32
      %and3A_240 = arith.andi %ne3A_236, %ne3A_239 : i1
      %sub3A_241 = arith.constant 1 : i32
      %sub3A_242 = arith.subi %div3A_221, %sub3A_241 : i32
      %select_n3A_243 = arith.select %and3A_240, %sub3A_242, %div3A_221 : i32
      %dma_wait3A_244 = arith.constant 0 : i32
      %dma_wait3A_245 = arith.constant 0 : i32
      %dma_wait3A_246 = arith.constant 0 : i32
      %dma_wait3A_247 = tpu.memref_slice %arg9[%dma_wait3A_244, %dma_wait3A_245, %dma_wait3A_246] : memref<2x96x128xf32, #tpu.memory_space<vmem>> -> memref<1x96x128xf32, #tpu.memory_space<vmem>>
      %dma_wait3A_248 = tpu.memref_squeeze %dma_wait3A_247 : memref<1x96x128xf32, #tpu.memory_space<vmem>> -> memref<96x128xf32, #tpu.memory_space<vmem>>
      %dma_wait3A_249 = arith.constant 0 : i32
      %dma_wait3A_250 = tpu.memref_slice %arg7[%select_n3A_243, %dma_wait3A_249] : memref<32x96xi32, #tpu.memory_space<vmem>> -> memref<1x96xi32, #tpu.memory_space<vmem>>
      %dma_wait3A_251 = tpu.memref_squeeze %dma_wait3A_250 : memref<1x96xi32, #tpu.memory_space<vmem>> -> memref<96xi32, #tpu.memory_space<vmem>>
      %dma_wait3A_252 = arith.constant 0 : i32
      %dma_wait3A_253 = arith.constant 0 : i32
      %dma_wait3A_254 = tpu.memref_slice %arg2[%dma_wait3A_252, %dma_wait3A_253] : memref<100000x128xf32, #tpu.memory_space<hbm>> -> memref<100000x128xf32, #tpu.memory_space<hbm>>
      tpu.wait_indirect_dma semaphore(%arg12 : memref<!tpu.dma_semaphore, #tpu.memory_space<semaphore_mem>>) src(%dma_wait3A_254 : memref<100000x128xf32, #tpu.memory_space<hbm>>) dst(%dma_wait3A_248 : memref<96x128xf32, #tpu.memory_space<vmem>>)
      %scan3A_255 = arith.constant 0 : i32
      %scan3A_256 = arith.constant 96 : i32
      %scan3A_257 = arith.addi %scan3A_255, %scan3A_256 : i32
      %scan3A_258 = arith.constant 1 : i32
      %scan3A_259:8 = scf.for %scan3A_491 = %scan3A_255 to %scan3A_257 step %scan3A_258 iter_args(%scan3A_492 = %scan3A_210#0, %scan3A_493 = %scan3A_210#1, %scan3A_494 = %scan3A_210#2, %scan3A_495 = %scan3A_210#3, %scan3A_496 = %scan3A_210#4, %scan3A_497 = %scan3A_210#5, %scan3A_498 = %scan3A_210#6, %scan3A_499 = %scan3A_210#7) -> (vector<16xf32>, vector<16xf32>, vector<16xf32>, vector<16xf32>, vector<16xf32>, vector<16xf32>, vector<16xf32>, vector<16xf32>)  : i32 {
        %get3A = arith.constant 0 : i32
        %get3A_500 = arith.index_cast %get3A : i32 to index
        %get3A_501 = arith.index_cast %scan3A_491 : i32 to index
        %get3A_502 = arith.constant 0 : index
        %get3A_503 = tpu.vector_load %arg9[%get3A_500, %get3A_501, %get3A_502] {strides = array<i32>} : memref<2x96x128xf32, #tpu.memory_space<vmem>>, vector<1x1x16xf32>,
        %get3A_504 = vector.shape_cast %get3A_503 : vector<1x1x16xf32> to vector<16xf32>
        %add3A_505 = arith.addf %scan3A_492, %get3A_504 : vector<16xf32>
        %get3A_506 = arith.constant 0 : i32
        %get3A_507 = arith.index_cast %get3A_506 : i32 to index
        %get3A_508 = arith.index_cast %scan3A_491 : i32 to index
        %get3A_509 = arith.constant 16 : index
        %get3A_510 = tpu.vector_load %arg9[%get3A_507, %get3A_508, %get3A_509] {strides = array<i32>} : memref<2x96x128xf32, #tpu.memory_space<vmem>>, vector<1x1x16xf32>,
        %get3A_511 = vector.shape_cast %get3A_510 : vector<1x1x16xf32> to vector<16xf32>
        %add3A_512 = arith.addf %scan3A_493, %get3A_511 : vector<16xf32>
        %get3A_513 = arith.constant 0 : i32
        %get3A_514 = arith.index_cast %get3A_513 : i32 to index
        %get3A_515 = arith.index_cast %scan3A_491 : i32 to index
        %get3A_516 = arith.constant 32 : index
        %get3A_517 = tpu.vector_load %arg9[%get3A_514, %get3A_515, %get3A_516] {strides = array<i32>} : memref<2x96x128xf32, #tpu.memory_space<vmem>>, vector<1x1x16xf32>,
        %get3A_518 = vector.shape_cast %get3A_517 : vector<1x1x16xf32> to vector<16xf32>
        %add3A_519 = arith.addf %scan3A_494, %get3A_518 : vector<16xf32>
        %get3A_520 = arith.constant 0 : i32
        %get3A_521 = arith.index_cast %get3A_520 : i32 to index
        %get3A_522 = arith.index_cast %scan3A_491 : i32 to index
        %get3A_523 = arith.constant 48 : index
        %get3A_524 = tpu.vector_load %arg9[%get3A_521, %get3A_522, %get3A_523] {strides = array<i32>} : memref<2x96x128xf32, #tpu.memory_space<vmem>>, vector<1x1x16xf32>,
        %get3A_525 = vector.shape_cast %get3A_524 : vector<1x1x16xf32> to vector<16xf32>
        %add3A_526 = arith.addf %scan3A_495, %get3A_525 : vector<16xf32>
        %get3A_527 = arith.constant 0 : i32
        %get3A_528 = arith.index_cast %get3A_527 : i32 to index
        %get3A_529 = arith.index_cast %scan3A_491 : i32 to index
        %get3A_530 = arith.constant 64 : index
        %get3A_531 = tpu.vector_load %arg9[%get3A_528, %get3A_529, %get3A_530] {strides = array<i32>} : memref<2x96x128xf32, #tpu.memory_space<vmem>>, vector<1x1x16xf32>,
        %get3A_532 = vector.shape_cast %get3A_531 : vector<1x1x16xf32> to vector<16xf32>
        %add3A_533 = arith.addf %scan3A_496, %get3A_532 : vector<16xf32>
        %get3A_534 = arith.constant 0 : i32
        %get3A_535 = arith.index_cast %get3A_534 : i32 to index
        %get3A_536 = arith.index_cast %scan3A_491 : i32 to index
        %get3A_537 = arith.constant 80 : index
        %get3A_538 = tpu.vector_load %arg9[%get3A_535, %get3A_536, %get3A_537] {strides = array<i32>} : memref<2x96x128xf32, #tpu.memory_space<vmem>>, vector<1x1x16xf32>,
        %get3A_539 = vector.shape_cast %get3A_538 : vector<1x1x16xf32> to vector<16xf32>
        %add3A_540 = arith.addf %scan3A_497, %get3A_539 : vector<16xf32>
        %get3A_541 = arith.constant 0 : i32
        %get3A_542 = arith.index_cast %get3A_541 : i32 to index
        %get3A_543 = arith.index_cast %scan3A_491 : i32 to index
        %get3A_544 = arith.constant 96 : index
        %get3A_545 = tpu.vector_load %arg9[%get3A_542, %get3A_543, %get3A_544] {strides = array<i32>} : memref<2x96x128xf32, #tpu.memory_space<vmem>>, vector<1x1x16xf32>,
        %get3A_546 = vector.shape_cast %get3A_545 : vector<1x1x16xf32> to vector<16xf32>
        %add3A_547 = arith.addf %scan3A_498, %get3A_546 : vector<16xf32>
        %get3A_548 = arith.constant 0 : i32
        %get3A_549 = arith.index_cast %get3A_548 : i32 to index
        %get3A_550 = arith.index_cast %scan3A_491 : i32 to index
        %get3A_551 = arith.constant 112 : index
        %get3A_552 = tpu.vector_load %arg9[%get3A_549, %get3A_550, %get3A_551] {strides = array<i32>} : memref<2x96x128xf32, #tpu.memory_space<vmem>>, vector<1x1x16xf32>,
        %get3A_553 = vector.shape_cast %get3A_552 : vector<1x1x16xf32> to vector<16xf32>
        %add3A_554 = arith.addf %scan3A_499, %get3A_553 : vector<16xf32>
        scf.yield %add3A_505, %add3A_512, %add3A_519, %add3A_526, %add3A_533, %add3A_540, %add3A_547, %add3A_554 : vector<16xf32>, vector<16xf32>, vector<16xf32>, vector<16xf32>, vector<16xf32>, vector<16xf32>, vector<16xf32>, vector<16xf32>
      }
      %scan3A_260 = arith.constant 96 : i32
      %mul3A_261 = arith.constant 2 : i32
      %mul3A_262 = arith.muli %scan3A_159, %mul3A_261 : i32
      %add3A_263 = arith.constant 0 : i32
      %add3A_264 = arith.addi %mul3A_262, %add3A_263 : i32
      %mul3A_265 = vector.broadcast %scan3A : f32 to vector<16xf32>
      %mul3A_266 = arith.mulf %scan3A_259#0, %mul3A_265 : vector<16xf32>
      %swap3A = arith.index_cast %add3A_264 : i32 to index
      %swap3A_267 = arith.constant 0 : index
      %swap3A_268 = tpu.vector_load %arg10[%swap3A, %swap3A_267] {strides = array<i32>} : memref<32x128xf32, #tpu.memory_space<vmem>>, vector<1x16xf32>,
      %swap3A_269 = vector.shape_cast %swap3A_268 : vector<1x16xf32> to vector<16xf32>
      %swap3A_270 = vector.shape_cast %mul3A_266 : vector<16xf32> to vector<1x16xf32>
      tpu.vector_store %arg10[%swap3A, %swap3A_267], %swap3A_270 {strides = array<i32>} : memref<32x128xf32, #tpu.memory_space<vmem>>, vector<1x16xf32>,
      %mul3A_271 = vector.broadcast %scan3A : f32 to vector<16xf32>
      %mul3A_272 = arith.mulf %scan3A_259#1, %mul3A_271 : vector<16xf32>
      %swap3A_273 = arith.index_cast %add3A_264 : i32 to index
      %swap3A_274 = arith.constant 16 : index
      %swap3A_275 = tpu.vector_load %arg10[%swap3A_273, %swap3A_274] {strides = array<i32>} : memref<32x128xf32, #tpu.memory_space<vmem>>, vector<1x16xf32>,
      %swap3A_276 = vector.shape_cast %swap3A_275 : vector<1x16xf32> to vector<16xf32>
      %swap3A_277 = vector.shape_cast %mul3A_272 : vector<16xf32> to vector<1x16xf32>
      tpu.vector_store %arg10[%swap3A_273, %swap3A_274], %swap3A_277 {strides = array<i32>} : memref<32x128xf32, #tpu.memory_space<vmem>>, vector<1x16xf32>,
      %mul3A_278 = vector.broadcast %scan3A : f32 to vector<16xf32>
      %mul3A_279 = arith.mulf %scan3A_259#2, %mul3A_278 : vector<16xf32>
      %swap3A_280 = arith.index_cast %add3A_264 : i32 to index
      %swap3A_281 = arith.constant 32 : index
      %swap3A_282 = tpu.vector_load %arg10[%swap3A_280, %swap3A_281] {strides = array<i32>} : memref<32x128xf32, #tpu.memory_space<vmem>>, vector<1x16xf32>,
      %swap3A_283 = vector.shape_cast %swap3A_282 : vector<1x16xf32> to vector<16xf32>
      %swap3A_284 = vector.shape_cast %mul3A_279 : vector<16xf32> to vector<1x16xf32>
      tpu.vector_store %arg10[%swap3A_280, %swap3A_281], %swap3A_284 {strides = array<i32>} : memref<32x128xf32, #tpu.memory_space<vmem>>, vector<1x16xf32>,
      %mul3A_285 = vector.broadcast %scan3A : f32 to vector<16xf32>
      %mul3A_286 = arith.mulf %scan3A_259#3, %mul3A_285 : vector<16xf32>
      %swap3A_287 = arith.index_cast %add3A_264 : i32 to index
      %swap3A_288 = arith.constant 48 : index
      %swap3A_289 = tpu.vector_load %arg10[%swap3A_287, %swap3A_288] {strides = array<i32>} : memref<32x128xf32, #tpu.memory_space<vmem>>, vector<1x16xf32>,
      %swap3A_290 = vector.shape_cast %swap3A_289 : vector<1x16xf32> to vector<16xf32>
      %swap3A_291 = vector.shape_cast %mul3A_286 : vector<16xf32> to vector<1x16xf32>
      tpu.vector_store %arg10[%swap3A_287, %swap3A_288], %swap3A_291 {strides = array<i32>} : memref<32x128xf32, #tpu.memory_space<vmem>>, vector<1x16xf32>,
      %mul3A_292 = vector.broadcast %scan3A : f32 to vector<16xf32>
      %mul3A_293 = arith.mulf %scan3A_259#4, %mul3A_292 : vector<16xf32>
      %swap3A_294 = arith.index_cast %add3A_264 : i32 to index
      %swap3A_295 = arith.constant 64 : index
      %swap3A_296 = tpu.vector_load %arg10[%swap3A_294, %swap3A_295] {strides = array<i32>} : memref<32x128xf32, #tpu.memory_space<vmem>>, vector<1x16xf32>,
      %swap3A_297 = vector.shape_cast %swap3A_296 : vector<1x16xf32> to vector<16xf32>
      %swap3A_298 = vector.shape_cast %mul3A_293 : vector<16xf32> to vector<1x16xf32>
      tpu.vector_store %arg10[%swap3A_294, %swap3A_295], %swap3A_298 {strides = array<i32>} : memref<32x128xf32, #tpu.memory_space<vmem>>, vector<1x16xf32>,
      %mul3A_299 = vector.broadcast %scan3A : f32 to vector<16xf32>
      %mul3A_300 = arith.mulf %scan3A_259#5, %mul3A_299 : vector<16xf32>
      %swap3A_301 = arith.index_cast %add3A_264 : i32 to index
      %swap3A_302 = arith.constant 80 : index
      %swap3A_303 = tpu.vector_load %arg10[%swap3A_301, %swap3A_302] {strides = array<i32>} : memref<32x128xf32, #tpu.memory_space<vmem>>, vector<1x16xf32>,
      %swap3A_304 = vector.shape_cast %swap3A_303 : vector<1x16xf32> to vector<16xf32>
      %swap3A_305 = vector.shape_cast %mul3A_300 : vector<16xf32> to vector<1x16xf32>
      tpu.vector_store %arg10[%swap3A_301, %swap3A_302], %swap3A_305 {strides = array<i32>} : memref<32x128xf32, #tpu.memory_space<vmem>>, vector<1x16xf32>,
      %mul3A_306 = vector.broadcast %scan3A : f32 to vector<16xf32>
      %mul3A_307 = arith.mulf %scan3A_259#6, %mul3A_306 : vector<16xf32>
      %swap3A_308 = arith.index_cast %add3A_264 : i32 to index
      %swap3A_309 = arith.constant 96 : index
      %swap3A_310 = tpu.vector_load %arg10[%swap3A_308, %swap3A_309] {strides = array<i32>} : memref<32x128xf32, #tpu.memory_space<vmem>>, vector<1x16xf32>,
      %swap3A_311 = vector.shape_cast %swap3A_310 : vector<1x16xf32> to vector<16xf32>
      %swap3A_312 = vector.shape_cast %mul3A_307 : vector<16xf32> to vector<1x16xf32>
      tpu.vector_store %arg10[%swap3A_308, %swap3A_309], %swap3A_312 {strides = array<i32>} : memref<32x128xf32, #tpu.memory_space<vmem>>, vector<1x16xf32>,
      %mul3A_313 = vector.broadcast %scan3A : f32 to vector<16xf32>
      %mul3A_314 = arith.mulf %scan3A_259#7, %mul3A_313 : vector<16xf32>
      %swap3A_315 = arith.index_cast %add3A_264 : i32 to index
      %swap3A_316 = arith.constant 112 : index
      %swap3A_317 = tpu.vector_load %arg10[%swap3A_315, %swap3A_316] {strides = array<i32>} : memref<32x128xf32, #tpu.memory_space<vmem>>, vector<1x16xf32>,
      %swap3A_318 = vector.shape_cast %swap3A_317 : vector<1x16xf32> to vector<16xf32>
      %swap3A_319 = vector.shape_cast %mul3A_314 : vector<16xf32> to vector<1x16xf32>
      tpu.vector_store %arg10[%swap3A_315, %swap3A_316], %swap3A_319 {strides = array<i32>} : memref<32x128xf32, #tpu.memory_space<vmem>>, vector<1x16xf32>,
      %add3A_320 = arith.constant 4 : i32
      %add3A_321 = arith.addi %add3A_219, %add3A_320 : i32
      %lt3A_322 = arith.constant 64 : i32
      %lt3A_323 = arith.cmpi slt, %add3A_321, %lt3A_322 : i32
      %convert_element_type3A_324 = arith.extui %lt3A_323 : i1 to i32
      %cond3A_325 = arith.constant 0 : i32
      %cond3A_326 = arith.cmpi ne, %convert_element_type3A_324, %cond3A_325 : i32
      scf.if %cond3A_326 {
        %jit3A_491 = arith.constant 2 : i32
        %div3A_492 = arith.divsi %add3A_321, %jit3A_491 : i32
        %sign3A_493 = arith.constant 0 : i32
        %sign3A_494 = arith.cmpi sgt, %add3A_321, %sign3A_493 : i32
        %sign3A_495 = arith.extui %sign3A_494 : i1 to i32
        %sign3A_496 = arith.constant 0 : i32
        %sign3A_497 = arith.cmpi slt, %add3A_321, %sign3A_496 : i32
        %sign3A_498 = arith.extui %sign3A_497 : i1 to i32
        %sign3A_499 = arith.subi %sign3A_495, %sign3A_498 : i32
        %sign3A_500 = arith.constant 0 : i32
        %sign3A_501 = arith.cmpi sgt, %jit3A_491, %sign3A_500 : i32
        %sign3A_502 = arith.extui %sign3A_501 : i1 to i32
        %sign3A_503 = arith.constant 0 : i32
        %sign3A_504 = arith.cmpi slt, %jit3A_491, %sign3A_503 : i32
        %sign3A_505 = arith.extui %sign3A_504 : i1 to i32
        %sign3A_506 = arith.subi %sign3A_502, %sign3A_505 : i32
        %ne3A_507 = arith.cmpi ne, %sign3A_499, %sign3A_506 : i32
        %rem3A_508 = arith.remsi %add3A_321, %jit3A_491 : i32
        %ne3A_509 = arith.constant 0 : i32
        %ne3A_510 = arith.cmpi ne, %rem3A_508, %ne3A_509 : i32
        %and3A_511 = arith.andi %ne3A_507, %ne3A_510 : i1
        %sub3A_512 = arith.constant 1 : i32
        %sub3A_513 = arith.subi %div3A_492, %sub3A_512 : i32
        %select_n3A_514 = arith.select %and3A_511, %sub3A_513, %div3A_492 : i32
        %dma_start3A_515 = arith.constant 0 : i32
        %dma_start3A_516 = arith.constant 0 : i32
        %dma_start3A_517 = arith.constant 0 : i32
        %dma_start3A_518 = tpu.memref_slice %arg9[%dma_start3A_515, %dma_start3A_516, %dma_start3A_517] : memref<2x96x128xf32, #tpu.memory_space<vmem>> -> memref<1x96x128xf32, #tpu.memory_space<vmem>>
        %dma_start3A_519 = tpu.memref_squeeze %dma_start3A_518 : memref<1x96x128xf32, #tpu.memory_space<vmem>> -> memref<96x128xf32, #tpu.memory_space<vmem>>
        %dma_start3A_520 = arith.constant 0 : i32
        %dma_start3A_521 = tpu.memref_slice %arg7[%select_n3A_514, %dma_start3A_520] : memref<32x96xi32, #tpu.memory_space<vmem>> -> memref<1x96xi32, #tpu.memory_space<vmem>>
        %dma_start3A_522 = tpu.memref_squeeze %dma_start3A_521 : memref<1x96xi32, #tpu.memory_space<vmem>> -> memref<96xi32, #tpu.memory_space<vmem>>
        %dma_start3A_523 = arith.constant 0 : i32
        %dma_start3A_524 = arith.constant 0 : i32
        %dma_start3A_525 = tpu.memref_slice %arg2[%dma_start3A_523, %dma_start3A_524] : memref<100000x128xf32, #tpu.memory_space<hbm>> -> memref<100000x128xf32, #tpu.memory_space<hbm>>
        tpu.enqueue_indirect_dma source(%dma_start3A_525 : memref<100000x128xf32, #tpu.memory_space<hbm>>) target(%dma_start3A_519 : memref<96x128xf32, #tpu.memory_space<vmem>>) offsets(%dma_start3A_522 : memref<96xi32, #tpu.memory_space<vmem>>) semaphore(%arg12 : memref<!tpu.dma_semaphore, #tpu.memory_space<semaphore_mem>>)
      } else {
      }
      %mul3A_327 = arith.constant 4 : i32
      %mul3A_328 = arith.muli %scan3A_159, %mul3A_327 : i32
      %add3A_329 = arith.constant 2 : i32
      %add3A_330 = arith.addi %mul3A_328, %add3A_329 : i32
      %jit3A_331 = arith.constant 2 : i32
      %div3A_332 = arith.divsi %add3A_330, %jit3A_331 : i32
      %sign3A_333 = arith.constant 0 : i32
      %sign3A_334 = arith.cmpi sgt, %add3A_330, %sign3A_333 : i32
      %sign3A_335 = arith.extui %sign3A_334 : i1 to i32
      %sign3A_336 = arith.constant 0 : i32
      %sign3A_337 = arith.cmpi slt, %add3A_330, %sign3A_336 : i32
      %sign3A_338 = arith.extui %sign3A_337 : i1 to i32
      %sign3A_339 = arith.subi %sign3A_335, %sign3A_338 : i32
      %sign3A_340 = arith.constant 0 : i32
      %sign3A_341 = arith.cmpi sgt, %jit3A_331, %sign3A_340 : i32
      %sign3A_342 = arith.extui %sign3A_341 : i1 to i32
      %sign3A_343 = arith.constant 0 : i32
      %sign3A_344 = arith.cmpi slt, %jit3A_331, %sign3A_343 : i32
      %sign3A_345 = arith.extui %sign3A_344 : i1 to i32
      %sign3A_346 = arith.subi %sign3A_342, %sign3A_345 : i32
      %ne3A_347 = arith.cmpi ne, %sign3A_339, %sign3A_346 : i32
      %rem3A_348 = arith.remsi %add3A_330, %jit3A_331 : i32
      %ne3A_349 = arith.constant 0 : i32
      %ne3A_350 = arith.cmpi ne, %rem3A_348, %ne3A_349 : i32
      %and3A_351 = arith.andi %ne3A_347, %ne3A_350 : i1
      %sub3A_352 = arith.constant 1 : i32
      %sub3A_353 = arith.subi %div3A_332, %sub3A_352 : i32
      %select_n3A_354 = arith.select %and3A_351, %sub3A_353, %div3A_332 : i32
      %dma_wait3A_355 = arith.constant 1 : i32
      %dma_wait3A_356 = arith.constant 0 : i32
      %dma_wait3A_357 = arith.constant 0 : i32
      %dma_wait3A_358 = tpu.memref_slice %arg8[%dma_wait3A_355, %dma_wait3A_356, %dma_wait3A_357] : memref<2x104x128xf32, #tpu.memory_space<vmem>> -> memref<1x104x128xf32, #tpu.memory_space<vmem>>
      %dma_wait3A_359 = tpu.memref_squeeze %dma_wait3A_358 : memref<1x104x128xf32, #tpu.memory_space<vmem>> -> memref<104x128xf32, #tpu.memory_space<vmem>>
      %dma_wait3A_360 = arith.constant 0 : i32
      %dma_wait3A_361 = tpu.memref_slice %arg6[%select_n3A_354, %dma_wait3A_360] : memref<32x104xi32, #tpu.memory_space<vmem>> -> memref<1x104xi32, #tpu.memory_space<vmem>>
      %dma_wait3A_362 = tpu.memref_squeeze %dma_wait3A_361 : memref<1x104xi32, #tpu.memory_space<vmem>> -> memref<104xi32, #tpu.memory_space<vmem>>
      %dma_wait3A_363 = arith.constant 0 : i32
      %dma_wait3A_364 = arith.constant 0 : i32
      %dma_wait3A_365 = tpu.memref_slice %arg2[%dma_wait3A_363, %dma_wait3A_364] : memref<100000x128xf32, #tpu.memory_space<hbm>> -> memref<100000x128xf32, #tpu.memory_space<hbm>>
      tpu.wait_indirect_dma semaphore(%arg13 : memref<!tpu.dma_semaphore, #tpu.memory_space<semaphore_mem>>) src(%dma_wait3A_365 : memref<100000x128xf32, #tpu.memory_space<hbm>>) dst(%dma_wait3A_359 : memref<104x128xf32, #tpu.memory_space<vmem>>)
      %scan3A_366 = arith.constant 0 : i32
      %scan3A_367 = arith.constant 104 : i32
      %scan3A_368 = arith.addi %scan3A_366, %scan3A_367 : i32
      %scan3A_369 = arith.constant 1 : i32
      %scan3A_370:8 = scf.for %scan3A_491 = %scan3A_366 to %scan3A_368 step %scan3A_369 iter_args(%scan3A_492 = %broadcast_in_dim3A_138, %scan3A_493 = %broadcast_in_dim3A_140, %scan3A_494 = %broadcast_in_dim3A_142, %scan3A_495 = %broadcast_in_dim3A_144, %scan3A_496 = %broadcast_in_dim3A_146, %scan3A_497 = %broadcast_in_dim3A_148, %scan3A_498 = %broadcast_in_dim3A_150, %scan3A_499 = %broadcast_in_dim3A_152) -> (vector<16xf32>, vector<16xf32>, vector<16xf32>, vector<16xf32>, vector<16xf32>, vector<16xf32>, vector<16xf32>, vector<16xf32>)  : i32 {
        %get3A = arith.constant 1 : i32
        %get3A_500 = arith.index_cast %get3A : i32 to index
        %get3A_501 = arith.index_cast %scan3A_491 : i32 to index
        %get3A_502 = arith.constant 0 : index
        %get3A_503 = tpu.vector_load %arg8[%get3A_500, %get3A_501, %get3A_502] {strides = array<i32>} : memref<2x104x128xf32, #tpu.memory_space<vmem>>, vector<1x1x16xf32>,
        %get3A_504 = vector.shape_cast %get3A_503 : vector<1x1x16xf32> to vector<16xf32>
        %add3A_505 = arith.addf %scan3A_492, %get3A_504 : vector<16xf32>
        %get3A_506 = arith.constant 1 : i32
        %get3A_507 = arith.index_cast %get3A_506 : i32 to index
        %get3A_508 = arith.index_cast %scan3A_491 : i32 to index
        %get3A_509 = arith.constant 16 : index
        %get3A_510 = tpu.vector_load %arg8[%get3A_507, %get3A_508, %get3A_509] {strides = array<i32>} : memref<2x104x128xf32, #tpu.memory_space<vmem>>, vector<1x1x16xf32>,
        %get3A_511 = vector.shape_cast %get3A_510 : vector<1x1x16xf32> to vector<16xf32>
        %add3A_512 = arith.addf %scan3A_493, %get3A_511 : vector<16xf32>
        %get3A_513 = arith.constant 1 : i32
        %get3A_514 = arith.index_cast %get3A_513 : i32 to index
        %get3A_515 = arith.index_cast %scan3A_491 : i32 to index
        %get3A_516 = arith.constant 32 : index
        %get3A_517 = tpu.vector_load %arg8[%get3A_514, %get3A_515, %get3A_516] {strides = array<i32>} : memref<2x104x128xf32, #tpu.memory_space<vmem>>, vector<1x1x16xf32>,
        %get3A_518 = vector.shape_cast %get3A_517 : vector<1x1x16xf32> to vector<16xf32>
        %add3A_519 = arith.addf %scan3A_494, %get3A_518 : vector<16xf32>
        %get3A_520 = arith.constant 1 : i32
        %get3A_521 = arith.index_cast %get3A_520 : i32 to index
        %get3A_522 = arith.index_cast %scan3A_491 : i32 to index
        %get3A_523 = arith.constant 48 : index
        %get3A_524 = tpu.vector_load %arg8[%get3A_521, %get3A_522, %get3A_523] {strides = array<i32>} : memref<2x104x128xf32, #tpu.memory_space<vmem>>, vector<1x1x16xf32>,
        %get3A_525 = vector.shape_cast %get3A_524 : vector<1x1x16xf32> to vector<16xf32>
        %add3A_526 = arith.addf %scan3A_495, %get3A_525 : vector<16xf32>
        %get3A_527 = arith.constant 1 : i32
        %get3A_528 = arith.index_cast %get3A_527 : i32 to index
        %get3A_529 = arith.index_cast %scan3A_491 : i32 to index
        %get3A_530 = arith.constant 64 : index
        %get3A_531 = tpu.vector_load %arg8[%get3A_528, %get3A_529, %get3A_530] {strides = array<i32>} : memref<2x104x128xf32, #tpu.memory_space<vmem>>, vector<1x1x16xf32>,
        %get3A_532 = vector.shape_cast %get3A_531 : vector<1x1x16xf32> to vector<16xf32>
        %add3A_533 = arith.addf %scan3A_496, %get3A_532 : vector<16xf32>
        %get3A_534 = arith.constant 1 : i32
        %get3A_535 = arith.index_cast %get3A_534 : i32 to index
        %get3A_536 = arith.index_cast %scan3A_491 : i32 to index
        %get3A_537 = arith.constant 80 : index
        %get3A_538 = tpu.vector_load %arg8[%get3A_535, %get3A_536, %get3A_537] {strides = array<i32>} : memref<2x104x128xf32, #tpu.memory_space<vmem>>, vector<1x1x16xf32>,
        %get3A_539 = vector.shape_cast %get3A_538 : vector<1x1x16xf32> to vector<16xf32>
        %add3A_540 = arith.addf %scan3A_497, %get3A_539 : vector<16xf32>
        %get3A_541 = arith.constant 1 : i32
        %get3A_542 = arith.index_cast %get3A_541 : i32 to index
        %get3A_543 = arith.index_cast %scan3A_491 : i32 to index
        %get3A_544 = arith.constant 96 : index
        %get3A_545 = tpu.vector_load %arg8[%get3A_542, %get3A_543, %get3A_544] {strides = array<i32>} : memref<2x104x128xf32, #tpu.memory_space<vmem>>, vector<1x1x16xf32>,
        %get3A_546 = vector.shape_cast %get3A_545 : vector<1x1x16xf32> to vector<16xf32>
        %add3A_547 = arith.addf %scan3A_498, %get3A_546 : vector<16xf32>
        %get3A_548 = arith.constant 1 : i32
        %get3A_549 = arith.index_cast %get3A_548 : i32 to index
        %get3A_550 = arith.index_cast %scan3A_491 : i32 to index
        %get3A_551 = arith.constant 112 : index
        %get3A_552 = tpu.vector_load %arg8[%get3A_549, %get3A_550, %get3A_551] {strides = array<i32>} : memref<2x104x128xf32, #tpu.memory_space<vmem>>, vector<1x1x16xf32>,
        %get3A_553 = vector.shape_cast %get3A_552 : vector<1x1x16xf32> to vector<16xf32>
        %add3A_554 = arith.addf %scan3A_499, %get3A_553 : vector<16xf32>
        scf.yield %add3A_505, %add3A_512, %add3A_519, %add3A_526, %add3A_533, %add3A_540, %add3A_547, %add3A_554 : vector<16xf32>, vector<16xf32>, vector<16xf32>, vector<16xf32>, vector<16xf32>, vector<16xf32>, vector<16xf32>, vector<16xf32>
      }
      %scan3A_371 = arith.constant 104 : i32
      %add3A_372 = arith.constant 4 : i32
      %add3A_373 = arith.addi %add3A_330, %add3A_372 : i32
      %lt3A_374 = arith.constant 64 : i32
      %lt3A_375 = arith.cmpi slt, %add3A_373, %lt3A_374 : i32
      %convert_element_type3A_376 = arith.extui %lt3A_375 : i1 to i32
      %cond3A_377 = arith.constant 0 : i32
      %cond3A_378 = arith.cmpi ne, %convert_element_type3A_376, %cond3A_377 : i32
      scf.if %cond3A_378 {
        %jit3A_491 = arith.constant 2 : i32
        %div3A_492 = arith.divsi %add3A_373, %jit3A_491 : i32
        %sign3A_493 = arith.constant 0 : i32
        %sign3A_494 = arith.cmpi sgt, %add3A_373, %sign3A_493 : i32
        %sign3A_495 = arith.extui %sign3A_494 : i1 to i32
        %sign3A_496 = arith.constant 0 : i32
        %sign3A_497 = arith.cmpi slt, %add3A_373, %sign3A_496 : i32
        %sign3A_498 = arith.extui %sign3A_497 : i1 to i32
        %sign3A_499 = arith.subi %sign3A_495, %sign3A_498 : i32
        %sign3A_500 = arith.constant 0 : i32
        %sign3A_501 = arith.cmpi sgt, %jit3A_491, %sign3A_500 : i32
        %sign3A_502 = arith.extui %sign3A_501 : i1 to i32
        %sign3A_503 = arith.constant 0 : i32
        %sign3A_504 = arith.cmpi slt, %jit3A_491, %sign3A_503 : i32
        %sign3A_505 = arith.extui %sign3A_504 : i1 to i32
        %sign3A_506 = arith.subi %sign3A_502, %sign3A_505 : i32
        %ne3A_507 = arith.cmpi ne, %sign3A_499, %sign3A_506 : i32
        %rem3A_508 = arith.remsi %add3A_373, %jit3A_491 : i32
        %ne3A_509 = arith.constant 0 : i32
        %ne3A_510 = arith.cmpi ne, %rem3A_508, %ne3A_509 : i32
        %and3A_511 = arith.andi %ne3A_507, %ne3A_510 : i1
        %sub3A_512 = arith.constant 1 : i32
        %sub3A_513 = arith.subi %div3A_492, %sub3A_512 : i32
        %select_n3A_514 = arith.select %and3A_511, %sub3A_513, %div3A_492 : i32
        %dma_start3A_515 = arith.constant 1 : i32
        %dma_start3A_516 = arith.constant 0 : i32
        %dma_start3A_517 = arith.constant 0 : i32
        %dma_start3A_518 = tpu.memref_slice %arg8[%dma_start3A_515, %dma_start3A_516, %dma_start3A_517] : memref<2x104x128xf32, #tpu.memory_space<vmem>> -> memref<1x104x128xf32, #tpu.memory_space<vmem>>
        %dma_start3A_519 = tpu.memref_squeeze %dma_start3A_518 : memref<1x104x128xf32, #tpu.memory_space<vmem>> -> memref<104x128xf32, #tpu.memory_space<vmem>>
        %dma_start3A_520 = arith.constant 0 : i32
        %dma_start3A_521 = tpu.memref_slice %arg6[%select_n3A_514, %dma_start3A_520] : memref<32x104xi32, #tpu.memory_space<vmem>> -> memref<1x104xi32, #tpu.memory_space<vmem>>
        %dma_start3A_522 = tpu.memref_squeeze %dma_start3A_521 : memref<1x104xi32, #tpu.memory_space<vmem>> -> memref<104xi32, #tpu.memory_space<vmem>>
        %dma_start3A_523 = arith.constant 0 : i32
        %dma_start3A_524 = arith.constant 0 : i32
        %dma_start3A_525 = tpu.memref_slice %arg2[%dma_start3A_523, %dma_start3A_524] : memref<100000x128xf32, #tpu.memory_space<hbm>> -> memref<100000x128xf32, #tpu.memory_space<hbm>>
        tpu.enqueue_indirect_dma source(%dma_start3A_525 : memref<100000x128xf32, #tpu.memory_space<hbm>>) target(%dma_start3A_519 : memref<104x128xf32, #tpu.memory_space<vmem>>) offsets(%dma_start3A_522 : memref<104xi32, #tpu.memory_space<vmem>>) semaphore(%arg13 : memref<!tpu.dma_semaphore, #tpu.memory_space<semaphore_mem>>)
      } else {
      }
      %mul3A_379 = arith.constant 4 : i32
      %mul3A_380 = arith.muli %scan3A_159, %mul3A_379 : i32
      %add3A_381 = arith.constant 3 : i32
      %add3A_382 = arith.addi %mul3A_380, %add3A_381 : i32
      %jit3A_383 = arith.constant 2 : i32
      %div3A_384 = arith.divsi %add3A_382, %jit3A_383 : i32
      %sign3A_385 = arith.constant 0 : i32
      %sign3A_386 = arith.cmpi sgt, %add3A_382, %sign3A_385 : i32
      %sign3A_387 = arith.extui %sign3A_386 : i1 to i32
      %sign3A_388 = arith.constant 0 : i32
      %sign3A_389 = arith.cmpi slt, %add3A_382, %sign3A_388 : i32
      %sign3A_390 = arith.extui %sign3A_389 : i1 to i32
      %sign3A_391 = arith.subi %sign3A_387, %sign3A_390 : i32
      %sign3A_392 = arith.constant 0 : i32
      %sign3A_393 = arith.cmpi sgt, %jit3A_383, %sign3A_392 : i32
      %sign3A_394 = arith.extui %sign3A_393 : i1 to i32
      %sign3A_395 = arith.constant 0 : i32
      %sign3A_396 = arith.cmpi slt, %jit3A_383, %sign3A_395 : i32
      %sign3A_397 = arith.extui %sign3A_396 : i1 to i32
      %sign3A_398 = arith.subi %sign3A_394, %sign3A_397 : i32
      %ne3A_399 = arith.cmpi ne, %sign3A_391, %sign3A_398 : i32
      %rem3A_400 = arith.remsi %add3A_382, %jit3A_383 : i32
      %ne3A_401 = arith.constant 0 : i32
      %ne3A_402 = arith.cmpi ne, %rem3A_400, %ne3A_401 : i32
      %and3A_403 = arith.andi %ne3A_399, %ne3A_402 : i1
      %sub3A_404 = arith.constant 1 : i32
      %sub3A_405 = arith.subi %div3A_384, %sub3A_404 : i32
      %select_n3A_406 = arith.select %and3A_403, %sub3A_405, %div3A_384 : i32
      %dma_wait3A_407 = arith.constant 1 : i32
      %dma_wait3A_408 = arith.constant 0 : i32
      %dma_wait3A_409 = arith.constant 0 : i32
      %dma_wait3A_410 = tpu.memref_slice %arg9[%dma_wait3A_407, %dma_wait3A_408, %dma_wait3A_409] : memref<2x96x128xf32, #tpu.memory_space<vmem>> -> memref<1x96x128xf32, #tpu.memory_space<vmem>>
      %dma_wait3A_411 = tpu.memref_squeeze %dma_wait3A_410 : memref<1x96x128xf32, #tpu.memory_space<vmem>> -> memref<96x128xf32, #tpu.memory_space<vmem>>
      %dma_wait3A_412 = arith.constant 0 : i32
      %dma_wait3A_413 = tpu.memref_slice %arg7[%select_n3A_406, %dma_wait3A_412] : memref<32x96xi32, #tpu.memory_space<vmem>> -> memref<1x96xi32, #tpu.memory_space<vmem>>
      %dma_wait3A_414 = tpu.memref_squeeze %dma_wait3A_413 : memref<1x96xi32, #tpu.memory_space<vmem>> -> memref<96xi32, #tpu.memory_space<vmem>>
      %dma_wait3A_415 = arith.constant 0 : i32
      %dma_wait3A_416 = arith.constant 0 : i32
      %dma_wait3A_417 = tpu.memref_slice %arg2[%dma_wait3A_415, %dma_wait3A_416] : memref<100000x128xf32, #tpu.memory_space<hbm>> -> memref<100000x128xf32, #tpu.memory_space<hbm>>
      tpu.wait_indirect_dma semaphore(%arg14 : memref<!tpu.dma_semaphore, #tpu.memory_space<semaphore_mem>>) src(%dma_wait3A_417 : memref<100000x128xf32, #tpu.memory_space<hbm>>) dst(%dma_wait3A_411 : memref<96x128xf32, #tpu.memory_space<vmem>>)
      %scan3A_418 = arith.constant 0 : i32
      %scan3A_419 = arith.constant 96 : i32
      %scan3A_420 = arith.addi %scan3A_418, %scan3A_419 : i32
      %scan3A_421 = arith.constant 1 : i32
      %scan3A_422:8 = scf.for %scan3A_491 = %scan3A_418 to %scan3A_420 step %scan3A_421 iter_args(%scan3A_492 = %scan3A_370#0, %scan3A_493 = %scan3A_370#1, %scan3A_494 = %scan3A_370#2, %scan3A_495 = %scan3A_370#3, %scan3A_496 = %scan3A_370#4, %scan3A_497 = %scan3A_370#5, %scan3A_498 = %scan3A_370#6, %scan3A_499 = %scan3A_370#7) -> (vector<16xf32>, vector<16xf32>, vector<16xf32>, vector<16xf32>, vector<16xf32>, vector<16xf32>, vector<16xf32>, vector<16xf32>)  : i32 {
        %get3A = arith.constant 1 : i32
        %get3A_500 = arith.index_cast %get3A : i32 to index
        %get3A_501 = arith.index_cast %scan3A_491 : i32 to index
        %get3A_502 = arith.constant 0 : index
        %get3A_503 = tpu.vector_load %arg9[%get3A_500, %get3A_501, %get3A_502] {strides = array<i32>} : memref<2x96x128xf32, #tpu.memory_space<vmem>>, vector<1x1x16xf32>,
        %get3A_504 = vector.shape_cast %get3A_503 : vector<1x1x16xf32> to vector<16xf32>
        %add3A_505 = arith.addf %scan3A_492, %get3A_504 : vector<16xf32>
        %get3A_506 = arith.constant 1 : i32
        %get3A_507 = arith.index_cast %get3A_506 : i32 to index
        %get3A_508 = arith.index_cast %scan3A_491 : i32 to index
        %get3A_509 = arith.constant 16 : index
        %get3A_510 = tpu.vector_load %arg9[%get3A_507, %get3A_508, %get3A_509] {strides = array<i32>} : memref<2x96x128xf32, #tpu.memory_space<vmem>>, vector<1x1x16xf32>,
        %get3A_511 = vector.shape_cast %get3A_510 : vector<1x1x16xf32> to vector<16xf32>
        %add3A_512 = arith.addf %scan3A_493, %get3A_511 : vector<16xf32>
        %get3A_513 = arith.constant 1 : i32
        %get3A_514 = arith.index_cast %get3A_513 : i32 to index
        %get3A_515 = arith.index_cast %scan3A_491 : i32 to index
        %get3A_516 = arith.constant 32 : index
        %get3A_517 = tpu.vector_load %arg9[%get3A_514, %get3A_515, %get3A_516] {strides = array<i32>} : memref<2x96x128xf32, #tpu.memory_space<vmem>>, vector<1x1x16xf32>,
        %get3A_518 = vector.shape_cast %get3A_517 : vector<1x1x16xf32> to vector<16xf32>
        %add3A_519 = arith.addf %scan3A_494, %get3A_518 : vector<16xf32>
        %get3A_520 = arith.constant 1 : i32
        %get3A_521 = arith.index_cast %get3A_520 : i32 to index
        %get3A_522 = arith.index_cast %scan3A_491 : i32 to index
        %get3A_523 = arith.constant 48 : index
        %get3A_524 = tpu.vector_load %arg9[%get3A_521, %get3A_522, %get3A_523] {strides = array<i32>} : memref<2x96x128xf32, #tpu.memory_space<vmem>>, vector<1x1x16xf32>,
        %get3A_525 = vector.shape_cast %get3A_524 : vector<1x1x16xf32> to vector<16xf32>
        %add3A_526 = arith.addf %scan3A_495, %get3A_525 : vector<16xf32>
        %get3A_527 = arith.constant 1 : i32
        %get3A_528 = arith.index_cast %get3A_527 : i32 to index
        %get3A_529 = arith.index_cast %scan3A_491 : i32 to index
        %get3A_530 = arith.constant 64 : index
        %get3A_531 = tpu.vector_load %arg9[%get3A_528, %get3A_529, %get3A_530] {strides = array<i32>} : memref<2x96x128xf32, #tpu.memory_space<vmem>>, vector<1x1x16xf32>,
        %get3A_532 = vector.shape_cast %get3A_531 : vector<1x1x16xf32> to vector<16xf32>
        %add3A_533 = arith.addf %scan3A_496, %get3A_532 : vector<16xf32>
        %get3A_534 = arith.constant 1 : i32
        %get3A_535 = arith.index_cast %get3A_534 : i32 to index
        %get3A_536 = arith.index_cast %scan3A_491 : i32 to index
        %get3A_537 = arith.constant 80 : index
        %get3A_538 = tpu.vector_load %arg9[%get3A_535, %get3A_536, %get3A_537] {strides = array<i32>} : memref<2x96x128xf32, #tpu.memory_space<vmem>>, vector<1x1x16xf32>,
        %get3A_539 = vector.shape_cast %get3A_538 : vector<1x1x16xf32> to vector<16xf32>
        %add3A_540 = arith.addf %scan3A_497, %get3A_539 : vector<16xf32>
        %get3A_541 = arith.constant 1 : i32
        %get3A_542 = arith.index_cast %get3A_541 : i32 to index
        %get3A_543 = arith.index_cast %scan3A_491 : i32 to index
        %get3A_544 = arith.constant 96 : index
        %get3A_545 = tpu.vector_load %arg9[%get3A_542, %get3A_543, %get3A_544] {strides = array<i32>} : memref<2x96x128xf32, #tpu.memory_space<vmem>>, vector<1x1x16xf32>,
        %get3A_546 = vector.shape_cast %get3A_545 : vector<1x1x16xf32> to vector<16xf32>
        %add3A_547 = arith.addf %scan3A_498, %get3A_546 : vector<16xf32>
        %get3A_548 = arith.constant 1 : i32
        %get3A_549 = arith.index_cast %get3A_548 : i32 to index
        %get3A_550 = arith.index_cast %scan3A_491 : i32 to index
        %get3A_551 = arith.constant 112 : index
        %get3A_552 = tpu.vector_load %arg9[%get3A_549, %get3A_550, %get3A_551] {strides = array<i32>} : memref<2x96x128xf32, #tpu.memory_space<vmem>>, vector<1x1x16xf32>,
        %get3A_553 = vector.shape_cast %get3A_552 : vector<1x1x16xf32> to vector<16xf32>
        %add3A_554 = arith.addf %scan3A_499, %get3A_553 : vector<16xf32>
        scf.yield %add3A_505, %add3A_512, %add3A_519, %add3A_526, %add3A_533, %add3A_540, %add3A_547, %add3A_554 : vector<16xf32>, vector<16xf32>, vector<16xf32>, vector<16xf32>, vector<16xf32>, vector<16xf32>, vector<16xf32>, vector<16xf32>
      }
      %scan3A_423 = arith.constant 96 : i32
      %mul3A_424 = arith.constant 2 : i32
      %mul3A_425 = arith.muli %scan3A_159, %mul3A_424 : i32
      %add3A_426 = arith.constant 1 : i32
      %add3A_427 = arith.addi %mul3A_425, %add3A_426 : i32
      %mul3A_428 = vector.broadcast %scan3A : f32 to vector<16xf32>
      %mul3A_429 = arith.mulf %scan3A_422#0, %mul3A_428 : vector<16xf32>
      %swap3A_430 = arith.index_cast %add3A_427 : i32 to index
      %swap3A_431 = arith.constant 0 : index
      %swap3A_432 = tpu.vector_load %arg10[%swap3A_430, %swap3A_431] {strides = array<i32>} : memref<32x128xf32, #tpu.memory_space<vmem>>, vector<1x16xf32>,
      %swap3A_433 = vector.shape_cast %swap3A_432 : vector<1x16xf32> to vector<16xf32>
      %swap3A_434 = vector.shape_cast %mul3A_429 : vector<16xf32> to vector<1x16xf32>
      tpu.vector_store %arg10[%swap3A_430, %swap3A_431], %swap3A_434 {strides = array<i32>} : memref<32x128xf32, #tpu.memory_space<vmem>>, vector<1x16xf32>,
      %mul3A_435 = vector.broadcast %scan3A : f32 to vector<16xf32>
      %mul3A_436 = arith.mulf %scan3A_422#1, %mul3A_435 : vector<16xf32>
      %swap3A_437 = arith.index_cast %add3A_427 : i32 to index
      %swap3A_438 = arith.constant 16 : index
      %swap3A_439 = tpu.vector_load %arg10[%swap3A_437, %swap3A_438] {strides = array<i32>} : memref<32x128xf32, #tpu.memory_space<vmem>>, vector<1x16xf32>,
      %swap3A_440 = vector.shape_cast %swap3A_439 : vector<1x16xf32> to vector<16xf32>
      %swap3A_441 = vector.shape_cast %mul3A_436 : vector<16xf32> to vector<1x16xf32>
      tpu.vector_store %arg10[%swap3A_437, %swap3A_438], %swap3A_441 {strides = array<i32>} : memref<32x128xf32, #tpu.memory_space<vmem>>, vector<1x16xf32>,
      %mul3A_442 = vector.broadcast %scan3A : f32 to vector<16xf32>
      %mul3A_443 = arith.mulf %scan3A_422#2, %mul3A_442 : vector<16xf32>
      %swap3A_444 = arith.index_cast %add3A_427 : i32 to index
      %swap3A_445 = arith.constant 32 : index
      %swap3A_446 = tpu.vector_load %arg10[%swap3A_444, %swap3A_445] {strides = array<i32>} : memref<32x128xf32, #tpu.memory_space<vmem>>, vector<1x16xf32>,
      %swap3A_447 = vector.shape_cast %swap3A_446 : vector<1x16xf32> to vector<16xf32>
      %swap3A_448 = vector.shape_cast %mul3A_443 : vector<16xf32> to vector<1x16xf32>
      tpu.vector_store %arg10[%swap3A_444, %swap3A_445], %swap3A_448 {strides = array<i32>} : memref<32x128xf32, #tpu.memory_space<vmem>>, vector<1x16xf32>,
      %mul3A_449 = vector.broadcast %scan3A : f32 to vector<16xf32>
      %mul3A_450 = arith.mulf %scan3A_422#3, %mul3A_449 : vector<16xf32>
      %swap3A_451 = arith.index_cast %add3A_427 : i32 to index
      %swap3A_452 = arith.constant 48 : index
      %swap3A_453 = tpu.vector_load %arg10[%swap3A_451, %swap3A_452] {strides = array<i32>} : memref<32x128xf32, #tpu.memory_space<vmem>>, vector<1x16xf32>,
      %swap3A_454 = vector.shape_cast %swap3A_453 : vector<1x16xf32> to vector<16xf32>
      %swap3A_455 = vector.shape_cast %mul3A_450 : vector<16xf32> to vector<1x16xf32>
      tpu.vector_store %arg10[%swap3A_451, %swap3A_452], %swap3A_455 {strides = array<i32>} : memref<32x128xf32, #tpu.memory_space<vmem>>, vector<1x16xf32>,
      %mul3A_456 = vector.broadcast %scan3A : f32 to vector<16xf32>
      %mul3A_457 = arith.mulf %scan3A_422#4, %mul3A_456 : vector<16xf32>
      %swap3A_458 = arith.index_cast %add3A_427 : i32 to index
      %swap3A_459 = arith.constant 64 : index
      %swap3A_460 = tpu.vector_load %arg10[%swap3A_458, %swap3A_459] {strides = array<i32>} : memref<32x128xf32, #tpu.memory_space<vmem>>, vector<1x16xf32>,
      %swap3A_461 = vector.shape_cast %swap3A_460 : vector<1x16xf32> to vector<16xf32>
      %swap3A_462 = vector.shape_cast %mul3A_457 : vector<16xf32> to vector<1x16xf32>
      tpu.vector_store %arg10[%swap3A_458, %swap3A_459], %swap3A_462 {strides = array<i32>} : memref<32x128xf32, #tpu.memory_space<vmem>>, vector<1x16xf32>,
      %mul3A_463 = vector.broadcast %scan3A : f32 to vector<16xf32>
      %mul3A_464 = arith.mulf %scan3A_422#5, %mul3A_463 : vector<16xf32>
      %swap3A_465 = arith.index_cast %add3A_427 : i32 to index
      %swap3A_466 = arith.constant 80 : index
      %swap3A_467 = tpu.vector_load %arg10[%swap3A_465, %swap3A_466] {strides = array<i32>} : memref<32x128xf32, #tpu.memory_space<vmem>>, vector<1x16xf32>,
      %swap3A_468 = vector.shape_cast %swap3A_467 : vector<1x16xf32> to vector<16xf32>
      %swap3A_469 = vector.shape_cast %mul3A_464 : vector<16xf32> to vector<1x16xf32>
      tpu.vector_store %arg10[%swap3A_465, %swap3A_466], %swap3A_469 {strides = array<i32>} : memref<32x128xf32, #tpu.memory_space<vmem>>, vector<1x16xf32>,
      %mul3A_470 = vector.broadcast %scan3A : f32 to vector<16xf32>
      %mul3A_471 = arith.mulf %scan3A_422#6, %mul3A_470 : vector<16xf32>
      %swap3A_472 = arith.index_cast %add3A_427 : i32 to index
      %swap3A_473 = arith.constant 96 : index
      %swap3A_474 = tpu.vector_load %arg10[%swap3A_472, %swap3A_473] {strides = array<i32>} : memref<32x128xf32, #tpu.memory_space<vmem>>, vector<1x16xf32>,
      %swap3A_475 = vector.shape_cast %swap3A_474 : vector<1x16xf32> to vector<16xf32>
      %swap3A_476 = vector.shape_cast %mul3A_471 : vector<16xf32> to vector<1x16xf32>
      tpu.vector_store %arg10[%swap3A_472, %swap3A_473], %swap3A_476 {strides = array<i32>} : memref<32x128xf32, #tpu.memory_space<vmem>>, vector<1x16xf32>,
      %mul3A_477 = vector.broadcast %scan3A : f32 to vector<16xf32>
      %mul3A_478 = arith.mulf %scan3A_422#7, %mul3A_477 : vector<16xf32>
      %swap3A_479 = arith.index_cast %add3A_427 : i32 to index
      %swap3A_480 = arith.constant 112 : index
      %swap3A_481 = tpu.vector_load %arg10[%swap3A_479, %swap3A_480] {strides = array<i32>} : memref<32x128xf32, #tpu.memory_space<vmem>>, vector<1x16xf32>,
      %swap3A_482 = vector.shape_cast %swap3A_481 : vector<1x16xf32> to vector<16xf32>
      %swap3A_483 = vector.shape_cast %mul3A_478 : vector<16xf32> to vector<1x16xf32>
      tpu.vector_store %arg10[%swap3A_479, %swap3A_480], %swap3A_483 {strides = array<i32>} : memref<32x128xf32, #tpu.memory_space<vmem>>, vector<1x16xf32>,
      %add3A_484 = arith.constant 4 : i32
      %add3A_485 = arith.addi %add3A_382, %add3A_484 : i32
      %lt3A_486 = arith.constant 64 : i32
      %lt3A_487 = arith.cmpi slt, %add3A_485, %lt3A_486 : i32
      %convert_element_type3A_488 = arith.extui %lt3A_487 : i1 to i32
      %cond3A_489 = arith.constant 0 : i32
      %cond3A_490 = arith.cmpi ne, %convert_element_type3A_488, %cond3A_489 : i32
      scf.if %cond3A_490 {
        %jit3A_491 = arith.constant 2 : i32
        %div3A_492 = arith.divsi %add3A_485, %jit3A_491 : i32
        %sign3A_493 = arith.constant 0 : i32
        %sign3A_494 = arith.cmpi sgt, %add3A_485, %sign3A_493 : i32
        %sign3A_495 = arith.extui %sign3A_494 : i1 to i32
        %sign3A_496 = arith.constant 0 : i32
        %sign3A_497 = arith.cmpi slt, %add3A_485, %sign3A_496 : i32
        %sign3A_498 = arith.extui %sign3A_497 : i1 to i32
        %sign3A_499 = arith.subi %sign3A_495, %sign3A_498 : i32
        %sign3A_500 = arith.constant 0 : i32
        %sign3A_501 = arith.cmpi sgt, %jit3A_491, %sign3A_500 : i32
        %sign3A_502 = arith.extui %sign3A_501 : i1 to i32
        %sign3A_503 = arith.constant 0 : i32
        %sign3A_504 = arith.cmpi slt, %jit3A_491, %sign3A_503 : i32
        %sign3A_505 = arith.extui %sign3A_504 : i1 to i32
        %sign3A_506 = arith.subi %sign3A_502, %sign3A_505 : i32
        %ne3A_507 = arith.cmpi ne, %sign3A_499, %sign3A_506 : i32
        %rem3A_508 = arith.remsi %add3A_485, %jit3A_491 : i32
        %ne3A_509 = arith.constant 0 : i32
        %ne3A_510 = arith.cmpi ne, %rem3A_508, %ne3A_509 : i32
        %and3A_511 = arith.andi %ne3A_507, %ne3A_510 : i1
        %sub3A_512 = arith.constant 1 : i32
        %sub3A_513 = arith.subi %div3A_492, %sub3A_512 : i32
        %select_n3A_514 = arith.select %and3A_511, %sub3A_513, %div3A_492 : i32
        %dma_start3A_515 = arith.constant 1 : i32
        %dma_start3A_516 = arith.constant 0 : i32
        %dma_start3A_517 = arith.constant 0 : i32
        %dma_start3A_518 = tpu.memref_slice %arg9[%dma_start3A_515, %dma_start3A_516, %dma_start3A_517] : memref<2x96x128xf32, #tpu.memory_space<vmem>> -> memref<1x96x128xf32, #tpu.memory_space<vmem>>
        %dma_start3A_519 = tpu.memref_squeeze %dma_start3A_518 : memref<1x96x128xf32, #tpu.memory_space<vmem>> -> memref<96x128xf32, #tpu.memory_space<vmem>>
        %dma_start3A_520 = arith.constant 0 : i32
        %dma_start3A_521 = tpu.memref_slice %arg7[%select_n3A_514, %dma_start3A_520] : memref<32x96xi32, #tpu.memory_space<vmem>> -> memref<1x96xi32, #tpu.memory_space<vmem>>
        %dma_start3A_522 = tpu.memref_squeeze %dma_start3A_521 : memref<1x96xi32, #tpu.memory_space<vmem>> -> memref<96xi32, #tpu.memory_space<vmem>>
        %dma_start3A_523 = arith.constant 0 : i32
        %dma_start3A_524 = arith.constant 0 : i32
        %dma_start3A_525 = tpu.memref_slice %arg2[%dma_start3A_523, %dma_start3A_524] : memref<100000x128xf32, #tpu.memory_space<hbm>> -> memref<100000x128xf32, #tpu.memory_space<hbm>>
        tpu.enqueue_indirect_dma source(%dma_start3A_525 : memref<100000x128xf32, #tpu.memory_space<hbm>>) target(%dma_start3A_519 : memref<96x128xf32, #tpu.memory_space<vmem>>) offsets(%dma_start3A_522 : memref<96xi32, #tpu.memory_space<vmem>>) semaphore(%arg14 : memref<!tpu.dma_semaphore, #tpu.memory_space<semaphore_mem>>)
      } else {
      }
      scf.yield %broadcast_in_dim3A_138, %broadcast_in_dim3A_140, %broadcast_in_dim3A_142, %broadcast_in_dim3A_144, %broadcast_in_dim3A_146, %broadcast_in_dim3A_148, %broadcast_in_dim3A_150, %broadcast_in_dim3A_152 : vector<16xf32>, vector<16xf32>, vector<16xf32>, vector<16xf32>, vector<16xf32>, vector<16xf32>, vector<16xf32>, vector<16xf32>
    }
    %scan3A_158 = arith.constant 16 : i32
    "tpu.region"() ({
      %run_scoped3A = tpu.sem_alloc : memref<!tpu.dma_semaphore, #tpu.memory_space<semaphore_mem>>
      %dma_start3A_159 = arith.constant 0 : i32
      %dma_start3A_160 = tpu.memref_slice %arg5[%mul3A_2, %dma_start3A_159] : memref<1024x128xf32, #tpu.memory_space<hbm>> -> memref<32x128xf32, #tpu.memory_space<hbm>>
      %dma_start3A_161 = arith.constant 0 : i32
      %dma_start3A_162 = tpu.memref_slice %arg5[%mul3A_2, %dma_start3A_161] : memref<1024x128xf32, #tpu.memory_space<hbm>> -> memref<32x128xf32, #tpu.memory_space<hbm>>
      tpu.enqueue_dma source(%arg10 : memref<32x128xf32, #tpu.memory_space<vmem>>) target(%dma_start3A_162 : memref<32x128xf32, #tpu.memory_space<hbm>>) target_semaphore(%run_scoped3A : memref<!tpu.dma_semaphore, #tpu.memory_space<semaphore_mem>>)
      %dma_wait3A = arith.constant 0 : i32
      %dma_wait3A_163 = tpu.memref_slice %arg5[%mul3A_2, %dma_wait3A] : memref<1024x128xf32, #tpu.memory_space<hbm>> -> memref<32x128xf32, #tpu.memory_space<hbm>>
      %dma_wait3A_164 = arith.constant 0 : i32
      %dma_wait3A_165 = tpu.memref_slice %arg5[%mul3A_2, %dma_wait3A_164] : memref<1024x128xf32, #tpu.memory_space<hbm>> -> memref<32x128xf32, #tpu.memory_space<hbm>>
      tpu.wait_dma2 semaphore(%run_scoped3A : memref<!tpu.dma_semaphore, #tpu.memory_space<semaphore_mem>>) src(%arg10 : memref<32x128xf32, #tpu.memory_space<vmem>>) dst(%dma_wait3A_165 : memref<32x128xf32, #tpu.memory_space<hbm>>)
      tpu.yield
    }) : () -> ()
    return
  }
}

#map = affine_map<(d0, d1) -> (0, 0)>
module attributes {stable_mosaic.version = 14 : i64} {
  func.func @k(%arg0: i32, %arg1: i32, %arg2: memref<100000x128xf32, #tpu.memory_space<hbm>>, %arg3: memref<1024x104xi32, #tpu.memory_space<hbm>>, %arg4: memref<1024x96xi32, #tpu.memory_space<hbm>>, %arg5: memref<1024x128xf32, #tpu.memory_space<hbm>>, %arg6: memref<32x104xi32, #tpu.memory_space<vmem>>, %arg7: memref<32x96xi32, #tpu.memory_space<vmem>>, %arg8: memref<2x104x128xf32, #tpu.memory_space<vmem>>, %arg9: memref<2x96x128xf32, #tpu.memory_space<vmem>>, %arg10: memref<32x128xf32, #tpu.memory_space<vmem>>, %arg11: memref<!tpu.dma_semaphore, #tpu.memory_space<semaphore_mem>>, %arg12: memref<!tpu.dma_semaphore, #tpu.memory_space<semaphore_mem>>, %arg13: memref<!tpu.dma_semaphore, #tpu.memory_space<semaphore_mem>>, %arg14: memref<!tpu.dma_semaphore, #tpu.memory_space<semaphore_mem>>) attributes {dimension_semantics = [#tpu.dimension_semantics<core_parallel>, #tpu.dimension_semantics<subcore_parallel>], iteration_bounds = array<i64: 2, 16>, scalar_prefetch = 0 : i64, scratch_operands = 9 : i64, tpu.core_type = #tpu.core_type<sc_vector_subcore>, window_params = [{transform_indices = #map}, {transform_indices = #map}, {transform_indices = #map}, {transform_indices = #map}]} {
    %mul3A = arith.constant 2 : i32
    %mul3A_0 = arith.muli %arg1, %mul3A : i32
    %add3A = arith.addi %mul3A_0, %arg0 : i32
    %mul3A_1 = arith.constant 32 : i32
    %mul3A_2 = arith.muli %add3A, %mul3A_1 : i32
    "tpu.region"() ({
      %run_scoped3A = tpu.sem_alloc : memref<!tpu.dma_semaphore, #tpu.memory_space<semaphore_mem>>
      %dma_start3A_159 = arith.constant 0 : i32
      %dma_start3A_160 = tpu.memref_slice %arg3[%mul3A_2, %dma_start3A_159] : memref<1024x104xi32, #tpu.memory_space<hbm>> -> memref<32x104xi32, #tpu.memory_space<hbm>>
      %dma_start3A_161 = arith.constant 0 : i32
      %dma_start3A_162 = tpu.memref_slice %arg3[%mul3A_2, %dma_start3A_161] : memref<1024x104xi32, #tpu.memory_space<hbm>> -> memref<32x104xi32, #tpu.memory_space<hbm>>
      tpu.enqueue_dma source(%dma_start3A_162 : memref<32x104xi32, #tpu.memory_space<hbm>>) target(%arg6 : memref<32x104xi32, #tpu.memory_space<vmem>>) target_semaphore(%run_scoped3A : memref<!tpu.dma_semaphore, #tpu.memory_space<semaphore_mem>>)
      %dma_wait3A = arith.constant 0 : i32
      %dma_wait3A_163 = tpu.memref_slice %arg3[%mul3A_2, %dma_wait3A] : memref<1024x104xi32, #tpu.memory_space<hbm>> -> memref<32x104xi32, #tpu.memory_space<hbm>>
      %dma_wait3A_164 = arith.constant 0 : i32
      %dma_wait3A_165 = tpu.memref_slice %arg3[%mul3A_2, %dma_wait3A_164] : memref<1024x104xi32, #tpu.memory_space<hbm>> -> memref<32x104xi32, #tpu.memory_space<hbm>>
      tpu.wait_dma2 semaphore(%run_scoped3A : memref<!tpu.dma_semaphore, #tpu.memory_space<semaphore_mem>>) src(%dma_wait3A_165 : memref<32x104xi32, #tpu.memory_space<hbm>>) dst(%arg6 : memref<32x104xi32, #tpu.memory_space<vmem>>)
      tpu.yield
    }) : () -> ()
    "tpu.region"() ({
      %run_scoped3A = tpu.sem_alloc : memref<!tpu.dma_semaphore, #tpu.memory_space<semaphore_mem>>
      %dma_start3A_159 = arith.constant 0 : i32
      %dma_start3A_160 = tpu.memref_slice %arg4[%mul3A_2, %dma_start3A_159] : memref<1024x96xi32, #tpu.memory_space<hbm>> -> memref<32x96xi32, #tpu.memory_space<hbm>>
      %dma_start3A_161 = arith.constant 0 : i32
      %dma_start3A_162 = tpu.memref_slice %arg4[%mul3A_2, %dma_start3A_161] : memref<1024x96xi32, #tpu.memory_space<hbm>> -> memref<32x96xi32, #tpu.memory_space<hbm>>
      tpu.enqueue_dma source(%dma_start3A_162 : memref<32x96xi32, #tpu.memory_space<hbm>>) target(%arg7 : memref<32x96xi32, #tpu.memory_space<vmem>>) target_semaphore(%run_scoped3A : memref<!tpu.dma_semaphore, #tpu.memory_space<semaphore_mem>>)
      %dma_wait3A = arith.constant 0 : i32
      %dma_wait3A_163 = tpu.memref_slice %arg4[%mul3A_2, %dma_wait3A] : memref<1024x96xi32, #tpu.memory_space<hbm>> -> memref<32x96xi32, #tpu.memory_space<hbm>>
      %dma_wait3A_164 = arith.constant 0 : i32
      %dma_wait3A_165 = tpu.memref_slice %arg4[%mul3A_2, %dma_wait3A_164] : memref<1024x96xi32, #tpu.memory_space<hbm>> -> memref<32x96xi32, #tpu.memory_space<hbm>>
      tpu.wait_dma2 semaphore(%run_scoped3A : memref<!tpu.dma_semaphore, #tpu.memory_space<semaphore_mem>>) src(%dma_wait3A_165 : memref<32x96xi32, #tpu.memory_space<hbm>>) dst(%arg7 : memref<32x96xi32, #tpu.memory_space<vmem>>)
      tpu.yield
    }) : () -> ()
    %jit3A = arith.constant 0 : i32
    %jit3A_3 = arith.constant 2 : i32
    %div3A = arith.divsi %jit3A, %jit3A_3 : i32
    %sign3A = arith.constant 0 : i32
    %sign3A_4 = arith.cmpi sgt, %jit3A, %sign3A : i32
    %sign3A_5 = arith.extui %sign3A_4 : i1 to i32
    %sign3A_6 = arith.constant 0 : i32
    %sign3A_7 = arith.cmpi slt, %jit3A, %sign3A_6 : i32
    %sign3A_8 = arith.extui %sign3A_7 : i1 to i32
    %sign3A_9 = arith.subi %sign3A_5, %sign3A_8 : i32
    %sign3A_10 = arith.constant 0 : i32
    %sign3A_11 = arith.cmpi sgt, %jit3A_3, %sign3A_10 : i32
    %sign3A_12 = arith.extui %sign3A_11 : i1 to i32
    %sign3A_13 = arith.constant 0 : i32
    %sign3A_14 = arith.cmpi slt, %jit3A_3, %sign3A_13 : i32
    %sign3A_15 = arith.extui %sign3A_14 : i1 to i32
    %sign3A_16 = arith.subi %sign3A_12, %sign3A_15 : i32
    %ne3A = arith.cmpi ne, %sign3A_9, %sign3A_16 : i32
    %rem3A = arith.remsi %jit3A, %jit3A_3 : i32
    %ne3A_17 = arith.constant 0 : i32
    %ne3A_18 = arith.cmpi ne, %rem3A, %ne3A_17 : i32
    %and3A = arith.andi %ne3A, %ne3A_18 : i1
    %sub3A = arith.constant 1 : i32
    %sub3A_19 = arith.subi %div3A, %sub3A : i32
    %select_n3A = arith.select %and3A, %sub3A_19, %div3A : i32
    %dma_start3A = arith.constant 0 : i32
    %dma_start3A_20 = arith.constant 0 : i32
    %dma_start3A_21 = arith.constant 0 : i32
    %dma_start3A_22 = tpu.memref_slice %arg8[%dma_start3A, %dma_start3A_20, %dma_start3A_21] : memref<2x104x128xf32, #tpu.memory_space<vmem>> -> memref<1x104x128xf32, #tpu.memory_space<vmem>>
    %dma_start3A_23 = tpu.memref_squeeze %dma_start3A_22 : memref<1x104x128xf32, #tpu.memory_space<vmem>> -> memref<104x128xf32, #tpu.memory_space<vmem>>
    %dma_start3A_24 = arith.constant 0 : i32
    %dma_start3A_25 = tpu.memref_slice %arg6[%select_n3A, %dma_start3A_24] : memref<32x104xi32, #tpu.memory_space<vmem>> -> memref<1x104xi32, #tpu.memory_space<vmem>>
    %dma_start3A_26 = tpu.memref_squeeze %dma_start3A_25 : memref<1x104xi32, #tpu.memory_space<vmem>> -> memref<104xi32, #tpu.memory_space<vmem>>
    %dma_start3A_27 = arith.constant 0 : i32
    %dma_start3A_28 = arith.constant 0 : i32
    %dma_start3A_29 = tpu.memref_slice %arg2[%dma_start3A_27, %dma_start3A_28] : memref<100000x128xf32, #tpu.memory_space<hbm>> -> memref<100000x128xf32, #tpu.memory_space<hbm>>
    tpu.enqueue_indirect_dma source(%dma_start3A_29 : memref<100000x128xf32, #tpu.memory_space<hbm>>) target(%dma_start3A_23 : memref<104x128xf32, #tpu.memory_space<vmem>>) offsets(%dma_start3A_26 : memref<104xi32, #tpu.memory_space<vmem>>) semaphore(%arg11 : memref<!tpu.dma_semaphore, #tpu.memory_space<semaphore_mem>>)
    %jit3A_30 = arith.constant 1 : i32
    %jit3A_31 = arith.constant 2 : i32
    %div3A_32 = arith.divsi %jit3A_30, %jit3A_31 : i32
    %sign3A_33 = arith.constant 0 : i32
    %sign3A_34 = arith.cmpi sgt, %jit3A_30, %sign3A_33 : i32
    %sign3A_35 = arith.extui %sign3A_34 : i1 to i32
    %sign3A_36 = arith.constant 0 : i32
    %sign3A_37 = arith.cmpi slt, %jit3A_30, %sign3A_36 : i32
    %sign3A_38 = arith.extui %sign3A_37 : i1 to i32
    %sign3A_39 = arith.subi %sign3A_35, %sign3A_38 : i32
    %sign3A_40 = arith.constant 0 : i32
    %sign3A_41 = arith.cmpi sgt, %jit3A_31, %sign3A_40 : i32
    %sign3A_42 = arith.extui %sign3A_41 : i1 to i32
    %sign3A_43 = arith.constant 0 : i32
    %sign3A_44 = arith.cmpi slt, %jit3A_31, %sign3A_43 : i32
    %sign3A_45 = arith.extui %sign3A_44 : i1 to i32
    %sign3A_46 = arith.subi %sign3A_42, %sign3A_45 : i32
    %ne3A_47 = arith.cmpi ne, %sign3A_39, %sign3A_46 : i32
    %rem3A_48 = arith.remsi %jit3A_30, %jit3A_31 : i32
    %ne3A_49 = arith.constant 0 : i32
    %ne3A_50 = arith.cmpi ne, %rem3A_48, %ne3A_49 : i32
    %and3A_51 = arith.andi %ne3A_47, %ne3A_50 : i1
    %sub3A_52 = arith.constant 1 : i32
    %sub3A_53 = arith.subi %div3A_32, %sub3A_52 : i32
    %select_n3A_54 = arith.select %and3A_51, %sub3A_53, %div3A_32 : i32
    %dma_start3A_55 = arith.constant 0 : i32
    %dma_start3A_56 = arith.constant 0 : i32
    %dma_start3A_57 = arith.constant 0 : i32
    %dma_start3A_58 = tpu.memref_slice %arg9[%dma_start3A_55, %dma_start3A_56, %dma_start3A_57] : memref<2x96x128xf32, #tpu.memory_space<vmem>> -> memref<1x96x128xf32, #tpu.memory_space<vmem>>
    %dma_start3A_59 = tpu.memref_squeeze %dma_start3A_58 : memref<1x96x128xf32, #tpu.memory_space<vmem>> -> memref<96x128xf32, #tpu.memory_space<vmem>>
    %dma_start3A_60 = arith.constant 0 : i32
    %dma_start3A_61 = tpu.memref_slice %arg7[%select_n3A_54, %dma_start3A_60] : memref<32x96xi32, #tpu.memory_space<vmem>> -> memref<1x96xi32, #tpu.memory_space<vmem>>
    %dma_start3A_62 = tpu.memref_squeeze %dma_start3A_61 : memref<1x96xi32, #tpu.memory_space<vmem>> -> memref<96xi32, #tpu.memory_space<vmem>>
    %dma_start3A_63 = arith.constant 0 : i32
    %dma_start3A_64 = arith.constant 0 : i32
    %dma_start3A_65 = tpu.memref_slice %arg2[%dma_start3A_63, %dma_start3A_64] : memref<100000x128xf32, #tpu.memory_space<hbm>> -> memref<100000x128xf32, #tpu.memory_space<hbm>>
    tpu.enqueue_indirect_dma source(%dma_start3A_65 : memref<100000x128xf32, #tpu.memory_space<hbm>>) target(%dma_start3A_59 : memref<96x128xf32, #tpu.memory_space<vmem>>) offsets(%dma_start3A_62 : memref<96xi32, #tpu.memory_space<vmem>>) semaphore(%arg12 : memref<!tpu.dma_semaphore, #tpu.memory_space<semaphore_mem>>)
    %jit3A_66 = arith.constant 2 : i32
    %jit3A_67 = arith.constant 2 : i32
    %div3A_68 = arith.divsi %jit3A_66, %jit3A_67 : i32
    %sign3A_69 = arith.constant 0 : i32
    %sign3A_70 = arith.cmpi sgt, %jit3A_66, %sign3A_69 : i32
    %sign3A_71 = arith.extui %sign3A_70 : i1 to i32
    %sign3A_72 = arith.constant 0 : i32
    %sign3A_73 = arith.cmpi slt, %jit3A_66, %sign3A_72 : i32
    %sign3A_74 = arith.extui %sign3A_73 : i1 to i32
    %sign3A_75 = arith.subi %sign3A_71, %sign3A_74 : i32
    %sign3A_76 = arith.constant 0 : i32
    %sign3A_77 = arith.cmpi sgt, %jit3A_67, %sign3A_76 : i32
    %sign3A_78 = arith.extui %sign3A_77 : i1 to i32
    %sign3A_79 = arith.constant 0 : i32
    %sign3A_80 = arith.cmpi slt, %jit3A_67, %sign3A_79 : i32
    %sign3A_81 = arith.extui %sign3A_80 : i1 to i32
    %sign3A_82 = arith.subi %sign3A_78, %sign3A_81 : i32
    %ne3A_83 = arith.cmpi ne, %sign3A_75, %sign3A_82 : i32
    %rem3A_84 = arith.remsi %jit3A_66, %jit3A_67 : i32
    %ne3A_85 = arith.constant 0 : i32
    %ne3A_86 = arith.cmpi ne, %rem3A_84, %ne3A_85 : i32
    %and3A_87 = arith.andi %ne3A_83, %ne3A_86 : i1
    %sub3A_88 = arith.constant 1 : i32
    %sub3A_89 = arith.subi %div3A_68, %sub3A_88 : i32
    %select_n3A_90 = arith.select %and3A_87, %sub3A_89, %div3A_68 : i32
    %dma_start3A_91 = arith.constant 1 : i32
    %dma_start3A_92 = arith.constant 0 : i32
    %dma_start3A_93 = arith.constant 0 : i32
    %dma_start3A_94 = tpu.memref_slice %arg8[%dma_start3A_91, %dma_start3A_92, %dma_start3A_93] : memref<2x104x128xf32, #tpu.memory_space<vmem>> -> memref<1x104x128xf32, #tpu.memory_space<vmem>>
    %dma_start3A_95 = tpu.memref_squeeze %dma_start3A_94 : memref<1x104x128xf32, #tpu.memory_space<vmem>> -> memref<104x128xf32, #tpu.memory_space<vmem>>
    %dma_start3A_96 = arith.constant 0 : i32
    %dma_start3A_97 = tpu.memref_slice %arg6[%select_n3A_90, %dma_start3A_96] : memref<32x104xi32, #tpu.memory_space<vmem>> -> memref<1x104xi32, #tpu.memory_space<vmem>>
    %dma_start3A_98 = tpu.memref_squeeze %dma_start3A_97 : memref<1x104xi32, #tpu.memory_space<vmem>> -> memref<104xi32, #tpu.memory_space<vmem>>
    %dma_start3A_99 = arith.constant 0 : i32
    %dma_start3A_100 = arith.constant 0 : i32
    %dma_start3A_101 = tpu.memref_slice %arg2[%dma_start3A_99, %dma_start3A_100] : memref<100000x128xf32, #tpu.memory_space<hbm>> -> memref<100000x128xf32, #tpu.memory_space<hbm>>
    tpu.enqueue_indirect_dma source(%dma_start3A_101 : memref<100000x128xf32, #tpu.memory_space<hbm>>) target(%dma_start3A_95 : memref<104x128xf32, #tpu.memory_space<vmem>>) offsets(%dma_start3A_98 : memref<104xi32, #tpu.memory_space<vmem>>) semaphore(%arg13 : memref<!tpu.dma_semaphore, #tpu.memory_space<semaphore_mem>>)
    %jit3A_102 = arith.constant 3 : i32
    %jit3A_103 = arith.constant 2 : i32
    %div3A_104 = arith.divsi %jit3A_102, %jit3A_103 : i32
    %sign3A_105 = arith.constant 0 : i32
    %sign3A_106 = arith.cmpi sgt, %jit3A_102, %sign3A_105 : i32
    %sign3A_107 = arith.extui %sign3A_106 : i1 to i32
    %sign3A_108 = arith.constant 0 : i32
    %sign3A_109 = arith.cmpi slt, %jit3A_102, %sign3A_108 : i32
    %sign3A_110 = arith.extui %sign3A_109 : i1 to i32
    %sign3A_111 = arith.subi %sign3A_107, %sign3A_110 : i32
    %sign3A_112 = arith.constant 0 : i32
    %sign3A_113 = arith.cmpi sgt, %jit3A_103, %sign3A_112 : i32
    %sign3A_114 = arith.extui %sign3A_113 : i1 to i32
    %sign3A_115 = arith.constant 0 : i32
    %sign3A_116 = arith.cmpi slt, %jit3A_103, %sign3A_115 : i32
    %sign3A_117 = arith.extui %sign3A_116 : i1 to i32
    %sign3A_118 = arith.subi %sign3A_114, %sign3A_117 : i32
    %ne3A_119 = arith.cmpi ne, %sign3A_111, %sign3A_118 : i32
    %rem3A_120 = arith.remsi %jit3A_102, %jit3A_103 : i32
    %ne3A_121 = arith.constant 0 : i32
    %ne3A_122 = arith.cmpi ne, %rem3A_120, %ne3A_121 : i32
    %and3A_123 = arith.andi %ne3A_119, %ne3A_122 : i1
    %sub3A_124 = arith.constant 1 : i32
    %sub3A_125 = arith.subi %div3A_104, %sub3A_124 : i32
    %select_n3A_126 = arith.select %and3A_123, %sub3A_125, %div3A_104 : i32
    %dma_start3A_127 = arith.constant 1 : i32
    %dma_start3A_128 = arith.constant 0 : i32
    %dma_start3A_129 = arith.constant 0 : i32
    %dma_start3A_130 = tpu.memref_slice %arg9[%dma_start3A_127, %dma_start3A_128, %dma_start3A_129] : memref<2x96x128xf32, #tpu.memory_space<vmem>> -> memref<1x96x128xf32, #tpu.memory_space<vmem>>
    %dma_start3A_131 = tpu.memref_squeeze %dma_start3A_130 : memref<1x96x128xf32, #tpu.memory_space<vmem>> -> memref<96x128xf32, #tpu.memory_space<vmem>>
    %dma_start3A_132 = arith.constant 0 : i32
    %dma_start3A_133 = tpu.memref_slice %arg7[%select_n3A_126, %dma_start3A_132] : memref<32x96xi32, #tpu.memory_space<vmem>> -> memref<1x96xi32, #tpu.memory_space<vmem>>
    %dma_start3A_134 = tpu.memref_squeeze %dma_start3A_133 : memref<1x96xi32, #tpu.memory_space<vmem>> -> memref<96xi32, #tpu.memory_space<vmem>>
    %dma_start3A_135 = arith.constant 0 : i32
    %dma_start3A_136 = arith.constant 0 : i32
    %dma_start3A_137 = tpu.memref_slice %arg2[%dma_start3A_135, %dma_start3A_136] : memref<100000x128xf32, #tpu.memory_space<hbm>> -> memref<100000x128xf32, #tpu.memory_space<hbm>>
    tpu.enqueue_indirect_dma source(%dma_start3A_137 : memref<100000x128xf32, #tpu.memory_space<hbm>>) target(%dma_start3A_131 : memref<96x128xf32, #tpu.memory_space<vmem>>) offsets(%dma_start3A_134 : memref<96xi32, #tpu.memory_space<vmem>>) semaphore(%arg14 : memref<!tpu.dma_semaphore, #tpu.memory_space<semaphore_mem>>)
    %broadcast_in_dim3A = arith.constant 0.000000e+00 : f32
    %broadcast_in_dim3A_138 = vector.broadcast %broadcast_in_dim3A : f32 to vector<16xf32>
    %broadcast_in_dim3A_139 = arith.constant 0.000000e+00 : f32
    %broadcast_in_dim3A_140 = vector.broadcast %broadcast_in_dim3A_139 : f32 to vector<16xf32>
    %broadcast_in_dim3A_141 = arith.constant 0.000000e+00 : f32
    %broadcast_in_dim3A_142 = vector.broadcast %broadcast_in_dim3A_141 : f32 to vector<16xf32>
    %broadcast_in_dim3A_143 = arith.constant 0.000000e+00 : f32
    %broadcast_in_dim3A_144 = vector.broadcast %broadcast_in_dim3A_143 : f32 to vector<16xf32>
    %broadcast_in_dim3A_145 = arith.constant 0.000000e+00 : f32
    %broadcast_in_dim3A_146 = vector.broadcast %broadcast_in_dim3A_145 : f32 to vector<16xf32>
    %broadcast_in_dim3A_147 = arith.constant 0.000000e+00 : f32
    %broadcast_in_dim3A_148 = vector.broadcast %broadcast_in_dim3A_147 : f32 to vector<16xf32>
    %broadcast_in_dim3A_149 = arith.constant 0.000000e+00 : f32
    %broadcast_in_dim3A_150 = vector.broadcast %broadcast_in_dim3A_149 : f32 to vector<16xf32>
    %broadcast_in_dim3A_151 = arith.constant 0.000000e+00 : f32
    %broadcast_in_dim3A_152 = vector.broadcast %broadcast_in_dim3A_151 : f32 to vector<16xf32>
    %scan3A = arith.constant 5.000000e-03 : f32
    %scan3A_153 = arith.constant 0 : i32
    %scan3A_154 = arith.constant 16 : i32
    %scan3A_155 = arith.addi %scan3A_153, %scan3A_154 : i32
    %scan3A_156 = arith.constant 1 : i32
    %scan3A_157:8 = scf.for %scan3A_159 = %scan3A_153 to %scan3A_155 step %scan3A_156 iter_args(%scan3A_160 = %broadcast_in_dim3A_138, %scan3A_161 = %broadcast_in_dim3A_140, %scan3A_162 = %broadcast_in_dim3A_142, %scan3A_163 = %broadcast_in_dim3A_144, %scan3A_164 = %broadcast_in_dim3A_146, %scan3A_165 = %broadcast_in_dim3A_148, %scan3A_166 = %broadcast_in_dim3A_150, %scan3A_167 = %broadcast_in_dim3A_152) -> (vector<16xf32>, vector<16xf32>, vector<16xf32>, vector<16xf32>, vector<16xf32>, vector<16xf32>, vector<16xf32>, vector<16xf32>)  : i32 {
      %mul3A_168 = arith.constant 4 : i32
      %mul3A_169 = arith.muli %scan3A_159, %mul3A_168 : i32
      %add3A_170 = arith.constant 0 : i32
      %add3A_171 = arith.addi %mul3A_169, %add3A_170 : i32
      %jit3A_172 = arith.constant 2 : i32
      %div3A_173 = arith.divsi %add3A_171, %jit3A_172 : i32
      %sign3A_174 = arith.constant 0 : i32
      %sign3A_175 = arith.cmpi sgt, %add3A_171, %sign3A_174 : i32
      %sign3A_176 = arith.extui %sign3A_175 : i1 to i32
      %sign3A_177 = arith.constant 0 : i32
      %sign3A_178 = arith.cmpi slt, %add3A_171, %sign3A_177 : i32
      %sign3A_179 = arith.extui %sign3A_178 : i1 to i32
      %sign3A_180 = arith.subi %sign3A_176, %sign3A_179 : i32
      %sign3A_181 = arith.constant 0 : i32
      %sign3A_182 = arith.cmpi sgt, %jit3A_172, %sign3A_181 : i32
      %sign3A_183 = arith.extui %sign3A_182 : i1 to i32
      %sign3A_184 = arith.constant 0 : i32
      %sign3A_185 = arith.cmpi slt, %jit3A_172, %sign3A_184 : i32
      %sign3A_186 = arith.extui %sign3A_185 : i1 to i32
      %sign3A_187 = arith.subi %sign3A_183, %sign3A_186 : i32
      %ne3A_188 = arith.cmpi ne, %sign3A_180, %sign3A_187 : i32
      %rem3A_189 = arith.remsi %add3A_171, %jit3A_172 : i32
      %ne3A_190 = arith.constant 0 : i32
      %ne3A_191 = arith.cmpi ne, %rem3A_189, %ne3A_190 : i32
      %and3A_192 = arith.andi %ne3A_188, %ne3A_191 : i1
      %sub3A_193 = arith.constant 1 : i32
      %sub3A_194 = arith.subi %div3A_173, %sub3A_193 : i32
      %select_n3A_195 = arith.select %and3A_192, %sub3A_194, %div3A_173 : i32
      %dma_wait3A = arith.constant 0 : i32
      %dma_wait3A_196 = arith.constant 0 : i32
      %dma_wait3A_197 = arith.constant 0 : i32
      %dma_wait3A_198 = tpu.memref_slice %arg8[%dma_wait3A, %dma_wait3A_196, %dma_wait3A_197] : memref<2x104x128xf32, #tpu.memory_space<vmem>> -> memref<1x104x128xf32, #tpu.memory_space<vmem>>
      %dma_wait3A_199 = tpu.memref_squeeze %dma_wait3A_198 : memref<1x104x128xf32, #tpu.memory_space<vmem>> -> memref<104x128xf32, #tpu.memory_space<vmem>>
      %dma_wait3A_200 = arith.constant 0 : i32
      %dma_wait3A_201 = tpu.memref_slice %arg6[%select_n3A_195, %dma_wait3A_200] : memref<32x104xi32, #tpu.memory_space<vmem>> -> memref<1x104xi32, #tpu.memory_space<vmem>>
      %dma_wait3A_202 = tpu.memref_squeeze %dma_wait3A_201 : memref<1x104xi32, #tpu.memory_space<vmem>> -> memref<104xi32, #tpu.memory_space<vmem>>
      %dma_wait3A_203 = arith.constant 0 : i32
      %dma_wait3A_204 = arith.constant 0 : i32
      %dma_wait3A_205 = tpu.memref_slice %arg2[%dma_wait3A_203, %dma_wait3A_204] : memref<100000x128xf32, #tpu.memory_space<hbm>> -> memref<100000x128xf32, #tpu.memory_space<hbm>>
      tpu.wait_indirect_dma semaphore(%arg11 : memref<!tpu.dma_semaphore, #tpu.memory_space<semaphore_mem>>) src(%dma_wait3A_205 : memref<100000x128xf32, #tpu.memory_space<hbm>>) dst(%dma_wait3A_199 : memref<104x128xf32, #tpu.memory_space<vmem>>)
      %scan3A_206 = arith.constant 0 : i32
      %scan3A_207 = arith.constant 104 : i32
      %scan3A_208 = arith.addi %scan3A_206, %scan3A_207 : i32
      %scan3A_209 = arith.constant 1 : i32
      %scan3A_210:8 = scf.for %scan3A_491 = %scan3A_206 to %scan3A_208 step %scan3A_209 iter_args(%scan3A_492 = %scan3A_160, %scan3A_493 = %scan3A_161, %scan3A_494 = %scan3A_162, %scan3A_495 = %scan3A_163, %scan3A_496 = %scan3A_164, %scan3A_497 = %scan3A_165, %scan3A_498 = %scan3A_166, %scan3A_499 = %scan3A_167) -> (vector<16xf32>, vector<16xf32>, vector<16xf32>, vector<16xf32>, vector<16xf32>, vector<16xf32>, vector<16xf32>, vector<16xf32>)  : i32 {
        %get3A = arith.constant 0 : i32
        %get3A_500 = arith.index_cast %get3A : i32 to index
        %get3A_501 = arith.index_cast %scan3A_491 : i32 to index
        %get3A_502 = arith.constant 0 : index
        %get3A_503 = tpu.vector_load %arg8[%get3A_500, %get3A_501, %get3A_502] {strides = array<i32>} : memref<2x104x128xf32, #tpu.memory_space<vmem>>, vector<1x1x16xf32>,
        %get3A_504 = vector.shape_cast %get3A_503 : vector<1x1x16xf32> to vector<16xf32>
        %add3A_505 = arith.addf %scan3A_492, %get3A_504 : vector<16xf32>
        %get3A_506 = arith.constant 0 : i32
        %get3A_507 = arith.index_cast %get3A_506 : i32 to index
        %get3A_508 = arith.index_cast %scan3A_491 : i32 to index
        %get3A_509 = arith.constant 16 : index
        %get3A_510 = tpu.vector_load %arg8[%get3A_507, %get3A_508, %get3A_509] {strides = array<i32>} : memref<2x104x128xf32, #tpu.memory_space<vmem>>, vector<1x1x16xf32>,
        %get3A_511 = vector.shape_cast %get3A_510 : vector<1x1x16xf32> to vector<16xf32>
        %add3A_512 = arith.addf %scan3A_493, %get3A_511 : vector<16xf32>
        %get3A_513 = arith.constant 0 : i32
        %get3A_514 = arith.index_cast %get3A_513 : i32 to index
        %get3A_515 = arith.index_cast %scan3A_491 : i32 to index
        %get3A_516 = arith.constant 32 : index
        %get3A_517 = tpu.vector_load %arg8[%get3A_514, %get3A_515, %get3A_516] {strides = array<i32>} : memref<2x104x128xf32, #tpu.memory_space<vmem>>, vector<1x1x16xf32>,
        %get3A_518 = vector.shape_cast %get3A_517 : vector<1x1x16xf32> to vector<16xf32>
        %add3A_519 = arith.addf %scan3A_494, %get3A_518 : vector<16xf32>
        %get3A_520 = arith.constant 0 : i32
        %get3A_521 = arith.index_cast %get3A_520 : i32 to index
        %get3A_522 = arith.index_cast %scan3A_491 : i32 to index
        %get3A_523 = arith.constant 48 : index
        %get3A_524 = tpu.vector_load %arg8[%get3A_521, %get3A_522, %get3A_523] {strides = array<i32>} : memref<2x104x128xf32, #tpu.memory_space<vmem>>, vector<1x1x16xf32>,
        %get3A_525 = vector.shape_cast %get3A_524 : vector<1x1x16xf32> to vector<16xf32>
        %add3A_526 = arith.addf %scan3A_495, %get3A_525 : vector<16xf32>
        %get3A_527 = arith.constant 0 : i32
        %get3A_528 = arith.index_cast %get3A_527 : i32 to index
        %get3A_529 = arith.index_cast %scan3A_491 : i32 to index
        %get3A_530 = arith.constant 64 : index
        %get3A_531 = tpu.vector_load %arg8[%get3A_528, %get3A_529, %get3A_530] {strides = array<i32>} : memref<2x104x128xf32, #tpu.memory_space<vmem>>, vector<1x1x16xf32>,
        %get3A_532 = vector.shape_cast %get3A_531 : vector<1x1x16xf32> to vector<16xf32>
        %add3A_533 = arith.addf %scan3A_496, %get3A_532 : vector<16xf32>
        %get3A_534 = arith.constant 0 : i32
        %get3A_535 = arith.index_cast %get3A_534 : i32 to index
        %get3A_536 = arith.index_cast %scan3A_491 : i32 to index
        %get3A_537 = arith.constant 80 : index
        %get3A_538 = tpu.vector_load %arg8[%get3A_535, %get3A_536, %get3A_537] {strides = array<i32>} : memref<2x104x128xf32, #tpu.memory_space<vmem>>, vector<1x1x16xf32>,
        %get3A_539 = vector.shape_cast %get3A_538 : vector<1x1x16xf32> to vector<16xf32>
        %add3A_540 = arith.addf %scan3A_497, %get3A_539 : vector<16xf32>
        %get3A_541 = arith.constant 0 : i32
        %get3A_542 = arith.index_cast %get3A_541 : i32 to index
        %get3A_543 = arith.index_cast %scan3A_491 : i32 to index
        %get3A_544 = arith.constant 96 : index
        %get3A_545 = tpu.vector_load %arg8[%get3A_542, %get3A_543, %get3A_544] {strides = array<i32>} : memref<2x104x128xf32, #tpu.memory_space<vmem>>, vector<1x1x16xf32>,
        %get3A_546 = vector.shape_cast %get3A_545 : vector<1x1x16xf32> to vector<16xf32>
        %add3A_547 = arith.addf %scan3A_498, %get3A_546 : vector<16xf32>
        %get3A_548 = arith.constant 0 : i32
        %get3A_549 = arith.index_cast %get3A_548 : i32 to index
        %get3A_550 = arith.index_cast %scan3A_491 : i32 to index
        %get3A_551 = arith.constant 112 : index
        %get3A_552 = tpu.vector_load %arg8[%get3A_549, %get3A_550, %get3A_551] {strides = array<i32>} : memref<2x104x128xf32, #tpu.memory_space<vmem>>, vector<1x1x16xf32>,
        %get3A_553 = vector.shape_cast %get3A_552 : vector<1x1x16xf32> to vector<16xf32>
        %add3A_554 = arith.addf %scan3A_499, %get3A_553 : vector<16xf32>
        scf.yield %add3A_505, %add3A_512, %add3A_519, %add3A_526, %add3A_533, %add3A_540, %add3A_547, %add3A_554 : vector<16xf32>, vector<16xf32>, vector<16xf32>, vector<16xf32>, vector<16xf32>, vector<16xf32>, vector<16xf32>, vector<16xf32>
      }
      %scan3A_211 = arith.constant 104 : i32
      %add3A_212 = arith.constant 4 : i32
      %add3A_213 = arith.addi %add3A_171, %add3A_212 : i32
      %lt3A = arith.constant 64 : i32
      %lt3A_214 = arith.cmpi slt, %add3A_213, %lt3A : i32
      %convert_element_type3A = arith.extui %lt3A_214 : i1 to i32
      %cond3A = arith.constant 0 : i32
      %cond3A_215 = arith.cmpi ne, %convert_element_type3A, %cond3A : i32
      scf.if %cond3A_215 {
        %jit3A_491 = arith.constant 2 : i32
        %div3A_492 = arith.divsi %add3A_213, %jit3A_491 : i32
        %sign3A_493 = arith.constant 0 : i32
        %sign3A_494 = arith.cmpi sgt, %add3A_213, %sign3A_493 : i32
        %sign3A_495 = arith.extui %sign3A_494 : i1 to i32
        %sign3A_496 = arith.constant 0 : i32
        %sign3A_497 = arith.cmpi slt, %add3A_213, %sign3A_496 : i32
        %sign3A_498 = arith.extui %sign3A_497 : i1 to i32
        %sign3A_499 = arith.subi %sign3A_495, %sign3A_498 : i32
        %sign3A_500 = arith.constant 0 : i32
        %sign3A_501 = arith.cmpi sgt, %jit3A_491, %sign3A_500 : i32
        %sign3A_502 = arith.extui %sign3A_501 : i1 to i32
        %sign3A_503 = arith.constant 0 : i32
        %sign3A_504 = arith.cmpi slt, %jit3A_491, %sign3A_503 : i32
        %sign3A_505 = arith.extui %sign3A_504 : i1 to i32
        %sign3A_506 = arith.subi %sign3A_502, %sign3A_505 : i32
        %ne3A_507 = arith.cmpi ne, %sign3A_499, %sign3A_506 : i32
        %rem3A_508 = arith.remsi %add3A_213, %jit3A_491 : i32
        %ne3A_509 = arith.constant 0 : i32
        %ne3A_510 = arith.cmpi ne, %rem3A_508, %ne3A_509 : i32
        %and3A_511 = arith.andi %ne3A_507, %ne3A_510 : i1
        %sub3A_512 = arith.constant 1 : i32
        %sub3A_513 = arith.subi %div3A_492, %sub3A_512 : i32
        %select_n3A_514 = arith.select %and3A_511, %sub3A_513, %div3A_492 : i32
        %dma_start3A_515 = arith.constant 0 : i32
        %dma_start3A_516 = arith.constant 0 : i32
        %dma_start3A_517 = arith.constant 0 : i32
        %dma_start3A_518 = tpu.memref_slice %arg8[%dma_start3A_515, %dma_start3A_516, %dma_start3A_517] : memref<2x104x128xf32, #tpu.memory_space<vmem>> -> memref<1x104x128xf32, #tpu.memory_space<vmem>>
        %dma_start3A_519 = tpu.memref_squeeze %dma_start3A_518 : memref<1x104x128xf32, #tpu.memory_space<vmem>> -> memref<104x128xf32, #tpu.memory_space<vmem>>
        %dma_start3A_520 = arith.constant 0 : i32
        %dma_start3A_521 = tpu.memref_slice %arg6[%select_n3A_514, %dma_start3A_520] : memref<32x104xi32, #tpu.memory_space<vmem>> -> memref<1x104xi32, #tpu.memory_space<vmem>>
        %dma_start3A_522 = tpu.memref_squeeze %dma_start3A_521 : memref<1x104xi32, #tpu.memory_space<vmem>> -> memref<104xi32, #tpu.memory_space<vmem>>
        %dma_start3A_523 = arith.constant 0 : i32
        %dma_start3A_524 = arith.constant 0 : i32
        %dma_start3A_525 = tpu.memref_slice %arg2[%dma_start3A_523, %dma_start3A_524] : memref<100000x128xf32, #tpu.memory_space<hbm>> -> memref<100000x128xf32, #tpu.memory_space<hbm>>
        tpu.enqueue_indirect_dma source(%dma_start3A_525 : memref<100000x128xf32, #tpu.memory_space<hbm>>) target(%dma_start3A_519 : memref<104x128xf32, #tpu.memory_space<vmem>>) offsets(%dma_start3A_522 : memref<104xi32, #tpu.memory_space<vmem>>) semaphore(%arg11 : memref<!tpu.dma_semaphore, #tpu.memory_space<semaphore_mem>>)
      } else {
      }
      %mul3A_216 = arith.constant 4 : i32
      %mul3A_217 = arith.muli %scan3A_159, %mul3A_216 : i32
      %add3A_218 = arith.constant 1 : i32
      %add3A_219 = arith.addi %mul3A_217, %add3A_218 : i32
      %jit3A_220 = arith.constant 2 : i32
      %div3A_221 = arith.divsi %add3A_219, %jit3A_220 : i32
      %sign3A_222 = arith.constant 0 : i32
      %sign3A_223 = arith.cmpi sgt, %add3A_219, %sign3A_222 : i32
      %sign3A_224 = arith.extui %sign3A_223 : i1 to i32
      %sign3A_225 = arith.constant 0 : i32
      %sign3A_226 = arith.cmpi slt, %add3A_219, %sign3A_225 : i32
      %sign3A_227 = arith.extui %sign3A_226 : i1 to i32
      %sign3A_228 = arith.subi %sign3A_224, %sign3A_227 : i32
      %sign3A_229 = arith.constant 0 : i32
      %sign3A_230 = arith.cmpi sgt, %jit3A_220, %sign3A_229 : i32
      %sign3A_231 = arith.extui %sign3A_230 : i1 to i32
      %sign3A_232 = arith.constant 0 : i32
      %sign3A_233 = arith.cmpi slt, %jit3A_220, %sign3A_232 : i32
      %sign3A_234 = arith.extui %sign3A_233 : i1 to i32
      %sign3A_235 = arith.subi %sign3A_231, %sign3A_234 : i32
      %ne3A_236 = arith.cmpi ne, %sign3A_228, %sign3A_235 : i32
      %rem3A_237 = arith.remsi %add3A_219, %jit3A_220 : i32
      %ne3A_238 = arith.constant 0 : i32
      %ne3A_239 = arith.cmpi ne, %rem3A_237, %ne3A_238 : i32
      %and3A_240 = arith.andi %ne3A_236, %ne3A_239 : i1
      %sub3A_241 = arith.constant 1 : i32
      %sub3A_242 = arith.subi %div3A_221, %sub3A_241 : i32
      %select_n3A_243 = arith.select %and3A_240, %sub3A_242, %div3A_221 : i32
      %dma_wait3A_244 = arith.constant 0 : i32
      %dma_wait3A_245 = arith.constant 0 : i32
      %dma_wait3A_246 = arith.constant 0 : i32
      %dma_wait3A_247 = tpu.memref_slice %arg9[%dma_wait3A_244, %dma_wait3A_245, %dma_wait3A_246] : memref<2x96x128xf32, #tpu.memory_space<vmem>> -> memref<1x96x128xf32, #tpu.memory_space<vmem>>
      %dma_wait3A_248 = tpu.memref_squeeze %dma_wait3A_247 : memref<1x96x128xf32, #tpu.memory_space<vmem>> -> memref<96x128xf32, #tpu.memory_space<vmem>>
      %dma_wait3A_249 = arith.constant 0 : i32
      %dma_wait3A_250 = tpu.memref_slice %arg7[%select_n3A_243, %dma_wait3A_249] : memref<32x96xi32, #tpu.memory_space<vmem>> -> memref<1x96xi32, #tpu.memory_space<vmem>>
      %dma_wait3A_251 = tpu.memref_squeeze %dma_wait3A_250 : memref<1x96xi32, #tpu.memory_space<vmem>> -> memref<96xi32, #tpu.memory_space<vmem>>
      %dma_wait3A_252 = arith.constant 0 : i32
      %dma_wait3A_253 = arith.constant 0 : i32
      %dma_wait3A_254 = tpu.memref_slice %arg2[%dma_wait3A_252, %dma_wait3A_253] : memref<100000x128xf32, #tpu.memory_space<hbm>> -> memref<100000x128xf32, #tpu.memory_space<hbm>>
      tpu.wait_indirect_dma semaphore(%arg12 : memref<!tpu.dma_semaphore, #tpu.memory_space<semaphore_mem>>) src(%dma_wait3A_254 : memref<100000x128xf32, #tpu.memory_space<hbm>>) dst(%dma_wait3A_248 : memref<96x128xf32, #tpu.memory_space<vmem>>)
      %scan3A_255 = arith.constant 0 : i32
      %scan3A_256 = arith.constant 96 : i32
      %scan3A_257 = arith.addi %scan3A_255, %scan3A_256 : i32
      %scan3A_258 = arith.constant 1 : i32
      %scan3A_259:8 = scf.for %scan3A_491 = %scan3A_255 to %scan3A_257 step %scan3A_258 iter_args(%scan3A_492 = %scan3A_210#0, %scan3A_493 = %scan3A_210#1, %scan3A_494 = %scan3A_210#2, %scan3A_495 = %scan3A_210#3, %scan3A_496 = %scan3A_210#4, %scan3A_497 = %scan3A_210#5, %scan3A_498 = %scan3A_210#6, %scan3A_499 = %scan3A_210#7) -> (vector<16xf32>, vector<16xf32>, vector<16xf32>, vector<16xf32>, vector<16xf32>, vector<16xf32>, vector<16xf32>, vector<16xf32>)  : i32 {
        %get3A = arith.constant 0 : i32
        %get3A_500 = arith.index_cast %get3A : i32 to index
        %get3A_501 = arith.index_cast %scan3A_491 : i32 to index
        %get3A_502 = arith.constant 0 : index
        %get3A_503 = tpu.vector_load %arg9[%get3A_500, %get3A_501, %get3A_502] {strides = array<i32>} : memref<2x96x128xf32, #tpu.memory_space<vmem>>, vector<1x1x16xf32>,
        %get3A_504 = vector.shape_cast %get3A_503 : vector<1x1x16xf32> to vector<16xf32>
        %add3A_505 = arith.addf %scan3A_492, %get3A_504 : vector<16xf32>
        %get3A_506 = arith.constant 0 : i32
        %get3A_507 = arith.index_cast %get3A_506 : i32 to index
        %get3A_508 = arith.index_cast %scan3A_491 : i32 to index
        %get3A_509 = arith.constant 16 : index
        %get3A_510 = tpu.vector_load %arg9[%get3A_507, %get3A_508, %get3A_509] {strides = array<i32>} : memref<2x96x128xf32, #tpu.memory_space<vmem>>, vector<1x1x16xf32>,
        %get3A_511 = vector.shape_cast %get3A_510 : vector<1x1x16xf32> to vector<16xf32>
        %add3A_512 = arith.addf %scan3A_493, %get3A_511 : vector<16xf32>
        %get3A_513 = arith.constant 0 : i32
        %get3A_514 = arith.index_cast %get3A_513 : i32 to index
        %get3A_515 = arith.index_cast %scan3A_491 : i32 to index
        %get3A_516 = arith.constant 32 : index
        %get3A_517 = tpu.vector_load %arg9[%get3A_514, %get3A_515, %get3A_516] {strides = array<i32>} : memref<2x96x128xf32, #tpu.memory_space<vmem>>, vector<1x1x16xf32>,
        %get3A_518 = vector.shape_cast %get3A_517 : vector<1x1x16xf32> to vector<16xf32>
        %add3A_519 = arith.addf %scan3A_494, %get3A_518 : vector<16xf32>
        %get3A_520 = arith.constant 0 : i32
        %get3A_521 = arith.index_cast %get3A_520 : i32 to index
        %get3A_522 = arith.index_cast %scan3A_491 : i32 to index
        %get3A_523 = arith.constant 48 : index
        %get3A_524 = tpu.vector_load %arg9[%get3A_521, %get3A_522, %get3A_523] {strides = array<i32>} : memref<2x96x128xf32, #tpu.memory_space<vmem>>, vector<1x1x16xf32>,
        %get3A_525 = vector.shape_cast %get3A_524 : vector<1x1x16xf32> to vector<16xf32>
        %add3A_526 = arith.addf %scan3A_495, %get3A_525 : vector<16xf32>
        %get3A_527 = arith.constant 0 : i32
        %get3A_528 = arith.index_cast %get3A_527 : i32 to index
        %get3A_529 = arith.index_cast %scan3A_491 : i32 to index
        %get3A_530 = arith.constant 64 : index
        %get3A_531 = tpu.vector_load %arg9[%get3A_528, %get3A_529, %get3A_530] {strides = array<i32>} : memref<2x96x128xf32, #tpu.memory_space<vmem>>, vector<1x1x16xf32>,
        %get3A_532 = vector.shape_cast %get3A_531 : vector<1x1x16xf32> to vector<16xf32>
        %add3A_533 = arith.addf %scan3A_496, %get3A_532 : vector<16xf32>
        %get3A_534 = arith.constant 0 : i32
        %get3A_535 = arith.index_cast %get3A_534 : i32 to index
        %get3A_536 = arith.index_cast %scan3A_491 : i32 to index
        %get3A_537 = arith.constant 80 : index
        %get3A_538 = tpu.vector_load %arg9[%get3A_535, %get3A_536, %get3A_537] {strides = array<i32>} : memref<2x96x128xf32, #tpu.memory_space<vmem>>, vector<1x1x16xf32>,
        %get3A_539 = vector.shape_cast %get3A_538 : vector<1x1x16xf32> to vector<16xf32>
        %add3A_540 = arith.addf %scan3A_497, %get3A_539 : vector<16xf32>
        %get3A_541 = arith.constant 0 : i32
        %get3A_542 = arith.index_cast %get3A_541 : i32 to index
        %get3A_543 = arith.index_cast %scan3A_491 : i32 to index
        %get3A_544 = arith.constant 96 : index
        %get3A_545 = tpu.vector_load %arg9[%get3A_542, %get3A_543, %get3A_544] {strides = array<i32>} : memref<2x96x128xf32, #tpu.memory_space<vmem>>, vector<1x1x16xf32>,
        %get3A_546 = vector.shape_cast %get3A_545 : vector<1x1x16xf32> to vector<16xf32>
        %add3A_547 = arith.addf %scan3A_498, %get3A_546 : vector<16xf32>
        %get3A_548 = arith.constant 0 : i32
        %get3A_549 = arith.index_cast %get3A_548 : i32 to index
        %get3A_550 = arith.index_cast %scan3A_491 : i32 to index
        %get3A_551 = arith.constant 112 : index
        %get3A_552 = tpu.vector_load %arg9[%get3A_549, %get3A_550, %get3A_551] {strides = array<i32>} : memref<2x96x128xf32, #tpu.memory_space<vmem>>, vector<1x1x16xf32>,
        %get3A_553 = vector.shape_cast %get3A_552 : vector<1x1x16xf32> to vector<16xf32>
        %add3A_554 = arith.addf %scan3A_499, %get3A_553 : vector<16xf32>
        scf.yield %add3A_505, %add3A_512, %add3A_519, %add3A_526, %add3A_533, %add3A_540, %add3A_547, %add3A_554 : vector<16xf32>, vector<16xf32>, vector<16xf32>, vector<16xf32>, vector<16xf32>, vector<16xf32>, vector<16xf32>, vector<16xf32>
      }
      %scan3A_260 = arith.constant 96 : i32
      %mul3A_261 = arith.constant 2 : i32
      %mul3A_262 = arith.muli %scan3A_159, %mul3A_261 : i32
      %add3A_263 = arith.constant 0 : i32
      %add3A_264 = arith.addi %mul3A_262, %add3A_263 : i32
      %mul3A_265 = vector.broadcast %scan3A : f32 to vector<16xf32>
      %mul3A_266 = arith.mulf %scan3A_259#0, %mul3A_265 : vector<16xf32>
      %swap3A = arith.index_cast %add3A_264 : i32 to index
      %swap3A_267 = arith.constant 0 : index
      %swap3A_268 = tpu.vector_load %arg10[%swap3A, %swap3A_267] {strides = array<i32>} : memref<32x128xf32, #tpu.memory_space<vmem>>, vector<1x16xf32>,
      %swap3A_269 = vector.shape_cast %swap3A_268 : vector<1x16xf32> to vector<16xf32>
      %swap3A_270 = vector.shape_cast %mul3A_266 : vector<16xf32> to vector<1x16xf32>
      tpu.vector_store %arg10[%swap3A, %swap3A_267], %swap3A_270 {strides = array<i32>} : memref<32x128xf32, #tpu.memory_space<vmem>>, vector<1x16xf32>,
      %mul3A_271 = vector.broadcast %scan3A : f32 to vector<16xf32>
      %mul3A_272 = arith.mulf %scan3A_259#1, %mul3A_271 : vector<16xf32>
      %swap3A_273 = arith.index_cast %add3A_264 : i32 to index
      %swap3A_274 = arith.constant 16 : index
      %swap3A_275 = tpu.vector_load %arg10[%swap3A_273, %swap3A_274] {strides = array<i32>} : memref<32x128xf32, #tpu.memory_space<vmem>>, vector<1x16xf32>,
      %swap3A_276 = vector.shape_cast %swap3A_275 : vector<1x16xf32> to vector<16xf32>
      %swap3A_277 = vector.shape_cast %mul3A_272 : vector<16xf32> to vector<1x16xf32>
      tpu.vector_store %arg10[%swap3A_273, %swap3A_274], %swap3A_277 {strides = array<i32>} : memref<32x128xf32, #tpu.memory_space<vmem>>, vector<1x16xf32>,
      %mul3A_278 = vector.broadcast %scan3A : f32 to vector<16xf32>
      %mul3A_279 = arith.mulf %scan3A_259#2, %mul3A_278 : vector<16xf32>
      %swap3A_280 = arith.index_cast %add3A_264 : i32 to index
      %swap3A_281 = arith.constant 32 : index
      %swap3A_282 = tpu.vector_load %arg10[%swap3A_280, %swap3A_281] {strides = array<i32>} : memref<32x128xf32, #tpu.memory_space<vmem>>, vector<1x16xf32>,
      %swap3A_283 = vector.shape_cast %swap3A_282 : vector<1x16xf32> to vector<16xf32>
      %swap3A_284 = vector.shape_cast %mul3A_279 : vector<16xf32> to vector<1x16xf32>
      tpu.vector_store %arg10[%swap3A_280, %swap3A_281], %swap3A_284 {strides = array<i32>} : memref<32x128xf32, #tpu.memory_space<vmem>>, vector<1x16xf32>,
      %mul3A_285 = vector.broadcast %scan3A : f32 to vector<16xf32>
      %mul3A_286 = arith.mulf %scan3A_259#3, %mul3A_285 : vector<16xf32>
      %swap3A_287 = arith.index_cast %add3A_264 : i32 to index
      %swap3A_288 = arith.constant 48 : index
      %swap3A_289 = tpu.vector_load %arg10[%swap3A_287, %swap3A_288] {strides = array<i32>} : memref<32x128xf32, #tpu.memory_space<vmem>>, vector<1x16xf32>,
      %swap3A_290 = vector.shape_cast %swap3A_289 : vector<1x16xf32> to vector<16xf32>
      %swap3A_291 = vector.shape_cast %mul3A_286 : vector<16xf32> to vector<1x16xf32>
      tpu.vector_store %arg10[%swap3A_287, %swap3A_288], %swap3A_291 {strides = array<i32>} : memref<32x128xf32, #tpu.memory_space<vmem>>, vector<1x16xf32>,
      %mul3A_292 = vector.broadcast %scan3A : f32 to vector<16xf32>
      %mul3A_293 = arith.mulf %scan3A_259#4, %mul3A_292 : vector<16xf32>
      %swap3A_294 = arith.index_cast %add3A_264 : i32 to index
      %swap3A_295 = arith.constant 64 : index
      %swap3A_296 = tpu.vector_load %arg10[%swap3A_294, %swap3A_295] {strides = array<i32>} : memref<32x128xf32, #tpu.memory_space<vmem>>, vector<1x16xf32>,
      %swap3A_297 = vector.shape_cast %swap3A_296 : vector<1x16xf32> to vector<16xf32>
      %swap3A_298 = vector.shape_cast %mul3A_293 : vector<16xf32> to vector<1x16xf32>
      tpu.vector_store %arg10[%swap3A_294, %swap3A_295], %swap3A_298 {strides = array<i32>} : memref<32x128xf32, #tpu.memory_space<vmem>>, vector<1x16xf32>,
      %mul3A_299 = vector.broadcast %scan3A : f32 to vector<16xf32>
      %mul3A_300 = arith.mulf %scan3A_259#5, %mul3A_299 : vector<16xf32>
      %swap3A_301 = arith.index_cast %add3A_264 : i32 to index
      %swap3A_302 = arith.constant 80 : index
      %swap3A_303 = tpu.vector_load %arg10[%swap3A_301, %swap3A_302] {strides = array<i32>} : memref<32x128xf32, #tpu.memory_space<vmem>>, vector<1x16xf32>,
      %swap3A_304 = vector.shape_cast %swap3A_303 : vector<1x16xf32> to vector<16xf32>
      %swap3A_305 = vector.shape_cast %mul3A_300 : vector<16xf32> to vector<1x16xf32>
      tpu.vector_store %arg10[%swap3A_301, %swap3A_302], %swap3A_305 {strides = array<i32>} : memref<32x128xf32, #tpu.memory_space<vmem>>, vector<1x16xf32>,
      %mul3A_306 = vector.broadcast %scan3A : f32 to vector<16xf32>
      %mul3A_307 = arith.mulf %scan3A_259#6, %mul3A_306 : vector<16xf32>
      %swap3A_308 = arith.index_cast %add3A_264 : i32 to index
      %swap3A_309 = arith.constant 96 : index
      %swap3A_310 = tpu.vector_load %arg10[%swap3A_308, %swap3A_309] {strides = array<i32>} : memref<32x128xf32, #tpu.memory_space<vmem>>, vector<1x16xf32>,
      %swap3A_311 = vector.shape_cast %swap3A_310 : vector<1x16xf32> to vector<16xf32>
      %swap3A_312 = vector.shape_cast %mul3A_307 : vector<16xf32> to vector<1x16xf32>
      tpu.vector_store %arg10[%swap3A_308, %swap3A_309], %swap3A_312 {strides = array<i32>} : memref<32x128xf32, #tpu.memory_space<vmem>>, vector<1x16xf32>,
      %mul3A_313 = vector.broadcast %scan3A : f32 to vector<16xf32>
      %mul3A_314 = arith.mulf %scan3A_259#7, %mul3A_313 : vector<16xf32>
      %swap3A_315 = arith.index_cast %add3A_264 : i32 to index
      %swap3A_316 = arith.constant 112 : index
      %swap3A_317 = tpu.vector_load %arg10[%swap3A_315, %swap3A_316] {strides = array<i32>} : memref<32x128xf32, #tpu.memory_space<vmem>>, vector<1x16xf32>,
      %swap3A_318 = vector.shape_cast %swap3A_317 : vector<1x16xf32> to vector<16xf32>
      %swap3A_319 = vector.shape_cast %mul3A_314 : vector<16xf32> to vector<1x16xf32>
      tpu.vector_store %arg10[%swap3A_315, %swap3A_316], %swap3A_319 {strides = array<i32>} : memref<32x128xf32, #tpu.memory_space<vmem>>, vector<1x16xf32>,
      %add3A_320 = arith.constant 4 : i32
      %add3A_321 = arith.addi %add3A_219, %add3A_320 : i32
      %lt3A_322 = arith.constant 64 : i32
      %lt3A_323 = arith.cmpi slt, %add3A_321, %lt3A_322 : i32
      %convert_element_type3A_324 = arith.extui %lt3A_323 : i1 to i32
      %cond3A_325 = arith.constant 0 : i32
      %cond3A_326 = arith.cmpi ne, %convert_element_type3A_324, %cond3A_325 : i32
      scf.if %cond3A_326 {
        %jit3A_491 = arith.constant 2 : i32
        %div3A_492 = arith.divsi %add3A_321, %jit3A_491 : i32
        %sign3A_493 = arith.constant 0 : i32
        %sign3A_494 = arith.cmpi sgt, %add3A_321, %sign3A_493 : i32
        %sign3A_495 = arith.extui %sign3A_494 : i1 to i32
        %sign3A_496 = arith.constant 0 : i32
        %sign3A_497 = arith.cmpi slt, %add3A_321, %sign3A_496 : i32
        %sign3A_498 = arith.extui %sign3A_497 : i1 to i32
        %sign3A_499 = arith.subi %sign3A_495, %sign3A_498 : i32
        %sign3A_500 = arith.constant 0 : i32
        %sign3A_501 = arith.cmpi sgt, %jit3A_491, %sign3A_500 : i32
        %sign3A_502 = arith.extui %sign3A_501 : i1 to i32
        %sign3A_503 = arith.constant 0 : i32
        %sign3A_504 = arith.cmpi slt, %jit3A_491, %sign3A_503 : i32
        %sign3A_505 = arith.extui %sign3A_504 : i1 to i32
        %sign3A_506 = arith.subi %sign3A_502, %sign3A_505 : i32
        %ne3A_507 = arith.cmpi ne, %sign3A_499, %sign3A_506 : i32
        %rem3A_508 = arith.remsi %add3A_321, %jit3A_491 : i32
        %ne3A_509 = arith.constant 0 : i32
        %ne3A_510 = arith.cmpi ne, %rem3A_508, %ne3A_509 : i32
        %and3A_511 = arith.andi %ne3A_507, %ne3A_510 : i1
        %sub3A_512 = arith.constant 1 : i32
        %sub3A_513 = arith.subi %div3A_492, %sub3A_512 : i32
        %select_n3A_514 = arith.select %and3A_511, %sub3A_513, %div3A_492 : i32
        %dma_start3A_515 = arith.constant 0 : i32
        %dma_start3A_516 = arith.constant 0 : i32
        %dma_start3A_517 = arith.constant 0 : i32
        %dma_start3A_518 = tpu.memref_slice %arg9[%dma_start3A_515, %dma_start3A_516, %dma_start3A_517] : memref<2x96x128xf32, #tpu.memory_space<vmem>> -> memref<1x96x128xf32, #tpu.memory_space<vmem>>
        %dma_start3A_519 = tpu.memref_squeeze %dma_start3A_518 : memref<1x96x128xf32, #tpu.memory_space<vmem>> -> memref<96x128xf32, #tpu.memory_space<vmem>>
        %dma_start3A_520 = arith.constant 0 : i32
        %dma_start3A_521 = tpu.memref_slice %arg7[%select_n3A_514, %dma_start3A_520] : memref<32x96xi32, #tpu.memory_space<vmem>> -> memref<1x96xi32, #tpu.memory_space<vmem>>
        %dma_start3A_522 = tpu.memref_squeeze %dma_start3A_521 : memref<1x96xi32, #tpu.memory_space<vmem>> -> memref<96xi32, #tpu.memory_space<vmem>>
        %dma_start3A_523 = arith.constant 0 : i32
        %dma_start3A_524 = arith.constant 0 : i32
        %dma_start3A_525 = tpu.memref_slice %arg2[%dma_start3A_523, %dma_start3A_524] : memref<100000x128xf32, #tpu.memory_space<hbm>> -> memref<100000x128xf32, #tpu.memory_space<hbm>>
        tpu.enqueue_indirect_dma source(%dma_start3A_525 : memref<100000x128xf32, #tpu.memory_space<hbm>>) target(%dma_start3A_519 : memref<96x128xf32, #tpu.memory_space<vmem>>) offsets(%dma_start3A_522 : memref<96xi32, #tpu.memory_space<vmem>>) semaphore(%arg12 : memref<!tpu.dma_semaphore, #tpu.memory_space<semaphore_mem>>)
      } else {
      }
      %mul3A_327 = arith.constant 4 : i32
      %mul3A_328 = arith.muli %scan3A_159, %mul3A_327 : i32
      %add3A_329 = arith.constant 2 : i32
      %add3A_330 = arith.addi %mul3A_328, %add3A_329 : i32
      %jit3A_331 = arith.constant 2 : i32
      %div3A_332 = arith.divsi %add3A_330, %jit3A_331 : i32
      %sign3A_333 = arith.constant 0 : i32
      %sign3A_334 = arith.cmpi sgt, %add3A_330, %sign3A_333 : i32
      %sign3A_335 = arith.extui %sign3A_334 : i1 to i32
      %sign3A_336 = arith.constant 0 : i32
      %sign3A_337 = arith.cmpi slt, %add3A_330, %sign3A_336 : i32
      %sign3A_338 = arith.extui %sign3A_337 : i1 to i32
      %sign3A_339 = arith.subi %sign3A_335, %sign3A_338 : i32
      %sign3A_340 = arith.constant 0 : i32
      %sign3A_341 = arith.cmpi sgt, %jit3A_331, %sign3A_340 : i32
      %sign3A_342 = arith.extui %sign3A_341 : i1 to i32
      %sign3A_343 = arith.constant 0 : i32
      %sign3A_344 = arith.cmpi slt, %jit3A_331, %sign3A_343 : i32
      %sign3A_345 = arith.extui %sign3A_344 : i1 to i32
      %sign3A_346 = arith.subi %sign3A_342, %sign3A_345 : i32
      %ne3A_347 = arith.cmpi ne, %sign3A_339, %sign3A_346 : i32
      %rem3A_348 = arith.remsi %add3A_330, %jit3A_331 : i32
      %ne3A_349 = arith.constant 0 : i32
      %ne3A_350 = arith.cmpi ne, %rem3A_348, %ne3A_349 : i32
      %and3A_351 = arith.andi %ne3A_347, %ne3A_350 : i1
      %sub3A_352 = arith.constant 1 : i32
      %sub3A_353 = arith.subi %div3A_332, %sub3A_352 : i32
      %select_n3A_354 = arith.select %and3A_351, %sub3A_353, %div3A_332 : i32
      %dma_wait3A_355 = arith.constant 1 : i32
      %dma_wait3A_356 = arith.constant 0 : i32
      %dma_wait3A_357 = arith.constant 0 : i32
      %dma_wait3A_358 = tpu.memref_slice %arg8[%dma_wait3A_355, %dma_wait3A_356, %dma_wait3A_357] : memref<2x104x128xf32, #tpu.memory_space<vmem>> -> memref<1x104x128xf32, #tpu.memory_space<vmem>>
      %dma_wait3A_359 = tpu.memref_squeeze %dma_wait3A_358 : memref<1x104x128xf32, #tpu.memory_space<vmem>> -> memref<104x128xf32, #tpu.memory_space<vmem>>
      %dma_wait3A_360 = arith.constant 0 : i32
      %dma_wait3A_361 = tpu.memref_slice %arg6[%select_n3A_354, %dma_wait3A_360] : memref<32x104xi32, #tpu.memory_space<vmem>> -> memref<1x104xi32, #tpu.memory_space<vmem>>
      %dma_wait3A_362 = tpu.memref_squeeze %dma_wait3A_361 : memref<1x104xi32, #tpu.memory_space<vmem>> -> memref<104xi32, #tpu.memory_space<vmem>>
      %dma_wait3A_363 = arith.constant 0 : i32
      %dma_wait3A_364 = arith.constant 0 : i32
      %dma_wait3A_365 = tpu.memref_slice %arg2[%dma_wait3A_363, %dma_wait3A_364] : memref<100000x128xf32, #tpu.memory_space<hbm>> -> memref<100000x128xf32, #tpu.memory_space<hbm>>
      tpu.wait_indirect_dma semaphore(%arg13 : memref<!tpu.dma_semaphore, #tpu.memory_space<semaphore_mem>>) src(%dma_wait3A_365 : memref<100000x128xf32, #tpu.memory_space<hbm>>) dst(%dma_wait3A_359 : memref<104x128xf32, #tpu.memory_space<vmem>>)
      %scan3A_366 = arith.constant 0 : i32
      %scan3A_367 = arith.constant 104 : i32
      %scan3A_368 = arith.addi %scan3A_366, %scan3A_367 : i32
      %scan3A_369 = arith.constant 1 : i32
      %scan3A_370:8 = scf.for %scan3A_491 = %scan3A_366 to %scan3A_368 step %scan3A_369 iter_args(%scan3A_492 = %broadcast_in_dim3A_138, %scan3A_493 = %broadcast_in_dim3A_140, %scan3A_494 = %broadcast_in_dim3A_142, %scan3A_495 = %broadcast_in_dim3A_144, %scan3A_496 = %broadcast_in_dim3A_146, %scan3A_497 = %broadcast_in_dim3A_148, %scan3A_498 = %broadcast_in_dim3A_150, %scan3A_499 = %broadcast_in_dim3A_152) -> (vector<16xf32>, vector<16xf32>, vector<16xf32>, vector<16xf32>, vector<16xf32>, vector<16xf32>, vector<16xf32>, vector<16xf32>)  : i32 {
        %get3A = arith.constant 1 : i32
        %get3A_500 = arith.index_cast %get3A : i32 to index
        %get3A_501 = arith.index_cast %scan3A_491 : i32 to index
        %get3A_502 = arith.constant 0 : index
        %get3A_503 = tpu.vector_load %arg8[%get3A_500, %get3A_501, %get3A_502] {strides = array<i32>} : memref<2x104x128xf32, #tpu.memory_space<vmem>>, vector<1x1x16xf32>,
        %get3A_504 = vector.shape_cast %get3A_503 : vector<1x1x16xf32> to vector<16xf32>
        %add3A_505 = arith.addf %scan3A_492, %get3A_504 : vector<16xf32>
        %get3A_506 = arith.constant 1 : i32
        %get3A_507 = arith.index_cast %get3A_506 : i32 to index
        %get3A_508 = arith.index_cast %scan3A_491 : i32 to index
        %get3A_509 = arith.constant 16 : index
        %get3A_510 = tpu.vector_load %arg8[%get3A_507, %get3A_508, %get3A_509] {strides = array<i32>} : memref<2x104x128xf32, #tpu.memory_space<vmem>>, vector<1x1x16xf32>,
        %get3A_511 = vector.shape_cast %get3A_510 : vector<1x1x16xf32> to vector<16xf32>
        %add3A_512 = arith.addf %scan3A_493, %get3A_511 : vector<16xf32>
        %get3A_513 = arith.constant 1 : i32
        %get3A_514 = arith.index_cast %get3A_513 : i32 to index
        %get3A_515 = arith.index_cast %scan3A_491 : i32 to index
        %get3A_516 = arith.constant 32 : index
        %get3A_517 = tpu.vector_load %arg8[%get3A_514, %get3A_515, %get3A_516] {strides = array<i32>} : memref<2x104x128xf32, #tpu.memory_space<vmem>>, vector<1x1x16xf32>,
        %get3A_518 = vector.shape_cast %get3A_517 : vector<1x1x16xf32> to vector<16xf32>
        %add3A_519 = arith.addf %scan3A_494, %get3A_518 : vector<16xf32>
        %get3A_520 = arith.constant 1 : i32
        %get3A_521 = arith.index_cast %get3A_520 : i32 to index
        %get3A_522 = arith.index_cast %scan3A_491 : i32 to index
        %get3A_523 = arith.constant 48 : index
        %get3A_524 = tpu.vector_load %arg8[%get3A_521, %get3A_522, %get3A_523] {strides = array<i32>} : memref<2x104x128xf32, #tpu.memory_space<vmem>>, vector<1x1x16xf32>,
        %get3A_525 = vector.shape_cast %get3A_524 : vector<1x1x16xf32> to vector<16xf32>
        %add3A_526 = arith.addf %scan3A_495, %get3A_525 : vector<16xf32>
        %get3A_527 = arith.constant 1 : i32
        %get3A_528 = arith.index_cast %get3A_527 : i32 to index
        %get3A_529 = arith.index_cast %scan3A_491 : i32 to index
        %get3A_530 = arith.constant 64 : index
        %get3A_531 = tpu.vector_load %arg8[%get3A_528, %get3A_529, %get3A_530] {strides = array<i32>} : memref<2x104x128xf32, #tpu.memory_space<vmem>>, vector<1x1x16xf32>,
        %get3A_532 = vector.shape_cast %get3A_531 : vector<1x1x16xf32> to vector<16xf32>
        %add3A_533 = arith.addf %scan3A_496, %get3A_532 : vector<16xf32>
        %get3A_534 = arith.constant 1 : i32
        %get3A_535 = arith.index_cast %get3A_534 : i32 to index
        %get3A_536 = arith.index_cast %scan3A_491 : i32 to index
        %get3A_537 = arith.constant 80 : index
        %get3A_538 = tpu.vector_load %arg8[%get3A_535, %get3A_536, %get3A_537] {strides = array<i32>} : memref<2x104x128xf32, #tpu.memory_space<vmem>>, vector<1x1x16xf32>,
        %get3A_539 = vector.shape_cast %get3A_538 : vector<1x1x16xf32> to vector<16xf32>
        %add3A_540 = arith.addf %scan3A_497, %get3A_539 : vector<16xf32>
        %get3A_541 = arith.constant 1 : i32
        %get3A_542 = arith.index_cast %get3A_541 : i32 to index
        %get3A_543 = arith.index_cast %scan3A_491 : i32 to index
        %get3A_544 = arith.constant 96 : index
        %get3A_545 = tpu.vector_load %arg8[%get3A_542, %get3A_543, %get3A_544] {strides = array<i32>} : memref<2x104x128xf32, #tpu.memory_space<vmem>>, vector<1x1x16xf32>,
        %get3A_546 = vector.shape_cast %get3A_545 : vector<1x1x16xf32> to vector<16xf32>
        %add3A_547 = arith.addf %scan3A_498, %get3A_546 : vector<16xf32>
        %get3A_548 = arith.constant 1 : i32
        %get3A_549 = arith.index_cast %get3A_548 : i32 to index
        %get3A_550 = arith.index_cast %scan3A_491 : i32 to index
        %get3A_551 = arith.constant 112 : index
        %get3A_552 = tpu.vector_load %arg8[%get3A_549, %get3A_550, %get3A_551] {strides = array<i32>} : memref<2x104x128xf32, #tpu.memory_space<vmem>>, vector<1x1x16xf32>,
        %get3A_553 = vector.shape_cast %get3A_552 : vector<1x1x16xf32> to vector<16xf32>
        %add3A_554 = arith.addf %scan3A_499, %get3A_553 : vector<16xf32>
        scf.yield %add3A_505, %add3A_512, %add3A_519, %add3A_526, %add3A_533, %add3A_540, %add3A_547, %add3A_554 : vector<16xf32>, vector<16xf32>, vector<16xf32>, vector<16xf32>, vector<16xf32>, vector<16xf32>, vector<16xf32>, vector<16xf32>
      }
      %scan3A_371 = arith.constant 104 : i32
      %add3A_372 = arith.constant 4 : i32
      %add3A_373 = arith.addi %add3A_330, %add3A_372 : i32
      %lt3A_374 = arith.constant 64 : i32
      %lt3A_375 = arith.cmpi slt, %add3A_373, %lt3A_374 : i32
      %convert_element_type3A_376 = arith.extui %lt3A_375 : i1 to i32
      %cond3A_377 = arith.constant 0 : i32
      %cond3A_378 = arith.cmpi ne, %convert_element_type3A_376, %cond3A_377 : i32
      scf.if %cond3A_378 {
        %jit3A_491 = arith.constant 2 : i32
        %div3A_492 = arith.divsi %add3A_373, %jit3A_491 : i32
        %sign3A_493 = arith.constant 0 : i32
        %sign3A_494 = arith.cmpi sgt, %add3A_373, %sign3A_493 : i32
        %sign3A_495 = arith.extui %sign3A_494 : i1 to i32
        %sign3A_496 = arith.constant 0 : i32
        %sign3A_497 = arith.cmpi slt, %add3A_373, %sign3A_496 : i32
        %sign3A_498 = arith.extui %sign3A_497 : i1 to i32
        %sign3A_499 = arith.subi %sign3A_495, %sign3A_498 : i32
        %sign3A_500 = arith.constant 0 : i32
        %sign3A_501 = arith.cmpi sgt, %jit3A_491, %sign3A_500 : i32
        %sign3A_502 = arith.extui %sign3A_501 : i1 to i32
        %sign3A_503 = arith.constant 0 : i32
        %sign3A_504 = arith.cmpi slt, %jit3A_491, %sign3A_503 : i32
        %sign3A_505 = arith.extui %sign3A_504 : i1 to i32
        %sign3A_506 = arith.subi %sign3A_502, %sign3A_505 : i32
        %ne3A_507 = arith.cmpi ne, %sign3A_499, %sign3A_506 : i32
        %rem3A_508 = arith.remsi %add3A_373, %jit3A_491 : i32
        %ne3A_509 = arith.constant 0 : i32
        %ne3A_510 = arith.cmpi ne, %rem3A_508, %ne3A_509 : i32
        %and3A_511 = arith.andi %ne3A_507, %ne3A_510 : i1
        %sub3A_512 = arith.constant 1 : i32
        %sub3A_513 = arith.subi %div3A_492, %sub3A_512 : i32
        %select_n3A_514 = arith.select %and3A_511, %sub3A_513, %div3A_492 : i32
        %dma_start3A_515 = arith.constant 1 : i32
        %dma_start3A_516 = arith.constant 0 : i32
        %dma_start3A_517 = arith.constant 0 : i32
        %dma_start3A_518 = tpu.memref_slice %arg8[%dma_start3A_515, %dma_start3A_516, %dma_start3A_517] : memref<2x104x128xf32, #tpu.memory_space<vmem>> -> memref<1x104x128xf32, #tpu.memory_space<vmem>>
        %dma_start3A_519 = tpu.memref_squeeze %dma_start3A_518 : memref<1x104x128xf32, #tpu.memory_space<vmem>> -> memref<104x128xf32, #tpu.memory_space<vmem>>
        %dma_start3A_520 = arith.constant 0 : i32
        %dma_start3A_521 = tpu.memref_slice %arg6[%select_n3A_514, %dma_start3A_520] : memref<32x104xi32, #tpu.memory_space<vmem>> -> memref<1x104xi32, #tpu.memory_space<vmem>>
        %dma_start3A_522 = tpu.memref_squeeze %dma_start3A_521 : memref<1x104xi32, #tpu.memory_space<vmem>> -> memref<104xi32, #tpu.memory_space<vmem>>
        %dma_start3A_523 = arith.constant 0 : i32
        %dma_start3A_524 = arith.constant 0 : i32
        %dma_start3A_525 = tpu.memref_slice %arg2[%dma_start3A_523, %dma_start3A_524] : memref<100000x128xf32, #tpu.memory_space<hbm>> -> memref<100000x128xf32, #tpu.memory_space<hbm>>
        tpu.enqueue_indirect_dma source(%dma_start3A_525 : memref<100000x128xf32, #tpu.memory_space<hbm>>) target(%dma_start3A_519 : memref<104x128xf32, #tpu.memory_space<vmem>>) offsets(%dma_start3A_522 : memref<104xi32, #tpu.memory_space<vmem>>) semaphore(%arg13 : memref<!tpu.dma_semaphore, #tpu.memory_space<semaphore_mem>>)
      } else {
      }
      %mul3A_379 = arith.constant 4 : i32
      %mul3A_380 = arith.muli %scan3A_159, %mul3A_379 : i32
      %add3A_381 = arith.constant 3 : i32
      %add3A_382 = arith.addi %mul3A_380, %add3A_381 : i32
      %jit3A_383 = arith.constant 2 : i32
      %div3A_384 = arith.divsi %add3A_382, %jit3A_383 : i32
      %sign3A_385 = arith.constant 0 : i32
      %sign3A_386 = arith.cmpi sgt, %add3A_382, %sign3A_385 : i32
      %sign3A_387 = arith.extui %sign3A_386 : i1 to i32
      %sign3A_388 = arith.constant 0 : i32
      %sign3A_389 = arith.cmpi slt, %add3A_382, %sign3A_388 : i32
      %sign3A_390 = arith.extui %sign3A_389 : i1 to i32
      %sign3A_391 = arith.subi %sign3A_387, %sign3A_390 : i32
      %sign3A_392 = arith.constant 0 : i32
      %sign3A_393 = arith.cmpi sgt, %jit3A_383, %sign3A_392 : i32
      %sign3A_394 = arith.extui %sign3A_393 : i1 to i32
      %sign3A_395 = arith.constant 0 : i32
      %sign3A_396 = arith.cmpi slt, %jit3A_383, %sign3A_395 : i32
      %sign3A_397 = arith.extui %sign3A_396 : i1 to i32
      %sign3A_398 = arith.subi %sign3A_394, %sign3A_397 : i32
      %ne3A_399 = arith.cmpi ne, %sign3A_391, %sign3A_398 : i32
      %rem3A_400 = arith.remsi %add3A_382, %jit3A_383 : i32
      %ne3A_401 = arith.constant 0 : i32
      %ne3A_402 = arith.cmpi ne, %rem3A_400, %ne3A_401 : i32
      %and3A_403 = arith.andi %ne3A_399, %ne3A_402 : i1
      %sub3A_404 = arith.constant 1 : i32
      %sub3A_405 = arith.subi %div3A_384, %sub3A_404 : i32
      %select_n3A_406 = arith.select %and3A_403, %sub3A_405, %div3A_384 : i32
      %dma_wait3A_407 = arith.constant 1 : i32
      %dma_wait3A_408 = arith.constant 0 : i32
      %dma_wait3A_409 = arith.constant 0 : i32
      %dma_wait3A_410 = tpu.memref_slice %arg9[%dma_wait3A_407, %dma_wait3A_408, %dma_wait3A_409] : memref<2x96x128xf32, #tpu.memory_space<vmem>> -> memref<1x96x128xf32, #tpu.memory_space<vmem>>
      %dma_wait3A_411 = tpu.memref_squeeze %dma_wait3A_410 : memref<1x96x128xf32, #tpu.memory_space<vmem>> -> memref<96x128xf32, #tpu.memory_space<vmem>>
      %dma_wait3A_412 = arith.constant 0 : i32
      %dma_wait3A_413 = tpu.memref_slice %arg7[%select_n3A_406, %dma_wait3A_412] : memref<32x96xi32, #tpu.memory_space<vmem>> -> memref<1x96xi32, #tpu.memory_space<vmem>>
      %dma_wait3A_414 = tpu.memref_squeeze %dma_wait3A_413 : memref<1x96xi32, #tpu.memory_space<vmem>> -> memref<96xi32, #tpu.memory_space<vmem>>
      %dma_wait3A_415 = arith.constant 0 : i32
      %dma_wait3A_416 = arith.constant 0 : i32
      %dma_wait3A_417 = tpu.memref_slice %arg2[%dma_wait3A_415, %dma_wait3A_416] : memref<100000x128xf32, #tpu.memory_space<hbm>> -> memref<100000x128xf32, #tpu.memory_space<hbm>>
      tpu.wait_indirect_dma semaphore(%arg14 : memref<!tpu.dma_semaphore, #tpu.memory_space<semaphore_mem>>) src(%dma_wait3A_417 : memref<100000x128xf32, #tpu.memory_space<hbm>>) dst(%dma_wait3A_411 : memref<96x128xf32, #tpu.memory_space<vmem>>)
      %scan3A_418 = arith.constant 0 : i32
      %scan3A_419 = arith.constant 96 : i32
      %scan3A_420 = arith.addi %scan3A_418, %scan3A_419 : i32
      %scan3A_421 = arith.constant 1 : i32
      %scan3A_422:8 = scf.for %scan3A_491 = %scan3A_418 to %scan3A_420 step %scan3A_421 iter_args(%scan3A_492 = %scan3A_370#0, %scan3A_493 = %scan3A_370#1, %scan3A_494 = %scan3A_370#2, %scan3A_495 = %scan3A_370#3, %scan3A_496 = %scan3A_370#4, %scan3A_497 = %scan3A_370#5, %scan3A_498 = %scan3A_370#6, %scan3A_499 = %scan3A_370#7) -> (vector<16xf32>, vector<16xf32>, vector<16xf32>, vector<16xf32>, vector<16xf32>, vector<16xf32>, vector<16xf32>, vector<16xf32>)  : i32 {
        %get3A = arith.constant 1 : i32
        %get3A_500 = arith.index_cast %get3A : i32 to index
        %get3A_501 = arith.index_cast %scan3A_491 : i32 to index
        %get3A_502 = arith.constant 0 : index
        %get3A_503 = tpu.vector_load %arg9[%get3A_500, %get3A_501, %get3A_502] {strides = array<i32>} : memref<2x96x128xf32, #tpu.memory_space<vmem>>, vector<1x1x16xf32>,
        %get3A_504 = vector.shape_cast %get3A_503 : vector<1x1x16xf32> to vector<16xf32>
        %add3A_505 = arith.addf %scan3A_492, %get3A_504 : vector<16xf32>
        %get3A_506 = arith.constant 1 : i32
        %get3A_507 = arith.index_cast %get3A_506 : i32 to index
        %get3A_508 = arith.index_cast %scan3A_491 : i32 to index
        %get3A_509 = arith.constant 16 : index
        %get3A_510 = tpu.vector_load %arg9[%get3A_507, %get3A_508, %get3A_509] {strides = array<i32>} : memref<2x96x128xf32, #tpu.memory_space<vmem>>, vector<1x1x16xf32>,
        %get3A_511 = vector.shape_cast %get3A_510 : vector<1x1x16xf32> to vector<16xf32>
        %add3A_512 = arith.addf %scan3A_493, %get3A_511 : vector<16xf32>
        %get3A_513 = arith.constant 1 : i32
        %get3A_514 = arith.index_cast %get3A_513 : i32 to index
        %get3A_515 = arith.index_cast %scan3A_491 : i32 to index
        %get3A_516 = arith.constant 32 : index
        %get3A_517 = tpu.vector_load %arg9[%get3A_514, %get3A_515, %get3A_516] {strides = array<i32>} : memref<2x96x128xf32, #tpu.memory_space<vmem>>, vector<1x1x16xf32>,
        %get3A_518 = vector.shape_cast %get3A_517 : vector<1x1x16xf32> to vector<16xf32>
        %add3A_519 = arith.addf %scan3A_494, %get3A_518 : vector<16xf32>
        %get3A_520 = arith.constant 1 : i32
        %get3A_521 = arith.index_cast %get3A_520 : i32 to index
        %get3A_522 = arith.index_cast %scan3A_491 : i32 to index
        %get3A_523 = arith.constant 48 : index
        %get3A_524 = tpu.vector_load %arg9[%get3A_521, %get3A_522, %get3A_523] {strides = array<i32>} : memref<2x96x128xf32, #tpu.memory_space<vmem>>, vector<1x1x16xf32>,
        %get3A_525 = vector.shape_cast %get3A_524 : vector<1x1x16xf32> to vector<16xf32>
        %add3A_526 = arith.addf %scan3A_495, %get3A_525 : vector<16xf32>
        %get3A_527 = arith.constant 1 : i32
        %get3A_528 = arith.index_cast %get3A_527 : i32 to index
        %get3A_529 = arith.index_cast %scan3A_491 : i32 to index
        %get3A_530 = arith.constant 64 : index
        %get3A_531 = tpu.vector_load %arg9[%get3A_528, %get3A_529, %get3A_530] {strides = array<i32>} : memref<2x96x128xf32, #tpu.memory_space<vmem>>, vector<1x1x16xf32>,
        %get3A_532 = vector.shape_cast %get3A_531 : vector<1x1x16xf32> to vector<16xf32>
        %add3A_533 = arith.addf %scan3A_496, %get3A_532 : vector<16xf32>
        %get3A_534 = arith.constant 1 : i32
        %get3A_535 = arith.index_cast %get3A_534 : i32 to index
        %get3A_536 = arith.index_cast %scan3A_491 : i32 to index
        %get3A_537 = arith.constant 80 : index
        %get3A_538 = tpu.vector_load %arg9[%get3A_535, %get3A_536, %get3A_537] {strides = array<i32>} : memref<2x96x128xf32, #tpu.memory_space<vmem>>, vector<1x1x16xf32>,
        %get3A_539 = vector.shape_cast %get3A_538 : vector<1x1x16xf32> to vector<16xf32>
        %add3A_540 = arith.addf %scan3A_497, %get3A_539 : vector<16xf32>
        %get3A_541 = arith.constant 1 : i32
        %get3A_542 = arith.index_cast %get3A_541 : i32 to index
        %get3A_543 = arith.index_cast %scan3A_491 : i32 to index
        %get3A_544 = arith.constant 96 : index
        %get3A_545 = tpu.vector_load %arg9[%get3A_542, %get3A_543, %get3A_544] {strides = array<i32>} : memref<2x96x128xf32, #tpu.memory_space<vmem>>, vector<1x1x16xf32>,
        %get3A_546 = vector.shape_cast %get3A_545 : vector<1x1x16xf32> to vector<16xf32>
        %add3A_547 = arith.addf %scan3A_498, %get3A_546 : vector<16xf32>
        %get3A_548 = arith.constant 1 : i32
        %get3A_549 = arith.index_cast %get3A_548 : i32 to index
        %get3A_550 = arith.index_cast %scan3A_491 : i32 to index
        %get3A_551 = arith.constant 112 : index
        %get3A_552 = tpu.vector_load %arg9[%get3A_549, %get3A_550, %get3A_551] {strides = array<i32>} : memref<2x96x128xf32, #tpu.memory_space<vmem>>, vector<1x1x16xf32>,
        %get3A_553 = vector.shape_cast %get3A_552 : vector<1x1x16xf32> to vector<16xf32>
        %add3A_554 = arith.addf %scan3A_499, %get3A_553 : vector<16xf32>
        scf.yield %add3A_505, %add3A_512, %add3A_519, %add3A_526, %add3A_533, %add3A_540, %add3A_547, %add3A_554 : vector<16xf32>, vector<16xf32>, vector<16xf32>, vector<16xf32>, vector<16xf32>, vector<16xf32>, vector<16xf32>, vector<16xf32>
      }
      %scan3A_423 = arith.constant 96 : i32
      %mul3A_424 = arith.constant 2 : i32
      %mul3A_425 = arith.muli %scan3A_159, %mul3A_424 : i32
      %add3A_426 = arith.constant 1 : i32
      %add3A_427 = arith.addi %mul3A_425, %add3A_426 : i32
      %mul3A_428 = vector.broadcast %scan3A : f32 to vector<16xf32>
      %mul3A_429 = arith.mulf %scan3A_422#0, %mul3A_428 : vector<16xf32>
      %swap3A_430 = arith.index_cast %add3A_427 : i32 to index
      %swap3A_431 = arith.constant 0 : index
      %swap3A_432 = tpu.vector_load %arg10[%swap3A_430, %swap3A_431] {strides = array<i32>} : memref<32x128xf32, #tpu.memory_space<vmem>>, vector<1x16xf32>,
      %swap3A_433 = vector.shape_cast %swap3A_432 : vector<1x16xf32> to vector<16xf32>
      %swap3A_434 = vector.shape_cast %mul3A_429 : vector<16xf32> to vector<1x16xf32>
      tpu.vector_store %arg10[%swap3A_430, %swap3A_431], %swap3A_434 {strides = array<i32>} : memref<32x128xf32, #tpu.memory_space<vmem>>, vector<1x16xf32>,
      %mul3A_435 = vector.broadcast %scan3A : f32 to vector<16xf32>
      %mul3A_436 = arith.mulf %scan3A_422#1, %mul3A_435 : vector<16xf32>
      %swap3A_437 = arith.index_cast %add3A_427 : i32 to index
      %swap3A_438 = arith.constant 16 : index
      %swap3A_439 = tpu.vector_load %arg10[%swap3A_437, %swap3A_438] {strides = array<i32>} : memref<32x128xf32, #tpu.memory_space<vmem>>, vector<1x16xf32>,
      %swap3A_440 = vector.shape_cast %swap3A_439 : vector<1x16xf32> to vector<16xf32>
      %swap3A_441 = vector.shape_cast %mul3A_436 : vector<16xf32> to vector<1x16xf32>
      tpu.vector_store %arg10[%swap3A_437, %swap3A_438], %swap3A_441 {strides = array<i32>} : memref<32x128xf32, #tpu.memory_space<vmem>>, vector<1x16xf32>,
      %mul3A_442 = vector.broadcast %scan3A : f32 to vector<16xf32>
      %mul3A_443 = arith.mulf %scan3A_422#2, %mul3A_442 : vector<16xf32>
      %swap3A_444 = arith.index_cast %add3A_427 : i32 to index
      %swap3A_445 = arith.constant 32 : index
      %swap3A_446 = tpu.vector_load %arg10[%swap3A_444, %swap3A_445] {strides = array<i32>} : memref<32x128xf32, #tpu.memory_space<vmem>>, vector<1x16xf32>,
      %swap3A_447 = vector.shape_cast %swap3A_446 : vector<1x16xf32> to vector<16xf32>
      %swap3A_448 = vector.shape_cast %mul3A_443 : vector<16xf32> to vector<1x16xf32>
      tpu.vector_store %arg10[%swap3A_444, %swap3A_445], %swap3A_448 {strides = array<i32>} : memref<32x128xf32, #tpu.memory_space<vmem>>, vector<1x16xf32>,
      %mul3A_449 = vector.broadcast %scan3A : f32 to vector<16xf32>
      %mul3A_450 = arith.mulf %scan3A_422#3, %mul3A_449 : vector<16xf32>
      %swap3A_451 = arith.index_cast %add3A_427 : i32 to index
      %swap3A_452 = arith.constant 48 : index
      %swap3A_453 = tpu.vector_load %arg10[%swap3A_451, %swap3A_452] {strides = array<i32>} : memref<32x128xf32, #tpu.memory_space<vmem>>, vector<1x16xf32>,
      %swap3A_454 = vector.shape_cast %swap3A_453 : vector<1x16xf32> to vector<16xf32>
      %swap3A_455 = vector.shape_cast %mul3A_450 : vector<16xf32> to vector<1x16xf32>
      tpu.vector_store %arg10[%swap3A_451, %swap3A_452], %swap3A_455 {strides = array<i32>} : memref<32x128xf32, #tpu.memory_space<vmem>>, vector<1x16xf32>,
      %mul3A_456 = vector.broadcast %scan3A : f32 to vector<16xf32>
      %mul3A_457 = arith.mulf %scan3A_422#4, %mul3A_456 : vector<16xf32>
      %swap3A_458 = arith.index_cast %add3A_427 : i32 to index
      %swap3A_459 = arith.constant 64 : index
      %swap3A_460 = tpu.vector_load %arg10[%swap3A_458, %swap3A_459] {strides = array<i32>} : memref<32x128xf32, #tpu.memory_space<vmem>>, vector<1x16xf32>,
      %swap3A_461 = vector.shape_cast %swap3A_460 : vector<1x16xf32> to vector<16xf32>
      %swap3A_462 = vector.shape_cast %mul3A_457 : vector<16xf32> to vector<1x16xf32>
      tpu.vector_store %arg10[%swap3A_458, %swap3A_459], %swap3A_462 {strides = array<i32>} : memref<32x128xf32, #tpu.memory_space<vmem>>, vector<1x16xf32>,
      %mul3A_463 = vector.broadcast %scan3A : f32 to vector<16xf32>
      %mul3A_464 = arith.mulf %scan3A_422#5, %mul3A_463 : vector<16xf32>
      %swap3A_465 = arith.index_cast %add3A_427 : i32 to index
      %swap3A_466 = arith.constant 80 : index
      %swap3A_467 = tpu.vector_load %arg10[%swap3A_465, %swap3A_466] {strides = array<i32>} : memref<32x128xf32, #tpu.memory_space<vmem>>, vector<1x16xf32>,
      %swap3A_468 = vector.shape_cast %swap3A_467 : vector<1x16xf32> to vector<16xf32>
      %swap3A_469 = vector.shape_cast %mul3A_464 : vector<16xf32> to vector<1x16xf32>
      tpu.vector_store %arg10[%swap3A_465, %swap3A_466], %swap3A_469 {strides = array<i32>} : memref<32x128xf32, #tpu.memory_space<vmem>>, vector<1x16xf32>,
      %mul3A_470 = vector.broadcast %scan3A : f32 to vector<16xf32>
      %mul3A_471 = arith.mulf %scan3A_422#6, %mul3A_470 : vector<16xf32>
      %swap3A_472 = arith.index_cast %add3A_427 : i32 to index
      %swap3A_473 = arith.constant 96 : index
      %swap3A_474 = tpu.vector_load %arg10[%swap3A_472, %swap3A_473] {strides = array<i32>} : memref<32x128xf32, #tpu.memory_space<vmem>>, vector<1x16xf32>,
      %swap3A_475 = vector.shape_cast %swap3A_474 : vector<1x16xf32> to vector<16xf32>
      %swap3A_476 = vector.shape_cast %mul3A_471 : vector<16xf32> to vector<1x16xf32>
      tpu.vector_store %arg10[%swap3A_472, %swap3A_473], %swap3A_476 {strides = array<i32>} : memref<32x128xf32, #tpu.memory_space<vmem>>, vector<1x16xf32>,
      %mul3A_477 = vector.broadcast %scan3A : f32 to vector<16xf32>
      %mul3A_478 = arith.mulf %scan3A_422#7, %mul3A_477 : vector<16xf32>
      %swap3A_479 = arith.index_cast %add3A_427 : i32 to index
      %swap3A_480 = arith.constant 112 : index
      %swap3A_481 = tpu.vector_load %arg10[%swap3A_479, %swap3A_480] {strides = array<i32>} : memref<32x128xf32, #tpu.memory_space<vmem>>, vector<1x16xf32>,
      %swap3A_482 = vector.shape_cast %swap3A_481 : vector<1x16xf32> to vector<16xf32>
      %swap3A_483 = vector.shape_cast %mul3A_478 : vector<16xf32> to vector<1x16xf32>
      tpu.vector_store %arg10[%swap3A_479, %swap3A_480], %swap3A_483 {strides = array<i32>} : memref<32x128xf32, #tpu.memory_space<vmem>>, vector<1x16xf32>,
      %add3A_484 = arith.constant 4 : i32
      %add3A_485 = arith.addi %add3A_382, %add3A_484 : i32
      %lt3A_486 = arith.constant 64 : i32
      %lt3A_487 = arith.cmpi slt, %add3A_485, %lt3A_486 : i32
      %convert_element_type3A_488 = arith.extui %lt3A_487 : i1 to i32
      %cond3A_489 = arith.constant 0 : i32
      %cond3A_490 = arith.cmpi ne, %convert_element_type3A_488, %cond3A_489 : i32
      scf.if %cond3A_490 {
        %jit3A_491 = arith.constant 2 : i32
        %div3A_492 = arith.divsi %add3A_485, %jit3A_491 : i32
        %sign3A_493 = arith.constant 0 : i32
        %sign3A_494 = arith.cmpi sgt, %add3A_485, %sign3A_493 : i32
        %sign3A_495 = arith.extui %sign3A_494 : i1 to i32
        %sign3A_496 = arith.constant 0 : i32
        %sign3A_497 = arith.cmpi slt, %add3A_485, %sign3A_496 : i32
        %sign3A_498 = arith.extui %sign3A_497 : i1 to i32
        %sign3A_499 = arith.subi %sign3A_495, %sign3A_498 : i32
        %sign3A_500 = arith.constant 0 : i32
        %sign3A_501 = arith.cmpi sgt, %jit3A_491, %sign3A_500 : i32
        %sign3A_502 = arith.extui %sign3A_501 : i1 to i32
        %sign3A_503 = arith.constant 0 : i32
        %sign3A_504 = arith.cmpi slt, %jit3A_491, %sign3A_503 : i32
        %sign3A_505 = arith.extui %sign3A_504 : i1 to i32
        %sign3A_506 = arith.subi %sign3A_502, %sign3A_505 : i32
        %ne3A_507 = arith.cmpi ne, %sign3A_499, %sign3A_506 : i32
        %rem3A_508 = arith.remsi %add3A_485, %jit3A_491 : i32
        %ne3A_509 = arith.constant 0 : i32
        %ne3A_510 = arith.cmpi ne, %rem3A_508, %ne3A_509 : i32
        %and3A_511 = arith.andi %ne3A_507, %ne3A_510 : i1
        %sub3A_512 = arith.constant 1 : i32
        %sub3A_513 = arith.subi %div3A_492, %sub3A_512 : i32
        %select_n3A_514 = arith.select %and3A_511, %sub3A_513, %div3A_492 : i32
        %dma_start3A_515 = arith.constant 1 : i32
        %dma_start3A_516 = arith.constant 0 : i32
        %dma_start3A_517 = arith.constant 0 : i32
        %dma_start3A_518 = tpu.memref_slice %arg9[%dma_start3A_515, %dma_start3A_516, %dma_start3A_517] : memref<2x96x128xf32, #tpu.memory_space<vmem>> -> memref<1x96x128xf32, #tpu.memory_space<vmem>>
        %dma_start3A_519 = tpu.memref_squeeze %dma_start3A_518 : memref<1x96x128xf32, #tpu.memory_space<vmem>> -> memref<96x128xf32, #tpu.memory_space<vmem>>
        %dma_start3A_520 = arith.constant 0 : i32
        %dma_start3A_521 = tpu.memref_slice %arg7[%select_n3A_514, %dma_start3A_520] : memref<32x96xi32, #tpu.memory_space<vmem>> -> memref<1x96xi32, #tpu.memory_space<vmem>>
        %dma_start3A_522 = tpu.memref_squeeze %dma_start3A_521 : memref<1x96xi32, #tpu.memory_space<vmem>> -> memref<96xi32, #tpu.memory_space<vmem>>
        %dma_start3A_523 = arith.constant 0 : i32
        %dma_start3A_524 = arith.constant 0 : i32
        %dma_start3A_525 = tpu.memref_slice %arg2[%dma_start3A_523, %dma_start3A_524] : memref<100000x128xf32, #tpu.memory_space<hbm>> -> memref<100000x128xf32, #tpu.memory_space<hbm>>
        tpu.enqueue_indirect_dma source(%dma_start3A_525 : memref<100000x128xf32, #tpu.memory_space<hbm>>) target(%dma_start3A_519 : memref<96x128xf32, #tpu.memory_space<vmem>>) offsets(%dma_start3A_522 : memref<96xi32, #tpu.memory_space<vmem>>) semaphore(%arg14 : memref<!tpu.dma_semaphore, #tpu.memory_space<semaphore_mem>>)
      } else {
      }
      scf.yield %broadcast_in_dim3A_138, %broadcast_in_dim3A_140, %broadcast_in_dim3A_142, %broadcast_in_dim3A_144, %broadcast_in_dim3A_146, %broadcast_in_dim3A_148, %broadcast_in_dim3A_150, %broadcast_in_dim3A_152 : vector<16xf32>, vector<16xf32>, vector<16xf32>, vector<16xf32>, vector<16xf32>, vector<16xf32>, vector<16xf32>, vector<16xf32>
    }
    %scan3A_158 = arith.constant 16 : i32
    "tpu.region"() ({
      %run_scoped3A = tpu.sem_alloc : memref<!tpu.dma_semaphore, #tpu.memory_space<semaphore_mem>>
      %dma_start3A_159 = arith.constant 0 : i32
      %dma_start3A_160 = tpu.memref_slice %arg5[%mul3A_2, %dma_start3A_159] : memref<1024x128xf32, #tpu.memory_space<hbm>> -> memref<32x128xf32, #tpu.memory_space<hbm>>
      %dma_start3A_161 = arith.constant 0 : i32
      %dma_start3A_162 = tpu.memref_slice %arg5[%mul3A_2, %dma_start3A_161] : memref<1024x128xf32, #tpu.memory_space<hbm>> -> memref<32x128xf32, #tpu.memory_space<hbm>>
      tpu.enqueue_dma source(%arg10 : memref<32x128xf32, #tpu.memory_space<vmem>>) target(%dma_start3A_162 : memref<32x128xf32, #tpu.memory_space<hbm>>) target_semaphore(%run_scoped3A : memref<!tpu.dma_semaphore, #tpu.memory_space<semaphore_mem>>)
      %dma_wait3A = arith.constant 0 : i32
      %dma_wait3A_163 = tpu.memref_slice %arg5[%mul3A_2, %dma_wait3A] : memref<1024x128xf32, #tpu.memory_space<hbm>> -> memref<32x128xf32, #tpu.memory_space<hbm>>
      %dma_wait3A_164 = arith.constant 0 : i32
      %dma_wait3A_165 = tpu.memref_slice %arg5[%mul3A_2, %dma_wait3A_164] : memref<1024x128xf32, #tpu.memory_space<hbm>> -> memref<32x128xf32, #tpu.memory_space<hbm>>
      tpu.wait_dma2 semaphore(%run_scoped3A : memref<!tpu.dma_semaphore, #tpu.memory_space<semaphore_mem>>) src(%arg10 : memref<32x128xf32, #tpu.memory_space<vmem>>) dst(%dma_wait3A_165 : memref<32x128xf32, #tpu.memory_space<hbm>>)
      tpu.yield
    }) : () -> ()
    return
  }
}

#map = affine_map<(d0, d1) -> (0, 0)>
module attributes {stable_mosaic.version = 14 : i64} {
  func.func @k(%arg0: i32, %arg1: i32, %arg2: memref<100000x128xf32, #tpu.memory_space<hbm>>, %arg3: memref<1024x104xi32, #tpu.memory_space<hbm>>, %arg4: memref<1024x96xi32, #tpu.memory_space<hbm>>, %arg5: memref<1024x128xf32, #tpu.memory_space<hbm>>, %arg6: memref<32x104xi32, #tpu.memory_space<vmem>>, %arg7: memref<32x96xi32, #tpu.memory_space<vmem>>, %arg8: memref<2x104x128xf32, #tpu.memory_space<vmem>>, %arg9: memref<2x96x128xf32, #tpu.memory_space<vmem>>, %arg10: memref<32x128xf32, #tpu.memory_space<vmem>>, %arg11: memref<!tpu.dma_semaphore, #tpu.memory_space<semaphore_mem>>, %arg12: memref<!tpu.dma_semaphore, #tpu.memory_space<semaphore_mem>>, %arg13: memref<!tpu.dma_semaphore, #tpu.memory_space<semaphore_mem>>, %arg14: memref<!tpu.dma_semaphore, #tpu.memory_space<semaphore_mem>>) attributes {dimension_semantics = [#tpu.dimension_semantics<core_parallel>, #tpu.dimension_semantics<subcore_parallel>], iteration_bounds = array<i64: 2, 16>, scalar_prefetch = 0 : i64, scratch_operands = 9 : i64, tpu.core_type = #tpu.core_type<sc_vector_subcore>, window_params = [{transform_indices = #map}, {transform_indices = #map}, {transform_indices = #map}, {transform_indices = #map}]} {
    %mul3A = arith.constant 2 : i32
    %mul3A_0 = arith.muli %arg1, %mul3A : i32
    %add3A = arith.addi %mul3A_0, %arg0 : i32
    %mul3A_1 = arith.constant 32 : i32
    %mul3A_2 = arith.muli %add3A, %mul3A_1 : i32
    "tpu.region"() ({
      %run_scoped3A = tpu.sem_alloc : memref<!tpu.dma_semaphore, #tpu.memory_space<semaphore_mem>>
      %dma_start3A_159 = arith.constant 0 : i32
      %dma_start3A_160 = tpu.memref_slice %arg3[%mul3A_2, %dma_start3A_159] : memref<1024x104xi32, #tpu.memory_space<hbm>> -> memref<32x104xi32, #tpu.memory_space<hbm>>
      %dma_start3A_161 = arith.constant 0 : i32
      %dma_start3A_162 = tpu.memref_slice %arg3[%mul3A_2, %dma_start3A_161] : memref<1024x104xi32, #tpu.memory_space<hbm>> -> memref<32x104xi32, #tpu.memory_space<hbm>>
      tpu.enqueue_dma source(%dma_start3A_162 : memref<32x104xi32, #tpu.memory_space<hbm>>) target(%arg6 : memref<32x104xi32, #tpu.memory_space<vmem>>) target_semaphore(%run_scoped3A : memref<!tpu.dma_semaphore, #tpu.memory_space<semaphore_mem>>)
      %dma_wait3A = arith.constant 0 : i32
      %dma_wait3A_163 = tpu.memref_slice %arg3[%mul3A_2, %dma_wait3A] : memref<1024x104xi32, #tpu.memory_space<hbm>> -> memref<32x104xi32, #tpu.memory_space<hbm>>
      %dma_wait3A_164 = arith.constant 0 : i32
      %dma_wait3A_165 = tpu.memref_slice %arg3[%mul3A_2, %dma_wait3A_164] : memref<1024x104xi32, #tpu.memory_space<hbm>> -> memref<32x104xi32, #tpu.memory_space<hbm>>
      tpu.wait_dma2 semaphore(%run_scoped3A : memref<!tpu.dma_semaphore, #tpu.memory_space<semaphore_mem>>) src(%dma_wait3A_165 : memref<32x104xi32, #tpu.memory_space<hbm>>) dst(%arg6 : memref<32x104xi32, #tpu.memory_space<vmem>>)
      tpu.yield
    }) : () -> ()
    "tpu.region"() ({
      %run_scoped3A = tpu.sem_alloc : memref<!tpu.dma_semaphore, #tpu.memory_space<semaphore_mem>>
      %dma_start3A_159 = arith.constant 0 : i32
      %dma_start3A_160 = tpu.memref_slice %arg4[%mul3A_2, %dma_start3A_159] : memref<1024x96xi32, #tpu.memory_space<hbm>> -> memref<32x96xi32, #tpu.memory_space<hbm>>
      %dma_start3A_161 = arith.constant 0 : i32
      %dma_start3A_162 = tpu.memref_slice %arg4[%mul3A_2, %dma_start3A_161] : memref<1024x96xi32, #tpu.memory_space<hbm>> -> memref<32x96xi32, #tpu.memory_space<hbm>>
      tpu.enqueue_dma source(%dma_start3A_162 : memref<32x96xi32, #tpu.memory_space<hbm>>) target(%arg7 : memref<32x96xi32, #tpu.memory_space<vmem>>) target_semaphore(%run_scoped3A : memref<!tpu.dma_semaphore, #tpu.memory_space<semaphore_mem>>)
      %dma_wait3A = arith.constant 0 : i32
      %dma_wait3A_163 = tpu.memref_slice %arg4[%mul3A_2, %dma_wait3A] : memref<1024x96xi32, #tpu.memory_space<hbm>> -> memref<32x96xi32, #tpu.memory_space<hbm>>
      %dma_wait3A_164 = arith.constant 0 : i32
      %dma_wait3A_165 = tpu.memref_slice %arg4[%mul3A_2, %dma_wait3A_164] : memref<1024x96xi32, #tpu.memory_space<hbm>> -> memref<32x96xi32, #tpu.memory_space<hbm>>
      tpu.wait_dma2 semaphore(%run_scoped3A : memref<!tpu.dma_semaphore, #tpu.memory_space<semaphore_mem>>) src(%dma_wait3A_165 : memref<32x96xi32, #tpu.memory_space<hbm>>) dst(%arg7 : memref<32x96xi32, #tpu.memory_space<vmem>>)
      tpu.yield
    }) : () -> ()
    %jit3A = arith.constant 0 : i32
    %jit3A_3 = arith.constant 2 : i32
    %div3A = arith.divsi %jit3A, %jit3A_3 : i32
    %sign3A = arith.constant 0 : i32
    %sign3A_4 = arith.cmpi sgt, %jit3A, %sign3A : i32
    %sign3A_5 = arith.extui %sign3A_4 : i1 to i32
    %sign3A_6 = arith.constant 0 : i32
    %sign3A_7 = arith.cmpi slt, %jit3A, %sign3A_6 : i32
    %sign3A_8 = arith.extui %sign3A_7 : i1 to i32
    %sign3A_9 = arith.subi %sign3A_5, %sign3A_8 : i32
    %sign3A_10 = arith.constant 0 : i32
    %sign3A_11 = arith.cmpi sgt, %jit3A_3, %sign3A_10 : i32
    %sign3A_12 = arith.extui %sign3A_11 : i1 to i32
    %sign3A_13 = arith.constant 0 : i32
    %sign3A_14 = arith.cmpi slt, %jit3A_3, %sign3A_13 : i32
    %sign3A_15 = arith.extui %sign3A_14 : i1 to i32
    %sign3A_16 = arith.subi %sign3A_12, %sign3A_15 : i32
    %ne3A = arith.cmpi ne, %sign3A_9, %sign3A_16 : i32
    %rem3A = arith.remsi %jit3A, %jit3A_3 : i32
    %ne3A_17 = arith.constant 0 : i32
    %ne3A_18 = arith.cmpi ne, %rem3A, %ne3A_17 : i32
    %and3A = arith.andi %ne3A, %ne3A_18 : i1
    %sub3A = arith.constant 1 : i32
    %sub3A_19 = arith.subi %div3A, %sub3A : i32
    %select_n3A = arith.select %and3A, %sub3A_19, %div3A : i32
    %dma_start3A = arith.constant 0 : i32
    %dma_start3A_20 = arith.constant 0 : i32
    %dma_start3A_21 = arith.constant 0 : i32
    %dma_start3A_22 = tpu.memref_slice %arg8[%dma_start3A, %dma_start3A_20, %dma_start3A_21] : memref<2x104x128xf32, #tpu.memory_space<vmem>> -> memref<1x104x128xf32, #tpu.memory_space<vmem>>
    %dma_start3A_23 = tpu.memref_squeeze %dma_start3A_22 : memref<1x104x128xf32, #tpu.memory_space<vmem>> -> memref<104x128xf32, #tpu.memory_space<vmem>>
    %dma_start3A_24 = arith.constant 0 : i32
    %dma_start3A_25 = tpu.memref_slice %arg6[%select_n3A, %dma_start3A_24] : memref<32x104xi32, #tpu.memory_space<vmem>> -> memref<1x104xi32, #tpu.memory_space<vmem>>
    %dma_start3A_26 = tpu.memref_squeeze %dma_start3A_25 : memref<1x104xi32, #tpu.memory_space<vmem>> -> memref<104xi32, #tpu.memory_space<vmem>>
    %dma_start3A_27 = arith.constant 0 : i32
    %dma_start3A_28 = arith.constant 0 : i32
    %dma_start3A_29 = tpu.memref_slice %arg2[%dma_start3A_27, %dma_start3A_28] : memref<100000x128xf32, #tpu.memory_space<hbm>> -> memref<100000x128xf32, #tpu.memory_space<hbm>>
    tpu.enqueue_indirect_dma source(%dma_start3A_29 : memref<100000x128xf32, #tpu.memory_space<hbm>>) target(%dma_start3A_23 : memref<104x128xf32, #tpu.memory_space<vmem>>) offsets(%dma_start3A_26 : memref<104xi32, #tpu.memory_space<vmem>>) semaphore(%arg11 : memref<!tpu.dma_semaphore, #tpu.memory_space<semaphore_mem>>)
    %jit3A_30 = arith.constant 1 : i32
    %jit3A_31 = arith.constant 2 : i32
    %div3A_32 = arith.divsi %jit3A_30, %jit3A_31 : i32
    %sign3A_33 = arith.constant 0 : i32
    %sign3A_34 = arith.cmpi sgt, %jit3A_30, %sign3A_33 : i32
    %sign3A_35 = arith.extui %sign3A_34 : i1 to i32
    %sign3A_36 = arith.constant 0 : i32
    %sign3A_37 = arith.cmpi slt, %jit3A_30, %sign3A_36 : i32
    %sign3A_38 = arith.extui %sign3A_37 : i1 to i32
    %sign3A_39 = arith.subi %sign3A_35, %sign3A_38 : i32
    %sign3A_40 = arith.constant 0 : i32
    %sign3A_41 = arith.cmpi sgt, %jit3A_31, %sign3A_40 : i32
    %sign3A_42 = arith.extui %sign3A_41 : i1 to i32
    %sign3A_43 = arith.constant 0 : i32
    %sign3A_44 = arith.cmpi slt, %jit3A_31, %sign3A_43 : i32
    %sign3A_45 = arith.extui %sign3A_44 : i1 to i32
    %sign3A_46 = arith.subi %sign3A_42, %sign3A_45 : i32
    %ne3A_47 = arith.cmpi ne, %sign3A_39, %sign3A_46 : i32
    %rem3A_48 = arith.remsi %jit3A_30, %jit3A_31 : i32
    %ne3A_49 = arith.constant 0 : i32
    %ne3A_50 = arith.cmpi ne, %rem3A_48, %ne3A_49 : i32
    %and3A_51 = arith.andi %ne3A_47, %ne3A_50 : i1
    %sub3A_52 = arith.constant 1 : i32
    %sub3A_53 = arith.subi %div3A_32, %sub3A_52 : i32
    %select_n3A_54 = arith.select %and3A_51, %sub3A_53, %div3A_32 : i32
    %dma_start3A_55 = arith.constant 0 : i32
    %dma_start3A_56 = arith.constant 0 : i32
    %dma_start3A_57 = arith.constant 0 : i32
    %dma_start3A_58 = tpu.memref_slice %arg9[%dma_start3A_55, %dma_start3A_56, %dma_start3A_57] : memref<2x96x128xf32, #tpu.memory_space<vmem>> -> memref<1x96x128xf32, #tpu.memory_space<vmem>>
    %dma_start3A_59 = tpu.memref_squeeze %dma_start3A_58 : memref<1x96x128xf32, #tpu.memory_space<vmem>> -> memref<96x128xf32, #tpu.memory_space<vmem>>
    %dma_start3A_60 = arith.constant 0 : i32
    %dma_start3A_61 = tpu.memref_slice %arg7[%select_n3A_54, %dma_start3A_60] : memref<32x96xi32, #tpu.memory_space<vmem>> -> memref<1x96xi32, #tpu.memory_space<vmem>>
    %dma_start3A_62 = tpu.memref_squeeze %dma_start3A_61 : memref<1x96xi32, #tpu.memory_space<vmem>> -> memref<96xi32, #tpu.memory_space<vmem>>
    %dma_start3A_63 = arith.constant 0 : i32
    %dma_start3A_64 = arith.constant 0 : i32
    %dma_start3A_65 = tpu.memref_slice %arg2[%dma_start3A_63, %dma_start3A_64] : memref<100000x128xf32, #tpu.memory_space<hbm>> -> memref<100000x128xf32, #tpu.memory_space<hbm>>
    tpu.enqueue_indirect_dma source(%dma_start3A_65 : memref<100000x128xf32, #tpu.memory_space<hbm>>) target(%dma_start3A_59 : memref<96x128xf32, #tpu.memory_space<vmem>>) offsets(%dma_start3A_62 : memref<96xi32, #tpu.memory_space<vmem>>) semaphore(%arg12 : memref<!tpu.dma_semaphore, #tpu.memory_space<semaphore_mem>>)
    %jit3A_66 = arith.constant 2 : i32
    %jit3A_67 = arith.constant 2 : i32
    %div3A_68 = arith.divsi %jit3A_66, %jit3A_67 : i32
    %sign3A_69 = arith.constant 0 : i32
    %sign3A_70 = arith.cmpi sgt, %jit3A_66, %sign3A_69 : i32
    %sign3A_71 = arith.extui %sign3A_70 : i1 to i32
    %sign3A_72 = arith.constant 0 : i32
    %sign3A_73 = arith.cmpi slt, %jit3A_66, %sign3A_72 : i32
    %sign3A_74 = arith.extui %sign3A_73 : i1 to i32
    %sign3A_75 = arith.subi %sign3A_71, %sign3A_74 : i32
    %sign3A_76 = arith.constant 0 : i32
    %sign3A_77 = arith.cmpi sgt, %jit3A_67, %sign3A_76 : i32
    %sign3A_78 = arith.extui %sign3A_77 : i1 to i32
    %sign3A_79 = arith.constant 0 : i32
    %sign3A_80 = arith.cmpi slt, %jit3A_67, %sign3A_79 : i32
    %sign3A_81 = arith.extui %sign3A_80 : i1 to i32
    %sign3A_82 = arith.subi %sign3A_78, %sign3A_81 : i32
    %ne3A_83 = arith.cmpi ne, %sign3A_75, %sign3A_82 : i32
    %rem3A_84 = arith.remsi %jit3A_66, %jit3A_67 : i32
    %ne3A_85 = arith.constant 0 : i32
    %ne3A_86 = arith.cmpi ne, %rem3A_84, %ne3A_85 : i32
    %and3A_87 = arith.andi %ne3A_83, %ne3A_86 : i1
    %sub3A_88 = arith.constant 1 : i32
    %sub3A_89 = arith.subi %div3A_68, %sub3A_88 : i32
    %select_n3A_90 = arith.select %and3A_87, %sub3A_89, %div3A_68 : i32
    %dma_start3A_91 = arith.constant 1 : i32
    %dma_start3A_92 = arith.constant 0 : i32
    %dma_start3A_93 = arith.constant 0 : i32
    %dma_start3A_94 = tpu.memref_slice %arg8[%dma_start3A_91, %dma_start3A_92, %dma_start3A_93] : memref<2x104x128xf32, #tpu.memory_space<vmem>> -> memref<1x104x128xf32, #tpu.memory_space<vmem>>
    %dma_start3A_95 = tpu.memref_squeeze %dma_start3A_94 : memref<1x104x128xf32, #tpu.memory_space<vmem>> -> memref<104x128xf32, #tpu.memory_space<vmem>>
    %dma_start3A_96 = arith.constant 0 : i32
    %dma_start3A_97 = tpu.memref_slice %arg6[%select_n3A_90, %dma_start3A_96] : memref<32x104xi32, #tpu.memory_space<vmem>> -> memref<1x104xi32, #tpu.memory_space<vmem>>
    %dma_start3A_98 = tpu.memref_squeeze %dma_start3A_97 : memref<1x104xi32, #tpu.memory_space<vmem>> -> memref<104xi32, #tpu.memory_space<vmem>>
    %dma_start3A_99 = arith.constant 0 : i32
    %dma_start3A_100 = arith.constant 0 : i32
    %dma_start3A_101 = tpu.memref_slice %arg2[%dma_start3A_99, %dma_start3A_100] : memref<100000x128xf32, #tpu.memory_space<hbm>> -> memref<100000x128xf32, #tpu.memory_space<hbm>>
    tpu.enqueue_indirect_dma source(%dma_start3A_101 : memref<100000x128xf32, #tpu.memory_space<hbm>>) target(%dma_start3A_95 : memref<104x128xf32, #tpu.memory_space<vmem>>) offsets(%dma_start3A_98 : memref<104xi32, #tpu.memory_space<vmem>>) semaphore(%arg13 : memref<!tpu.dma_semaphore, #tpu.memory_space<semaphore_mem>>)
    %jit3A_102 = arith.constant 3 : i32
    %jit3A_103 = arith.constant 2 : i32
    %div3A_104 = arith.divsi %jit3A_102, %jit3A_103 : i32
    %sign3A_105 = arith.constant 0 : i32
    %sign3A_106 = arith.cmpi sgt, %jit3A_102, %sign3A_105 : i32
    %sign3A_107 = arith.extui %sign3A_106 : i1 to i32
    %sign3A_108 = arith.constant 0 : i32
    %sign3A_109 = arith.cmpi slt, %jit3A_102, %sign3A_108 : i32
    %sign3A_110 = arith.extui %sign3A_109 : i1 to i32
    %sign3A_111 = arith.subi %sign3A_107, %sign3A_110 : i32
    %sign3A_112 = arith.constant 0 : i32
    %sign3A_113 = arith.cmpi sgt, %jit3A_103, %sign3A_112 : i32
    %sign3A_114 = arith.extui %sign3A_113 : i1 to i32
    %sign3A_115 = arith.constant 0 : i32
    %sign3A_116 = arith.cmpi slt, %jit3A_103, %sign3A_115 : i32
    %sign3A_117 = arith.extui %sign3A_116 : i1 to i32
    %sign3A_118 = arith.subi %sign3A_114, %sign3A_117 : i32
    %ne3A_119 = arith.cmpi ne, %sign3A_111, %sign3A_118 : i32
    %rem3A_120 = arith.remsi %jit3A_102, %jit3A_103 : i32
    %ne3A_121 = arith.constant 0 : i32
    %ne3A_122 = arith.cmpi ne, %rem3A_120, %ne3A_121 : i32
    %and3A_123 = arith.andi %ne3A_119, %ne3A_122 : i1
    %sub3A_124 = arith.constant 1 : i32
    %sub3A_125 = arith.subi %div3A_104, %sub3A_124 : i32
    %select_n3A_126 = arith.select %and3A_123, %sub3A_125, %div3A_104 : i32
    %dma_start3A_127 = arith.constant 1 : i32
    %dma_start3A_128 = arith.constant 0 : i32
    %dma_start3A_129 = arith.constant 0 : i32
    %dma_start3A_130 = tpu.memref_slice %arg9[%dma_start3A_127, %dma_start3A_128, %dma_start3A_129] : memref<2x96x128xf32, #tpu.memory_space<vmem>> -> memref<1x96x128xf32, #tpu.memory_space<vmem>>
    %dma_start3A_131 = tpu.memref_squeeze %dma_start3A_130 : memref<1x96x128xf32, #tpu.memory_space<vmem>> -> memref<96x128xf32, #tpu.memory_space<vmem>>
    %dma_start3A_132 = arith.constant 0 : i32
    %dma_start3A_133 = tpu.memref_slice %arg7[%select_n3A_126, %dma_start3A_132] : memref<32x96xi32, #tpu.memory_space<vmem>> -> memref<1x96xi32, #tpu.memory_space<vmem>>
    %dma_start3A_134 = tpu.memref_squeeze %dma_start3A_133 : memref<1x96xi32, #tpu.memory_space<vmem>> -> memref<96xi32, #tpu.memory_space<vmem>>
    %dma_start3A_135 = arith.constant 0 : i32
    %dma_start3A_136 = arith.constant 0 : i32
    %dma_start3A_137 = tpu.memref_slice %arg2[%dma_start3A_135, %dma_start3A_136] : memref<100000x128xf32, #tpu.memory_space<hbm>> -> memref<100000x128xf32, #tpu.memory_space<hbm>>
    tpu.enqueue_indirect_dma source(%dma_start3A_137 : memref<100000x128xf32, #tpu.memory_space<hbm>>) target(%dma_start3A_131 : memref<96x128xf32, #tpu.memory_space<vmem>>) offsets(%dma_start3A_134 : memref<96xi32, #tpu.memory_space<vmem>>) semaphore(%arg14 : memref<!tpu.dma_semaphore, #tpu.memory_space<semaphore_mem>>)
    %broadcast_in_dim3A = arith.constant 0.000000e+00 : f32
    %broadcast_in_dim3A_138 = vector.broadcast %broadcast_in_dim3A : f32 to vector<16xf32>
    %broadcast_in_dim3A_139 = arith.constant 0.000000e+00 : f32
    %broadcast_in_dim3A_140 = vector.broadcast %broadcast_in_dim3A_139 : f32 to vector<16xf32>
    %broadcast_in_dim3A_141 = arith.constant 0.000000e+00 : f32
    %broadcast_in_dim3A_142 = vector.broadcast %broadcast_in_dim3A_141 : f32 to vector<16xf32>
    %broadcast_in_dim3A_143 = arith.constant 0.000000e+00 : f32
    %broadcast_in_dim3A_144 = vector.broadcast %broadcast_in_dim3A_143 : f32 to vector<16xf32>
    %broadcast_in_dim3A_145 = arith.constant 0.000000e+00 : f32
    %broadcast_in_dim3A_146 = vector.broadcast %broadcast_in_dim3A_145 : f32 to vector<16xf32>
    %broadcast_in_dim3A_147 = arith.constant 0.000000e+00 : f32
    %broadcast_in_dim3A_148 = vector.broadcast %broadcast_in_dim3A_147 : f32 to vector<16xf32>
    %broadcast_in_dim3A_149 = arith.constant 0.000000e+00 : f32
    %broadcast_in_dim3A_150 = vector.broadcast %broadcast_in_dim3A_149 : f32 to vector<16xf32>
    %broadcast_in_dim3A_151 = arith.constant 0.000000e+00 : f32
    %broadcast_in_dim3A_152 = vector.broadcast %broadcast_in_dim3A_151 : f32 to vector<16xf32>
    %scan3A = arith.constant 5.000000e-03 : f32
    %scan3A_153 = arith.constant 0 : i32
    %scan3A_154 = arith.constant 16 : i32
    %scan3A_155 = arith.addi %scan3A_153, %scan3A_154 : i32
    %scan3A_156 = arith.constant 1 : i32
    %scan3A_157:8 = scf.for %scan3A_159 = %scan3A_153 to %scan3A_155 step %scan3A_156 iter_args(%scan3A_160 = %broadcast_in_dim3A_138, %scan3A_161 = %broadcast_in_dim3A_140, %scan3A_162 = %broadcast_in_dim3A_142, %scan3A_163 = %broadcast_in_dim3A_144, %scan3A_164 = %broadcast_in_dim3A_146, %scan3A_165 = %broadcast_in_dim3A_148, %scan3A_166 = %broadcast_in_dim3A_150, %scan3A_167 = %broadcast_in_dim3A_152) -> (vector<16xf32>, vector<16xf32>, vector<16xf32>, vector<16xf32>, vector<16xf32>, vector<16xf32>, vector<16xf32>, vector<16xf32>)  : i32 {
      %mul3A_168 = arith.constant 4 : i32
      %mul3A_169 = arith.muli %scan3A_159, %mul3A_168 : i32
      %add3A_170 = arith.constant 0 : i32
      %add3A_171 = arith.addi %mul3A_169, %add3A_170 : i32
      %jit3A_172 = arith.constant 2 : i32
      %div3A_173 = arith.divsi %add3A_171, %jit3A_172 : i32
      %sign3A_174 = arith.constant 0 : i32
      %sign3A_175 = arith.cmpi sgt, %add3A_171, %sign3A_174 : i32
      %sign3A_176 = arith.extui %sign3A_175 : i1 to i32
      %sign3A_177 = arith.constant 0 : i32
      %sign3A_178 = arith.cmpi slt, %add3A_171, %sign3A_177 : i32
      %sign3A_179 = arith.extui %sign3A_178 : i1 to i32
      %sign3A_180 = arith.subi %sign3A_176, %sign3A_179 : i32
      %sign3A_181 = arith.constant 0 : i32
      %sign3A_182 = arith.cmpi sgt, %jit3A_172, %sign3A_181 : i32
      %sign3A_183 = arith.extui %sign3A_182 : i1 to i32
      %sign3A_184 = arith.constant 0 : i32
      %sign3A_185 = arith.cmpi slt, %jit3A_172, %sign3A_184 : i32
      %sign3A_186 = arith.extui %sign3A_185 : i1 to i32
      %sign3A_187 = arith.subi %sign3A_183, %sign3A_186 : i32
      %ne3A_188 = arith.cmpi ne, %sign3A_180, %sign3A_187 : i32
      %rem3A_189 = arith.remsi %add3A_171, %jit3A_172 : i32
      %ne3A_190 = arith.constant 0 : i32
      %ne3A_191 = arith.cmpi ne, %rem3A_189, %ne3A_190 : i32
      %and3A_192 = arith.andi %ne3A_188, %ne3A_191 : i1
      %sub3A_193 = arith.constant 1 : i32
      %sub3A_194 = arith.subi %div3A_173, %sub3A_193 : i32
      %select_n3A_195 = arith.select %and3A_192, %sub3A_194, %div3A_173 : i32
      %dma_wait3A = arith.constant 0 : i32
      %dma_wait3A_196 = arith.constant 0 : i32
      %dma_wait3A_197 = arith.constant 0 : i32
      %dma_wait3A_198 = tpu.memref_slice %arg8[%dma_wait3A, %dma_wait3A_196, %dma_wait3A_197] : memref<2x104x128xf32, #tpu.memory_space<vmem>> -> memref<1x104x128xf32, #tpu.memory_space<vmem>>
      %dma_wait3A_199 = tpu.memref_squeeze %dma_wait3A_198 : memref<1x104x128xf32, #tpu.memory_space<vmem>> -> memref<104x128xf32, #tpu.memory_space<vmem>>
      %dma_wait3A_200 = arith.constant 0 : i32
      %dma_wait3A_201 = tpu.memref_slice %arg6[%select_n3A_195, %dma_wait3A_200] : memref<32x104xi32, #tpu.memory_space<vmem>> -> memref<1x104xi32, #tpu.memory_space<vmem>>
      %dma_wait3A_202 = tpu.memref_squeeze %dma_wait3A_201 : memref<1x104xi32, #tpu.memory_space<vmem>> -> memref<104xi32, #tpu.memory_space<vmem>>
      %dma_wait3A_203 = arith.constant 0 : i32
      %dma_wait3A_204 = arith.constant 0 : i32
      %dma_wait3A_205 = tpu.memref_slice %arg2[%dma_wait3A_203, %dma_wait3A_204] : memref<100000x128xf32, #tpu.memory_space<hbm>> -> memref<100000x128xf32, #tpu.memory_space<hbm>>
      tpu.wait_indirect_dma semaphore(%arg11 : memref<!tpu.dma_semaphore, #tpu.memory_space<semaphore_mem>>) src(%dma_wait3A_205 : memref<100000x128xf32, #tpu.memory_space<hbm>>) dst(%dma_wait3A_199 : memref<104x128xf32, #tpu.memory_space<vmem>>)
      %scan3A_206 = arith.constant 0 : i32
      %scan3A_207 = arith.constant 104 : i32
      %scan3A_208 = arith.addi %scan3A_206, %scan3A_207 : i32
      %scan3A_209 = arith.constant 1 : i32
      %scan3A_210:8 = scf.for %scan3A_491 = %scan3A_206 to %scan3A_208 step %scan3A_209 iter_args(%scan3A_492 = %scan3A_160, %scan3A_493 = %scan3A_161, %scan3A_494 = %scan3A_162, %scan3A_495 = %scan3A_163, %scan3A_496 = %scan3A_164, %scan3A_497 = %scan3A_165, %scan3A_498 = %scan3A_166, %scan3A_499 = %scan3A_167) -> (vector<16xf32>, vector<16xf32>, vector<16xf32>, vector<16xf32>, vector<16xf32>, vector<16xf32>, vector<16xf32>, vector<16xf32>)  : i32 {
        %get3A = arith.constant 0 : i32
        %get3A_500 = arith.index_cast %get3A : i32 to index
        %get3A_501 = arith.index_cast %scan3A_491 : i32 to index
        %get3A_502 = arith.constant 0 : index
        %get3A_503 = tpu.vector_load %arg8[%get3A_500, %get3A_501, %get3A_502] {strides = array<i32>} : memref<2x104x128xf32, #tpu.memory_space<vmem>>, vector<1x1x16xf32>,
        %get3A_504 = vector.shape_cast %get3A_503 : vector<1x1x16xf32> to vector<16xf32>
        %add3A_505 = arith.addf %scan3A_492, %get3A_504 : vector<16xf32>
        %get3A_506 = arith.constant 0 : i32
        %get3A_507 = arith.index_cast %get3A_506 : i32 to index
        %get3A_508 = arith.index_cast %scan3A_491 : i32 to index
        %get3A_509 = arith.constant 16 : index
        %get3A_510 = tpu.vector_load %arg8[%get3A_507, %get3A_508, %get3A_509] {strides = array<i32>} : memref<2x104x128xf32, #tpu.memory_space<vmem>>, vector<1x1x16xf32>,
        %get3A_511 = vector.shape_cast %get3A_510 : vector<1x1x16xf32> to vector<16xf32>
        %add3A_512 = arith.addf %scan3A_493, %get3A_511 : vector<16xf32>
        %get3A_513 = arith.constant 0 : i32
        %get3A_514 = arith.index_cast %get3A_513 : i32 to index
        %get3A_515 = arith.index_cast %scan3A_491 : i32 to index
        %get3A_516 = arith.constant 32 : index
        %get3A_517 = tpu.vector_load %arg8[%get3A_514, %get3A_515, %get3A_516] {strides = array<i32>} : memref<2x104x128xf32, #tpu.memory_space<vmem>>, vector<1x1x16xf32>,
        %get3A_518 = vector.shape_cast %get3A_517 : vector<1x1x16xf32> to vector<16xf32>
        %add3A_519 = arith.addf %scan3A_494, %get3A_518 : vector<16xf32>
        %get3A_520 = arith.constant 0 : i32
        %get3A_521 = arith.index_cast %get3A_520 : i32 to index
        %get3A_522 = arith.index_cast %scan3A_491 : i32 to index
        %get3A_523 = arith.constant 48 : index
        %get3A_524 = tpu.vector_load %arg8[%get3A_521, %get3A_522, %get3A_523] {strides = array<i32>} : memref<2x104x128xf32, #tpu.memory_space<vmem>>, vector<1x1x16xf32>,
        %get3A_525 = vector.shape_cast %get3A_524 : vector<1x1x16xf32> to vector<16xf32>
        %add3A_526 = arith.addf %scan3A_495, %get3A_525 : vector<16xf32>
        %get3A_527 = arith.constant 0 : i32
        %get3A_528 = arith.index_cast %get3A_527 : i32 to index
        %get3A_529 = arith.index_cast %scan3A_491 : i32 to index
        %get3A_530 = arith.constant 64 : index
        %get3A_531 = tpu.vector_load %arg8[%get3A_528, %get3A_529, %get3A_530] {strides = array<i32>} : memref<2x104x128xf32, #tpu.memory_space<vmem>>, vector<1x1x16xf32>,
        %get3A_532 = vector.shape_cast %get3A_531 : vector<1x1x16xf32> to vector<16xf32>
        %add3A_533 = arith.addf %scan3A_496, %get3A_532 : vector<16xf32>
        %get3A_534 = arith.constant 0 : i32
        %get3A_535 = arith.index_cast %get3A_534 : i32 to index
        %get3A_536 = arith.index_cast %scan3A_491 : i32 to index
        %get3A_537 = arith.constant 80 : index
        %get3A_538 = tpu.vector_load %arg8[%get3A_535, %get3A_536, %get3A_537] {strides = array<i32>} : memref<2x104x128xf32, #tpu.memory_space<vmem>>, vector<1x1x16xf32>,
        %get3A_539 = vector.shape_cast %get3A_538 : vector<1x1x16xf32> to vector<16xf32>
        %add3A_540 = arith.addf %scan3A_497, %get3A_539 : vector<16xf32>
        %get3A_541 = arith.constant 0 : i32
        %get3A_542 = arith.index_cast %get3A_541 : i32 to index
        %get3A_543 = arith.index_cast %scan3A_491 : i32 to index
        %get3A_544 = arith.constant 96 : index
        %get3A_545 = tpu.vector_load %arg8[%get3A_542, %get3A_543, %get3A_544] {strides = array<i32>} : memref<2x104x128xf32, #tpu.memory_space<vmem>>, vector<1x1x16xf32>,
        %get3A_546 = vector.shape_cast %get3A_545 : vector<1x1x16xf32> to vector<16xf32>
        %add3A_547 = arith.addf %scan3A_498, %get3A_546 : vector<16xf32>
        %get3A_548 = arith.constant 0 : i32
        %get3A_549 = arith.index_cast %get3A_548 : i32 to index
        %get3A_550 = arith.index_cast %scan3A_491 : i32 to index
        %get3A_551 = arith.constant 112 : index
        %get3A_552 = tpu.vector_load %arg8[%get3A_549, %get3A_550, %get3A_551] {strides = array<i32>} : memref<2x104x128xf32, #tpu.memory_space<vmem>>, vector<1x1x16xf32>,
        %get3A_553 = vector.shape_cast %get3A_552 : vector<1x1x16xf32> to vector<16xf32>
        %add3A_554 = arith.addf %scan3A_499, %get3A_553 : vector<16xf32>
        scf.yield %add3A_505, %add3A_512, %add3A_519, %add3A_526, %add3A_533, %add3A_540, %add3A_547, %add3A_554 : vector<16xf32>, vector<16xf32>, vector<16xf32>, vector<16xf32>, vector<16xf32>, vector<16xf32>, vector<16xf32>, vector<16xf32>
      }
      %scan3A_211 = arith.constant 104 : i32
      %add3A_212 = arith.constant 4 : i32
      %add3A_213 = arith.addi %add3A_171, %add3A_212 : i32
      %lt3A = arith.constant 64 : i32
      %lt3A_214 = arith.cmpi slt, %add3A_213, %lt3A : i32
      %convert_element_type3A = arith.extui %lt3A_214 : i1 to i32
      %cond3A = arith.constant 0 : i32
      %cond3A_215 = arith.cmpi ne, %convert_element_type3A, %cond3A : i32
      scf.if %cond3A_215 {
        %jit3A_491 = arith.constant 2 : i32
        %div3A_492 = arith.divsi %add3A_213, %jit3A_491 : i32
        %sign3A_493 = arith.constant 0 : i32
        %sign3A_494 = arith.cmpi sgt, %add3A_213, %sign3A_493 : i32
        %sign3A_495 = arith.extui %sign3A_494 : i1 to i32
        %sign3A_496 = arith.constant 0 : i32
        %sign3A_497 = arith.cmpi slt, %add3A_213, %sign3A_496 : i32
        %sign3A_498 = arith.extui %sign3A_497 : i1 to i32
        %sign3A_499 = arith.subi %sign3A_495, %sign3A_498 : i32
        %sign3A_500 = arith.constant 0 : i32
        %sign3A_501 = arith.cmpi sgt, %jit3A_491, %sign3A_500 : i32
        %sign3A_502 = arith.extui %sign3A_501 : i1 to i32
        %sign3A_503 = arith.constant 0 : i32
        %sign3A_504 = arith.cmpi slt, %jit3A_491, %sign3A_503 : i32
        %sign3A_505 = arith.extui %sign3A_504 : i1 to i32
        %sign3A_506 = arith.subi %sign3A_502, %sign3A_505 : i32
        %ne3A_507 = arith.cmpi ne, %sign3A_499, %sign3A_506 : i32
        %rem3A_508 = arith.remsi %add3A_213, %jit3A_491 : i32
        %ne3A_509 = arith.constant 0 : i32
        %ne3A_510 = arith.cmpi ne, %rem3A_508, %ne3A_509 : i32
        %and3A_511 = arith.andi %ne3A_507, %ne3A_510 : i1
        %sub3A_512 = arith.constant 1 : i32
        %sub3A_513 = arith.subi %div3A_492, %sub3A_512 : i32
        %select_n3A_514 = arith.select %and3A_511, %sub3A_513, %div3A_492 : i32
        %dma_start3A_515 = arith.constant 0 : i32
        %dma_start3A_516 = arith.constant 0 : i32
        %dma_start3A_517 = arith.constant 0 : i32
        %dma_start3A_518 = tpu.memref_slice %arg8[%dma_start3A_515, %dma_start3A_516, %dma_start3A_517] : memref<2x104x128xf32, #tpu.memory_space<vmem>> -> memref<1x104x128xf32, #tpu.memory_space<vmem>>
        %dma_start3A_519 = tpu.memref_squeeze %dma_start3A_518 : memref<1x104x128xf32, #tpu.memory_space<vmem>> -> memref<104x128xf32, #tpu.memory_space<vmem>>
        %dma_start3A_520 = arith.constant 0 : i32
        %dma_start3A_521 = tpu.memref_slice %arg6[%select_n3A_514, %dma_start3A_520] : memref<32x104xi32, #tpu.memory_space<vmem>> -> memref<1x104xi32, #tpu.memory_space<vmem>>
        %dma_start3A_522 = tpu.memref_squeeze %dma_start3A_521 : memref<1x104xi32, #tpu.memory_space<vmem>> -> memref<104xi32, #tpu.memory_space<vmem>>
        %dma_start3A_523 = arith.constant 0 : i32
        %dma_start3A_524 = arith.constant 0 : i32
        %dma_start3A_525 = tpu.memref_slice %arg2[%dma_start3A_523, %dma_start3A_524] : memref<100000x128xf32, #tpu.memory_space<hbm>> -> memref<100000x128xf32, #tpu.memory_space<hbm>>
        tpu.enqueue_indirect_dma source(%dma_start3A_525 : memref<100000x128xf32, #tpu.memory_space<hbm>>) target(%dma_start3A_519 : memref<104x128xf32, #tpu.memory_space<vmem>>) offsets(%dma_start3A_522 : memref<104xi32, #tpu.memory_space<vmem>>) semaphore(%arg11 : memref<!tpu.dma_semaphore, #tpu.memory_space<semaphore_mem>>)
      } else {
      }
      %mul3A_216 = arith.constant 4 : i32
      %mul3A_217 = arith.muli %scan3A_159, %mul3A_216 : i32
      %add3A_218 = arith.constant 1 : i32
      %add3A_219 = arith.addi %mul3A_217, %add3A_218 : i32
      %jit3A_220 = arith.constant 2 : i32
      %div3A_221 = arith.divsi %add3A_219, %jit3A_220 : i32
      %sign3A_222 = arith.constant 0 : i32
      %sign3A_223 = arith.cmpi sgt, %add3A_219, %sign3A_222 : i32
      %sign3A_224 = arith.extui %sign3A_223 : i1 to i32
      %sign3A_225 = arith.constant 0 : i32
      %sign3A_226 = arith.cmpi slt, %add3A_219, %sign3A_225 : i32
      %sign3A_227 = arith.extui %sign3A_226 : i1 to i32
      %sign3A_228 = arith.subi %sign3A_224, %sign3A_227 : i32
      %sign3A_229 = arith.constant 0 : i32
      %sign3A_230 = arith.cmpi sgt, %jit3A_220, %sign3A_229 : i32
      %sign3A_231 = arith.extui %sign3A_230 : i1 to i32
      %sign3A_232 = arith.constant 0 : i32
      %sign3A_233 = arith.cmpi slt, %jit3A_220, %sign3A_232 : i32
      %sign3A_234 = arith.extui %sign3A_233 : i1 to i32
      %sign3A_235 = arith.subi %sign3A_231, %sign3A_234 : i32
      %ne3A_236 = arith.cmpi ne, %sign3A_228, %sign3A_235 : i32
      %rem3A_237 = arith.remsi %add3A_219, %jit3A_220 : i32
      %ne3A_238 = arith.constant 0 : i32
      %ne3A_239 = arith.cmpi ne, %rem3A_237, %ne3A_238 : i32
      %and3A_240 = arith.andi %ne3A_236, %ne3A_239 : i1
      %sub3A_241 = arith.constant 1 : i32
      %sub3A_242 = arith.subi %div3A_221, %sub3A_241 : i32
      %select_n3A_243 = arith.select %and3A_240, %sub3A_242, %div3A_221 : i32
      %dma_wait3A_244 = arith.constant 0 : i32
      %dma_wait3A_245 = arith.constant 0 : i32
      %dma_wait3A_246 = arith.constant 0 : i32
      %dma_wait3A_247 = tpu.memref_slice %arg9[%dma_wait3A_244, %dma_wait3A_245, %dma_wait3A_246] : memref<2x96x128xf32, #tpu.memory_space<vmem>> -> memref<1x96x128xf32, #tpu.memory_space<vmem>>
      %dma_wait3A_248 = tpu.memref_squeeze %dma_wait3A_247 : memref<1x96x128xf32, #tpu.memory_space<vmem>> -> memref<96x128xf32, #tpu.memory_space<vmem>>
      %dma_wait3A_249 = arith.constant 0 : i32
      %dma_wait3A_250 = tpu.memref_slice %arg7[%select_n3A_243, %dma_wait3A_249] : memref<32x96xi32, #tpu.memory_space<vmem>> -> memref<1x96xi32, #tpu.memory_space<vmem>>
      %dma_wait3A_251 = tpu.memref_squeeze %dma_wait3A_250 : memref<1x96xi32, #tpu.memory_space<vmem>> -> memref<96xi32, #tpu.memory_space<vmem>>
      %dma_wait3A_252 = arith.constant 0 : i32
      %dma_wait3A_253 = arith.constant 0 : i32
      %dma_wait3A_254 = tpu.memref_slice %arg2[%dma_wait3A_252, %dma_wait3A_253] : memref<100000x128xf32, #tpu.memory_space<hbm>> -> memref<100000x128xf32, #tpu.memory_space<hbm>>
      tpu.wait_indirect_dma semaphore(%arg12 : memref<!tpu.dma_semaphore, #tpu.memory_space<semaphore_mem>>) src(%dma_wait3A_254 : memref<100000x128xf32, #tpu.memory_space<hbm>>) dst(%dma_wait3A_248 : memref<96x128xf32, #tpu.memory_space<vmem>>)
      %scan3A_255 = arith.constant 0 : i32
      %scan3A_256 = arith.constant 96 : i32
      %scan3A_257 = arith.addi %scan3A_255, %scan3A_256 : i32
      %scan3A_258 = arith.constant 1 : i32
      %scan3A_259:8 = scf.for %scan3A_491 = %scan3A_255 to %scan3A_257 step %scan3A_258 iter_args(%scan3A_492 = %scan3A_210#0, %scan3A_493 = %scan3A_210#1, %scan3A_494 = %scan3A_210#2, %scan3A_495 = %scan3A_210#3, %scan3A_496 = %scan3A_210#4, %scan3A_497 = %scan3A_210#5, %scan3A_498 = %scan3A_210#6, %scan3A_499 = %scan3A_210#7) -> (vector<16xf32>, vector<16xf32>, vector<16xf32>, vector<16xf32>, vector<16xf32>, vector<16xf32>, vector<16xf32>, vector<16xf32>)  : i32 {
        %get3A = arith.constant 0 : i32
        %get3A_500 = arith.index_cast %get3A : i32 to index
        %get3A_501 = arith.index_cast %scan3A_491 : i32 to index
        %get3A_502 = arith.constant 0 : index
        %get3A_503 = tpu.vector_load %arg9[%get3A_500, %get3A_501, %get3A_502] {strides = array<i32>} : memref<2x96x128xf32, #tpu.memory_space<vmem>>, vector<1x1x16xf32>,
        %get3A_504 = vector.shape_cast %get3A_503 : vector<1x1x16xf32> to vector<16xf32>
        %add3A_505 = arith.addf %scan3A_492, %get3A_504 : vector<16xf32>
        %get3A_506 = arith.constant 0 : i32
        %get3A_507 = arith.index_cast %get3A_506 : i32 to index
        %get3A_508 = arith.index_cast %scan3A_491 : i32 to index
        %get3A_509 = arith.constant 16 : index
        %get3A_510 = tpu.vector_load %arg9[%get3A_507, %get3A_508, %get3A_509] {strides = array<i32>} : memref<2x96x128xf32, #tpu.memory_space<vmem>>, vector<1x1x16xf32>,
        %get3A_511 = vector.shape_cast %get3A_510 : vector<1x1x16xf32> to vector<16xf32>
        %add3A_512 = arith.addf %scan3A_493, %get3A_511 : vector<16xf32>
        %get3A_513 = arith.constant 0 : i32
        %get3A_514 = arith.index_cast %get3A_513 : i32 to index
        %get3A_515 = arith.index_cast %scan3A_491 : i32 to index
        %get3A_516 = arith.constant 32 : index
        %get3A_517 = tpu.vector_load %arg9[%get3A_514, %get3A_515, %get3A_516] {strides = array<i32>} : memref<2x96x128xf32, #tpu.memory_space<vmem>>, vector<1x1x16xf32>,
        %get3A_518 = vector.shape_cast %get3A_517 : vector<1x1x16xf32> to vector<16xf32>
        %add3A_519 = arith.addf %scan3A_494, %get3A_518 : vector<16xf32>
        %get3A_520 = arith.constant 0 : i32
        %get3A_521 = arith.index_cast %get3A_520 : i32 to index
        %get3A_522 = arith.index_cast %scan3A_491 : i32 to index
        %get3A_523 = arith.constant 48 : index
        %get3A_524 = tpu.vector_load %arg9[%get3A_521, %get3A_522, %get3A_523] {strides = array<i32>} : memref<2x96x128xf32, #tpu.memory_space<vmem>>, vector<1x1x16xf32>,
        %get3A_525 = vector.shape_cast %get3A_524 : vector<1x1x16xf32> to vector<16xf32>
        %add3A_526 = arith.addf %scan3A_495, %get3A_525 : vector<16xf32>
        %get3A_527 = arith.constant 0 : i32
        %get3A_528 = arith.index_cast %get3A_527 : i32 to index
        %get3A_529 = arith.index_cast %scan3A_491 : i32 to index
        %get3A_530 = arith.constant 64 : index
        %get3A_531 = tpu.vector_load %arg9[%get3A_528, %get3A_529, %get3A_530] {strides = array<i32>} : memref<2x96x128xf32, #tpu.memory_space<vmem>>, vector<1x1x16xf32>,
        %get3A_532 = vector.shape_cast %get3A_531 : vector<1x1x16xf32> to vector<16xf32>
        %add3A_533 = arith.addf %scan3A_496, %get3A_532 : vector<16xf32>
        %get3A_534 = arith.constant 0 : i32
        %get3A_535 = arith.index_cast %get3A_534 : i32 to index
        %get3A_536 = arith.index_cast %scan3A_491 : i32 to index
        %get3A_537 = arith.constant 80 : index
        %get3A_538 = tpu.vector_load %arg9[%get3A_535, %get3A_536, %get3A_537] {strides = array<i32>} : memref<2x96x128xf32, #tpu.memory_space<vmem>>, vector<1x1x16xf32>,
        %get3A_539 = vector.shape_cast %get3A_538 : vector<1x1x16xf32> to vector<16xf32>
        %add3A_540 = arith.addf %scan3A_497, %get3A_539 : vector<16xf32>
        %get3A_541 = arith.constant 0 : i32
        %get3A_542 = arith.index_cast %get3A_541 : i32 to index
        %get3A_543 = arith.index_cast %scan3A_491 : i32 to index
        %get3A_544 = arith.constant 96 : index
        %get3A_545 = tpu.vector_load %arg9[%get3A_542, %get3A_543, %get3A_544] {strides = array<i32>} : memref<2x96x128xf32, #tpu.memory_space<vmem>>, vector<1x1x16xf32>,
        %get3A_546 = vector.shape_cast %get3A_545 : vector<1x1x16xf32> to vector<16xf32>
        %add3A_547 = arith.addf %scan3A_498, %get3A_546 : vector<16xf32>
        %get3A_548 = arith.constant 0 : i32
        %get3A_549 = arith.index_cast %get3A_548 : i32 to index
        %get3A_550 = arith.index_cast %scan3A_491 : i32 to index
        %get3A_551 = arith.constant 112 : index
        %get3A_552 = tpu.vector_load %arg9[%get3A_549, %get3A_550, %get3A_551] {strides = array<i32>} : memref<2x96x128xf32, #tpu.memory_space<vmem>>, vector<1x1x16xf32>,
        %get3A_553 = vector.shape_cast %get3A_552 : vector<1x1x16xf32> to vector<16xf32>
        %add3A_554 = arith.addf %scan3A_499, %get3A_553 : vector<16xf32>
        scf.yield %add3A_505, %add3A_512, %add3A_519, %add3A_526, %add3A_533, %add3A_540, %add3A_547, %add3A_554 : vector<16xf32>, vector<16xf32>, vector<16xf32>, vector<16xf32>, vector<16xf32>, vector<16xf32>, vector<16xf32>, vector<16xf32>
      }
      %scan3A_260 = arith.constant 96 : i32
      %mul3A_261 = arith.constant 2 : i32
      %mul3A_262 = arith.muli %scan3A_159, %mul3A_261 : i32
      %add3A_263 = arith.constant 0 : i32
      %add3A_264 = arith.addi %mul3A_262, %add3A_263 : i32
      %mul3A_265 = vector.broadcast %scan3A : f32 to vector<16xf32>
      %mul3A_266 = arith.mulf %scan3A_259#0, %mul3A_265 : vector<16xf32>
      %swap3A = arith.index_cast %add3A_264 : i32 to index
      %swap3A_267 = arith.constant 0 : index
      %swap3A_268 = tpu.vector_load %arg10[%swap3A, %swap3A_267] {strides = array<i32>} : memref<32x128xf32, #tpu.memory_space<vmem>>, vector<1x16xf32>,
      %swap3A_269 = vector.shape_cast %swap3A_268 : vector<1x16xf32> to vector<16xf32>
      %swap3A_270 = vector.shape_cast %mul3A_266 : vector<16xf32> to vector<1x16xf32>
      tpu.vector_store %arg10[%swap3A, %swap3A_267], %swap3A_270 {strides = array<i32>} : memref<32x128xf32, #tpu.memory_space<vmem>>, vector<1x16xf32>,
      %mul3A_271 = vector.broadcast %scan3A : f32 to vector<16xf32>
      %mul3A_272 = arith.mulf %scan3A_259#1, %mul3A_271 : vector<16xf32>
      %swap3A_273 = arith.index_cast %add3A_264 : i32 to index
      %swap3A_274 = arith.constant 16 : index
      %swap3A_275 = tpu.vector_load %arg10[%swap3A_273, %swap3A_274] {strides = array<i32>} : memref<32x128xf32, #tpu.memory_space<vmem>>, vector<1x16xf32>,
      %swap3A_276 = vector.shape_cast %swap3A_275 : vector<1x16xf32> to vector<16xf32>
      %swap3A_277 = vector.shape_cast %mul3A_272 : vector<16xf32> to vector<1x16xf32>
      tpu.vector_store %arg10[%swap3A_273, %swap3A_274], %swap3A_277 {strides = array<i32>} : memref<32x128xf32, #tpu.memory_space<vmem>>, vector<1x16xf32>,
      %mul3A_278 = vector.broadcast %scan3A : f32 to vector<16xf32>
      %mul3A_279 = arith.mulf %scan3A_259#2, %mul3A_278 : vector<16xf32>
      %swap3A_280 = arith.index_cast %add3A_264 : i32 to index
      %swap3A_281 = arith.constant 32 : index
      %swap3A_282 = tpu.vector_load %arg10[%swap3A_280, %swap3A_281] {strides = array<i32>} : memref<32x128xf32, #tpu.memory_space<vmem>>, vector<1x16xf32>,
      %swap3A_283 = vector.shape_cast %swap3A_282 : vector<1x16xf32> to vector<16xf32>
      %swap3A_284 = vector.shape_cast %mul3A_279 : vector<16xf32> to vector<1x16xf32>
      tpu.vector_store %arg10[%swap3A_280, %swap3A_281], %swap3A_284 {strides = array<i32>} : memref<32x128xf32, #tpu.memory_space<vmem>>, vector<1x16xf32>,
      %mul3A_285 = vector.broadcast %scan3A : f32 to vector<16xf32>
      %mul3A_286 = arith.mulf %scan3A_259#3, %mul3A_285 : vector<16xf32>
      %swap3A_287 = arith.index_cast %add3A_264 : i32 to index
      %swap3A_288 = arith.constant 48 : index
      %swap3A_289 = tpu.vector_load %arg10[%swap3A_287, %swap3A_288] {strides = array<i32>} : memref<32x128xf32, #tpu.memory_space<vmem>>, vector<1x16xf32>,
      %swap3A_290 = vector.shape_cast %swap3A_289 : vector<1x16xf32> to vector<16xf32>
      %swap3A_291 = vector.shape_cast %mul3A_286 : vector<16xf32> to vector<1x16xf32>
      tpu.vector_store %arg10[%swap3A_287, %swap3A_288], %swap3A_291 {strides = array<i32>} : memref<32x128xf32, #tpu.memory_space<vmem>>, vector<1x16xf32>,
      %mul3A_292 = vector.broadcast %scan3A : f32 to vector<16xf32>
      %mul3A_293 = arith.mulf %scan3A_259#4, %mul3A_292 : vector<16xf32>
      %swap3A_294 = arith.index_cast %add3A_264 : i32 to index
      %swap3A_295 = arith.constant 64 : index
      %swap3A_296 = tpu.vector_load %arg10[%swap3A_294, %swap3A_295] {strides = array<i32>} : memref<32x128xf32, #tpu.memory_space<vmem>>, vector<1x16xf32>,
      %swap3A_297 = vector.shape_cast %swap3A_296 : vector<1x16xf32> to vector<16xf32>
      %swap3A_298 = vector.shape_cast %mul3A_293 : vector<16xf32> to vector<1x16xf32>
      tpu.vector_store %arg10[%swap3A_294, %swap3A_295], %swap3A_298 {strides = array<i32>} : memref<32x128xf32, #tpu.memory_space<vmem>>, vector<1x16xf32>,
      %mul3A_299 = vector.broadcast %scan3A : f32 to vector<16xf32>
      %mul3A_300 = arith.mulf %scan3A_259#5, %mul3A_299 : vector<16xf32>
      %swap3A_301 = arith.index_cast %add3A_264 : i32 to index
      %swap3A_302 = arith.constant 80 : index
      %swap3A_303 = tpu.vector_load %arg10[%swap3A_301, %swap3A_302] {strides = array<i32>} : memref<32x128xf32, #tpu.memory_space<vmem>>, vector<1x16xf32>,
      %swap3A_304 = vector.shape_cast %swap3A_303 : vector<1x16xf32> to vector<16xf32>
      %swap3A_305 = vector.shape_cast %mul3A_300 : vector<16xf32> to vector<1x16xf32>
      tpu.vector_store %arg10[%swap3A_301, %swap3A_302], %swap3A_305 {strides = array<i32>} : memref<32x128xf32, #tpu.memory_space<vmem>>, vector<1x16xf32>,
      %mul3A_306 = vector.broadcast %scan3A : f32 to vector<16xf32>
      %mul3A_307 = arith.mulf %scan3A_259#6, %mul3A_306 : vector<16xf32>
      %swap3A_308 = arith.index_cast %add3A_264 : i32 to index
      %swap3A_309 = arith.constant 96 : index
      %swap3A_310 = tpu.vector_load %arg10[%swap3A_308, %swap3A_309] {strides = array<i32>} : memref<32x128xf32, #tpu.memory_space<vmem>>, vector<1x16xf32>,
      %swap3A_311 = vector.shape_cast %swap3A_310 : vector<1x16xf32> to vector<16xf32>
      %swap3A_312 = vector.shape_cast %mul3A_307 : vector<16xf32> to vector<1x16xf32>
      tpu.vector_store %arg10[%swap3A_308, %swap3A_309], %swap3A_312 {strides = array<i32>} : memref<32x128xf32, #tpu.memory_space<vmem>>, vector<1x16xf32>,
      %mul3A_313 = vector.broadcast %scan3A : f32 to vector<16xf32>
      %mul3A_314 = arith.mulf %scan3A_259#7, %mul3A_313 : vector<16xf32>
      %swap3A_315 = arith.index_cast %add3A_264 : i32 to index
      %swap3A_316 = arith.constant 112 : index
      %swap3A_317 = tpu.vector_load %arg10[%swap3A_315, %swap3A_316] {strides = array<i32>} : memref<32x128xf32, #tpu.memory_space<vmem>>, vector<1x16xf32>,
      %swap3A_318 = vector.shape_cast %swap3A_317 : vector<1x16xf32> to vector<16xf32>
      %swap3A_319 = vector.shape_cast %mul3A_314 : vector<16xf32> to vector<1x16xf32>
      tpu.vector_store %arg10[%swap3A_315, %swap3A_316], %swap3A_319 {strides = array<i32>} : memref<32x128xf32, #tpu.memory_space<vmem>>, vector<1x16xf32>,
      %add3A_320 = arith.constant 4 : i32
      %add3A_321 = arith.addi %add3A_219, %add3A_320 : i32
      %lt3A_322 = arith.constant 64 : i32
      %lt3A_323 = arith.cmpi slt, %add3A_321, %lt3A_322 : i32
      %convert_element_type3A_324 = arith.extui %lt3A_323 : i1 to i32
      %cond3A_325 = arith.constant 0 : i32
      %cond3A_326 = arith.cmpi ne, %convert_element_type3A_324, %cond3A_325 : i32
      scf.if %cond3A_326 {
        %jit3A_491 = arith.constant 2 : i32
        %div3A_492 = arith.divsi %add3A_321, %jit3A_491 : i32
        %sign3A_493 = arith.constant 0 : i32
        %sign3A_494 = arith.cmpi sgt, %add3A_321, %sign3A_493 : i32
        %sign3A_495 = arith.extui %sign3A_494 : i1 to i32
        %sign3A_496 = arith.constant 0 : i32
        %sign3A_497 = arith.cmpi slt, %add3A_321, %sign3A_496 : i32
        %sign3A_498 = arith.extui %sign3A_497 : i1 to i32
        %sign3A_499 = arith.subi %sign3A_495, %sign3A_498 : i32
        %sign3A_500 = arith.constant 0 : i32
        %sign3A_501 = arith.cmpi sgt, %jit3A_491, %sign3A_500 : i32
        %sign3A_502 = arith.extui %sign3A_501 : i1 to i32
        %sign3A_503 = arith.constant 0 : i32
        %sign3A_504 = arith.cmpi slt, %jit3A_491, %sign3A_503 : i32
        %sign3A_505 = arith.extui %sign3A_504 : i1 to i32
        %sign3A_506 = arith.subi %sign3A_502, %sign3A_505 : i32
        %ne3A_507 = arith.cmpi ne, %sign3A_499, %sign3A_506 : i32
        %rem3A_508 = arith.remsi %add3A_321, %jit3A_491 : i32
        %ne3A_509 = arith.constant 0 : i32
        %ne3A_510 = arith.cmpi ne, %rem3A_508, %ne3A_509 : i32
        %and3A_511 = arith.andi %ne3A_507, %ne3A_510 : i1
        %sub3A_512 = arith.constant 1 : i32
        %sub3A_513 = arith.subi %div3A_492, %sub3A_512 : i32
        %select_n3A_514 = arith.select %and3A_511, %sub3A_513, %div3A_492 : i32
        %dma_start3A_515 = arith.constant 0 : i32
        %dma_start3A_516 = arith.constant 0 : i32
        %dma_start3A_517 = arith.constant 0 : i32
        %dma_start3A_518 = tpu.memref_slice %arg9[%dma_start3A_515, %dma_start3A_516, %dma_start3A_517] : memref<2x96x128xf32, #tpu.memory_space<vmem>> -> memref<1x96x128xf32, #tpu.memory_space<vmem>>
        %dma_start3A_519 = tpu.memref_squeeze %dma_start3A_518 : memref<1x96x128xf32, #tpu.memory_space<vmem>> -> memref<96x128xf32, #tpu.memory_space<vmem>>
        %dma_start3A_520 = arith.constant 0 : i32
        %dma_start3A_521 = tpu.memref_slice %arg7[%select_n3A_514, %dma_start3A_520] : memref<32x96xi32, #tpu.memory_space<vmem>> -> memref<1x96xi32, #tpu.memory_space<vmem>>
        %dma_start3A_522 = tpu.memref_squeeze %dma_start3A_521 : memref<1x96xi32, #tpu.memory_space<vmem>> -> memref<96xi32, #tpu.memory_space<vmem>>
        %dma_start3A_523 = arith.constant 0 : i32
        %dma_start3A_524 = arith.constant 0 : i32
        %dma_start3A_525 = tpu.memref_slice %arg2[%dma_start3A_523, %dma_start3A_524] : memref<100000x128xf32, #tpu.memory_space<hbm>> -> memref<100000x128xf32, #tpu.memory_space<hbm>>
        tpu.enqueue_indirect_dma source(%dma_start3A_525 : memref<100000x128xf32, #tpu.memory_space<hbm>>) target(%dma_start3A_519 : memref<96x128xf32, #tpu.memory_space<vmem>>) offsets(%dma_start3A_522 : memref<96xi32, #tpu.memory_space<vmem>>) semaphore(%arg12 : memref<!tpu.dma_semaphore, #tpu.memory_space<semaphore_mem>>)
      } else {
      }
      %mul3A_327 = arith.constant 4 : i32
      %mul3A_328 = arith.muli %scan3A_159, %mul3A_327 : i32
      %add3A_329 = arith.constant 2 : i32
      %add3A_330 = arith.addi %mul3A_328, %add3A_329 : i32
      %jit3A_331 = arith.constant 2 : i32
      %div3A_332 = arith.divsi %add3A_330, %jit3A_331 : i32
      %sign3A_333 = arith.constant 0 : i32
      %sign3A_334 = arith.cmpi sgt, %add3A_330, %sign3A_333 : i32
      %sign3A_335 = arith.extui %sign3A_334 : i1 to i32
      %sign3A_336 = arith.constant 0 : i32
      %sign3A_337 = arith.cmpi slt, %add3A_330, %sign3A_336 : i32
      %sign3A_338 = arith.extui %sign3A_337 : i1 to i32
      %sign3A_339 = arith.subi %sign3A_335, %sign3A_338 : i32
      %sign3A_340 = arith.constant 0 : i32
      %sign3A_341 = arith.cmpi sgt, %jit3A_331, %sign3A_340 : i32
      %sign3A_342 = arith.extui %sign3A_341 : i1 to i32
      %sign3A_343 = arith.constant 0 : i32
      %sign3A_344 = arith.cmpi slt, %jit3A_331, %sign3A_343 : i32
      %sign3A_345 = arith.extui %sign3A_344 : i1 to i32
      %sign3A_346 = arith.subi %sign3A_342, %sign3A_345 : i32
      %ne3A_347 = arith.cmpi ne, %sign3A_339, %sign3A_346 : i32
      %rem3A_348 = arith.remsi %add3A_330, %jit3A_331 : i32
      %ne3A_349 = arith.constant 0 : i32
      %ne3A_350 = arith.cmpi ne, %rem3A_348, %ne3A_349 : i32
      %and3A_351 = arith.andi %ne3A_347, %ne3A_350 : i1
      %sub3A_352 = arith.constant 1 : i32
      %sub3A_353 = arith.subi %div3A_332, %sub3A_352 : i32
      %select_n3A_354 = arith.select %and3A_351, %sub3A_353, %div3A_332 : i32
      %dma_wait3A_355 = arith.constant 1 : i32
      %dma_wait3A_356 = arith.constant 0 : i32
      %dma_wait3A_357 = arith.constant 0 : i32
      %dma_wait3A_358 = tpu.memref_slice %arg8[%dma_wait3A_355, %dma_wait3A_356, %dma_wait3A_357] : memref<2x104x128xf32, #tpu.memory_space<vmem>> -> memref<1x104x128xf32, #tpu.memory_space<vmem>>
      %dma_wait3A_359 = tpu.memref_squeeze %dma_wait3A_358 : memref<1x104x128xf32, #tpu.memory_space<vmem>> -> memref<104x128xf32, #tpu.memory_space<vmem>>
      %dma_wait3A_360 = arith.constant 0 : i32
      %dma_wait3A_361 = tpu.memref_slice %arg6[%select_n3A_354, %dma_wait3A_360] : memref<32x104xi32, #tpu.memory_space<vmem>> -> memref<1x104xi32, #tpu.memory_space<vmem>>
      %dma_wait3A_362 = tpu.memref_squeeze %dma_wait3A_361 : memref<1x104xi32, #tpu.memory_space<vmem>> -> memref<104xi32, #tpu.memory_space<vmem>>
      %dma_wait3A_363 = arith.constant 0 : i32
      %dma_wait3A_364 = arith.constant 0 : i32
      %dma_wait3A_365 = tpu.memref_slice %arg2[%dma_wait3A_363, %dma_wait3A_364] : memref<100000x128xf32, #tpu.memory_space<hbm>> -> memref<100000x128xf32, #tpu.memory_space<hbm>>
      tpu.wait_indirect_dma semaphore(%arg13 : memref<!tpu.dma_semaphore, #tpu.memory_space<semaphore_mem>>) src(%dma_wait3A_365 : memref<100000x128xf32, #tpu.memory_space<hbm>>) dst(%dma_wait3A_359 : memref<104x128xf32, #tpu.memory_space<vmem>>)
      %scan3A_366 = arith.constant 0 : i32
      %scan3A_367 = arith.constant 104 : i32
      %scan3A_368 = arith.addi %scan3A_366, %scan3A_367 : i32
      %scan3A_369 = arith.constant 1 : i32
      %scan3A_370:8 = scf.for %scan3A_491 = %scan3A_366 to %scan3A_368 step %scan3A_369 iter_args(%scan3A_492 = %broadcast_in_dim3A_138, %scan3A_493 = %broadcast_in_dim3A_140, %scan3A_494 = %broadcast_in_dim3A_142, %scan3A_495 = %broadcast_in_dim3A_144, %scan3A_496 = %broadcast_in_dim3A_146, %scan3A_497 = %broadcast_in_dim3A_148, %scan3A_498 = %broadcast_in_dim3A_150, %scan3A_499 = %broadcast_in_dim3A_152) -> (vector<16xf32>, vector<16xf32>, vector<16xf32>, vector<16xf32>, vector<16xf32>, vector<16xf32>, vector<16xf32>, vector<16xf32>)  : i32 {
        %get3A = arith.constant 1 : i32
        %get3A_500 = arith.index_cast %get3A : i32 to index
        %get3A_501 = arith.index_cast %scan3A_491 : i32 to index
        %get3A_502 = arith.constant 0 : index
        %get3A_503 = tpu.vector_load %arg8[%get3A_500, %get3A_501, %get3A_502] {strides = array<i32>} : memref<2x104x128xf32, #tpu.memory_space<vmem>>, vector<1x1x16xf32>,
        %get3A_504 = vector.shape_cast %get3A_503 : vector<1x1x16xf32> to vector<16xf32>
        %add3A_505 = arith.addf %scan3A_492, %get3A_504 : vector<16xf32>
        %get3A_506 = arith.constant 1 : i32
        %get3A_507 = arith.index_cast %get3A_506 : i32 to index
        %get3A_508 = arith.index_cast %scan3A_491 : i32 to index
        %get3A_509 = arith.constant 16 : index
        %get3A_510 = tpu.vector_load %arg8[%get3A_507, %get3A_508, %get3A_509] {strides = array<i32>} : memref<2x104x128xf32, #tpu.memory_space<vmem>>, vector<1x1x16xf32>,
        %get3A_511 = vector.shape_cast %get3A_510 : vector<1x1x16xf32> to vector<16xf32>
        %add3A_512 = arith.addf %scan3A_493, %get3A_511 : vector<16xf32>
        %get3A_513 = arith.constant 1 : i32
        %get3A_514 = arith.index_cast %get3A_513 : i32 to index
        %get3A_515 = arith.index_cast %scan3A_491 : i32 to index
        %get3A_516 = arith.constant 32 : index
        %get3A_517 = tpu.vector_load %arg8[%get3A_514, %get3A_515, %get3A_516] {strides = array<i32>} : memref<2x104x128xf32, #tpu.memory_space<vmem>>, vector<1x1x16xf32>,
        %get3A_518 = vector.shape_cast %get3A_517 : vector<1x1x16xf32> to vector<16xf32>
        %add3A_519 = arith.addf %scan3A_494, %get3A_518 : vector<16xf32>
        %get3A_520 = arith.constant 1 : i32
        %get3A_521 = arith.index_cast %get3A_520 : i32 to index
        %get3A_522 = arith.index_cast %scan3A_491 : i32 to index
        %get3A_523 = arith.constant 48 : index
        %get3A_524 = tpu.vector_load %arg8[%get3A_521, %get3A_522, %get3A_523] {strides = array<i32>} : memref<2x104x128xf32, #tpu.memory_space<vmem>>, vector<1x1x16xf32>,
        %get3A_525 = vector.shape_cast %get3A_524 : vector<1x1x16xf32> to vector<16xf32>
        %add3A_526 = arith.addf %scan3A_495, %get3A_525 : vector<16xf32>
        %get3A_527 = arith.constant 1 : i32
        %get3A_528 = arith.index_cast %get3A_527 : i32 to index
        %get3A_529 = arith.index_cast %scan3A_491 : i32 to index
        %get3A_530 = arith.constant 64 : index
        %get3A_531 = tpu.vector_load %arg8[%get3A_528, %get3A_529, %get3A_530] {strides = array<i32>} : memref<2x104x128xf32, #tpu.memory_space<vmem>>, vector<1x1x16xf32>,
        %get3A_532 = vector.shape_cast %get3A_531 : vector<1x1x16xf32> to vector<16xf32>
        %add3A_533 = arith.addf %scan3A_496, %get3A_532 : vector<16xf32>
        %get3A_534 = arith.constant 1 : i32
        %get3A_535 = arith.index_cast %get3A_534 : i32 to index
        %get3A_536 = arith.index_cast %scan3A_491 : i32 to index
        %get3A_537 = arith.constant 80 : index
        %get3A_538 = tpu.vector_load %arg8[%get3A_535, %get3A_536, %get3A_537] {strides = array<i32>} : memref<2x104x128xf32, #tpu.memory_space<vmem>>, vector<1x1x16xf32>,
        %get3A_539 = vector.shape_cast %get3A_538 : vector<1x1x16xf32> to vector<16xf32>
        %add3A_540 = arith.addf %scan3A_497, %get3A_539 : vector<16xf32>
        %get3A_541 = arith.constant 1 : i32
        %get3A_542 = arith.index_cast %get3A_541 : i32 to index
        %get3A_543 = arith.index_cast %scan3A_491 : i32 to index
        %get3A_544 = arith.constant 96 : index
        %get3A_545 = tpu.vector_load %arg8[%get3A_542, %get3A_543, %get3A_544] {strides = array<i32>} : memref<2x104x128xf32, #tpu.memory_space<vmem>>, vector<1x1x16xf32>,
        %get3A_546 = vector.shape_cast %get3A_545 : vector<1x1x16xf32> to vector<16xf32>
        %add3A_547 = arith.addf %scan3A_498, %get3A_546 : vector<16xf32>
        %get3A_548 = arith.constant 1 : i32
        %get3A_549 = arith.index_cast %get3A_548 : i32 to index
        %get3A_550 = arith.index_cast %scan3A_491 : i32 to index
        %get3A_551 = arith.constant 112 : index
        %get3A_552 = tpu.vector_load %arg8[%get3A_549, %get3A_550, %get3A_551] {strides = array<i32>} : memref<2x104x128xf32, #tpu.memory_space<vmem>>, vector<1x1x16xf32>,
        %get3A_553 = vector.shape_cast %get3A_552 : vector<1x1x16xf32> to vector<16xf32>
        %add3A_554 = arith.addf %scan3A_499, %get3A_553 : vector<16xf32>
        scf.yield %add3A_505, %add3A_512, %add3A_519, %add3A_526, %add3A_533, %add3A_540, %add3A_547, %add3A_554 : vector<16xf32>, vector<16xf32>, vector<16xf32>, vector<16xf32>, vector<16xf32>, vector<16xf32>, vector<16xf32>, vector<16xf32>
      }
      %scan3A_371 = arith.constant 104 : i32
      %add3A_372 = arith.constant 4 : i32
      %add3A_373 = arith.addi %add3A_330, %add3A_372 : i32
      %lt3A_374 = arith.constant 64 : i32
      %lt3A_375 = arith.cmpi slt, %add3A_373, %lt3A_374 : i32
      %convert_element_type3A_376 = arith.extui %lt3A_375 : i1 to i32
      %cond3A_377 = arith.constant 0 : i32
      %cond3A_378 = arith.cmpi ne, %convert_element_type3A_376, %cond3A_377 : i32
      scf.if %cond3A_378 {
        %jit3A_491 = arith.constant 2 : i32
        %div3A_492 = arith.divsi %add3A_373, %jit3A_491 : i32
        %sign3A_493 = arith.constant 0 : i32
        %sign3A_494 = arith.cmpi sgt, %add3A_373, %sign3A_493 : i32
        %sign3A_495 = arith.extui %sign3A_494 : i1 to i32
        %sign3A_496 = arith.constant 0 : i32
        %sign3A_497 = arith.cmpi slt, %add3A_373, %sign3A_496 : i32
        %sign3A_498 = arith.extui %sign3A_497 : i1 to i32
        %sign3A_499 = arith.subi %sign3A_495, %sign3A_498 : i32
        %sign3A_500 = arith.constant 0 : i32
        %sign3A_501 = arith.cmpi sgt, %jit3A_491, %sign3A_500 : i32
        %sign3A_502 = arith.extui %sign3A_501 : i1 to i32
        %sign3A_503 = arith.constant 0 : i32
        %sign3A_504 = arith.cmpi slt, %jit3A_491, %sign3A_503 : i32
        %sign3A_505 = arith.extui %sign3A_504 : i1 to i32
        %sign3A_506 = arith.subi %sign3A_502, %sign3A_505 : i32
        %ne3A_507 = arith.cmpi ne, %sign3A_499, %sign3A_506 : i32
        %rem3A_508 = arith.remsi %add3A_373, %jit3A_491 : i32
        %ne3A_509 = arith.constant 0 : i32
        %ne3A_510 = arith.cmpi ne, %rem3A_508, %ne3A_509 : i32
        %and3A_511 = arith.andi %ne3A_507, %ne3A_510 : i1
        %sub3A_512 = arith.constant 1 : i32
        %sub3A_513 = arith.subi %div3A_492, %sub3A_512 : i32
        %select_n3A_514 = arith.select %and3A_511, %sub3A_513, %div3A_492 : i32
        %dma_start3A_515 = arith.constant 1 : i32
        %dma_start3A_516 = arith.constant 0 : i32
        %dma_start3A_517 = arith.constant 0 : i32
        %dma_start3A_518 = tpu.memref_slice %arg8[%dma_start3A_515, %dma_start3A_516, %dma_start3A_517] : memref<2x104x128xf32, #tpu.memory_space<vmem>> -> memref<1x104x128xf32, #tpu.memory_space<vmem>>
        %dma_start3A_519 = tpu.memref_squeeze %dma_start3A_518 : memref<1x104x128xf32, #tpu.memory_space<vmem>> -> memref<104x128xf32, #tpu.memory_space<vmem>>
        %dma_start3A_520 = arith.constant 0 : i32
        %dma_start3A_521 = tpu.memref_slice %arg6[%select_n3A_514, %dma_start3A_520] : memref<32x104xi32, #tpu.memory_space<vmem>> -> memref<1x104xi32, #tpu.memory_space<vmem>>
        %dma_start3A_522 = tpu.memref_squeeze %dma_start3A_521 : memref<1x104xi32, #tpu.memory_space<vmem>> -> memref<104xi32, #tpu.memory_space<vmem>>
        %dma_start3A_523 = arith.constant 0 : i32
        %dma_start3A_524 = arith.constant 0 : i32
        %dma_start3A_525 = tpu.memref_slice %arg2[%dma_start3A_523, %dma_start3A_524] : memref<100000x128xf32, #tpu.memory_space<hbm>> -> memref<100000x128xf32, #tpu.memory_space<hbm>>
        tpu.enqueue_indirect_dma source(%dma_start3A_525 : memref<100000x128xf32, #tpu.memory_space<hbm>>) target(%dma_start3A_519 : memref<104x128xf32, #tpu.memory_space<vmem>>) offsets(%dma_start3A_522 : memref<104xi32, #tpu.memory_space<vmem>>) semaphore(%arg13 : memref<!tpu.dma_semaphore, #tpu.memory_space<semaphore_mem>>)
      } else {
      }
      %mul3A_379 = arith.constant 4 : i32
      %mul3A_380 = arith.muli %scan3A_159, %mul3A_379 : i32
      %add3A_381 = arith.constant 3 : i32
      %add3A_382 = arith.addi %mul3A_380, %add3A_381 : i32
      %jit3A_383 = arith.constant 2 : i32
      %div3A_384 = arith.divsi %add3A_382, %jit3A_383 : i32
      %sign3A_385 = arith.constant 0 : i32
      %sign3A_386 = arith.cmpi sgt, %add3A_382, %sign3A_385 : i32
      %sign3A_387 = arith.extui %sign3A_386 : i1 to i32
      %sign3A_388 = arith.constant 0 : i32
      %sign3A_389 = arith.cmpi slt, %add3A_382, %sign3A_388 : i32
      %sign3A_390 = arith.extui %sign3A_389 : i1 to i32
      %sign3A_391 = arith.subi %sign3A_387, %sign3A_390 : i32
      %sign3A_392 = arith.constant 0 : i32
      %sign3A_393 = arith.cmpi sgt, %jit3A_383, %sign3A_392 : i32
      %sign3A_394 = arith.extui %sign3A_393 : i1 to i32
      %sign3A_395 = arith.constant 0 : i32
      %sign3A_396 = arith.cmpi slt, %jit3A_383, %sign3A_395 : i32
      %sign3A_397 = arith.extui %sign3A_396 : i1 to i32
      %sign3A_398 = arith.subi %sign3A_394, %sign3A_397 : i32
      %ne3A_399 = arith.cmpi ne, %sign3A_391, %sign3A_398 : i32
      %rem3A_400 = arith.remsi %add3A_382, %jit3A_383 : i32
      %ne3A_401 = arith.constant 0 : i32
      %ne3A_402 = arith.cmpi ne, %rem3A_400, %ne3A_401 : i32
      %and3A_403 = arith.andi %ne3A_399, %ne3A_402 : i1
      %sub3A_404 = arith.constant 1 : i32
      %sub3A_405 = arith.subi %div3A_384, %sub3A_404 : i32
      %select_n3A_406 = arith.select %and3A_403, %sub3A_405, %div3A_384 : i32
      %dma_wait3A_407 = arith.constant 1 : i32
      %dma_wait3A_408 = arith.constant 0 : i32
      %dma_wait3A_409 = arith.constant 0 : i32
      %dma_wait3A_410 = tpu.memref_slice %arg9[%dma_wait3A_407, %dma_wait3A_408, %dma_wait3A_409] : memref<2x96x128xf32, #tpu.memory_space<vmem>> -> memref<1x96x128xf32, #tpu.memory_space<vmem>>
      %dma_wait3A_411 = tpu.memref_squeeze %dma_wait3A_410 : memref<1x96x128xf32, #tpu.memory_space<vmem>> -> memref<96x128xf32, #tpu.memory_space<vmem>>
      %dma_wait3A_412 = arith.constant 0 : i32
      %dma_wait3A_413 = tpu.memref_slice %arg7[%select_n3A_406, %dma_wait3A_412] : memref<32x96xi32, #tpu.memory_space<vmem>> -> memref<1x96xi32, #tpu.memory_space<vmem>>
      %dma_wait3A_414 = tpu.memref_squeeze %dma_wait3A_413 : memref<1x96xi32, #tpu.memory_space<vmem>> -> memref<96xi32, #tpu.memory_space<vmem>>
      %dma_wait3A_415 = arith.constant 0 : i32
      %dma_wait3A_416 = arith.constant 0 : i32
      %dma_wait3A_417 = tpu.memref_slice %arg2[%dma_wait3A_415, %dma_wait3A_416] : memref<100000x128xf32, #tpu.memory_space<hbm>> -> memref<100000x128xf32, #tpu.memory_space<hbm>>
      tpu.wait_indirect_dma semaphore(%arg14 : memref<!tpu.dma_semaphore, #tpu.memory_space<semaphore_mem>>) src(%dma_wait3A_417 : memref<100000x128xf32, #tpu.memory_space<hbm>>) dst(%dma_wait3A_411 : memref<96x128xf32, #tpu.memory_space<vmem>>)
      %scan3A_418 = arith.constant 0 : i32
      %scan3A_419 = arith.constant 96 : i32
      %scan3A_420 = arith.addi %scan3A_418, %scan3A_419 : i32
      %scan3A_421 = arith.constant 1 : i32
      %scan3A_422:8 = scf.for %scan3A_491 = %scan3A_418 to %scan3A_420 step %scan3A_421 iter_args(%scan3A_492 = %scan3A_370#0, %scan3A_493 = %scan3A_370#1, %scan3A_494 = %scan3A_370#2, %scan3A_495 = %scan3A_370#3, %scan3A_496 = %scan3A_370#4, %scan3A_497 = %scan3A_370#5, %scan3A_498 = %scan3A_370#6, %scan3A_499 = %scan3A_370#7) -> (vector<16xf32>, vector<16xf32>, vector<16xf32>, vector<16xf32>, vector<16xf32>, vector<16xf32>, vector<16xf32>, vector<16xf32>)  : i32 {
        %get3A = arith.constant 1 : i32
        %get3A_500 = arith.index_cast %get3A : i32 to index
        %get3A_501 = arith.index_cast %scan3A_491 : i32 to index
        %get3A_502 = arith.constant 0 : index
        %get3A_503 = tpu.vector_load %arg9[%get3A_500, %get3A_501, %get3A_502] {strides = array<i32>} : memref<2x96x128xf32, #tpu.memory_space<vmem>>, vector<1x1x16xf32>,
        %get3A_504 = vector.shape_cast %get3A_503 : vector<1x1x16xf32> to vector<16xf32>
        %add3A_505 = arith.addf %scan3A_492, %get3A_504 : vector<16xf32>
        %get3A_506 = arith.constant 1 : i32
        %get3A_507 = arith.index_cast %get3A_506 : i32 to index
        %get3A_508 = arith.index_cast %scan3A_491 : i32 to index
        %get3A_509 = arith.constant 16 : index
        %get3A_510 = tpu.vector_load %arg9[%get3A_507, %get3A_508, %get3A_509] {strides = array<i32>} : memref<2x96x128xf32, #tpu.memory_space<vmem>>, vector<1x1x16xf32>,
        %get3A_511 = vector.shape_cast %get3A_510 : vector<1x1x16xf32> to vector<16xf32>
        %add3A_512 = arith.addf %scan3A_493, %get3A_511 : vector<16xf32>
        %get3A_513 = arith.constant 1 : i32
        %get3A_514 = arith.index_cast %get3A_513 : i32 to index
        %get3A_515 = arith.index_cast %scan3A_491 : i32 to index
        %get3A_516 = arith.constant 32 : index
        %get3A_517 = tpu.vector_load %arg9[%get3A_514, %get3A_515, %get3A_516] {strides = array<i32>} : memref<2x96x128xf32, #tpu.memory_space<vmem>>, vector<1x1x16xf32>,
        %get3A_518 = vector.shape_cast %get3A_517 : vector<1x1x16xf32> to vector<16xf32>
        %add3A_519 = arith.addf %scan3A_494, %get3A_518 : vector<16xf32>
        %get3A_520 = arith.constant 1 : i32
        %get3A_521 = arith.index_cast %get3A_520 : i32 to index
        %get3A_522 = arith.index_cast %scan3A_491 : i32 to index
        %get3A_523 = arith.constant 48 : index
        %get3A_524 = tpu.vector_load %arg9[%get3A_521, %get3A_522, %get3A_523] {strides = array<i32>} : memref<2x96x128xf32, #tpu.memory_space<vmem>>, vector<1x1x16xf32>,
        %get3A_525 = vector.shape_cast %get3A_524 : vector<1x1x16xf32> to vector<16xf32>
        %add3A_526 = arith.addf %scan3A_495, %get3A_525 : vector<16xf32>
        %get3A_527 = arith.constant 1 : i32
        %get3A_528 = arith.index_cast %get3A_527 : i32 to index
        %get3A_529 = arith.index_cast %scan3A_491 : i32 to index
        %get3A_530 = arith.constant 64 : index
        %get3A_531 = tpu.vector_load %arg9[%get3A_528, %get3A_529, %get3A_530] {strides = array<i32>} : memref<2x96x128xf32, #tpu.memory_space<vmem>>, vector<1x1x16xf32>,
        %get3A_532 = vector.shape_cast %get3A_531 : vector<1x1x16xf32> to vector<16xf32>
        %add3A_533 = arith.addf %scan3A_496, %get3A_532 : vector<16xf32>
        %get3A_534 = arith.constant 1 : i32
        %get3A_535 = arith.index_cast %get3A_534 : i32 to index
        %get3A_536 = arith.index_cast %scan3A_491 : i32 to index
        %get3A_537 = arith.constant 80 : index
        %get3A_538 = tpu.vector_load %arg9[%get3A_535, %get3A_536, %get3A_537] {strides = array<i32>} : memref<2x96x128xf32, #tpu.memory_space<vmem>>, vector<1x1x16xf32>,
        %get3A_539 = vector.shape_cast %get3A_538 : vector<1x1x16xf32> to vector<16xf32>
        %add3A_540 = arith.addf %scan3A_497, %get3A_539 : vector<16xf32>
        %get3A_541 = arith.constant 1 : i32
        %get3A_542 = arith.index_cast %get3A_541 : i32 to index
        %get3A_543 = arith.index_cast %scan3A_491 : i32 to index
        %get3A_544 = arith.constant 96 : index
        %get3A_545 = tpu.vector_load %arg9[%get3A_542, %get3A_543, %get3A_544] {strides = array<i32>} : memref<2x96x128xf32, #tpu.memory_space<vmem>>, vector<1x1x16xf32>,
        %get3A_546 = vector.shape_cast %get3A_545 : vector<1x1x16xf32> to vector<16xf32>
        %add3A_547 = arith.addf %scan3A_498, %get3A_546 : vector<16xf32>
        %get3A_548 = arith.constant 1 : i32
        %get3A_549 = arith.index_cast %get3A_548 : i32 to index
        %get3A_550 = arith.index_cast %scan3A_491 : i32 to index
        %get3A_551 = arith.constant 112 : index
        %get3A_552 = tpu.vector_load %arg9[%get3A_549, %get3A_550, %get3A_551] {strides = array<i32>} : memref<2x96x128xf32, #tpu.memory_space<vmem>>, vector<1x1x16xf32>,
        %get3A_553 = vector.shape_cast %get3A_552 : vector<1x1x16xf32> to vector<16xf32>
        %add3A_554 = arith.addf %scan3A_499, %get3A_553 : vector<16xf32>
        scf.yield %add3A_505, %add3A_512, %add3A_519, %add3A_526, %add3A_533, %add3A_540, %add3A_547, %add3A_554 : vector<16xf32>, vector<16xf32>, vector<16xf32>, vector<16xf32>, vector<16xf32>, vector<16xf32>, vector<16xf32>, vector<16xf32>
      }
      %scan3A_423 = arith.constant 96 : i32
      %mul3A_424 = arith.constant 2 : i32
      %mul3A_425 = arith.muli %scan3A_159, %mul3A_424 : i32
      %add3A_426 = arith.constant 1 : i32
      %add3A_427 = arith.addi %mul3A_425, %add3A_426 : i32
      %mul3A_428 = vector.broadcast %scan3A : f32 to vector<16xf32>
      %mul3A_429 = arith.mulf %scan3A_422#0, %mul3A_428 : vector<16xf32>
      %swap3A_430 = arith.index_cast %add3A_427 : i32 to index
      %swap3A_431 = arith.constant 0 : index
      %swap3A_432 = tpu.vector_load %arg10[%swap3A_430, %swap3A_431] {strides = array<i32>} : memref<32x128xf32, #tpu.memory_space<vmem>>, vector<1x16xf32>,
      %swap3A_433 = vector.shape_cast %swap3A_432 : vector<1x16xf32> to vector<16xf32>
      %swap3A_434 = vector.shape_cast %mul3A_429 : vector<16xf32> to vector<1x16xf32>
      tpu.vector_store %arg10[%swap3A_430, %swap3A_431], %swap3A_434 {strides = array<i32>} : memref<32x128xf32, #tpu.memory_space<vmem>>, vector<1x16xf32>,
      %mul3A_435 = vector.broadcast %scan3A : f32 to vector<16xf32>
      %mul3A_436 = arith.mulf %scan3A_422#1, %mul3A_435 : vector<16xf32>
      %swap3A_437 = arith.index_cast %add3A_427 : i32 to index
      %swap3A_438 = arith.constant 16 : index
      %swap3A_439 = tpu.vector_load %arg10[%swap3A_437, %swap3A_438] {strides = array<i32>} : memref<32x128xf32, #tpu.memory_space<vmem>>, vector<1x16xf32>,
      %swap3A_440 = vector.shape_cast %swap3A_439 : vector<1x16xf32> to vector<16xf32>
      %swap3A_441 = vector.shape_cast %mul3A_436 : vector<16xf32> to vector<1x16xf32>
      tpu.vector_store %arg10[%swap3A_437, %swap3A_438], %swap3A_441 {strides = array<i32>} : memref<32x128xf32, #tpu.memory_space<vmem>>, vector<1x16xf32>,
      %mul3A_442 = vector.broadcast %scan3A : f32 to vector<16xf32>
      %mul3A_443 = arith.mulf %scan3A_422#2, %mul3A_442 : vector<16xf32>
      %swap3A_444 = arith.index_cast %add3A_427 : i32 to index
      %swap3A_445 = arith.constant 32 : index
      %swap3A_446 = tpu.vector_load %arg10[%swap3A_444, %swap3A_445] {strides = array<i32>} : memref<32x128xf32, #tpu.memory_space<vmem>>, vector<1x16xf32>,
      %swap3A_447 = vector.shape_cast %swap3A_446 : vector<1x16xf32> to vector<16xf32>
      %swap3A_448 = vector.shape_cast %mul3A_443 : vector<16xf32> to vector<1x16xf32>
      tpu.vector_store %arg10[%swap3A_444, %swap3A_445], %swap3A_448 {strides = array<i32>} : memref<32x128xf32, #tpu.memory_space<vmem>>, vector<1x16xf32>,
      %mul3A_449 = vector.broadcast %scan3A : f32 to vector<16xf32>
      %mul3A_450 = arith.mulf %scan3A_422#3, %mul3A_449 : vector<16xf32>
      %swap3A_451 = arith.index_cast %add3A_427 : i32 to index
      %swap3A_452 = arith.constant 48 : index
      %swap3A_453 = tpu.vector_load %arg10[%swap3A_451, %swap3A_452] {strides = array<i32>} : memref<32x128xf32, #tpu.memory_space<vmem>>, vector<1x16xf32>,
      %swap3A_454 = vector.shape_cast %swap3A_453 : vector<1x16xf32> to vector<16xf32>
      %swap3A_455 = vector.shape_cast %mul3A_450 : vector<16xf32> to vector<1x16xf32>
      tpu.vector_store %arg10[%swap3A_451, %swap3A_452], %swap3A_455 {strides = array<i32>} : memref<32x128xf32, #tpu.memory_space<vmem>>, vector<1x16xf32>,
      %mul3A_456 = vector.broadcast %scan3A : f32 to vector<16xf32>
      %mul3A_457 = arith.mulf %scan3A_422#4, %mul3A_456 : vector<16xf32>
      %swap3A_458 = arith.index_cast %add3A_427 : i32 to index
      %swap3A_459 = arith.constant 64 : index
      %swap3A_460 = tpu.vector_load %arg10[%swap3A_458, %swap3A_459] {strides = array<i32>} : memref<32x128xf32, #tpu.memory_space<vmem>>, vector<1x16xf32>,
      %swap3A_461 = vector.shape_cast %swap3A_460 : vector<1x16xf32> to vector<16xf32>
      %swap3A_462 = vector.shape_cast %mul3A_457 : vector<16xf32> to vector<1x16xf32>
      tpu.vector_store %arg10[%swap3A_458, %swap3A_459], %swap3A_462 {strides = array<i32>} : memref<32x128xf32, #tpu.memory_space<vmem>>, vector<1x16xf32>,
      %mul3A_463 = vector.broadcast %scan3A : f32 to vector<16xf32>
      %mul3A_464 = arith.mulf %scan3A_422#5, %mul3A_463 : vector<16xf32>
      %swap3A_465 = arith.index_cast %add3A_427 : i32 to index
      %swap3A_466 = arith.constant 80 : index
      %swap3A_467 = tpu.vector_load %arg10[%swap3A_465, %swap3A_466] {strides = array<i32>} : memref<32x128xf32, #tpu.memory_space<vmem>>, vector<1x16xf32>,
      %swap3A_468 = vector.shape_cast %swap3A_467 : vector<1x16xf32> to vector<16xf32>
      %swap3A_469 = vector.shape_cast %mul3A_464 : vector<16xf32> to vector<1x16xf32>
      tpu.vector_store %arg10[%swap3A_465, %swap3A_466], %swap3A_469 {strides = array<i32>} : memref<32x128xf32, #tpu.memory_space<vmem>>, vector<1x16xf32>,
      %mul3A_470 = vector.broadcast %scan3A : f32 to vector<16xf32>
      %mul3A_471 = arith.mulf %scan3A_422#6, %mul3A_470 : vector<16xf32>
      %swap3A_472 = arith.index_cast %add3A_427 : i32 to index
      %swap3A_473 = arith.constant 96 : index
      %swap3A_474 = tpu.vector_load %arg10[%swap3A_472, %swap3A_473] {strides = array<i32>} : memref<32x128xf32, #tpu.memory_space<vmem>>, vector<1x16xf32>,
      %swap3A_475 = vector.shape_cast %swap3A_474 : vector<1x16xf32> to vector<16xf32>
      %swap3A_476 = vector.shape_cast %mul3A_471 : vector<16xf32> to vector<1x16xf32>
      tpu.vector_store %arg10[%swap3A_472, %swap3A_473], %swap3A_476 {strides = array<i32>} : memref<32x128xf32, #tpu.memory_space<vmem>>, vector<1x16xf32>,
      %mul3A_477 = vector.broadcast %scan3A : f32 to vector<16xf32>
      %mul3A_478 = arith.mulf %scan3A_422#7, %mul3A_477 : vector<16xf32>
      %swap3A_479 = arith.index_cast %add3A_427 : i32 to index
      %swap3A_480 = arith.constant 112 : index
      %swap3A_481 = tpu.vector_load %arg10[%swap3A_479, %swap3A_480] {strides = array<i32>} : memref<32x128xf32, #tpu.memory_space<vmem>>, vector<1x16xf32>,
      %swap3A_482 = vector.shape_cast %swap3A_481 : vector<1x16xf32> to vector<16xf32>
      %swap3A_483 = vector.shape_cast %mul3A_478 : vector<16xf32> to vector<1x16xf32>
      tpu.vector_store %arg10[%swap3A_479, %swap3A_480], %swap3A_483 {strides = array<i32>} : memref<32x128xf32, #tpu.memory_space<vmem>>, vector<1x16xf32>,
      %add3A_484 = arith.constant 4 : i32
      %add3A_485 = arith.addi %add3A_382, %add3A_484 : i32
      %lt3A_486 = arith.constant 64 : i32
      %lt3A_487 = arith.cmpi slt, %add3A_485, %lt3A_486 : i32
      %convert_element_type3A_488 = arith.extui %lt3A_487 : i1 to i32
      %cond3A_489 = arith.constant 0 : i32
      %cond3A_490 = arith.cmpi ne, %convert_element_type3A_488, %cond3A_489 : i32
      scf.if %cond3A_490 {
        %jit3A_491 = arith.constant 2 : i32
        %div3A_492 = arith.divsi %add3A_485, %jit3A_491 : i32
        %sign3A_493 = arith.constant 0 : i32
        %sign3A_494 = arith.cmpi sgt, %add3A_485, %sign3A_493 : i32
        %sign3A_495 = arith.extui %sign3A_494 : i1 to i32
        %sign3A_496 = arith.constant 0 : i32
        %sign3A_497 = arith.cmpi slt, %add3A_485, %sign3A_496 : i32
        %sign3A_498 = arith.extui %sign3A_497 : i1 to i32
        %sign3A_499 = arith.subi %sign3A_495, %sign3A_498 : i32
        %sign3A_500 = arith.constant 0 : i32
        %sign3A_501 = arith.cmpi sgt, %jit3A_491, %sign3A_500 : i32
        %sign3A_502 = arith.extui %sign3A_501 : i1 to i32
        %sign3A_503 = arith.constant 0 : i32
        %sign3A_504 = arith.cmpi slt, %jit3A_491, %sign3A_503 : i32
        %sign3A_505 = arith.extui %sign3A_504 : i1 to i32
        %sign3A_506 = arith.subi %sign3A_502, %sign3A_505 : i32
        %ne3A_507 = arith.cmpi ne, %sign3A_499, %sign3A_506 : i32
        %rem3A_508 = arith.remsi %add3A_485, %jit3A_491 : i32
        %ne3A_509 = arith.constant 0 : i32
        %ne3A_510 = arith.cmpi ne, %rem3A_508, %ne3A_509 : i32
        %and3A_511 = arith.andi %ne3A_507, %ne3A_510 : i1
        %sub3A_512 = arith.constant 1 : i32
        %sub3A_513 = arith.subi %div3A_492, %sub3A_512 : i32
        %select_n3A_514 = arith.select %and3A_511, %sub3A_513, %div3A_492 : i32
        %dma_start3A_515 = arith.constant 1 : i32
        %dma_start3A_516 = arith.constant 0 : i32
        %dma_start3A_517 = arith.constant 0 : i32
        %dma_start3A_518 = tpu.memref_slice %arg9[%dma_start3A_515, %dma_start3A_516, %dma_start3A_517] : memref<2x96x128xf32, #tpu.memory_space<vmem>> -> memref<1x96x128xf32, #tpu.memory_space<vmem>>
        %dma_start3A_519 = tpu.memref_squeeze %dma_start3A_518 : memref<1x96x128xf32, #tpu.memory_space<vmem>> -> memref<96x128xf32, #tpu.memory_space<vmem>>
        %dma_start3A_520 = arith.constant 0 : i32
        %dma_start3A_521 = tpu.memref_slice %arg7[%select_n3A_514, %dma_start3A_520] : memref<32x96xi32, #tpu.memory_space<vmem>> -> memref<1x96xi32, #tpu.memory_space<vmem>>
        %dma_start3A_522 = tpu.memref_squeeze %dma_start3A_521 : memref<1x96xi32, #tpu.memory_space<vmem>> -> memref<96xi32, #tpu.memory_space<vmem>>
        %dma_start3A_523 = arith.constant 0 : i32
        %dma_start3A_524 = arith.constant 0 : i32
        %dma_start3A_525 = tpu.memref_slice %arg2[%dma_start3A_523, %dma_start3A_524] : memref<100000x128xf32, #tpu.memory_space<hbm>> -> memref<100000x128xf32, #tpu.memory_space<hbm>>
        tpu.enqueue_indirect_dma source(%dma_start3A_525 : memref<100000x128xf32, #tpu.memory_space<hbm>>) target(%dma_start3A_519 : memref<96x128xf32, #tpu.memory_space<vmem>>) offsets(%dma_start3A_522 : memref<96xi32, #tpu.memory_space<vmem>>) semaphore(%arg14 : memref<!tpu.dma_semaphore, #tpu.memory_space<semaphore_mem>>)
      } else {
      }
      scf.yield %broadcast_in_dim3A_138, %broadcast_in_dim3A_140, %broadcast_in_dim3A_142, %broadcast_in_dim3A_144, %broadcast_in_dim3A_146, %broadcast_in_dim3A_148, %broadcast_in_dim3A_150, %broadcast_in_dim3A_152 : vector<16xf32>, vector<16xf32>, vector<16xf32>, vector<16xf32>, vector<16xf32>, vector<16xf32>, vector<16xf32>, vector<16xf32>
    }
    %scan3A_158 = arith.constant 16 : i32
    "tpu.region"() ({
      %run_scoped3A = tpu.sem_alloc : memref<!tpu.dma_semaphore, #tpu.memory_space<semaphore_mem>>
      %dma_start3A_159 = arith.constant 0 : i32
      %dma_start3A_160 = tpu.memref_slice %arg5[%mul3A_2, %dma_start3A_159] : memref<1024x128xf32, #tpu.memory_space<hbm>> -> memref<32x128xf32, #tpu.memory_space<hbm>>
      %dma_start3A_161 = arith.constant 0 : i32
      %dma_start3A_162 = tpu.memref_slice %arg5[%mul3A_2, %dma_start3A_161] : memref<1024x128xf32, #tpu.memory_space<hbm>> -> memref<32x128xf32, #tpu.memory_space<hbm>>
      tpu.enqueue_dma source(%arg10 : memref<32x128xf32, #tpu.memory_space<vmem>>) target(%dma_start3A_162 : memref<32x128xf32, #tpu.memory_space<hbm>>) target_semaphore(%run_scoped3A : memref<!tpu.dma_semaphore, #tpu.memory_space<semaphore_mem>>)
      %dma_wait3A = arith.constant 0 : i32
      %dma_wait3A_163 = tpu.memref_slice %arg5[%mul3A_2, %dma_wait3A] : memref<1024x128xf32, #tpu.memory_space<hbm>> -> memref<32x128xf32, #tpu.memory_space<hbm>>
      %dma_wait3A_164 = arith.constant 0 : i32
      %dma_wait3A_165 = tpu.memref_slice %arg5[%mul3A_2, %dma_wait3A_164] : memref<1024x128xf32, #tpu.memory_space<hbm>> -> memref<32x128xf32, #tpu.memory_space<hbm>>
      tpu.wait_dma2 semaphore(%run_scoped3A : memref<!tpu.dma_semaphore, #tpu.memory_space<semaphore_mem>>) src(%arg10 : memref<32x128xf32, #tpu.memory_space<vmem>>) dst(%dma_wait3A_165 : memref<32x128xf32, #tpu.memory_space<hbm>>)
      tpu.yield
    }) : () -> ()
    return
  }
}

#map = affine_map<(d0, d1) -> (0, 0)>
module attributes {stable_mosaic.version = 14 : i64} {
  func.func @k(%arg0: i32, %arg1: i32, %arg2: memref<100000x128xf32, #tpu.memory_space<hbm>>, %arg3: memref<1024x104xi32, #tpu.memory_space<hbm>>, %arg4: memref<1024x96xi32, #tpu.memory_space<hbm>>, %arg5: memref<1024x128xf32, #tpu.memory_space<hbm>>, %arg6: memref<32x104xi32, #tpu.memory_space<vmem>>, %arg7: memref<32x96xi32, #tpu.memory_space<vmem>>, %arg8: memref<2x104x128xf32, #tpu.memory_space<vmem>>, %arg9: memref<2x96x128xf32, #tpu.memory_space<vmem>>, %arg10: memref<32x128xf32, #tpu.memory_space<vmem>>, %arg11: memref<!tpu.dma_semaphore, #tpu.memory_space<semaphore_mem>>, %arg12: memref<!tpu.dma_semaphore, #tpu.memory_space<semaphore_mem>>, %arg13: memref<!tpu.dma_semaphore, #tpu.memory_space<semaphore_mem>>, %arg14: memref<!tpu.dma_semaphore, #tpu.memory_space<semaphore_mem>>) attributes {dimension_semantics = [#tpu.dimension_semantics<core_parallel>, #tpu.dimension_semantics<subcore_parallel>], iteration_bounds = array<i64: 2, 16>, scalar_prefetch = 0 : i64, scratch_operands = 9 : i64, tpu.core_type = #tpu.core_type<sc_vector_subcore>, window_params = [{transform_indices = #map}, {transform_indices = #map}, {transform_indices = #map}, {transform_indices = #map}]} {
    %mul3A = arith.constant 2 : i32
    %mul3A_0 = arith.muli %arg1, %mul3A : i32
    %add3A = arith.addi %mul3A_0, %arg0 : i32
    %mul3A_1 = arith.constant 32 : i32
    %mul3A_2 = arith.muli %add3A, %mul3A_1 : i32
    "tpu.region"() ({
      %run_scoped3A = tpu.sem_alloc : memref<!tpu.dma_semaphore, #tpu.memory_space<semaphore_mem>>
      %dma_start3A_159 = arith.constant 0 : i32
      %dma_start3A_160 = tpu.memref_slice %arg3[%mul3A_2, %dma_start3A_159] : memref<1024x104xi32, #tpu.memory_space<hbm>> -> memref<32x104xi32, #tpu.memory_space<hbm>>
      %dma_start3A_161 = arith.constant 0 : i32
      %dma_start3A_162 = tpu.memref_slice %arg3[%mul3A_2, %dma_start3A_161] : memref<1024x104xi32, #tpu.memory_space<hbm>> -> memref<32x104xi32, #tpu.memory_space<hbm>>
      tpu.enqueue_dma source(%dma_start3A_162 : memref<32x104xi32, #tpu.memory_space<hbm>>) target(%arg6 : memref<32x104xi32, #tpu.memory_space<vmem>>) target_semaphore(%run_scoped3A : memref<!tpu.dma_semaphore, #tpu.memory_space<semaphore_mem>>)
      %dma_wait3A = arith.constant 0 : i32
      %dma_wait3A_163 = tpu.memref_slice %arg3[%mul3A_2, %dma_wait3A] : memref<1024x104xi32, #tpu.memory_space<hbm>> -> memref<32x104xi32, #tpu.memory_space<hbm>>
      %dma_wait3A_164 = arith.constant 0 : i32
      %dma_wait3A_165 = tpu.memref_slice %arg3[%mul3A_2, %dma_wait3A_164] : memref<1024x104xi32, #tpu.memory_space<hbm>> -> memref<32x104xi32, #tpu.memory_space<hbm>>
      tpu.wait_dma2 semaphore(%run_scoped3A : memref<!tpu.dma_semaphore, #tpu.memory_space<semaphore_mem>>) src(%dma_wait3A_165 : memref<32x104xi32, #tpu.memory_space<hbm>>) dst(%arg6 : memref<32x104xi32, #tpu.memory_space<vmem>>)
      tpu.yield
    }) : () -> ()
    "tpu.region"() ({
      %run_scoped3A = tpu.sem_alloc : memref<!tpu.dma_semaphore, #tpu.memory_space<semaphore_mem>>
      %dma_start3A_159 = arith.constant 0 : i32
      %dma_start3A_160 = tpu.memref_slice %arg4[%mul3A_2, %dma_start3A_159] : memref<1024x96xi32, #tpu.memory_space<hbm>> -> memref<32x96xi32, #tpu.memory_space<hbm>>
      %dma_start3A_161 = arith.constant 0 : i32
      %dma_start3A_162 = tpu.memref_slice %arg4[%mul3A_2, %dma_start3A_161] : memref<1024x96xi32, #tpu.memory_space<hbm>> -> memref<32x96xi32, #tpu.memory_space<hbm>>
      tpu.enqueue_dma source(%dma_start3A_162 : memref<32x96xi32, #tpu.memory_space<hbm>>) target(%arg7 : memref<32x96xi32, #tpu.memory_space<vmem>>) target_semaphore(%run_scoped3A : memref<!tpu.dma_semaphore, #tpu.memory_space<semaphore_mem>>)
      %dma_wait3A = arith.constant 0 : i32
      %dma_wait3A_163 = tpu.memref_slice %arg4[%mul3A_2, %dma_wait3A] : memref<1024x96xi32, #tpu.memory_space<hbm>> -> memref<32x96xi32, #tpu.memory_space<hbm>>
      %dma_wait3A_164 = arith.constant 0 : i32
      %dma_wait3A_165 = tpu.memref_slice %arg4[%mul3A_2, %dma_wait3A_164] : memref<1024x96xi32, #tpu.memory_space<hbm>> -> memref<32x96xi32, #tpu.memory_space<hbm>>
      tpu.wait_dma2 semaphore(%run_scoped3A : memref<!tpu.dma_semaphore, #tpu.memory_space<semaphore_mem>>) src(%dma_wait3A_165 : memref<32x96xi32, #tpu.memory_space<hbm>>) dst(%arg7 : memref<32x96xi32, #tpu.memory_space<vmem>>)
      tpu.yield
    }) : () -> ()
    %jit3A = arith.constant 0 : i32
    %jit3A_3 = arith.constant 2 : i32
    %div3A = arith.divsi %jit3A, %jit3A_3 : i32
    %sign3A = arith.constant 0 : i32
    %sign3A_4 = arith.cmpi sgt, %jit3A, %sign3A : i32
    %sign3A_5 = arith.extui %sign3A_4 : i1 to i32
    %sign3A_6 = arith.constant 0 : i32
    %sign3A_7 = arith.cmpi slt, %jit3A, %sign3A_6 : i32
    %sign3A_8 = arith.extui %sign3A_7 : i1 to i32
    %sign3A_9 = arith.subi %sign3A_5, %sign3A_8 : i32
    %sign3A_10 = arith.constant 0 : i32
    %sign3A_11 = arith.cmpi sgt, %jit3A_3, %sign3A_10 : i32
    %sign3A_12 = arith.extui %sign3A_11 : i1 to i32
    %sign3A_13 = arith.constant 0 : i32
    %sign3A_14 = arith.cmpi slt, %jit3A_3, %sign3A_13 : i32
    %sign3A_15 = arith.extui %sign3A_14 : i1 to i32
    %sign3A_16 = arith.subi %sign3A_12, %sign3A_15 : i32
    %ne3A = arith.cmpi ne, %sign3A_9, %sign3A_16 : i32
    %rem3A = arith.remsi %jit3A, %jit3A_3 : i32
    %ne3A_17 = arith.constant 0 : i32
    %ne3A_18 = arith.cmpi ne, %rem3A, %ne3A_17 : i32
    %and3A = arith.andi %ne3A, %ne3A_18 : i1
    %sub3A = arith.constant 1 : i32
    %sub3A_19 = arith.subi %div3A, %sub3A : i32
    %select_n3A = arith.select %and3A, %sub3A_19, %div3A : i32
    %dma_start3A = arith.constant 0 : i32
    %dma_start3A_20 = arith.constant 0 : i32
    %dma_start3A_21 = arith.constant 0 : i32
    %dma_start3A_22 = tpu.memref_slice %arg8[%dma_start3A, %dma_start3A_20, %dma_start3A_21] : memref<2x104x128xf32, #tpu.memory_space<vmem>> -> memref<1x104x128xf32, #tpu.memory_space<vmem>>
    %dma_start3A_23 = tpu.memref_squeeze %dma_start3A_22 : memref<1x104x128xf32, #tpu.memory_space<vmem>> -> memref<104x128xf32, #tpu.memory_space<vmem>>
    %dma_start3A_24 = arith.constant 0 : i32
    %dma_start3A_25 = tpu.memref_slice %arg6[%select_n3A, %dma_start3A_24] : memref<32x104xi32, #tpu.memory_space<vmem>> -> memref<1x104xi32, #tpu.memory_space<vmem>>
    %dma_start3A_26 = tpu.memref_squeeze %dma_start3A_25 : memref<1x104xi32, #tpu.memory_space<vmem>> -> memref<104xi32, #tpu.memory_space<vmem>>
    %dma_start3A_27 = arith.constant 0 : i32
    %dma_start3A_28 = arith.constant 0 : i32
    %dma_start3A_29 = tpu.memref_slice %arg2[%dma_start3A_27, %dma_start3A_28] : memref<100000x128xf32, #tpu.memory_space<hbm>> -> memref<100000x128xf32, #tpu.memory_space<hbm>>
    tpu.enqueue_indirect_dma source(%dma_start3A_29 : memref<100000x128xf32, #tpu.memory_space<hbm>>) target(%dma_start3A_23 : memref<104x128xf32, #tpu.memory_space<vmem>>) offsets(%dma_start3A_26 : memref<104xi32, #tpu.memory_space<vmem>>) semaphore(%arg11 : memref<!tpu.dma_semaphore, #tpu.memory_space<semaphore_mem>>)
    %jit3A_30 = arith.constant 1 : i32
    %jit3A_31 = arith.constant 2 : i32
    %div3A_32 = arith.divsi %jit3A_30, %jit3A_31 : i32
    %sign3A_33 = arith.constant 0 : i32
    %sign3A_34 = arith.cmpi sgt, %jit3A_30, %sign3A_33 : i32
    %sign3A_35 = arith.extui %sign3A_34 : i1 to i32
    %sign3A_36 = arith.constant 0 : i32
    %sign3A_37 = arith.cmpi slt, %jit3A_30, %sign3A_36 : i32
    %sign3A_38 = arith.extui %sign3A_37 : i1 to i32
    %sign3A_39 = arith.subi %sign3A_35, %sign3A_38 : i32
    %sign3A_40 = arith.constant 0 : i32
    %sign3A_41 = arith.cmpi sgt, %jit3A_31, %sign3A_40 : i32
    %sign3A_42 = arith.extui %sign3A_41 : i1 to i32
    %sign3A_43 = arith.constant 0 : i32
    %sign3A_44 = arith.cmpi slt, %jit3A_31, %sign3A_43 : i32
    %sign3A_45 = arith.extui %sign3A_44 : i1 to i32
    %sign3A_46 = arith.subi %sign3A_42, %sign3A_45 : i32
    %ne3A_47 = arith.cmpi ne, %sign3A_39, %sign3A_46 : i32
    %rem3A_48 = arith.remsi %jit3A_30, %jit3A_31 : i32
    %ne3A_49 = arith.constant 0 : i32
    %ne3A_50 = arith.cmpi ne, %rem3A_48, %ne3A_49 : i32
    %and3A_51 = arith.andi %ne3A_47, %ne3A_50 : i1
    %sub3A_52 = arith.constant 1 : i32
    %sub3A_53 = arith.subi %div3A_32, %sub3A_52 : i32
    %select_n3A_54 = arith.select %and3A_51, %sub3A_53, %div3A_32 : i32
    %dma_start3A_55 = arith.constant 0 : i32
    %dma_start3A_56 = arith.constant 0 : i32
    %dma_start3A_57 = arith.constant 0 : i32
    %dma_start3A_58 = tpu.memref_slice %arg9[%dma_start3A_55, %dma_start3A_56, %dma_start3A_57] : memref<2x96x128xf32, #tpu.memory_space<vmem>> -> memref<1x96x128xf32, #tpu.memory_space<vmem>>
    %dma_start3A_59 = tpu.memref_squeeze %dma_start3A_58 : memref<1x96x128xf32, #tpu.memory_space<vmem>> -> memref<96x128xf32, #tpu.memory_space<vmem>>
    %dma_start3A_60 = arith.constant 0 : i32
    %dma_start3A_61 = tpu.memref_slice %arg7[%select_n3A_54, %dma_start3A_60] : memref<32x96xi32, #tpu.memory_space<vmem>> -> memref<1x96xi32, #tpu.memory_space<vmem>>
    %dma_start3A_62 = tpu.memref_squeeze %dma_start3A_61 : memref<1x96xi32, #tpu.memory_space<vmem>> -> memref<96xi32, #tpu.memory_space<vmem>>
    %dma_start3A_63 = arith.constant 0 : i32
    %dma_start3A_64 = arith.constant 0 : i32
    %dma_start3A_65 = tpu.memref_slice %arg2[%dma_start3A_63, %dma_start3A_64] : memref<100000x128xf32, #tpu.memory_space<hbm>> -> memref<100000x128xf32, #tpu.memory_space<hbm>>
    tpu.enqueue_indirect_dma source(%dma_start3A_65 : memref<100000x128xf32, #tpu.memory_space<hbm>>) target(%dma_start3A_59 : memref<96x128xf32, #tpu.memory_space<vmem>>) offsets(%dma_start3A_62 : memref<96xi32, #tpu.memory_space<vmem>>) semaphore(%arg12 : memref<!tpu.dma_semaphore, #tpu.memory_space<semaphore_mem>>)
    %jit3A_66 = arith.constant 2 : i32
    %jit3A_67 = arith.constant 2 : i32
    %div3A_68 = arith.divsi %jit3A_66, %jit3A_67 : i32
    %sign3A_69 = arith.constant 0 : i32
    %sign3A_70 = arith.cmpi sgt, %jit3A_66, %sign3A_69 : i32
    %sign3A_71 = arith.extui %sign3A_70 : i1 to i32
    %sign3A_72 = arith.constant 0 : i32
    %sign3A_73 = arith.cmpi slt, %jit3A_66, %sign3A_72 : i32
    %sign3A_74 = arith.extui %sign3A_73 : i1 to i32
    %sign3A_75 = arith.subi %sign3A_71, %sign3A_74 : i32
    %sign3A_76 = arith.constant 0 : i32
    %sign3A_77 = arith.cmpi sgt, %jit3A_67, %sign3A_76 : i32
    %sign3A_78 = arith.extui %sign3A_77 : i1 to i32
    %sign3A_79 = arith.constant 0 : i32
    %sign3A_80 = arith.cmpi slt, %jit3A_67, %sign3A_79 : i32
    %sign3A_81 = arith.extui %sign3A_80 : i1 to i32
    %sign3A_82 = arith.subi %sign3A_78, %sign3A_81 : i32
    %ne3A_83 = arith.cmpi ne, %sign3A_75, %sign3A_82 : i32
    %rem3A_84 = arith.remsi %jit3A_66, %jit3A_67 : i32
    %ne3A_85 = arith.constant 0 : i32
    %ne3A_86 = arith.cmpi ne, %rem3A_84, %ne3A_85 : i32
    %and3A_87 = arith.andi %ne3A_83, %ne3A_86 : i1
    %sub3A_88 = arith.constant 1 : i32
    %sub3A_89 = arith.subi %div3A_68, %sub3A_88 : i32
    %select_n3A_90 = arith.select %and3A_87, %sub3A_89, %div3A_68 : i32
    %dma_start3A_91 = arith.constant 1 : i32
    %dma_start3A_92 = arith.constant 0 : i32
    %dma_start3A_93 = arith.constant 0 : i32
    %dma_start3A_94 = tpu.memref_slice %arg8[%dma_start3A_91, %dma_start3A_92, %dma_start3A_93] : memref<2x104x128xf32, #tpu.memory_space<vmem>> -> memref<1x104x128xf32, #tpu.memory_space<vmem>>
    %dma_start3A_95 = tpu.memref_squeeze %dma_start3A_94 : memref<1x104x128xf32, #tpu.memory_space<vmem>> -> memref<104x128xf32, #tpu.memory_space<vmem>>
    %dma_start3A_96 = arith.constant 0 : i32
    %dma_start3A_97 = tpu.memref_slice %arg6[%select_n3A_90, %dma_start3A_96] : memref<32x104xi32, #tpu.memory_space<vmem>> -> memref<1x104xi32, #tpu.memory_space<vmem>>
    %dma_start3A_98 = tpu.memref_squeeze %dma_start3A_97 : memref<1x104xi32, #tpu.memory_space<vmem>> -> memref<104xi32, #tpu.memory_space<vmem>>
    %dma_start3A_99 = arith.constant 0 : i32
    %dma_start3A_100 = arith.constant 0 : i32
    %dma_start3A_101 = tpu.memref_slice %arg2[%dma_start3A_99, %dma_start3A_100] : memref<100000x128xf32, #tpu.memory_space<hbm>> -> memref<100000x128xf32, #tpu.memory_space<hbm>>
    tpu.enqueue_indirect_dma source(%dma_start3A_101 : memref<100000x128xf32, #tpu.memory_space<hbm>>) target(%dma_start3A_95 : memref<104x128xf32, #tpu.memory_space<vmem>>) offsets(%dma_start3A_98 : memref<104xi32, #tpu.memory_space<vmem>>) semaphore(%arg13 : memref<!tpu.dma_semaphore, #tpu.memory_space<semaphore_mem>>)
    %jit3A_102 = arith.constant 3 : i32
    %jit3A_103 = arith.constant 2 : i32
    %div3A_104 = arith.divsi %jit3A_102, %jit3A_103 : i32
    %sign3A_105 = arith.constant 0 : i32
    %sign3A_106 = arith.cmpi sgt, %jit3A_102, %sign3A_105 : i32
    %sign3A_107 = arith.extui %sign3A_106 : i1 to i32
    %sign3A_108 = arith.constant 0 : i32
    %sign3A_109 = arith.cmpi slt, %jit3A_102, %sign3A_108 : i32
    %sign3A_110 = arith.extui %sign3A_109 : i1 to i32
    %sign3A_111 = arith.subi %sign3A_107, %sign3A_110 : i32
    %sign3A_112 = arith.constant 0 : i32
    %sign3A_113 = arith.cmpi sgt, %jit3A_103, %sign3A_112 : i32
    %sign3A_114 = arith.extui %sign3A_113 : i1 to i32
    %sign3A_115 = arith.constant 0 : i32
    %sign3A_116 = arith.cmpi slt, %jit3A_103, %sign3A_115 : i32
    %sign3A_117 = arith.extui %sign3A_116 : i1 to i32
    %sign3A_118 = arith.subi %sign3A_114, %sign3A_117 : i32
    %ne3A_119 = arith.cmpi ne, %sign3A_111, %sign3A_118 : i32
    %rem3A_120 = arith.remsi %jit3A_102, %jit3A_103 : i32
    %ne3A_121 = arith.constant 0 : i32
    %ne3A_122 = arith.cmpi ne, %rem3A_120, %ne3A_121 : i32
    %and3A_123 = arith.andi %ne3A_119, %ne3A_122 : i1
    %sub3A_124 = arith.constant 1 : i32
    %sub3A_125 = arith.subi %div3A_104, %sub3A_124 : i32
    %select_n3A_126 = arith.select %and3A_123, %sub3A_125, %div3A_104 : i32
    %dma_start3A_127 = arith.constant 1 : i32
    %dma_start3A_128 = arith.constant 0 : i32
    %dma_start3A_129 = arith.constant 0 : i32
    %dma_start3A_130 = tpu.memref_slice %arg9[%dma_start3A_127, %dma_start3A_128, %dma_start3A_129] : memref<2x96x128xf32, #tpu.memory_space<vmem>> -> memref<1x96x128xf32, #tpu.memory_space<vmem>>
    %dma_start3A_131 = tpu.memref_squeeze %dma_start3A_130 : memref<1x96x128xf32, #tpu.memory_space<vmem>> -> memref<96x128xf32, #tpu.memory_space<vmem>>
    %dma_start3A_132 = arith.constant 0 : i32
    %dma_start3A_133 = tpu.memref_slice %arg7[%select_n3A_126, %dma_start3A_132] : memref<32x96xi32, #tpu.memory_space<vmem>> -> memref<1x96xi32, #tpu.memory_space<vmem>>
    %dma_start3A_134 = tpu.memref_squeeze %dma_start3A_133 : memref<1x96xi32, #tpu.memory_space<vmem>> -> memref<96xi32, #tpu.memory_space<vmem>>
    %dma_start3A_135 = arith.constant 0 : i32
    %dma_start3A_136 = arith.constant 0 : i32
    %dma_start3A_137 = tpu.memref_slice %arg2[%dma_start3A_135, %dma_start3A_136] : memref<100000x128xf32, #tpu.memory_space<hbm>> -> memref<100000x128xf32, #tpu.memory_space<hbm>>
    tpu.enqueue_indirect_dma source(%dma_start3A_137 : memref<100000x128xf32, #tpu.memory_space<hbm>>) target(%dma_start3A_131 : memref<96x128xf32, #tpu.memory_space<vmem>>) offsets(%dma_start3A_134 : memref<96xi32, #tpu.memory_space<vmem>>) semaphore(%arg14 : memref<!tpu.dma_semaphore, #tpu.memory_space<semaphore_mem>>)
    %broadcast_in_dim3A = arith.constant 0.000000e+00 : f32
    %broadcast_in_dim3A_138 = vector.broadcast %broadcast_in_dim3A : f32 to vector<16xf32>
    %broadcast_in_dim3A_139 = arith.constant 0.000000e+00 : f32
    %broadcast_in_dim3A_140 = vector.broadcast %broadcast_in_dim3A_139 : f32 to vector<16xf32>
    %broadcast_in_dim3A_141 = arith.constant 0.000000e+00 : f32
    %broadcast_in_dim3A_142 = vector.broadcast %broadcast_in_dim3A_141 : f32 to vector<16xf32>
    %broadcast_in_dim3A_143 = arith.constant 0.000000e+00 : f32
    %broadcast_in_dim3A_144 = vector.broadcast %broadcast_in_dim3A_143 : f32 to vector<16xf32>
    %broadcast_in_dim3A_145 = arith.constant 0.000000e+00 : f32
    %broadcast_in_dim3A_146 = vector.broadcast %broadcast_in_dim3A_145 : f32 to vector<16xf32>
    %broadcast_in_dim3A_147 = arith.constant 0.000000e+00 : f32
    %broadcast_in_dim3A_148 = vector.broadcast %broadcast_in_dim3A_147 : f32 to vector<16xf32>
    %broadcast_in_dim3A_149 = arith.constant 0.000000e+00 : f32
    %broadcast_in_dim3A_150 = vector.broadcast %broadcast_in_dim3A_149 : f32 to vector<16xf32>
    %broadcast_in_dim3A_151 = arith.constant 0.000000e+00 : f32
    %broadcast_in_dim3A_152 = vector.broadcast %broadcast_in_dim3A_151 : f32 to vector<16xf32>
    %scan3A = arith.constant 5.000000e-03 : f32
    %scan3A_153 = arith.constant 0 : i32
    %scan3A_154 = arith.constant 16 : i32
    %scan3A_155 = arith.addi %scan3A_153, %scan3A_154 : i32
    %scan3A_156 = arith.constant 1 : i32
    %scan3A_157:8 = scf.for %scan3A_159 = %scan3A_153 to %scan3A_155 step %scan3A_156 iter_args(%scan3A_160 = %broadcast_in_dim3A_138, %scan3A_161 = %broadcast_in_dim3A_140, %scan3A_162 = %broadcast_in_dim3A_142, %scan3A_163 = %broadcast_in_dim3A_144, %scan3A_164 = %broadcast_in_dim3A_146, %scan3A_165 = %broadcast_in_dim3A_148, %scan3A_166 = %broadcast_in_dim3A_150, %scan3A_167 = %broadcast_in_dim3A_152) -> (vector<16xf32>, vector<16xf32>, vector<16xf32>, vector<16xf32>, vector<16xf32>, vector<16xf32>, vector<16xf32>, vector<16xf32>)  : i32 {
      %mul3A_168 = arith.constant 4 : i32
      %mul3A_169 = arith.muli %scan3A_159, %mul3A_168 : i32
      %add3A_170 = arith.constant 0 : i32
      %add3A_171 = arith.addi %mul3A_169, %add3A_170 : i32
      %jit3A_172 = arith.constant 2 : i32
      %div3A_173 = arith.divsi %add3A_171, %jit3A_172 : i32
      %sign3A_174 = arith.constant 0 : i32
      %sign3A_175 = arith.cmpi sgt, %add3A_171, %sign3A_174 : i32
      %sign3A_176 = arith.extui %sign3A_175 : i1 to i32
      %sign3A_177 = arith.constant 0 : i32
      %sign3A_178 = arith.cmpi slt, %add3A_171, %sign3A_177 : i32
      %sign3A_179 = arith.extui %sign3A_178 : i1 to i32
      %sign3A_180 = arith.subi %sign3A_176, %sign3A_179 : i32
      %sign3A_181 = arith.constant 0 : i32
      %sign3A_182 = arith.cmpi sgt, %jit3A_172, %sign3A_181 : i32
      %sign3A_183 = arith.extui %sign3A_182 : i1 to i32
      %sign3A_184 = arith.constant 0 : i32
      %sign3A_185 = arith.cmpi slt, %jit3A_172, %sign3A_184 : i32
      %sign3A_186 = arith.extui %sign3A_185 : i1 to i32
      %sign3A_187 = arith.subi %sign3A_183, %sign3A_186 : i32
      %ne3A_188 = arith.cmpi ne, %sign3A_180, %sign3A_187 : i32
      %rem3A_189 = arith.remsi %add3A_171, %jit3A_172 : i32
      %ne3A_190 = arith.constant 0 : i32
      %ne3A_191 = arith.cmpi ne, %rem3A_189, %ne3A_190 : i32
      %and3A_192 = arith.andi %ne3A_188, %ne3A_191 : i1
      %sub3A_193 = arith.constant 1 : i32
      %sub3A_194 = arith.subi %div3A_173, %sub3A_193 : i32
      %select_n3A_195 = arith.select %and3A_192, %sub3A_194, %div3A_173 : i32
      %dma_wait3A = arith.constant 0 : i32
      %dma_wait3A_196 = arith.constant 0 : i32
      %dma_wait3A_197 = arith.constant 0 : i32
      %dma_wait3A_198 = tpu.memref_slice %arg8[%dma_wait3A, %dma_wait3A_196, %dma_wait3A_197] : memref<2x104x128xf32, #tpu.memory_space<vmem>> -> memref<1x104x128xf32, #tpu.memory_space<vmem>>
      %dma_wait3A_199 = tpu.memref_squeeze %dma_wait3A_198 : memref<1x104x128xf32, #tpu.memory_space<vmem>> -> memref<104x128xf32, #tpu.memory_space<vmem>>
      %dma_wait3A_200 = arith.constant 0 : i32
      %dma_wait3A_201 = tpu.memref_slice %arg6[%select_n3A_195, %dma_wait3A_200] : memref<32x104xi32, #tpu.memory_space<vmem>> -> memref<1x104xi32, #tpu.memory_space<vmem>>
      %dma_wait3A_202 = tpu.memref_squeeze %dma_wait3A_201 : memref<1x104xi32, #tpu.memory_space<vmem>> -> memref<104xi32, #tpu.memory_space<vmem>>
      %dma_wait3A_203 = arith.constant 0 : i32
      %dma_wait3A_204 = arith.constant 0 : i32
      %dma_wait3A_205 = tpu.memref_slice %arg2[%dma_wait3A_203, %dma_wait3A_204] : memref<100000x128xf32, #tpu.memory_space<hbm>> -> memref<100000x128xf32, #tpu.memory_space<hbm>>
      tpu.wait_indirect_dma semaphore(%arg11 : memref<!tpu.dma_semaphore, #tpu.memory_space<semaphore_mem>>) src(%dma_wait3A_205 : memref<100000x128xf32, #tpu.memory_space<hbm>>) dst(%dma_wait3A_199 : memref<104x128xf32, #tpu.memory_space<vmem>>)
      %scan3A_206 = arith.constant 0 : i32
      %scan3A_207 = arith.constant 104 : i32
      %scan3A_208 = arith.addi %scan3A_206, %scan3A_207 : i32
      %scan3A_209 = arith.constant 1 : i32
      %scan3A_210:8 = scf.for %scan3A_491 = %scan3A_206 to %scan3A_208 step %scan3A_209 iter_args(%scan3A_492 = %scan3A_160, %scan3A_493 = %scan3A_161, %scan3A_494 = %scan3A_162, %scan3A_495 = %scan3A_163, %scan3A_496 = %scan3A_164, %scan3A_497 = %scan3A_165, %scan3A_498 = %scan3A_166, %scan3A_499 = %scan3A_167) -> (vector<16xf32>, vector<16xf32>, vector<16xf32>, vector<16xf32>, vector<16xf32>, vector<16xf32>, vector<16xf32>, vector<16xf32>)  : i32 {
        %get3A = arith.constant 0 : i32
        %get3A_500 = arith.index_cast %get3A : i32 to index
        %get3A_501 = arith.index_cast %scan3A_491 : i32 to index
        %get3A_502 = arith.constant 0 : index
        %get3A_503 = tpu.vector_load %arg8[%get3A_500, %get3A_501, %get3A_502] {strides = array<i32>} : memref<2x104x128xf32, #tpu.memory_space<vmem>>, vector<1x1x16xf32>,
        %get3A_504 = vector.shape_cast %get3A_503 : vector<1x1x16xf32> to vector<16xf32>
        %add3A_505 = arith.addf %scan3A_492, %get3A_504 : vector<16xf32>
        %get3A_506 = arith.constant 0 : i32
        %get3A_507 = arith.index_cast %get3A_506 : i32 to index
        %get3A_508 = arith.index_cast %scan3A_491 : i32 to index
        %get3A_509 = arith.constant 16 : index
        %get3A_510 = tpu.vector_load %arg8[%get3A_507, %get3A_508, %get3A_509] {strides = array<i32>} : memref<2x104x128xf32, #tpu.memory_space<vmem>>, vector<1x1x16xf32>,
        %get3A_511 = vector.shape_cast %get3A_510 : vector<1x1x16xf32> to vector<16xf32>
        %add3A_512 = arith.addf %scan3A_493, %get3A_511 : vector<16xf32>
        %get3A_513 = arith.constant 0 : i32
        %get3A_514 = arith.index_cast %get3A_513 : i32 to index
        %get3A_515 = arith.index_cast %scan3A_491 : i32 to index
        %get3A_516 = arith.constant 32 : index
        %get3A_517 = tpu.vector_load %arg8[%get3A_514, %get3A_515, %get3A_516] {strides = array<i32>} : memref<2x104x128xf32, #tpu.memory_space<vmem>>, vector<1x1x16xf32>,
        %get3A_518 = vector.shape_cast %get3A_517 : vector<1x1x16xf32> to vector<16xf32>
        %add3A_519 = arith.addf %scan3A_494, %get3A_518 : vector<16xf32>
        %get3A_520 = arith.constant 0 : i32
        %get3A_521 = arith.index_cast %get3A_520 : i32 to index
        %get3A_522 = arith.index_cast %scan3A_491 : i32 to index
        %get3A_523 = arith.constant 48 : index
        %get3A_524 = tpu.vector_load %arg8[%get3A_521, %get3A_522, %get3A_523] {strides = array<i32>} : memref<2x104x128xf32, #tpu.memory_space<vmem>>, vector<1x1x16xf32>,
        %get3A_525 = vector.shape_cast %get3A_524 : vector<1x1x16xf32> to vector<16xf32>
        %add3A_526 = arith.addf %scan3A_495, %get3A_525 : vector<16xf32>
        %get3A_527 = arith.constant 0 : i32
        %get3A_528 = arith.index_cast %get3A_527 : i32 to index
        %get3A_529 = arith.index_cast %scan3A_491 : i32 to index
        %get3A_530 = arith.constant 64 : index
        %get3A_531 = tpu.vector_load %arg8[%get3A_528, %get3A_529, %get3A_530] {strides = array<i32>} : memref<2x104x128xf32, #tpu.memory_space<vmem>>, vector<1x1x16xf32>,
        %get3A_532 = vector.shape_cast %get3A_531 : vector<1x1x16xf32> to vector<16xf32>
        %add3A_533 = arith.addf %scan3A_496, %get3A_532 : vector<16xf32>
        %get3A_534 = arith.constant 0 : i32
        %get3A_535 = arith.index_cast %get3A_534 : i32 to index
        %get3A_536 = arith.index_cast %scan3A_491 : i32 to index
        %get3A_537 = arith.constant 80 : index
        %get3A_538 = tpu.vector_load %arg8[%get3A_535, %get3A_536, %get3A_537] {strides = array<i32>} : memref<2x104x128xf32, #tpu.memory_space<vmem>>, vector<1x1x16xf32>,
        %get3A_539 = vector.shape_cast %get3A_538 : vector<1x1x16xf32> to vector<16xf32>
        %add3A_540 = arith.addf %scan3A_497, %get3A_539 : vector<16xf32>
        %get3A_541 = arith.constant 0 : i32
        %get3A_542 = arith.index_cast %get3A_541 : i32 to index
        %get3A_543 = arith.index_cast %scan3A_491 : i32 to index
        %get3A_544 = arith.constant 96 : index
        %get3A_545 = tpu.vector_load %arg8[%get3A_542, %get3A_543, %get3A_544] {strides = array<i32>} : memref<2x104x128xf32, #tpu.memory_space<vmem>>, vector<1x1x16xf32>,
        %get3A_546 = vector.shape_cast %get3A_545 : vector<1x1x16xf32> to vector<16xf32>
        %add3A_547 = arith.addf %scan3A_498, %get3A_546 : vector<16xf32>
        %get3A_548 = arith.constant 0 : i32
        %get3A_549 = arith.index_cast %get3A_548 : i32 to index
        %get3A_550 = arith.index_cast %scan3A_491 : i32 to index
        %get3A_551 = arith.constant 112 : index
        %get3A_552 = tpu.vector_load %arg8[%get3A_549, %get3A_550, %get3A_551] {strides = array<i32>} : memref<2x104x128xf32, #tpu.memory_space<vmem>>, vector<1x1x16xf32>,
        %get3A_553 = vector.shape_cast %get3A_552 : vector<1x1x16xf32> to vector<16xf32>
        %add3A_554 = arith.addf %scan3A_499, %get3A_553 : vector<16xf32>
        scf.yield %add3A_505, %add3A_512, %add3A_519, %add3A_526, %add3A_533, %add3A_540, %add3A_547, %add3A_554 : vector<16xf32>, vector<16xf32>, vector<16xf32>, vector<16xf32>, vector<16xf32>, vector<16xf32>, vector<16xf32>, vector<16xf32>
      }
      %scan3A_211 = arith.constant 104 : i32
      %add3A_212 = arith.constant 4 : i32
      %add3A_213 = arith.addi %add3A_171, %add3A_212 : i32
      %lt3A = arith.constant 64 : i32
      %lt3A_214 = arith.cmpi slt, %add3A_213, %lt3A : i32
      %convert_element_type3A = arith.extui %lt3A_214 : i1 to i32
      %cond3A = arith.constant 0 : i32
      %cond3A_215 = arith.cmpi ne, %convert_element_type3A, %cond3A : i32
      scf.if %cond3A_215 {
        %jit3A_491 = arith.constant 2 : i32
        %div3A_492 = arith.divsi %add3A_213, %jit3A_491 : i32
        %sign3A_493 = arith.constant 0 : i32
        %sign3A_494 = arith.cmpi sgt, %add3A_213, %sign3A_493 : i32
        %sign3A_495 = arith.extui %sign3A_494 : i1 to i32
        %sign3A_496 = arith.constant 0 : i32
        %sign3A_497 = arith.cmpi slt, %add3A_213, %sign3A_496 : i32
        %sign3A_498 = arith.extui %sign3A_497 : i1 to i32
        %sign3A_499 = arith.subi %sign3A_495, %sign3A_498 : i32
        %sign3A_500 = arith.constant 0 : i32
        %sign3A_501 = arith.cmpi sgt, %jit3A_491, %sign3A_500 : i32
        %sign3A_502 = arith.extui %sign3A_501 : i1 to i32
        %sign3A_503 = arith.constant 0 : i32
        %sign3A_504 = arith.cmpi slt, %jit3A_491, %sign3A_503 : i32
        %sign3A_505 = arith.extui %sign3A_504 : i1 to i32
        %sign3A_506 = arith.subi %sign3A_502, %sign3A_505 : i32
        %ne3A_507 = arith.cmpi ne, %sign3A_499, %sign3A_506 : i32
        %rem3A_508 = arith.remsi %add3A_213, %jit3A_491 : i32
        %ne3A_509 = arith.constant 0 : i32
        %ne3A_510 = arith.cmpi ne, %rem3A_508, %ne3A_509 : i32
        %and3A_511 = arith.andi %ne3A_507, %ne3A_510 : i1
        %sub3A_512 = arith.constant 1 : i32
        %sub3A_513 = arith.subi %div3A_492, %sub3A_512 : i32
        %select_n3A_514 = arith.select %and3A_511, %sub3A_513, %div3A_492 : i32
        %dma_start3A_515 = arith.constant 0 : i32
        %dma_start3A_516 = arith.constant 0 : i32
        %dma_start3A_517 = arith.constant 0 : i32
        %dma_start3A_518 = tpu.memref_slice %arg8[%dma_start3A_515, %dma_start3A_516, %dma_start3A_517] : memref<2x104x128xf32, #tpu.memory_space<vmem>> -> memref<1x104x128xf32, #tpu.memory_space<vmem>>
        %dma_start3A_519 = tpu.memref_squeeze %dma_start3A_518 : memref<1x104x128xf32, #tpu.memory_space<vmem>> -> memref<104x128xf32, #tpu.memory_space<vmem>>
        %dma_start3A_520 = arith.constant 0 : i32
        %dma_start3A_521 = tpu.memref_slice %arg6[%select_n3A_514, %dma_start3A_520] : memref<32x104xi32, #tpu.memory_space<vmem>> -> memref<1x104xi32, #tpu.memory_space<vmem>>
        %dma_start3A_522 = tpu.memref_squeeze %dma_start3A_521 : memref<1x104xi32, #tpu.memory_space<vmem>> -> memref<104xi32, #tpu.memory_space<vmem>>
        %dma_start3A_523 = arith.constant 0 : i32
        %dma_start3A_524 = arith.constant 0 : i32
        %dma_start3A_525 = tpu.memref_slice %arg2[%dma_start3A_523, %dma_start3A_524] : memref<100000x128xf32, #tpu.memory_space<hbm>> -> memref<100000x128xf32, #tpu.memory_space<hbm>>
        tpu.enqueue_indirect_dma source(%dma_start3A_525 : memref<100000x128xf32, #tpu.memory_space<hbm>>) target(%dma_start3A_519 : memref<104x128xf32, #tpu.memory_space<vmem>>) offsets(%dma_start3A_522 : memref<104xi32, #tpu.memory_space<vmem>>) semaphore(%arg11 : memref<!tpu.dma_semaphore, #tpu.memory_space<semaphore_mem>>)
      } else {
      }
      %mul3A_216 = arith.constant 4 : i32
      %mul3A_217 = arith.muli %scan3A_159, %mul3A_216 : i32
      %add3A_218 = arith.constant 1 : i32
      %add3A_219 = arith.addi %mul3A_217, %add3A_218 : i32
      %jit3A_220 = arith.constant 2 : i32
      %div3A_221 = arith.divsi %add3A_219, %jit3A_220 : i32
      %sign3A_222 = arith.constant 0 : i32
      %sign3A_223 = arith.cmpi sgt, %add3A_219, %sign3A_222 : i32
      %sign3A_224 = arith.extui %sign3A_223 : i1 to i32
      %sign3A_225 = arith.constant 0 : i32
      %sign3A_226 = arith.cmpi slt, %add3A_219, %sign3A_225 : i32
      %sign3A_227 = arith.extui %sign3A_226 : i1 to i32
      %sign3A_228 = arith.subi %sign3A_224, %sign3A_227 : i32
      %sign3A_229 = arith.constant 0 : i32
      %sign3A_230 = arith.cmpi sgt, %jit3A_220, %sign3A_229 : i32
      %sign3A_231 = arith.extui %sign3A_230 : i1 to i32
      %sign3A_232 = arith.constant 0 : i32
      %sign3A_233 = arith.cmpi slt, %jit3A_220, %sign3A_232 : i32
      %sign3A_234 = arith.extui %sign3A_233 : i1 to i32
      %sign3A_235 = arith.subi %sign3A_231, %sign3A_234 : i32
      %ne3A_236 = arith.cmpi ne, %sign3A_228, %sign3A_235 : i32
      %rem3A_237 = arith.remsi %add3A_219, %jit3A_220 : i32
      %ne3A_238 = arith.constant 0 : i32
      %ne3A_239 = arith.cmpi ne, %rem3A_237, %ne3A_238 : i32
      %and3A_240 = arith.andi %ne3A_236, %ne3A_239 : i1
      %sub3A_241 = arith.constant 1 : i32
      %sub3A_242 = arith.subi %div3A_221, %sub3A_241 : i32
      %select_n3A_243 = arith.select %and3A_240, %sub3A_242, %div3A_221 : i32
      %dma_wait3A_244 = arith.constant 0 : i32
      %dma_wait3A_245 = arith.constant 0 : i32
      %dma_wait3A_246 = arith.constant 0 : i32
      %dma_wait3A_247 = tpu.memref_slice %arg9[%dma_wait3A_244, %dma_wait3A_245, %dma_wait3A_246] : memref<2x96x128xf32, #tpu.memory_space<vmem>> -> memref<1x96x128xf32, #tpu.memory_space<vmem>>
      %dma_wait3A_248 = tpu.memref_squeeze %dma_wait3A_247 : memref<1x96x128xf32, #tpu.memory_space<vmem>> -> memref<96x128xf32, #tpu.memory_space<vmem>>
      %dma_wait3A_249 = arith.constant 0 : i32
      %dma_wait3A_250 = tpu.memref_slice %arg7[%select_n3A_243, %dma_wait3A_249] : memref<32x96xi32, #tpu.memory_space<vmem>> -> memref<1x96xi32, #tpu.memory_space<vmem>>
      %dma_wait3A_251 = tpu.memref_squeeze %dma_wait3A_250 : memref<1x96xi32, #tpu.memory_space<vmem>> -> memref<96xi32, #tpu.memory_space<vmem>>
      %dma_wait3A_252 = arith.constant 0 : i32
      %dma_wait3A_253 = arith.constant 0 : i32
      %dma_wait3A_254 = tpu.memref_slice %arg2[%dma_wait3A_252, %dma_wait3A_253] : memref<100000x128xf32, #tpu.memory_space<hbm>> -> memref<100000x128xf32, #tpu.memory_space<hbm>>
      tpu.wait_indirect_dma semaphore(%arg12 : memref<!tpu.dma_semaphore, #tpu.memory_space<semaphore_mem>>) src(%dma_wait3A_254 : memref<100000x128xf32, #tpu.memory_space<hbm>>) dst(%dma_wait3A_248 : memref<96x128xf32, #tpu.memory_space<vmem>>)
      %scan3A_255 = arith.constant 0 : i32
      %scan3A_256 = arith.constant 96 : i32
      %scan3A_257 = arith.addi %scan3A_255, %scan3A_256 : i32
      %scan3A_258 = arith.constant 1 : i32
      %scan3A_259:8 = scf.for %scan3A_491 = %scan3A_255 to %scan3A_257 step %scan3A_258 iter_args(%scan3A_492 = %scan3A_210#0, %scan3A_493 = %scan3A_210#1, %scan3A_494 = %scan3A_210#2, %scan3A_495 = %scan3A_210#3, %scan3A_496 = %scan3A_210#4, %scan3A_497 = %scan3A_210#5, %scan3A_498 = %scan3A_210#6, %scan3A_499 = %scan3A_210#7) -> (vector<16xf32>, vector<16xf32>, vector<16xf32>, vector<16xf32>, vector<16xf32>, vector<16xf32>, vector<16xf32>, vector<16xf32>)  : i32 {
        %get3A = arith.constant 0 : i32
        %get3A_500 = arith.index_cast %get3A : i32 to index
        %get3A_501 = arith.index_cast %scan3A_491 : i32 to index
        %get3A_502 = arith.constant 0 : index
        %get3A_503 = tpu.vector_load %arg9[%get3A_500, %get3A_501, %get3A_502] {strides = array<i32>} : memref<2x96x128xf32, #tpu.memory_space<vmem>>, vector<1x1x16xf32>,
        %get3A_504 = vector.shape_cast %get3A_503 : vector<1x1x16xf32> to vector<16xf32>
        %add3A_505 = arith.addf %scan3A_492, %get3A_504 : vector<16xf32>
        %get3A_506 = arith.constant 0 : i32
        %get3A_507 = arith.index_cast %get3A_506 : i32 to index
        %get3A_508 = arith.index_cast %scan3A_491 : i32 to index
        %get3A_509 = arith.constant 16 : index
        %get3A_510 = tpu.vector_load %arg9[%get3A_507, %get3A_508, %get3A_509] {strides = array<i32>} : memref<2x96x128xf32, #tpu.memory_space<vmem>>, vector<1x1x16xf32>,
        %get3A_511 = vector.shape_cast %get3A_510 : vector<1x1x16xf32> to vector<16xf32>
        %add3A_512 = arith.addf %scan3A_493, %get3A_511 : vector<16xf32>
        %get3A_513 = arith.constant 0 : i32
        %get3A_514 = arith.index_cast %get3A_513 : i32 to index
        %get3A_515 = arith.index_cast %scan3A_491 : i32 to index
        %get3A_516 = arith.constant 32 : index
        %get3A_517 = tpu.vector_load %arg9[%get3A_514, %get3A_515, %get3A_516] {strides = array<i32>} : memref<2x96x128xf32, #tpu.memory_space<vmem>>, vector<1x1x16xf32>,
        %get3A_518 = vector.shape_cast %get3A_517 : vector<1x1x16xf32> to vector<16xf32>
        %add3A_519 = arith.addf %scan3A_494, %get3A_518 : vector<16xf32>
        %get3A_520 = arith.constant 0 : i32
        %get3A_521 = arith.index_cast %get3A_520 : i32 to index
        %get3A_522 = arith.index_cast %scan3A_491 : i32 to index
        %get3A_523 = arith.constant 48 : index
        %get3A_524 = tpu.vector_load %arg9[%get3A_521, %get3A_522, %get3A_523] {strides = array<i32>} : memref<2x96x128xf32, #tpu.memory_space<vmem>>, vector<1x1x16xf32>,
        %get3A_525 = vector.shape_cast %get3A_524 : vector<1x1x16xf32> to vector<16xf32>
        %add3A_526 = arith.addf %scan3A_495, %get3A_525 : vector<16xf32>
        %get3A_527 = arith.constant 0 : i32
        %get3A_528 = arith.index_cast %get3A_527 : i32 to index
        %get3A_529 = arith.index_cast %scan3A_491 : i32 to index
        %get3A_530 = arith.constant 64 : index
        %get3A_531 = tpu.vector_load %arg9[%get3A_528, %get3A_529, %get3A_530] {strides = array<i32>} : memref<2x96x128xf32, #tpu.memory_space<vmem>>, vector<1x1x16xf32>,
        %get3A_532 = vector.shape_cast %get3A_531 : vector<1x1x16xf32> to vector<16xf32>
        %add3A_533 = arith.addf %scan3A_496, %get3A_532 : vector<16xf32>
        %get3A_534 = arith.constant 0 : i32
        %get3A_535 = arith.index_cast %get3A_534 : i32 to index
        %get3A_536 = arith.index_cast %scan3A_491 : i32 to index
        %get3A_537 = arith.constant 80 : index
        %get3A_538 = tpu.vector_load %arg9[%get3A_535, %get3A_536, %get3A_537] {strides = array<i32>} : memref<2x96x128xf32, #tpu.memory_space<vmem>>, vector<1x1x16xf32>,
        %get3A_539 = vector.shape_cast %get3A_538 : vector<1x1x16xf32> to vector<16xf32>
        %add3A_540 = arith.addf %scan3A_497, %get3A_539 : vector<16xf32>
        %get3A_541 = arith.constant 0 : i32
        %get3A_542 = arith.index_cast %get3A_541 : i32 to index
        %get3A_543 = arith.index_cast %scan3A_491 : i32 to index
        %get3A_544 = arith.constant 96 : index
        %get3A_545 = tpu.vector_load %arg9[%get3A_542, %get3A_543, %get3A_544] {strides = array<i32>} : memref<2x96x128xf32, #tpu.memory_space<vmem>>, vector<1x1x16xf32>,
        %get3A_546 = vector.shape_cast %get3A_545 : vector<1x1x16xf32> to vector<16xf32>
        %add3A_547 = arith.addf %scan3A_498, %get3A_546 : vector<16xf32>
        %get3A_548 = arith.constant 0 : i32
        %get3A_549 = arith.index_cast %get3A_548 : i32 to index
        %get3A_550 = arith.index_cast %scan3A_491 : i32 to index
        %get3A_551 = arith.constant 112 : index
        %get3A_552 = tpu.vector_load %arg9[%get3A_549, %get3A_550, %get3A_551] {strides = array<i32>} : memref<2x96x128xf32, #tpu.memory_space<vmem>>, vector<1x1x16xf32>,
        %get3A_553 = vector.shape_cast %get3A_552 : vector<1x1x16xf32> to vector<16xf32>
        %add3A_554 = arith.addf %scan3A_499, %get3A_553 : vector<16xf32>
        scf.yield %add3A_505, %add3A_512, %add3A_519, %add3A_526, %add3A_533, %add3A_540, %add3A_547, %add3A_554 : vector<16xf32>, vector<16xf32>, vector<16xf32>, vector<16xf32>, vector<16xf32>, vector<16xf32>, vector<16xf32>, vector<16xf32>
      }
      %scan3A_260 = arith.constant 96 : i32
      %mul3A_261 = arith.constant 2 : i32
      %mul3A_262 = arith.muli %scan3A_159, %mul3A_261 : i32
      %add3A_263 = arith.constant 0 : i32
      %add3A_264 = arith.addi %mul3A_262, %add3A_263 : i32
      %mul3A_265 = vector.broadcast %scan3A : f32 to vector<16xf32>
      %mul3A_266 = arith.mulf %scan3A_259#0, %mul3A_265 : vector<16xf32>
      %swap3A = arith.index_cast %add3A_264 : i32 to index
      %swap3A_267 = arith.constant 0 : index
      %swap3A_268 = tpu.vector_load %arg10[%swap3A, %swap3A_267] {strides = array<i32>} : memref<32x128xf32, #tpu.memory_space<vmem>>, vector<1x16xf32>,
      %swap3A_269 = vector.shape_cast %swap3A_268 : vector<1x16xf32> to vector<16xf32>
      %swap3A_270 = vector.shape_cast %mul3A_266 : vector<16xf32> to vector<1x16xf32>
      tpu.vector_store %arg10[%swap3A, %swap3A_267], %swap3A_270 {strides = array<i32>} : memref<32x128xf32, #tpu.memory_space<vmem>>, vector<1x16xf32>,
      %mul3A_271 = vector.broadcast %scan3A : f32 to vector<16xf32>
      %mul3A_272 = arith.mulf %scan3A_259#1, %mul3A_271 : vector<16xf32>
      %swap3A_273 = arith.index_cast %add3A_264 : i32 to index
      %swap3A_274 = arith.constant 16 : index
      %swap3A_275 = tpu.vector_load %arg10[%swap3A_273, %swap3A_274] {strides = array<i32>} : memref<32x128xf32, #tpu.memory_space<vmem>>, vector<1x16xf32>,
      %swap3A_276 = vector.shape_cast %swap3A_275 : vector<1x16xf32> to vector<16xf32>
      %swap3A_277 = vector.shape_cast %mul3A_272 : vector<16xf32> to vector<1x16xf32>
      tpu.vector_store %arg10[%swap3A_273, %swap3A_274], %swap3A_277 {strides = array<i32>} : memref<32x128xf32, #tpu.memory_space<vmem>>, vector<1x16xf32>,
      %mul3A_278 = vector.broadcast %scan3A : f32 to vector<16xf32>
      %mul3A_279 = arith.mulf %scan3A_259#2, %mul3A_278 : vector<16xf32>
      %swap3A_280 = arith.index_cast %add3A_264 : i32 to index
      %swap3A_281 = arith.constant 32 : index
      %swap3A_282 = tpu.vector_load %arg10[%swap3A_280, %swap3A_281] {strides = array<i32>} : memref<32x128xf32, #tpu.memory_space<vmem>>, vector<1x16xf32>,
      %swap3A_283 = vector.shape_cast %swap3A_282 : vector<1x16xf32> to vector<16xf32>
      %swap3A_284 = vector.shape_cast %mul3A_279 : vector<16xf32> to vector<1x16xf32>
      tpu.vector_store %arg10[%swap3A_280, %swap3A_281], %swap3A_284 {strides = array<i32>} : memref<32x128xf32, #tpu.memory_space<vmem>>, vector<1x16xf32>,
      %mul3A_285 = vector.broadcast %scan3A : f32 to vector<16xf32>
      %mul3A_286 = arith.mulf %scan3A_259#3, %mul3A_285 : vector<16xf32>
      %swap3A_287 = arith.index_cast %add3A_264 : i32 to index
      %swap3A_288 = arith.constant 48 : index
      %swap3A_289 = tpu.vector_load %arg10[%swap3A_287, %swap3A_288] {strides = array<i32>} : memref<32x128xf32, #tpu.memory_space<vmem>>, vector<1x16xf32>,
      %swap3A_290 = vector.shape_cast %swap3A_289 : vector<1x16xf32> to vector<16xf32>
      %swap3A_291 = vector.shape_cast %mul3A_286 : vector<16xf32> to vector<1x16xf32>
      tpu.vector_store %arg10[%swap3A_287, %swap3A_288], %swap3A_291 {strides = array<i32>} : memref<32x128xf32, #tpu.memory_space<vmem>>, vector<1x16xf32>,
      %mul3A_292 = vector.broadcast %scan3A : f32 to vector<16xf32>
      %mul3A_293 = arith.mulf %scan3A_259#4, %mul3A_292 : vector<16xf32>
      %swap3A_294 = arith.index_cast %add3A_264 : i32 to index
      %swap3A_295 = arith.constant 64 : index
      %swap3A_296 = tpu.vector_load %arg10[%swap3A_294, %swap3A_295] {strides = array<i32>} : memref<32x128xf32, #tpu.memory_space<vmem>>, vector<1x16xf32>,
      %swap3A_297 = vector.shape_cast %swap3A_296 : vector<1x16xf32> to vector<16xf32>
      %swap3A_298 = vector.shape_cast %mul3A_293 : vector<16xf32> to vector<1x16xf32>
      tpu.vector_store %arg10[%swap3A_294, %swap3A_295], %swap3A_298 {strides = array<i32>} : memref<32x128xf32, #tpu.memory_space<vmem>>, vector<1x16xf32>,
      %mul3A_299 = vector.broadcast %scan3A : f32 to vector<16xf32>
      %mul3A_300 = arith.mulf %scan3A_259#5, %mul3A_299 : vector<16xf32>
      %swap3A_301 = arith.index_cast %add3A_264 : i32 to index
      %swap3A_302 = arith.constant 80 : index
      %swap3A_303 = tpu.vector_load %arg10[%swap3A_301, %swap3A_302] {strides = array<i32>} : memref<32x128xf32, #tpu.memory_space<vmem>>, vector<1x16xf32>,
      %swap3A_304 = vector.shape_cast %swap3A_303 : vector<1x16xf32> to vector<16xf32>
      %swap3A_305 = vector.shape_cast %mul3A_300 : vector<16xf32> to vector<1x16xf32>
      tpu.vector_store %arg10[%swap3A_301, %swap3A_302], %swap3A_305 {strides = array<i32>} : memref<32x128xf32, #tpu.memory_space<vmem>>, vector<1x16xf32>,
      %mul3A_306 = vector.broadcast %scan3A : f32 to vector<16xf32>
      %mul3A_307 = arith.mulf %scan3A_259#6, %mul3A_306 : vector<16xf32>
      %swap3A_308 = arith.index_cast %add3A_264 : i32 to index
      %swap3A_309 = arith.constant 96 : index
      %swap3A_310 = tpu.vector_load %arg10[%swap3A_308, %swap3A_309] {strides = array<i32>} : memref<32x128xf32, #tpu.memory_space<vmem>>, vector<1x16xf32>,
      %swap3A_311 = vector.shape_cast %swap3A_310 : vector<1x16xf32> to vector<16xf32>
      %swap3A_312 = vector.shape_cast %mul3A_307 : vector<16xf32> to vector<1x16xf32>
      tpu.vector_store %arg10[%swap3A_308, %swap3A_309], %swap3A_312 {strides = array<i32>} : memref<32x128xf32, #tpu.memory_space<vmem>>, vector<1x16xf32>,
      %mul3A_313 = vector.broadcast %scan3A : f32 to vector<16xf32>
      %mul3A_314 = arith.mulf %scan3A_259#7, %mul3A_313 : vector<16xf32>
      %swap3A_315 = arith.index_cast %add3A_264 : i32 to index
      %swap3A_316 = arith.constant 112 : index
      %swap3A_317 = tpu.vector_load %arg10[%swap3A_315, %swap3A_316] {strides = array<i32>} : memref<32x128xf32, #tpu.memory_space<vmem>>, vector<1x16xf32>,
      %swap3A_318 = vector.shape_cast %swap3A_317 : vector<1x16xf32> to vector<16xf32>
      %swap3A_319 = vector.shape_cast %mul3A_314 : vector<16xf32> to vector<1x16xf32>
      tpu.vector_store %arg10[%swap3A_315, %swap3A_316], %swap3A_319 {strides = array<i32>} : memref<32x128xf32, #tpu.memory_space<vmem>>, vector<1x16xf32>,
      %add3A_320 = arith.constant 4 : i32
      %add3A_321 = arith.addi %add3A_219, %add3A_320 : i32
      %lt3A_322 = arith.constant 64 : i32
      %lt3A_323 = arith.cmpi slt, %add3A_321, %lt3A_322 : i32
      %convert_element_type3A_324 = arith.extui %lt3A_323 : i1 to i32
      %cond3A_325 = arith.constant 0 : i32
      %cond3A_326 = arith.cmpi ne, %convert_element_type3A_324, %cond3A_325 : i32
      scf.if %cond3A_326 {
        %jit3A_491 = arith.constant 2 : i32
        %div3A_492 = arith.divsi %add3A_321, %jit3A_491 : i32
        %sign3A_493 = arith.constant 0 : i32
        %sign3A_494 = arith.cmpi sgt, %add3A_321, %sign3A_493 : i32
        %sign3A_495 = arith.extui %sign3A_494 : i1 to i32
        %sign3A_496 = arith.constant 0 : i32
        %sign3A_497 = arith.cmpi slt, %add3A_321, %sign3A_496 : i32
        %sign3A_498 = arith.extui %sign3A_497 : i1 to i32
        %sign3A_499 = arith.subi %sign3A_495, %sign3A_498 : i32
        %sign3A_500 = arith.constant 0 : i32
        %sign3A_501 = arith.cmpi sgt, %jit3A_491, %sign3A_500 : i32
        %sign3A_502 = arith.extui %sign3A_501 : i1 to i32
        %sign3A_503 = arith.constant 0 : i32
        %sign3A_504 = arith.cmpi slt, %jit3A_491, %sign3A_503 : i32
        %sign3A_505 = arith.extui %sign3A_504 : i1 to i32
        %sign3A_506 = arith.subi %sign3A_502, %sign3A_505 : i32
        %ne3A_507 = arith.cmpi ne, %sign3A_499, %sign3A_506 : i32
        %rem3A_508 = arith.remsi %add3A_321, %jit3A_491 : i32
        %ne3A_509 = arith.constant 0 : i32
        %ne3A_510 = arith.cmpi ne, %rem3A_508, %ne3A_509 : i32
        %and3A_511 = arith.andi %ne3A_507, %ne3A_510 : i1
        %sub3A_512 = arith.constant 1 : i32
        %sub3A_513 = arith.subi %div3A_492, %sub3A_512 : i32
        %select_n3A_514 = arith.select %and3A_511, %sub3A_513, %div3A_492 : i32
        %dma_start3A_515 = arith.constant 0 : i32
        %dma_start3A_516 = arith.constant 0 : i32
        %dma_start3A_517 = arith.constant 0 : i32
        %dma_start3A_518 = tpu.memref_slice %arg9[%dma_start3A_515, %dma_start3A_516, %dma_start3A_517] : memref<2x96x128xf32, #tpu.memory_space<vmem>> -> memref<1x96x128xf32, #tpu.memory_space<vmem>>
        %dma_start3A_519 = tpu.memref_squeeze %dma_start3A_518 : memref<1x96x128xf32, #tpu.memory_space<vmem>> -> memref<96x128xf32, #tpu.memory_space<vmem>>
        %dma_start3A_520 = arith.constant 0 : i32
        %dma_start3A_521 = tpu.memref_slice %arg7[%select_n3A_514, %dma_start3A_520] : memref<32x96xi32, #tpu.memory_space<vmem>> -> memref<1x96xi32, #tpu.memory_space<vmem>>
        %dma_start3A_522 = tpu.memref_squeeze %dma_start3A_521 : memref<1x96xi32, #tpu.memory_space<vmem>> -> memref<96xi32, #tpu.memory_space<vmem>>
        %dma_start3A_523 = arith.constant 0 : i32
        %dma_start3A_524 = arith.constant 0 : i32
        %dma_start3A_525 = tpu.memref_slice %arg2[%dma_start3A_523, %dma_start3A_524] : memref<100000x128xf32, #tpu.memory_space<hbm>> -> memref<100000x128xf32, #tpu.memory_space<hbm>>
        tpu.enqueue_indirect_dma source(%dma_start3A_525 : memref<100000x128xf32, #tpu.memory_space<hbm>>) target(%dma_start3A_519 : memref<96x128xf32, #tpu.memory_space<vmem>>) offsets(%dma_start3A_522 : memref<96xi32, #tpu.memory_space<vmem>>) semaphore(%arg12 : memref<!tpu.dma_semaphore, #tpu.memory_space<semaphore_mem>>)
      } else {
      }
      %mul3A_327 = arith.constant 4 : i32
      %mul3A_328 = arith.muli %scan3A_159, %mul3A_327 : i32
      %add3A_329 = arith.constant 2 : i32
      %add3A_330 = arith.addi %mul3A_328, %add3A_329 : i32
      %jit3A_331 = arith.constant 2 : i32
      %div3A_332 = arith.divsi %add3A_330, %jit3A_331 : i32
      %sign3A_333 = arith.constant 0 : i32
      %sign3A_334 = arith.cmpi sgt, %add3A_330, %sign3A_333 : i32
      %sign3A_335 = arith.extui %sign3A_334 : i1 to i32
      %sign3A_336 = arith.constant 0 : i32
      %sign3A_337 = arith.cmpi slt, %add3A_330, %sign3A_336 : i32
      %sign3A_338 = arith.extui %sign3A_337 : i1 to i32
      %sign3A_339 = arith.subi %sign3A_335, %sign3A_338 : i32
      %sign3A_340 = arith.constant 0 : i32
      %sign3A_341 = arith.cmpi sgt, %jit3A_331, %sign3A_340 : i32
      %sign3A_342 = arith.extui %sign3A_341 : i1 to i32
      %sign3A_343 = arith.constant 0 : i32
      %sign3A_344 = arith.cmpi slt, %jit3A_331, %sign3A_343 : i32
      %sign3A_345 = arith.extui %sign3A_344 : i1 to i32
      %sign3A_346 = arith.subi %sign3A_342, %sign3A_345 : i32
      %ne3A_347 = arith.cmpi ne, %sign3A_339, %sign3A_346 : i32
      %rem3A_348 = arith.remsi %add3A_330, %jit3A_331 : i32
      %ne3A_349 = arith.constant 0 : i32
      %ne3A_350 = arith.cmpi ne, %rem3A_348, %ne3A_349 : i32
      %and3A_351 = arith.andi %ne3A_347, %ne3A_350 : i1
      %sub3A_352 = arith.constant 1 : i32
      %sub3A_353 = arith.subi %div3A_332, %sub3A_352 : i32
      %select_n3A_354 = arith.select %and3A_351, %sub3A_353, %div3A_332 : i32
      %dma_wait3A_355 = arith.constant 1 : i32
      %dma_wait3A_356 = arith.constant 0 : i32
      %dma_wait3A_357 = arith.constant 0 : i32
      %dma_wait3A_358 = tpu.memref_slice %arg8[%dma_wait3A_355, %dma_wait3A_356, %dma_wait3A_357] : memref<2x104x128xf32, #tpu.memory_space<vmem>> -> memref<1x104x128xf32, #tpu.memory_space<vmem>>
      %dma_wait3A_359 = tpu.memref_squeeze %dma_wait3A_358 : memref<1x104x128xf32, #tpu.memory_space<vmem>> -> memref<104x128xf32, #tpu.memory_space<vmem>>
      %dma_wait3A_360 = arith.constant 0 : i32
      %dma_wait3A_361 = tpu.memref_slice %arg6[%select_n3A_354, %dma_wait3A_360] : memref<32x104xi32, #tpu.memory_space<vmem>> -> memref<1x104xi32, #tpu.memory_space<vmem>>
      %dma_wait3A_362 = tpu.memref_squeeze %dma_wait3A_361 : memref<1x104xi32, #tpu.memory_space<vmem>> -> memref<104xi32, #tpu.memory_space<vmem>>
      %dma_wait3A_363 = arith.constant 0 : i32
      %dma_wait3A_364 = arith.constant 0 : i32
      %dma_wait3A_365 = tpu.memref_slice %arg2[%dma_wait3A_363, %dma_wait3A_364] : memref<100000x128xf32, #tpu.memory_space<hbm>> -> memref<100000x128xf32, #tpu.memory_space<hbm>>
      tpu.wait_indirect_dma semaphore(%arg13 : memref<!tpu.dma_semaphore, #tpu.memory_space<semaphore_mem>>) src(%dma_wait3A_365 : memref<100000x128xf32, #tpu.memory_space<hbm>>) dst(%dma_wait3A_359 : memref<104x128xf32, #tpu.memory_space<vmem>>)
      %scan3A_366 = arith.constant 0 : i32
      %scan3A_367 = arith.constant 104 : i32
      %scan3A_368 = arith.addi %scan3A_366, %scan3A_367 : i32
      %scan3A_369 = arith.constant 1 : i32
      %scan3A_370:8 = scf.for %scan3A_491 = %scan3A_366 to %scan3A_368 step %scan3A_369 iter_args(%scan3A_492 = %broadcast_in_dim3A_138, %scan3A_493 = %broadcast_in_dim3A_140, %scan3A_494 = %broadcast_in_dim3A_142, %scan3A_495 = %broadcast_in_dim3A_144, %scan3A_496 = %broadcast_in_dim3A_146, %scan3A_497 = %broadcast_in_dim3A_148, %scan3A_498 = %broadcast_in_dim3A_150, %scan3A_499 = %broadcast_in_dim3A_152) -> (vector<16xf32>, vector<16xf32>, vector<16xf32>, vector<16xf32>, vector<16xf32>, vector<16xf32>, vector<16xf32>, vector<16xf32>)  : i32 {
        %get3A = arith.constant 1 : i32
        %get3A_500 = arith.index_cast %get3A : i32 to index
        %get3A_501 = arith.index_cast %scan3A_491 : i32 to index
        %get3A_502 = arith.constant 0 : index
        %get3A_503 = tpu.vector_load %arg8[%get3A_500, %get3A_501, %get3A_502] {strides = array<i32>} : memref<2x104x128xf32, #tpu.memory_space<vmem>>, vector<1x1x16xf32>,
        %get3A_504 = vector.shape_cast %get3A_503 : vector<1x1x16xf32> to vector<16xf32>
        %add3A_505 = arith.addf %scan3A_492, %get3A_504 : vector<16xf32>
        %get3A_506 = arith.constant 1 : i32
        %get3A_507 = arith.index_cast %get3A_506 : i32 to index
        %get3A_508 = arith.index_cast %scan3A_491 : i32 to index
        %get3A_509 = arith.constant 16 : index
        %get3A_510 = tpu.vector_load %arg8[%get3A_507, %get3A_508, %get3A_509] {strides = array<i32>} : memref<2x104x128xf32, #tpu.memory_space<vmem>>, vector<1x1x16xf32>,
        %get3A_511 = vector.shape_cast %get3A_510 : vector<1x1x16xf32> to vector<16xf32>
        %add3A_512 = arith.addf %scan3A_493, %get3A_511 : vector<16xf32>
        %get3A_513 = arith.constant 1 : i32
        %get3A_514 = arith.index_cast %get3A_513 : i32 to index
        %get3A_515 = arith.index_cast %scan3A_491 : i32 to index
        %get3A_516 = arith.constant 32 : index
        %get3A_517 = tpu.vector_load %arg8[%get3A_514, %get3A_515, %get3A_516] {strides = array<i32>} : memref<2x104x128xf32, #tpu.memory_space<vmem>>, vector<1x1x16xf32>,
        %get3A_518 = vector.shape_cast %get3A_517 : vector<1x1x16xf32> to vector<16xf32>
        %add3A_519 = arith.addf %scan3A_494, %get3A_518 : vector<16xf32>
        %get3A_520 = arith.constant 1 : i32
        %get3A_521 = arith.index_cast %get3A_520 : i32 to index
        %get3A_522 = arith.index_cast %scan3A_491 : i32 to index
        %get3A_523 = arith.constant 48 : index
        %get3A_524 = tpu.vector_load %arg8[%get3A_521, %get3A_522, %get3A_523] {strides = array<i32>} : memref<2x104x128xf32, #tpu.memory_space<vmem>>, vector<1x1x16xf32>,
        %get3A_525 = vector.shape_cast %get3A_524 : vector<1x1x16xf32> to vector<16xf32>
        %add3A_526 = arith.addf %scan3A_495, %get3A_525 : vector<16xf32>
        %get3A_527 = arith.constant 1 : i32
        %get3A_528 = arith.index_cast %get3A_527 : i32 to index
        %get3A_529 = arith.index_cast %scan3A_491 : i32 to index
        %get3A_530 = arith.constant 64 : index
        %get3A_531 = tpu.vector_load %arg8[%get3A_528, %get3A_529, %get3A_530] {strides = array<i32>} : memref<2x104x128xf32, #tpu.memory_space<vmem>>, vector<1x1x16xf32>,
        %get3A_532 = vector.shape_cast %get3A_531 : vector<1x1x16xf32> to vector<16xf32>
        %add3A_533 = arith.addf %scan3A_496, %get3A_532 : vector<16xf32>
        %get3A_534 = arith.constant 1 : i32
        %get3A_535 = arith.index_cast %get3A_534 : i32 to index
        %get3A_536 = arith.index_cast %scan3A_491 : i32 to index
        %get3A_537 = arith.constant 80 : index
        %get3A_538 = tpu.vector_load %arg8[%get3A_535, %get3A_536, %get3A_537] {strides = array<i32>} : memref<2x104x128xf32, #tpu.memory_space<vmem>>, vector<1x1x16xf32>,
        %get3A_539 = vector.shape_cast %get3A_538 : vector<1x1x16xf32> to vector<16xf32>
        %add3A_540 = arith.addf %scan3A_497, %get3A_539 : vector<16xf32>
        %get3A_541 = arith.constant 1 : i32
        %get3A_542 = arith.index_cast %get3A_541 : i32 to index
        %get3A_543 = arith.index_cast %scan3A_491 : i32 to index
        %get3A_544 = arith.constant 96 : index
        %get3A_545 = tpu.vector_load %arg8[%get3A_542, %get3A_543, %get3A_544] {strides = array<i32>} : memref<2x104x128xf32, #tpu.memory_space<vmem>>, vector<1x1x16xf32>,
        %get3A_546 = vector.shape_cast %get3A_545 : vector<1x1x16xf32> to vector<16xf32>
        %add3A_547 = arith.addf %scan3A_498, %get3A_546 : vector<16xf32>
        %get3A_548 = arith.constant 1 : i32
        %get3A_549 = arith.index_cast %get3A_548 : i32 to index
        %get3A_550 = arith.index_cast %scan3A_491 : i32 to index
        %get3A_551 = arith.constant 112 : index
        %get3A_552 = tpu.vector_load %arg8[%get3A_549, %get3A_550, %get3A_551] {strides = array<i32>} : memref<2x104x128xf32, #tpu.memory_space<vmem>>, vector<1x1x16xf32>,
        %get3A_553 = vector.shape_cast %get3A_552 : vector<1x1x16xf32> to vector<16xf32>
        %add3A_554 = arith.addf %scan3A_499, %get3A_553 : vector<16xf32>
        scf.yield %add3A_505, %add3A_512, %add3A_519, %add3A_526, %add3A_533, %add3A_540, %add3A_547, %add3A_554 : vector<16xf32>, vector<16xf32>, vector<16xf32>, vector<16xf32>, vector<16xf32>, vector<16xf32>, vector<16xf32>, vector<16xf32>
      }
      %scan3A_371 = arith.constant 104 : i32
      %add3A_372 = arith.constant 4 : i32
      %add3A_373 = arith.addi %add3A_330, %add3A_372 : i32
      %lt3A_374 = arith.constant 64 : i32
      %lt3A_375 = arith.cmpi slt, %add3A_373, %lt3A_374 : i32
      %convert_element_type3A_376 = arith.extui %lt3A_375 : i1 to i32
      %cond3A_377 = arith.constant 0 : i32
      %cond3A_378 = arith.cmpi ne, %convert_element_type3A_376, %cond3A_377 : i32
      scf.if %cond3A_378 {
        %jit3A_491 = arith.constant 2 : i32
        %div3A_492 = arith.divsi %add3A_373, %jit3A_491 : i32
        %sign3A_493 = arith.constant 0 : i32
        %sign3A_494 = arith.cmpi sgt, %add3A_373, %sign3A_493 : i32
        %sign3A_495 = arith.extui %sign3A_494 : i1 to i32
        %sign3A_496 = arith.constant 0 : i32
        %sign3A_497 = arith.cmpi slt, %add3A_373, %sign3A_496 : i32
        %sign3A_498 = arith.extui %sign3A_497 : i1 to i32
        %sign3A_499 = arith.subi %sign3A_495, %sign3A_498 : i32
        %sign3A_500 = arith.constant 0 : i32
        %sign3A_501 = arith.cmpi sgt, %jit3A_491, %sign3A_500 : i32
        %sign3A_502 = arith.extui %sign3A_501 : i1 to i32
        %sign3A_503 = arith.constant 0 : i32
        %sign3A_504 = arith.cmpi slt, %jit3A_491, %sign3A_503 : i32
        %sign3A_505 = arith.extui %sign3A_504 : i1 to i32
        %sign3A_506 = arith.subi %sign3A_502, %sign3A_505 : i32
        %ne3A_507 = arith.cmpi ne, %sign3A_499, %sign3A_506 : i32
        %rem3A_508 = arith.remsi %add3A_373, %jit3A_491 : i32
        %ne3A_509 = arith.constant 0 : i32
        %ne3A_510 = arith.cmpi ne, %rem3A_508, %ne3A_509 : i32
        %and3A_511 = arith.andi %ne3A_507, %ne3A_510 : i1
        %sub3A_512 = arith.constant 1 : i32
        %sub3A_513 = arith.subi %div3A_492, %sub3A_512 : i32
        %select_n3A_514 = arith.select %and3A_511, %sub3A_513, %div3A_492 : i32
        %dma_start3A_515 = arith.constant 1 : i32
        %dma_start3A_516 = arith.constant 0 : i32
        %dma_start3A_517 = arith.constant 0 : i32
        %dma_start3A_518 = tpu.memref_slice %arg8[%dma_start3A_515, %dma_start3A_516, %dma_start3A_517] : memref<2x104x128xf32, #tpu.memory_space<vmem>> -> memref<1x104x128xf32, #tpu.memory_space<vmem>>
        %dma_start3A_519 = tpu.memref_squeeze %dma_start3A_518 : memref<1x104x128xf32, #tpu.memory_space<vmem>> -> memref<104x128xf32, #tpu.memory_space<vmem>>
        %dma_start3A_520 = arith.constant 0 : i32
        %dma_start3A_521 = tpu.memref_slice %arg6[%select_n3A_514, %dma_start3A_520] : memref<32x104xi32, #tpu.memory_space<vmem>> -> memref<1x104xi32, #tpu.memory_space<vmem>>
        %dma_start3A_522 = tpu.memref_squeeze %dma_start3A_521 : memref<1x104xi32, #tpu.memory_space<vmem>> -> memref<104xi32, #tpu.memory_space<vmem>>
        %dma_start3A_523 = arith.constant 0 : i32
        %dma_start3A_524 = arith.constant 0 : i32
        %dma_start3A_525 = tpu.memref_slice %arg2[%dma_start3A_523, %dma_start3A_524] : memref<100000x128xf32, #tpu.memory_space<hbm>> -> memref<100000x128xf32, #tpu.memory_space<hbm>>
        tpu.enqueue_indirect_dma source(%dma_start3A_525 : memref<100000x128xf32, #tpu.memory_space<hbm>>) target(%dma_start3A_519 : memref<104x128xf32, #tpu.memory_space<vmem>>) offsets(%dma_start3A_522 : memref<104xi32, #tpu.memory_space<vmem>>) semaphore(%arg13 : memref<!tpu.dma_semaphore, #tpu.memory_space<semaphore_mem>>)
      } else {
      }
      %mul3A_379 = arith.constant 4 : i32
      %mul3A_380 = arith.muli %scan3A_159, %mul3A_379 : i32
      %add3A_381 = arith.constant 3 : i32
      %add3A_382 = arith.addi %mul3A_380, %add3A_381 : i32
      %jit3A_383 = arith.constant 2 : i32
      %div3A_384 = arith.divsi %add3A_382, %jit3A_383 : i32
      %sign3A_385 = arith.constant 0 : i32
      %sign3A_386 = arith.cmpi sgt, %add3A_382, %sign3A_385 : i32
      %sign3A_387 = arith.extui %sign3A_386 : i1 to i32
      %sign3A_388 = arith.constant 0 : i32
      %sign3A_389 = arith.cmpi slt, %add3A_382, %sign3A_388 : i32
      %sign3A_390 = arith.extui %sign3A_389 : i1 to i32
      %sign3A_391 = arith.subi %sign3A_387, %sign3A_390 : i32
      %sign3A_392 = arith.constant 0 : i32
      %sign3A_393 = arith.cmpi sgt, %jit3A_383, %sign3A_392 : i32
      %sign3A_394 = arith.extui %sign3A_393 : i1 to i32
      %sign3A_395 = arith.constant 0 : i32
      %sign3A_396 = arith.cmpi slt, %jit3A_383, %sign3A_395 : i32
      %sign3A_397 = arith.extui %sign3A_396 : i1 to i32
      %sign3A_398 = arith.subi %sign3A_394, %sign3A_397 : i32
      %ne3A_399 = arith.cmpi ne, %sign3A_391, %sign3A_398 : i32
      %rem3A_400 = arith.remsi %add3A_382, %jit3A_383 : i32
      %ne3A_401 = arith.constant 0 : i32
      %ne3A_402 = arith.cmpi ne, %rem3A_400, %ne3A_401 : i32
      %and3A_403 = arith.andi %ne3A_399, %ne3A_402 : i1
      %sub3A_404 = arith.constant 1 : i32
      %sub3A_405 = arith.subi %div3A_384, %sub3A_404 : i32
      %select_n3A_406 = arith.select %and3A_403, %sub3A_405, %div3A_384 : i32
      %dma_wait3A_407 = arith.constant 1 : i32
      %dma_wait3A_408 = arith.constant 0 : i32
      %dma_wait3A_409 = arith.constant 0 : i32
      %dma_wait3A_410 = tpu.memref_slice %arg9[%dma_wait3A_407, %dma_wait3A_408, %dma_wait3A_409] : memref<2x96x128xf32, #tpu.memory_space<vmem>> -> memref<1x96x128xf32, #tpu.memory_space<vmem>>
      %dma_wait3A_411 = tpu.memref_squeeze %dma_wait3A_410 : memref<1x96x128xf32, #tpu.memory_space<vmem>> -> memref<96x128xf32, #tpu.memory_space<vmem>>
      %dma_wait3A_412 = arith.constant 0 : i32
      %dma_wait3A_413 = tpu.memref_slice %arg7[%select_n3A_406, %dma_wait3A_412] : memref<32x96xi32, #tpu.memory_space<vmem>> -> memref<1x96xi32, #tpu.memory_space<vmem>>
      %dma_wait3A_414 = tpu.memref_squeeze %dma_wait3A_413 : memref<1x96xi32, #tpu.memory_space<vmem>> -> memref<96xi32, #tpu.memory_space<vmem>>
      %dma_wait3A_415 = arith.constant 0 : i32
      %dma_wait3A_416 = arith.constant 0 : i32
      %dma_wait3A_417 = tpu.memref_slice %arg2[%dma_wait3A_415, %dma_wait3A_416] : memref<100000x128xf32, #tpu.memory_space<hbm>> -> memref<100000x128xf32, #tpu.memory_space<hbm>>
      tpu.wait_indirect_dma semaphore(%arg14 : memref<!tpu.dma_semaphore, #tpu.memory_space<semaphore_mem>>) src(%dma_wait3A_417 : memref<100000x128xf32, #tpu.memory_space<hbm>>) dst(%dma_wait3A_411 : memref<96x128xf32, #tpu.memory_space<vmem>>)
      %scan3A_418 = arith.constant 0 : i32
      %scan3A_419 = arith.constant 96 : i32
      %scan3A_420 = arith.addi %scan3A_418, %scan3A_419 : i32
      %scan3A_421 = arith.constant 1 : i32
      %scan3A_422:8 = scf.for %scan3A_491 = %scan3A_418 to %scan3A_420 step %scan3A_421 iter_args(%scan3A_492 = %scan3A_370#0, %scan3A_493 = %scan3A_370#1, %scan3A_494 = %scan3A_370#2, %scan3A_495 = %scan3A_370#3, %scan3A_496 = %scan3A_370#4, %scan3A_497 = %scan3A_370#5, %scan3A_498 = %scan3A_370#6, %scan3A_499 = %scan3A_370#7) -> (vector<16xf32>, vector<16xf32>, vector<16xf32>, vector<16xf32>, vector<16xf32>, vector<16xf32>, vector<16xf32>, vector<16xf32>)  : i32 {
        %get3A = arith.constant 1 : i32
        %get3A_500 = arith.index_cast %get3A : i32 to index
        %get3A_501 = arith.index_cast %scan3A_491 : i32 to index
        %get3A_502 = arith.constant 0 : index
        %get3A_503 = tpu.vector_load %arg9[%get3A_500, %get3A_501, %get3A_502] {strides = array<i32>} : memref<2x96x128xf32, #tpu.memory_space<vmem>>, vector<1x1x16xf32>,
        %get3A_504 = vector.shape_cast %get3A_503 : vector<1x1x16xf32> to vector<16xf32>
        %add3A_505 = arith.addf %scan3A_492, %get3A_504 : vector<16xf32>
        %get3A_506 = arith.constant 1 : i32
        %get3A_507 = arith.index_cast %get3A_506 : i32 to index
        %get3A_508 = arith.index_cast %scan3A_491 : i32 to index
        %get3A_509 = arith.constant 16 : index
        %get3A_510 = tpu.vector_load %arg9[%get3A_507, %get3A_508, %get3A_509] {strides = array<i32>} : memref<2x96x128xf32, #tpu.memory_space<vmem>>, vector<1x1x16xf32>,
        %get3A_511 = vector.shape_cast %get3A_510 : vector<1x1x16xf32> to vector<16xf32>
        %add3A_512 = arith.addf %scan3A_493, %get3A_511 : vector<16xf32>
        %get3A_513 = arith.constant 1 : i32
        %get3A_514 = arith.index_cast %get3A_513 : i32 to index
        %get3A_515 = arith.index_cast %scan3A_491 : i32 to index
        %get3A_516 = arith.constant 32 : index
        %get3A_517 = tpu.vector_load %arg9[%get3A_514, %get3A_515, %get3A_516] {strides = array<i32>} : memref<2x96x128xf32, #tpu.memory_space<vmem>>, vector<1x1x16xf32>,
        %get3A_518 = vector.shape_cast %get3A_517 : vector<1x1x16xf32> to vector<16xf32>
        %add3A_519 = arith.addf %scan3A_494, %get3A_518 : vector<16xf32>
        %get3A_520 = arith.constant 1 : i32
        %get3A_521 = arith.index_cast %get3A_520 : i32 to index
        %get3A_522 = arith.index_cast %scan3A_491 : i32 to index
        %get3A_523 = arith.constant 48 : index
        %get3A_524 = tpu.vector_load %arg9[%get3A_521, %get3A_522, %get3A_523] {strides = array<i32>} : memref<2x96x128xf32, #tpu.memory_space<vmem>>, vector<1x1x16xf32>,
        %get3A_525 = vector.shape_cast %get3A_524 : vector<1x1x16xf32> to vector<16xf32>
        %add3A_526 = arith.addf %scan3A_495, %get3A_525 : vector<16xf32>
        %get3A_527 = arith.constant 1 : i32
        %get3A_528 = arith.index_cast %get3A_527 : i32 to index
        %get3A_529 = arith.index_cast %scan3A_491 : i32 to index
        %get3A_530 = arith.constant 64 : index
        %get3A_531 = tpu.vector_load %arg9[%get3A_528, %get3A_529, %get3A_530] {strides = array<i32>} : memref<2x96x128xf32, #tpu.memory_space<vmem>>, vector<1x1x16xf32>,
        %get3A_532 = vector.shape_cast %get3A_531 : vector<1x1x16xf32> to vector<16xf32>
        %add3A_533 = arith.addf %scan3A_496, %get3A_532 : vector<16xf32>
        %get3A_534 = arith.constant 1 : i32
        %get3A_535 = arith.index_cast %get3A_534 : i32 to index
        %get3A_536 = arith.index_cast %scan3A_491 : i32 to index
        %get3A_537 = arith.constant 80 : index
        %get3A_538 = tpu.vector_load %arg9[%get3A_535, %get3A_536, %get3A_537] {strides = array<i32>} : memref<2x96x128xf32, #tpu.memory_space<vmem>>, vector<1x1x16xf32>,
        %get3A_539 = vector.shape_cast %get3A_538 : vector<1x1x16xf32> to vector<16xf32>
        %add3A_540 = arith.addf %scan3A_497, %get3A_539 : vector<16xf32>
        %get3A_541 = arith.constant 1 : i32
        %get3A_542 = arith.index_cast %get3A_541 : i32 to index
        %get3A_543 = arith.index_cast %scan3A_491 : i32 to index
        %get3A_544 = arith.constant 96 : index
        %get3A_545 = tpu.vector_load %arg9[%get3A_542, %get3A_543, %get3A_544] {strides = array<i32>} : memref<2x96x128xf32, #tpu.memory_space<vmem>>, vector<1x1x16xf32>,
        %get3A_546 = vector.shape_cast %get3A_545 : vector<1x1x16xf32> to vector<16xf32>
        %add3A_547 = arith.addf %scan3A_498, %get3A_546 : vector<16xf32>
        %get3A_548 = arith.constant 1 : i32
        %get3A_549 = arith.index_cast %get3A_548 : i32 to index
        %get3A_550 = arith.index_cast %scan3A_491 : i32 to index
        %get3A_551 = arith.constant 112 : index
        %get3A_552 = tpu.vector_load %arg9[%get3A_549, %get3A_550, %get3A_551] {strides = array<i32>} : memref<2x96x128xf32, #tpu.memory_space<vmem>>, vector<1x1x16xf32>,
        %get3A_553 = vector.shape_cast %get3A_552 : vector<1x1x16xf32> to vector<16xf32>
        %add3A_554 = arith.addf %scan3A_499, %get3A_553 : vector<16xf32>
        scf.yield %add3A_505, %add3A_512, %add3A_519, %add3A_526, %add3A_533, %add3A_540, %add3A_547, %add3A_554 : vector<16xf32>, vector<16xf32>, vector<16xf32>, vector<16xf32>, vector<16xf32>, vector<16xf32>, vector<16xf32>, vector<16xf32>
      }
      %scan3A_423 = arith.constant 96 : i32
      %mul3A_424 = arith.constant 2 : i32
      %mul3A_425 = arith.muli %scan3A_159, %mul3A_424 : i32
      %add3A_426 = arith.constant 1 : i32
      %add3A_427 = arith.addi %mul3A_425, %add3A_426 : i32
      %mul3A_428 = vector.broadcast %scan3A : f32 to vector<16xf32>
      %mul3A_429 = arith.mulf %scan3A_422#0, %mul3A_428 : vector<16xf32>
      %swap3A_430 = arith.index_cast %add3A_427 : i32 to index
      %swap3A_431 = arith.constant 0 : index
      %swap3A_432 = tpu.vector_load %arg10[%swap3A_430, %swap3A_431] {strides = array<i32>} : memref<32x128xf32, #tpu.memory_space<vmem>>, vector<1x16xf32>,
      %swap3A_433 = vector.shape_cast %swap3A_432 : vector<1x16xf32> to vector<16xf32>
      %swap3A_434 = vector.shape_cast %mul3A_429 : vector<16xf32> to vector<1x16xf32>
      tpu.vector_store %arg10[%swap3A_430, %swap3A_431], %swap3A_434 {strides = array<i32>} : memref<32x128xf32, #tpu.memory_space<vmem>>, vector<1x16xf32>,
      %mul3A_435 = vector.broadcast %scan3A : f32 to vector<16xf32>
      %mul3A_436 = arith.mulf %scan3A_422#1, %mul3A_435 : vector<16xf32>
      %swap3A_437 = arith.index_cast %add3A_427 : i32 to index
      %swap3A_438 = arith.constant 16 : index
      %swap3A_439 = tpu.vector_load %arg10[%swap3A_437, %swap3A_438] {strides = array<i32>} : memref<32x128xf32, #tpu.memory_space<vmem>>, vector<1x16xf32>,
      %swap3A_440 = vector.shape_cast %swap3A_439 : vector<1x16xf32> to vector<16xf32>
      %swap3A_441 = vector.shape_cast %mul3A_436 : vector<16xf32> to vector<1x16xf32>
      tpu.vector_store %arg10[%swap3A_437, %swap3A_438], %swap3A_441 {strides = array<i32>} : memref<32x128xf32, #tpu.memory_space<vmem>>, vector<1x16xf32>,
      %mul3A_442 = vector.broadcast %scan3A : f32 to vector<16xf32>
      %mul3A_443 = arith.mulf %scan3A_422#2, %mul3A_442 : vector<16xf32>
      %swap3A_444 = arith.index_cast %add3A_427 : i32 to index
      %swap3A_445 = arith.constant 32 : index
      %swap3A_446 = tpu.vector_load %arg10[%swap3A_444, %swap3A_445] {strides = array<i32>} : memref<32x128xf32, #tpu.memory_space<vmem>>, vector<1x16xf32>,
      %swap3A_447 = vector.shape_cast %swap3A_446 : vector<1x16xf32> to vector<16xf32>
      %swap3A_448 = vector.shape_cast %mul3A_443 : vector<16xf32> to vector<1x16xf32>
      tpu.vector_store %arg10[%swap3A_444, %swap3A_445], %swap3A_448 {strides = array<i32>} : memref<32x128xf32, #tpu.memory_space<vmem>>, vector<1x16xf32>,
      %mul3A_449 = vector.broadcast %scan3A : f32 to vector<16xf32>
      %mul3A_450 = arith.mulf %scan3A_422#3, %mul3A_449 : vector<16xf32>
      %swap3A_451 = arith.index_cast %add3A_427 : i32 to index
      %swap3A_452 = arith.constant 48 : index
      %swap3A_453 = tpu.vector_load %arg10[%swap3A_451, %swap3A_452] {strides = array<i32>} : memref<32x128xf32, #tpu.memory_space<vmem>>, vector<1x16xf32>,
      %swap3A_454 = vector.shape_cast %swap3A_453 : vector<1x16xf32> to vector<16xf32>
      %swap3A_455 = vector.shape_cast %mul3A_450 : vector<16xf32> to vector<1x16xf32>
      tpu.vector_store %arg10[%swap3A_451, %swap3A_452], %swap3A_455 {strides = array<i32>} : memref<32x128xf32, #tpu.memory_space<vmem>>, vector<1x16xf32>,
      %mul3A_456 = vector.broadcast %scan3A : f32 to vector<16xf32>
      %mul3A_457 = arith.mulf %scan3A_422#4, %mul3A_456 : vector<16xf32>
      %swap3A_458 = arith.index_cast %add3A_427 : i32 to index
      %swap3A_459 = arith.constant 64 : index
      %swap3A_460 = tpu.vector_load %arg10[%swap3A_458, %swap3A_459] {strides = array<i32>} : memref<32x128xf32, #tpu.memory_space<vmem>>, vector<1x16xf32>,
      %swap3A_461 = vector.shape_cast %swap3A_460 : vector<1x16xf32> to vector<16xf32>
      %swap3A_462 = vector.shape_cast %mul3A_457 : vector<16xf32> to vector<1x16xf32>
      tpu.vector_store %arg10[%swap3A_458, %swap3A_459], %swap3A_462 {strides = array<i32>} : memref<32x128xf32, #tpu.memory_space<vmem>>, vector<1x16xf32>,
      %mul3A_463 = vector.broadcast %scan3A : f32 to vector<16xf32>
      %mul3A_464 = arith.mulf %scan3A_422#5, %mul3A_463 : vector<16xf32>
      %swap3A_465 = arith.index_cast %add3A_427 : i32 to index
      %swap3A_466 = arith.constant 80 : index
      %swap3A_467 = tpu.vector_load %arg10[%swap3A_465, %swap3A_466] {strides = array<i32>} : memref<32x128xf32, #tpu.memory_space<vmem>>, vector<1x16xf32>,
      %swap3A_468 = vector.shape_cast %swap3A_467 : vector<1x16xf32> to vector<16xf32>
      %swap3A_469 = vector.shape_cast %mul3A_464 : vector<16xf32> to vector<1x16xf32>
      tpu.vector_store %arg10[%swap3A_465, %swap3A_466], %swap3A_469 {strides = array<i32>} : memref<32x128xf32, #tpu.memory_space<vmem>>, vector<1x16xf32>,
      %mul3A_470 = vector.broadcast %scan3A : f32 to vector<16xf32>
      %mul3A_471 = arith.mulf %scan3A_422#6, %mul3A_470 : vector<16xf32>
      %swap3A_472 = arith.index_cast %add3A_427 : i32 to index
      %swap3A_473 = arith.constant 96 : index
      %swap3A_474 = tpu.vector_load %arg10[%swap3A_472, %swap3A_473] {strides = array<i32>} : memref<32x128xf32, #tpu.memory_space<vmem>>, vector<1x16xf32>,
      %swap3A_475 = vector.shape_cast %swap3A_474 : vector<1x16xf32> to vector<16xf32>
      %swap3A_476 = vector.shape_cast %mul3A_471 : vector<16xf32> to vector<1x16xf32>
      tpu.vector_store %arg10[%swap3A_472, %swap3A_473], %swap3A_476 {strides = array<i32>} : memref<32x128xf32, #tpu.memory_space<vmem>>, vector<1x16xf32>,
      %mul3A_477 = vector.broadcast %scan3A : f32 to vector<16xf32>
      %mul3A_478 = arith.mulf %scan3A_422#7, %mul3A_477 : vector<16xf32>
      %swap3A_479 = arith.index_cast %add3A_427 : i32 to index
      %swap3A_480 = arith.constant 112 : index
      %swap3A_481 = tpu.vector_load %arg10[%swap3A_479, %swap3A_480] {strides = array<i32>} : memref<32x128xf32, #tpu.memory_space<vmem>>, vector<1x16xf32>,
      %swap3A_482 = vector.shape_cast %swap3A_481 : vector<1x16xf32> to vector<16xf32>
      %swap3A_483 = vector.shape_cast %mul3A_478 : vector<16xf32> to vector<1x16xf32>
      tpu.vector_store %arg10[%swap3A_479, %swap3A_480], %swap3A_483 {strides = array<i32>} : memref<32x128xf32, #tpu.memory_space<vmem>>, vector<1x16xf32>,
      %add3A_484 = arith.constant 4 : i32
      %add3A_485 = arith.addi %add3A_382, %add3A_484 : i32
      %lt3A_486 = arith.constant 64 : i32
      %lt3A_487 = arith.cmpi slt, %add3A_485, %lt3A_486 : i32
      %convert_element_type3A_488 = arith.extui %lt3A_487 : i1 to i32
      %cond3A_489 = arith.constant 0 : i32
      %cond3A_490 = arith.cmpi ne, %convert_element_type3A_488, %cond3A_489 : i32
      scf.if %cond3A_490 {
        %jit3A_491 = arith.constant 2 : i32
        %div3A_492 = arith.divsi %add3A_485, %jit3A_491 : i32
        %sign3A_493 = arith.constant 0 : i32
        %sign3A_494 = arith.cmpi sgt, %add3A_485, %sign3A_493 : i32
        %sign3A_495 = arith.extui %sign3A_494 : i1 to i32
        %sign3A_496 = arith.constant 0 : i32
        %sign3A_497 = arith.cmpi slt, %add3A_485, %sign3A_496 : i32
        %sign3A_498 = arith.extui %sign3A_497 : i1 to i32
        %sign3A_499 = arith.subi %sign3A_495, %sign3A_498 : i32
        %sign3A_500 = arith.constant 0 : i32
        %sign3A_501 = arith.cmpi sgt, %jit3A_491, %sign3A_500 : i32
        %sign3A_502 = arith.extui %sign3A_501 : i1 to i32
        %sign3A_503 = arith.constant 0 : i32
        %sign3A_504 = arith.cmpi slt, %jit3A_491, %sign3A_503 : i32
        %sign3A_505 = arith.extui %sign3A_504 : i1 to i32
        %sign3A_506 = arith.subi %sign3A_502, %sign3A_505 : i32
        %ne3A_507 = arith.cmpi ne, %sign3A_499, %sign3A_506 : i32
        %rem3A_508 = arith.remsi %add3A_485, %jit3A_491 : i32
        %ne3A_509 = arith.constant 0 : i32
        %ne3A_510 = arith.cmpi ne, %rem3A_508, %ne3A_509 : i32
        %and3A_511 = arith.andi %ne3A_507, %ne3A_510 : i1
        %sub3A_512 = arith.constant 1 : i32
        %sub3A_513 = arith.subi %div3A_492, %sub3A_512 : i32
        %select_n3A_514 = arith.select %and3A_511, %sub3A_513, %div3A_492 : i32
        %dma_start3A_515 = arith.constant 1 : i32
        %dma_start3A_516 = arith.constant 0 : i32
        %dma_start3A_517 = arith.constant 0 : i32
        %dma_start3A_518 = tpu.memref_slice %arg9[%dma_start3A_515, %dma_start3A_516, %dma_start3A_517] : memref<2x96x128xf32, #tpu.memory_space<vmem>> -> memref<1x96x128xf32, #tpu.memory_space<vmem>>
        %dma_start3A_519 = tpu.memref_squeeze %dma_start3A_518 : memref<1x96x128xf32, #tpu.memory_space<vmem>> -> memref<96x128xf32, #tpu.memory_space<vmem>>
        %dma_start3A_520 = arith.constant 0 : i32
        %dma_start3A_521 = tpu.memref_slice %arg7[%select_n3A_514, %dma_start3A_520] : memref<32x96xi32, #tpu.memory_space<vmem>> -> memref<1x96xi32, #tpu.memory_space<vmem>>
        %dma_start3A_522 = tpu.memref_squeeze %dma_start3A_521 : memref<1x96xi32, #tpu.memory_space<vmem>> -> memref<96xi32, #tpu.memory_space<vmem>>
        %dma_start3A_523 = arith.constant 0 : i32
        %dma_start3A_524 = arith.constant 0 : i32
        %dma_start3A_525 = tpu.memref_slice %arg2[%dma_start3A_523, %dma_start3A_524] : memref<100000x128xf32, #tpu.memory_space<hbm>> -> memref<100000x128xf32, #tpu.memory_space<hbm>>
        tpu.enqueue_indirect_dma source(%dma_start3A_525 : memref<100000x128xf32, #tpu.memory_space<hbm>>) target(%dma_start3A_519 : memref<96x128xf32, #tpu.memory_space<vmem>>) offsets(%dma_start3A_522 : memref<96xi32, #tpu.memory_space<vmem>>) semaphore(%arg14 : memref<!tpu.dma_semaphore, #tpu.memory_space<semaphore_mem>>)
      } else {
      }
      scf.yield %broadcast_in_dim3A_138, %broadcast_in_dim3A_140, %broadcast_in_dim3A_142, %broadcast_in_dim3A_144, %broadcast_in_dim3A_146, %broadcast_in_dim3A_148, %broadcast_in_dim3A_150, %broadcast_in_dim3A_152 : vector<16xf32>, vector<16xf32>, vector<16xf32>, vector<16xf32>, vector<16xf32>, vector<16xf32>, vector<16xf32>, vector<16xf32>
    }
    %scan3A_158 = arith.constant 16 : i32
    "tpu.region"() ({
      %run_scoped3A = tpu.sem_alloc : memref<!tpu.dma_semaphore, #tpu.memory_space<semaphore_mem>>
      %dma_start3A_159 = arith.constant 0 : i32
      %dma_start3A_160 = tpu.memref_slice %arg5[%mul3A_2, %dma_start3A_159] : memref<1024x128xf32, #tpu.memory_space<hbm>> -> memref<32x128xf32, #tpu.memory_space<hbm>>
      %dma_start3A_161 = arith.constant 0 : i32
      %dma_start3A_162 = tpu.memref_slice %arg5[%mul3A_2, %dma_start3A_161] : memref<1024x128xf32, #tpu.memory_space<hbm>> -> memref<32x128xf32, #tpu.memory_space<hbm>>
      tpu.enqueue_dma source(%arg10 : memref<32x128xf32, #tpu.memory_space<vmem>>) target(%dma_start3A_162 : memref<32x128xf32, #tpu.memory_space<hbm>>) target_semaphore(%run_scoped3A : memref<!tpu.dma_semaphore, #tpu.memory_space<semaphore_mem>>)
      %dma_wait3A = arith.constant 0 : i32
      %dma_wait3A_163 = tpu.memref_slice %arg5[%mul3A_2, %dma_wait3A] : memref<1024x128xf32, #tpu.memory_space<hbm>> -> memref<32x128xf32, #tpu.memory_space<hbm>>
      %dma_wait3A_164 = arith.constant 0 : i32
      %dma_wait3A_165 = tpu.memref_slice %arg5[%mul3A_2, %dma_wait3A_164] : memref<1024x128xf32, #tpu.memory_space<hbm>> -> memref<32x128xf32, #tpu.memory_space<hbm>>
      tpu.wait_dma2 semaphore(%run_scoped3A : memref<!tpu.dma_semaphore, #tpu.memory_space<semaphore_mem>>) src(%arg10 : memref<32x128xf32, #tpu.memory_space<vmem>>) dst(%dma_wait3A_165 : memref<32x128xf32, #tpu.memory_space<hbm>>)
      tpu.yield
    }) : () -> ()
    return
  }
}

module attributes {stable_mosaic.version = 14 : i64} {
  func.func @_mm_kernel(%arg0: i32, %arg1: i32, %arg2: memref<512x128xf32, #tpu.memory_space<vmem>>, %arg3: memref<512x128xf32, #tpu.memory_space<vmem>>, %arg4: memref<1024x256xf32, #tpu.memory_space<vmem>>, %arg5: memref<1x1024xf32, #tpu.memory_space<vmem>>, %arg6: memref<512x1024xf32, #tpu.memory_space<vmem>>) attributes {dimension_semantics = [#tpu.dimension_semantics<parallel>, #tpu.dimension_semantics<parallel>], iteration_bounds = array<i64: 8, 10>, scalar_prefetch = 0 : i64, scratch_operands = 0 : i64, tpu.core_type = #tpu.core_type<tc>, window_params = [{transform_indices = @transform_0, window_bounds = array<i64: 512, 128>}, {transform_indices = @transform_1, window_bounds = array<i64: 512, 128>}, {transform_indices = @transform_2, window_bounds = array<i64: 1024, 256>}, {transform_indices = @transform_3, window_bounds = array<i64: 1, 1024>}, {transform_indices = @transform_4, window_bounds = array<i64: 512, 1024>}]} {
    %get3A = arith.constant 0 : index
    %get3A_0 = arith.constant 0 : index
    %get3A_1 = vector.load %arg2[%get3A, %get3A_0] : memref<512x128xf32, #tpu.memory_space<vmem>>, vector<512x128xf32>
    %convert_element_type3A = arith.truncf %get3A_1 : vector<512x128xf32> to vector<512x128xbf16>
    %get3A_2 = arith.constant 0 : index
    %get3A_3 = arith.constant 0 : index
    %get3A_4 = vector.load %arg3[%get3A_2, %get3A_3] : memref<512x128xf32, #tpu.memory_space<vmem>>, vector<512x128xf32>
    %convert_element_type3A_5 = arith.truncf %get3A_4 : vector<512x128xf32> to vector<512x128xbf16>
    %get3A_6 = arith.constant 0 : index
    %get3A_7 = arith.constant 0 : index
    %get3A_8 = vector.load %arg4[%get3A_6, %get3A_7] : memref<1024x256xf32, #tpu.memory_space<vmem>>, vector<1024x256xf32>
    %convert_element_type3A_9 = arith.truncf %get3A_8 : vector<1024x256xf32> to vector<1024x256xbf16>
    %slice3A = vector.extract_strided_slice %convert_element_type3A_9 {offsets = [0, 0], sizes = [1024, 128], strides = [1, 1]} : vector<1024x256xbf16> to vector<1024x128xbf16>
    %dot_general3A = arith.constant dense<0.000000e+00> : vector<512x1024xf32>
    %dot_general3A_10 = tpu.matmul %convert_element_type3A, %slice3A, %dot_general3A {dimension_numbers = #tpu.dot_dimension_numbers<[1], [1], [0], [0], [0, 0, 1, 0], [], []>, transpose_lhs_hint = false} : vector<512x128xbf16>, vector<1024x128xbf16>, vector<512x1024xf32> -> vector<512x1024xf32>
    %slice3A_11 = vector.extract_strided_slice %convert_element_type3A_9 {offsets = [0, 128], sizes = [1024, 128], strides = [1, 1]} : vector<1024x256xbf16> to vector<1024x128xbf16>
    %dot_general3A_12 = arith.constant dense<0.000000e+00> : vector<512x1024xf32>
    %dot_general3A_13 = tpu.matmul %convert_element_type3A_5, %slice3A_11, %dot_general3A_12 {dimension_numbers = #tpu.dot_dimension_numbers<[1], [1], [0], [0], [0, 0, 1, 0], [], []>, transpose_lhs_hint = false} : vector<512x128xbf16>, vector<1024x128xbf16>, vector<512x1024xf32> -> vector<512x1024xf32>
    %add3A = arith.addf %dot_general3A_10, %dot_general3A_13 : vector<512x1024xf32>
    %get3A_14 = arith.constant 0 : index
    %get3A_15 = arith.constant 0 : index
    %get3A_16 = vector.load %arg5[%get3A_14, %get3A_15] : memref<1x1024xf32, #tpu.memory_space<vmem>>, vector<1x1024xf32>
    %add3A_17 = vector.broadcast %get3A_16 : vector<1x1024xf32> to vector<512x1024xf32>
    %add3A_18 = arith.addf %add3A, %add3A_17 : vector<512x1024xf32>
    %swap3A = arith.constant 0 : index
    %swap3A_19 = arith.constant 0 : index
    %swap3A_20 = vector.load %arg6[%swap3A, %swap3A_19] : memref<512x1024xf32, #tpu.memory_space<vmem>>, vector<512x1024xf32>
    tpu.vector_store %arg6[%swap3A, %swap3A_19], %add3A_18 {strides = array<i32>} : memref<512x1024xf32, #tpu.memory_space<vmem>>, vector<512x1024xf32>,
    return
  }
  func.func @transform_0(%arg0: i32, %arg1: i32) -> (i32, i32) {
    %c0_i32 = arith.constant 0 : i32
    %c0_i32_0 = arith.constant 0 : i32
    return %arg0, %c0_i32 : i32, i32
  }
  func.func @transform_1(%arg0: i32, %arg1: i32) -> (i32, i32) {
    %c0_i32 = arith.constant 0 : i32
    %c0_i32_0 = arith.constant 0 : i32
    return %arg0, %c0_i32 : i32, i32
  }
  func.func @transform_2(%arg0: i32, %arg1: i32) -> (i32, i32) {
    %c0_i32 = arith.constant 0 : i32
    %c0_i32_0 = arith.constant 0 : i32
    return %arg1, %c0_i32 : i32, i32
  }
  func.func @transform_3(%arg0: i32, %arg1: i32) -> (i32, i32) {
    %c0_i32 = arith.constant 0 : i32
    %c0_i32_0 = arith.constant 0 : i32
    return %c0_i32, %arg1 : i32, i32
  }
  func.func @transform_4(%arg0: i32, %arg1: i32) -> (i32, i32) {
    %c0_i32 = arith.constant 0 : i32
    return %arg0, %arg1 : i32, i32
  }
}

</mosaic_0001>

<sc_bundles>
// kernel: kernel.10.cloned.1.call-start
scs
__scs_entry_jumppad:
0x0: {  	(pc) =	sbr.rel $0x88, $3  }
0x1: {  	(tag) =	ssettag $0x0;
	lr =	simm.s32 $0x1  }
0x2: {  	[smem:$0x3F9C] =	sst lr;
	_ =	strace $0xD0000000  }
0x3: {  	_ = 	snop  }
0x4: {  	_ = 	snop  }
0x5: {  	_ = 	snop  }
0x6: {  	_ = 	snop  }
0x7: {  	_ = 	snop  }
__scs_overlays_trampoline_lowered:
0x8: {  	[smem:$0x3FAB] =	sst s0  }
0x9: {  	[smem:$0x3FAC] =	sst s1  }
0xa: {  	[smem:$0x3FAD] =	sst s2  }
0xb: {  	[smem:$0x3FAE] =	sst s3  }
0xc: {  	[smem:$0x3FAF] =	sst s4  }
0xd: {  	[smem:$0x3FB0] =	sst s5  }
0xe: {  	[smem:$0x3FB1] =	sst s6  }
0xf: {  	[smem:$0x3FB2] =	sst s7  }
0x10: {  	[smem:$0x3FB3] =	sst s8  }
0x11: {  	[smem:$0x3FB4] =	sst s9;
	s0 =	simm.s32 @!p0 $0x0  }
0x12: {  	s1 =	sld [smem:$0x3F9A];
	s0 =	simm.s32 @p0 $0x1  }
0x13: {  	[smem:$0x3FB5] =	sst s0;
	s0 =	simm.s32 @!p1 $0x0  }
0x14: {  	s2 =	sld [smem:$0x3F99];
	s0 =	simm.s32 @p1 $0x1  }
0x15: {  	[smem:$0x3FB6] =	sst s0;
	s0 =	simm.s32 @!p2 $0x0  }
0x16: {  	s3 =	sld [smem:$0x3FDB];
	s0 =	simm.s32 @p2 $0x1  }
0x17: {  	s4 =	simm.s32 $0x1BF5;
	[smem:$0x3FB8] =	sst s0  }
0x18: {  	s0 =	sld [smem:$0x3F9B];
	_ =	swait.ge [sflag:s4], $0x0  }
0x19: {  	s7 =	sld [smem:$0x3F9C]  }
0x1a: {  	s8 =	sadd.s32 $0xFFFFE003, lr  }
0x1b: {  	s9 =	sadd.s32 $0xFFFFFEF7, lr;
	s5 =	simm.s32 $0xFFFFFFFF;
	p2 =	slt.u32 s8, $0xFFFFF086  }
0x1c: {  	p1 =	slt.u32 s9, $0xF7A;
	s5 =	simm.s32 @!p2 $0x0  }
0x1d: {  	s5 =	simm.s32 @p1 $0x1;
	p0 =	seq.s32 s7, s2  }
0x1e: {  	s7 =	smul.u32 @!p0 $0xF7A, s2;
	p2 =	seq.s32 @!p0 s5, $0x0  }
0x1f: {  	s9 =	smul.u32 $0xF7A, s1;
	s8 =	simm.s32 @!p0 $0x1BF5;
	p2 =	por !p2, p0  }
0x20: {  	[sflag:s8] =	ssyncset.s32 @!p0 $0xFFFFF086;
	s6 =	sadd.s32 @!p0 s3, s7;
	s7 =	simm.s32 @!p0 $0x108  }
0x21: {  	s3 =	sadd.s32 s3, s9;
	s6 =	sadd.s32 @!p0 $0x88, s6;
	s7 =	simm.s32 @p2 $0x1082  }
0x22: {  	[simem:s7], [sflag:s8] =	dma.local @!p0 [hbm:s6], $0xF7A  }
0x23: {  	s9 =	sor.u32 $0xD0000000, s2;
	s6 =	simm.s32 $0x108;
	_ =	swait.ge @!p0 [sflag:s8], $0x0  }
0x24: {  	s3 =	sadd.s32 $0x88, s3;
	s6 =	simm.s32 @!p1 $0x1082;
	[sflag:s4] =	ssyncset.s32 $0xFFFFF086  }
0x25: {  	[simem:s6], [sflag:s4] =	dma.local [hbm:s3], $0xF7A  }
0x26: {  	[smem:$0x3F9C] =	sst s1;
	(tag) =	ssettag s2;
	_ =	strace s9  }
0x27: {  	s1 =	sld [smem:$0x3FAC]  }
0x28: {  	s2 =	sld [smem:$0x3FAD]  }
0x29: {  	s4 =	sld [smem:$0x3FAF]  }
0x2a: {  	p0 =	seq.s32 s5, $0x0;
	s5 =	sld [smem:$0x3FB0]  }
0x2b: {  	s6 =	sld [smem:$0x3FB1]  }
0x2c: {  	s7 =	sld [smem:$0x3FB2]  }
0x2d: {  	s3 =	simm.s32 $0x108;
	s8 =	sld [smem:$0x3FB3]  }
0x2e: {  	s3 =	simm.s32 @!p0 $0x1082;
	s9 =	sld [smem:$0x3FB4]  }
0x2f: {  	lr =	sadd.s32 s0, s3;
	s0 =	sld [smem:$0x3FAB]  }
0x30: {  	s3 =	sld [smem:$0x3FAE]  }
0x31: {  	[smem:$0x3FB7] =	sst s10  }
0x32: {  	s10 =	sld [smem:$0x3FB5];
	_ =	sdelay $0x3  }
0x33: {  	p0 =	seq.s32 s10, $0x1;
	s10 =	sld [smem:$0x3FB7];
	_ =	sdelay $0x3  }
0x34: {  	[smem:$0x3FB7] =	sst s10  }
0x35: {  	s10 =	sld [smem:$0x3FB6];
	_ =	sdelay $0x3  }
0x36: {  	p1 =	seq.s32 s10, $0x1;
	s10 =	sld [smem:$0x3FB7];
	_ =	sdelay $0x3  }
0x37: {  	[smem:$0x3FB7] =	sst s10  }
0x38: {  	s10 =	sld [smem:$0x3FB8]  }
0x39: {  	_ = 	snop;
	(pc) =	sbr.ind lr, $3  }
0x3a: {  	_ = 	snop  }
0x3b: {  	_ = 	snop  }
0x3c: {  	p2 =	seq.s32 s10, $0x1;
	s10 =	sld [smem:$0x3FB7]  }
0x3d: {  	_ =	shalt  }
0x3e: {  	_ =	shalt  }
0x3f: {  	_ =	shalt  }
0x40: {  	_ =	shalt  }
0x41: {  	_ =	shalt  }
0x42: {  	_ =	shalt  }
0x43: {  	_ =	shalt  }
0x44: {  	_ =	shalt  }
0x45: {  	_ =	shalt  }
0x46: {  	_ =	shalt  }
0x47: {  	_ =	shalt  }
0x48: {  	_ =	shalt  }
0x49: {  	_ =	shalt  }
0x4a: {  	_ =	shalt  }
0x4b: {  	_ =	shalt  }
0x4c: {  	_ =	shalt  }
0x4d: {  	_ =	shalt  }
0x4e: {  	_ =	shalt  }
0x4f: {  	_ =	shalt  }
0x50: {  	_ =	shalt  }
0x51: {  	_ =	shalt  }
0x52: {  	_ =	shalt  }
0x53: {  	_ =	shalt  }
0x54: {  	_ =	shalt  }
0x55: {  	_ =	shalt  }
0x56: {  	_ =	shalt  }
0x57: {  	_ =	shalt  }
0x58: {  	_ =	shalt  }
0x59: {  	_ =	shalt  }
0x5a: {  	_ =	shalt  }
0x5b: {  	_ =	shalt  }
0x5c: {  	_ =	shalt  }
0x5d: {  	_ =	shalt  }
0x5e: {  	_ =	shalt  }
0x5f: {  	_ =	shalt  }
0x60: {  	_ =	shalt  }
0x61: {  	_ =	shalt  }
0x62: {  	_ =	shalt  }
0x63: {  	_ =	shalt  }
0x64: {  	_ =	shalt  }
0x65: {  	_ =	shalt  }
0x66: {  	_ =	shalt  }
0x67: {  	_ =	shalt  }
0x68: {  	_ =	shalt  }
0x69: {  	_ =	shalt  }
0x6a: {  	_ =	shalt  }
0x6b: {  	_ =	shalt  }
0x6c: {  	_ =	shalt  }
0x6d: {  	_ =	shalt  }
0x6e: {  	_ =	shalt  }
0x6f: {  	_ =	shalt  }
0x70: {  	_ =	shalt  }
0x71: {  	_ =	shalt  }
0x72: {  	_ =	shalt  }
0x73: {  	_ =	shalt  }
0x74: {  	_ =	shalt  }
0x75: {  	_ =	shalt  }
0x76: {  	_ =	shalt  }
0x77: {  	_ =	shalt  }
0x78: {  	_ =	shalt  }
0x79: {  	_ =	shalt  }
0x7a: {  	_ =	shalt  }
0x7b: {  	_ =	shalt  }
0x7c: {  	_ =	shalt  }
0x7d: {  	_ =	shalt  }
0x7e: {  	_ =	shalt  }
0x7f: {  	_ =	shalt  }
0x80: {  	_ =	shalt  }
0x81: {  	_ =	shalt  }
0x82: {  	_ =	shalt  }
0x83: {  	_ =	shalt  }
0x84: {  	_ =	shalt  }
0x85: {  	_ =	shalt  }
0x86: {  	_ =	shalt  }
0x87: {  	_ =	shalt  }
.Lfunc_end0:
.L_simem_size_0:
called_computation.1_lowered:
.L_overlay_start_0:
0x88: {  	s2 =	sld [smem:$0x3FD9]  }
0x89: {  	s3 =	sld [smem:$0x3FFE];
	_ =	sdelay $0x1  }
0x8a: {  	s1 =	srdreg.scid  }
0x8b: {  	s0 =	sand.u32 $0x1, s1  }
0x8c: {  	s17 =	sshll.u32 s0, $0xA;
	s2 =	sadd.s32 s3, s2  }
0x8d: {  	s2 =	sadd.s32 s2, s17  }
0x8e: {  	[smem:$0x3FC3] =	sst s2  }
0x8f: {  	_ = 	snop  }
0x90: {  	s2 =	sld [smem:$0x3FC7];
	(tm) =	ssettm $0x1  }
0x91: {  	s18 =	sld [smem:$0x3FFB];
	_ =	sdelay $0x3  }
0x92: {  	_ =	strace s18  }
0x93: {  	s3 =	sld [smem:$0x3FFC];
	_ =	sdelay $0x3  }
0x94: {  	_ =	strace s3  }
0x95: {  	s3 =	sld [smem:$0x3FFD];
	_ =	sdelay $0x3  }
0x96: {  	_ =	strace s3  }
0x97: {  	_ =	strace $0x8FFFFFFF  }
0x98: {  	s19 =	sld [smem:$0x3FDB];
	_ =	sdelay $0x1  }
0x99: {  	s4 =	simm.s32 $_scs_section_size  }
0x9a: {  	s5 =	simm.s32 $_size__tile_overlayer_lowered;
	s6 =	simm.s32 $_tile_overlayer_lowered  }
0x9b: {  	s22 =	simm.s32 $0x1BFF;
	s21 =	sshll.u32 s6, $0x1;
	s3 =	sadd.s32 s4, s19  }
0x9c: {  	s7 =	simm.s32 $0x0;
	s20 =	sshll.u32 s5, $0x1;
	s5 =	sadd.s32 s21, s3  }
0x9d: {  	[timem:s7], [sflag:s22] =	dma.local [hbm:s5], s20  }
0x9e: {  	_ =	swait.ge [sflag:s22], s20  }
0x9f: {  	s4 =	ssub.s32 $0x0, s20;
	[sflag:s22] =	ssyncset.done $0x0  }
0xa0: {  	[sflag:s22] =	ssyncadd.s32 s4;
	_ =	sdelay $0x1  }
0xa1: {  	s23 =	simm.s32 $0x1B8B  }
0xa2: {  	_ =	swait.ge [sflag:s23], $0x1  }
0xa3: {  	[sflag:s23] =	ssyncset.done $0x0  }
0xa4: {  	s25 =	simm.s32 $0x1B8E;
	s24 =	sld [smem:$0x3FFE];
	[sflag:s23] =	ssyncadd.s32 $0xFFFFFFFF  }
0xa5: {  	s26 =	simm.s32 $execute0_lowered;
	[smem:$0x3FD2] =	sst s25  }
0xa6: {  	s5 =	sshll.u32 s26, $0x1;
	_ =	strace $0x80000046;
	[dreg:$0x1] =	wrdreg $0xFFFFFFFF  }
0xa7: {  	s28 =	simm.s32 $_size_execute0_lowered;
	s3 =	sadd.s32 s3, s5;
	[dreg:$0x0] =	wrdreg $0x0  }
0xa8: {  	s5 =	sshll.u32 s28, $0x1;
	[dreg:$0x2] =	wrdreg s3  }
0xa9: {  	[dreg:$0x3] =	wrdreg s5  }
0xaa: {  	[dreg:$0x4] =	wrdreg $0xC0  }
0xab: {  	_ =	task [dreg:s7], $0x5FFFF  }
0xac: {  	[dreg:$0x1] =	wrdreg $0xFFFFFFFF  }
0xad: {  	[dreg:$0x0] =	wrdreg $0x60  }
0xae: {  	[dreg:$0x2] =	wrdreg s2  }
0xaf: {  	[dreg:$0x3] =	wrdreg s24  }
0xb0: {  	[dreg:$0x4] =	wrdreg $0xA  }
0xb1: {  	_ =	task.clear_ibuf [dreg:s7], $0x5FFFF;
	_ =	strace $0x90000046  }
0xb2: {  	s29 =	simm.s32 $0xA;
	_ =	strace $0x80000048  }
0xb3: {  	_ =	swait.ge [sflag:s29], $0x1  }
0xb4: {  	[sflag:s29] =	ssyncadd.s32 $0xFFFFFFFF  }
0xb5: {  	_ =	strace $0x90000048  }
0xb6: {  	_ =	sfence  }
0xb7: {  	s30 =	sld [smem:$0x0];
	_ =	sdelay $0x2  }
0xb8: {  	s31 =	sshll.u32 s1, $0xD;
	s1 =	sshrl.u32 s1, $0x2  }
0xb9: {  	s3 =	sand.u32 $0x4000, s31;
	s1 =	sadd.s32 s1, s30  }
0xba: {  	s0 =	sor.u32 s3, s0;
	s1 =	sshll.u32 s1, $0x11  }
0xbb: {  	s0 =	sor.u32 s1, s0  }
0xbc: {  	s0 =	sadd.s32 $0x8F2B, s0  }
0xbd: {  	[sflag:s0] =	ssyncadd.remote.s32 $0x1  }
0xbe: {  	_ =	sfence.sel $0xFFFF  }
0xbf: {  	[dreg:$0x0] =	wrdreg $0xFFFFFFFF;
	(pc) =	sbr.abs _section_cstart, $3  }
0xc0: {  	[dreg:$0x1] =	wrdreg $0xFFFFFFFF  }
0xc1: {  	_ =	task.clear_ibuf [dreg:s7], $0x2FFFF;
	_ =	strace $0x9FFFFFFF  }
0xc2: {  	(tm) =	ssettm $0x7FFFFFFF  }
0xc3: {  	_ =	shalt  }
tec
execute0_lowered:
.L_overlay_start_1:
0x0: {  	(tag) =	ssettag $0x1  }
0x1: {  	s2 =	rddreg [dreg:$0x0]  }
0x2: {  	s4 =	rddreg [dreg:$0x1]  }
0x3: {  	s3 =	srdreg.scid;
	s0 =	rddreg [dreg:$0x2]  }
0x4: {  	s1 =	stileid.u32;
	s8 =	simm.s32 $0x5;
	s9 =	simm.s32 $0x1000  }
0x5: {  	s10 =	simm.s32 $0x68;
	s11 =	simm.s32 $0x2000;
	s12 =	simm.s32 $0x60  }
0x6: {  	s13 =	simm.s32 $0x8800;
	s14 =	simm.s32 $0x80;
	s15 =	simm.s32 $0x5400  }
0x7: {  	s16 =	simm.s32 $0x1080;
	s17 =	simm.s32 $0xB800;
	s18 =	simm.s32 $0x1  }
0x8: {  	s19 =	simm.s32 $0x2;
	s20 =	simm.s32 $0x3;
	s21 =	simm.s32 $0x4  }
0x9: {  	s22 =	simm.s32 $0xE800;
	s23 =	simm.s32 $0x0;
	s5 =	sand.u32 $0x1, s3  }
.Ltmp0:
0xa: {  	s6 =	sshll.u32 s1, $0xA;
	s7 =	sshll.u32 s5, $0x9;
	(pc) =	sbr.rel .LBB2_1-.Ltmp0, $4  }
0xb: {  	s3 =	simm.s32 $0x0;
	s5 =	ssub.s32 $0x2, s5;
	s6 =	sor.u32 s7, s6  }
0xc: {  	[smem:$0x7FF] =	sst s3;
	s30 =	sshrl.u32 s5, $0x1;
	s6 =	sadd.s32 s6, s4  }
0xd: {  	_ =	strace $0x80000047;
	s31 =	ssub.s32 s5, s30;
	s4 =	sadd.s32 $0x6400, s6  }
0xe: {  	s5 =	sadd.s32 $0x2400, s6;
	s6 =	sadd.s32 $0xA400, s6;
	s7 =	smax.u32 s31, $0x1  }
.LBB2_12:
0xf: {  	s23 =	sadd.s32 $0x1, s23  }
0x10: {  	p0 =	sne.s32 s23, s7  }
.Ltmp1:
0x11: {  	_ = 	snop;
	(pc) =	sbr.rel @!p0 .LBB2_13-.Ltmp1, $4  }
0x12: {  	[hbm4b:s6+s3] =	stream.linear.scatter [tilespmem:s22], [sflag:$0x5], $0x1000, $0x38;
	[tilespmem:$0xF800] =	vst v63  }
0x13: {  	_ =	swait.ge [sflag:s8], $0x1000  }
0x14: {  	[sflag:s8] =	ssyncset.done $0x0  }
0x15: {  	[sflag:s8] =	ssyncadd.s32 $0xFFFFF000  }
.LBB2_1:
0x16: {  	[tilespmem:s3], [sflag:$0x5] =	stream.linear.gather [hbm4b:s4+s3], $0x1000, $0x38;
	[tilespmem:$0xF800] =	vst v63  }
0x17: {  	_ =	swait.ge [sflag:s8], $0x1000  }
0x18: {  	[sflag:s8] =	ssyncset.done $0x0  }
0x19: {  	[sflag:s8] =	ssyncadd.s32 $0xFFFFF000  }
0x1a: {  	[tilespmem:s9], [sflag:$0x5] =	stream.linear.gather [hbm4b:s5+s3], $0x1000, $0x38;
	[tilespmem:$0xF800] =	vst v63  }
0x1b: {  	_ =	swait.ge [sflag:s8], $0x1000  }
0x1c: {  	[sflag:s8] =	ssyncset.done $0x0  }
0x1d: {  	[sflag:s8] =	ssyncadd.s32 $0xFFFFF000  }
0x1e: {  	[tilespmem:s11], [sflag:$0x1] =	stream.indirect.gather [hbm4b:s2+s10], $0x80, s3, s10, $0xb8;
	[tilespmem:$0xF800] =	vst v63  }
0x1f: {  	_ = 	snop  }
0x20: {  	[tilespmem:s13], [sflag:$0x2] =	stream.indirect.gather [hbm4b:s2+s12], $0x80, s9, s12, $0xb8;
	[tilespmem:$0xF800] =	vst v63  }
0x21: {  	_ = 	snop  }
0x22: {  	[tilespmem:s15], [sflag:$0x3] =	stream.indirect.gather [hbm4b:s2+s10], $0x80, s14, s10, $0xb8;
	[tilespmem:$0xF800] =	vst v63  }
0x23: {  	s24 =	simm.s32 $0x0  }
0x24: {  	[tilespmem:s17], [sflag:$0x4] =	stream.indirect.gather [hbm4b:s2+s12], $0x80, s16, s12, $0xb8;
	[tilespmem:$0xF800] =	vst v63  }
.LBB2_2:
0x25: {  	_ =	swait.ge [sflag:s18], $0x3400  }
0x26: {  	[sflag:s18] =	ssyncset.done $0x0  }
0x27: {  	s26 =	simm.s32 $0x0;
	[sflag:s18] =	ssyncadd.s32 $0xFFFFCC00  }
0x28: {  	v0 =	vld [tilespmem:s26+$0x2070]  }
0x29: {  	v2 =	vld [tilespmem:s26+$0x2000]  }
0x2a: {  	v4 =	vld [tilespmem:s26+$0x2010]  }
0x2b: {  	v5 =	vld [tilespmem:s26+$0x2020]  }
0x2c: {  	v8 =	vld [tilespmem:s26+$0x2030]  }
0x2d: {  	v3 =	vimm.f32 $0.0e+00;
	v9 =	vimm.f32 $0.0e+00;
	v6 =	vld [tilespmem:s26+$0x2040]  }
0x2e: {  	v10 =	vimm.f32 $0.0e+00;
	v7 =	vimm.f32 $0.0e+00;
	v11 =	vld [tilespmem:s26+$0x2050];
	v1 =	vadd.f32 v0, v3  }
0x2f: {  	s28 =	simm.s32 $0x80;
	s25 =	simm.s32 $0x400;
	v12 =	vld [tilespmem:s26+$0x2060];
	v0 =	vadd.f32 v2, v3;
	v2 =	vadd.f32 v4, v3;
	v4 =	vimm.f32 $0.0e+00  }
.LBB2_3:
0x30: {  	p0 =	sne.s32 s25, $0xCE00;
	v13 =	vld [tilespmem:s28+$0x2070];
	v3 =	vadd.f32 v5, v3  }
0x31: {  	v14 =	vld [tilespmem:s28+$0x2000];
	v4 =	vadd.f32 v8, v4  }
0x32: {  	v15 =	vld [tilespmem:s28+$0x2010];
	v9 =	vadd.f32 v6, v9  }
.Ltmp2:
0x33: {  	v5 =	vld [tilespmem:s28+$0x2020];
	v10 =	vadd.f32 v11, v10;
	(pc) =	sbr.rel @p0 .LBB2_3-.Ltmp2, $4  }
0x34: {  	v8 =	vld [tilespmem:s28+$0x2030];
	v7 =	vadd.f32 v12, v7  }
0x35: {  	v6 =	vld [tilespmem:s28+$0x2040];
	v1 =	vadd.f32 v13, v1  }
0x36: {  	v0 =	vadd.f32 v14, v0;
	v11 =	vld [tilespmem:s28+$0x2050]  }
0x37: {  	v2 =	vadd.f32 v15, v2;
	v12 =	vld [tilespmem:s28+$0x2060];
	s28 =	sshra.s32 s25, $0x2;
	s25 =	sadd.s32 $0x200, s25  }
0x38: {  	v13 =	vld [tilespmem:s28+$0x2070]  }
0x39: {  	v14 =	vld [tilespmem:s28+$0x2000]  }
0x3a: {  	v15 =	vld [tilespmem:s28+$0x2010]  }
0x3b: {  	v16 =	vld [tilespmem:s28+$0x2020]  }
0x3c: {  	v17 =	vld [tilespmem:s28+$0x2030]  }
0x3d: {  	v18 =	vld [tilespmem:s28+$0x2040];
	s25 =	sshll.u32 s24, $0xA;
	p0 =	seq.s32 s24, $0xF  }
0x3e: {  	v19 =	vld [tilespmem:s28+$0x2050];
	s26 =	sshrl.u32 @!p0 s25, $0x2  }
0x3f: {  	v20 =	vld [tilespmem:s28+$0x2060];
	s29 =	simm.s32 @!p0 $0x68;
	s30 =	simm.s32 @!p0 $0x2000;
	s28 =	sadd.s32 @!p0 $0x100, s26  }
0x40: {  	[tilespmem:s30], [sflag:$0x1] =	stream.indirect.gather @!p0 [hbm4b:s2+s29], $0x80, s28, s29, $0xb8;
	[tilespmem:$0xF800] =	vst v63  }
0x41: {  	_ =	swait.ge [sflag:s19], $0x3000  }
0x42: {  	[sflag:s19] =	ssyncset.done $0x0  }
0x43: {  	s31 =	simm.s32 $0x0;
	[sflag:s19] =	ssyncadd.s32 $0xFFFFD000  }
0x44: {  	v3 =	vadd.f32 v5, v3;
	v4 =	vadd.f32 v8, v4;
	v21 =	vld [tilespmem:s31+$0x8870]  }
0x45: {  	v8 =	vadd.f32 v6, v9;
	v9 =	vadd.f32 v11, v10;
	v10 =	vld [tilespmem:s31+$0x8800]  }
0x46: {  	v11 =	vadd.f32 v12, v7;
	v12 =	vadd.f32 v13, v1;
	v13 =	vld [tilespmem:s31+$0x8810]  }
0x47: {  	v14 =	vadd.f32 v14, v0;
	v15 =	vadd.f32 v15, v2;
	v6 =	vld [tilespmem:s31+$0x8820]  }
0x48: {  	v5 =	vadd.f32 v16, v3;
	v4 =	vadd.f32 v17, v4;
	v7 =	vld [tilespmem:s31+$0x8830]  }
0x49: {  	v3 =	vadd.f32 v18, v8;
	v2 =	vadd.f32 v19, v9;
	v8 =	vld [tilespmem:s31+$0x8840]  }
0x4a: {  	v1 =	vadd.f32 v20, v11;
	v9 =	vld [tilespmem:s31+$0x8850];
	v0 =	vadd.f32 v21, v12  }
0x4b: {  	s28 =	simm.s32 $0x80;
	s29 =	simm.s32 $0x400;
	v11 =	vadd.f32 v10, v14;
	v12 =	vadd.f32 v13, v15;
	v10 =	vld [tilespmem:s31+$0x8860]  }
.LBB2_5:
0x4c: {  	p1 =	sne.s32 s29, $0xBE00;
	v13 =	vld [tilespmem:s28+$0x8870];
	v5 =	vadd.f32 v6, v5  }
0x4d: {  	v14 =	vld [tilespmem:s28+$0x8800];
	v4 =	vadd.f32 v7, v4  }
0x4e: {  	v15 =	vld [tilespmem:s28+$0x8810];
	v3 =	vadd.f32 v8, v3  }
.Ltmp3:
0x4f: {  	v6 =	vld [tilespmem:s28+$0x8820];
	v2 =	vadd.f32 v9, v2;
	(pc) =	sbr.rel @p1 .LBB2_5-.Ltmp3, $4  }
0x50: {  	v7 =	vld [tilespmem:s28+$0x8830];
	v1 =	vadd.f32 v10, v1  }
0x51: {  	v8 =	vld [tilespmem:s28+$0x8840];
	v0 =	vadd.f32 v13, v0  }
0x52: {  	v11 =	vadd.f32 v14, v11;
	v9 =	vld [tilespmem:s28+$0x8850]  }
0x53: {  	v12 =	vadd.f32 v15, v12;
	v10 =	vld [tilespmem:s28+$0x8860];
	s28 =	sshra.s32 s29, $0x2;
	s29 =	sadd.s32 $0x200, s29  }
0x54: {  	v13 =	vld [tilespmem:s28+$0x8800]  }
0x55: {  	v14 =	vld [tilespmem:s28+$0x8810]  }
0x56: {  	v15 =	vld [tilespmem:s28+$0x8820]  }
0x57: {  	v16 =	vld [tilespmem:s28+$0x8830]  }
0x58: {  	v17 =	vld [tilespmem:s28+$0x8840];
	v5 =	vadd.f32 v6, v5  }
0x59: {  	v3 =	vadd.f32 v8, v3;
	v8 =	vld [tilespmem:s28+$0x8870];
	v6 =	vadd.f32 v13, v11  }
0x5a: {  	v4 =	vadd.f32 v7, v4;
	v11 =	vld [tilespmem:s28+$0x8850];
	v7 =	vadd.f32 v14, v12  }
0x5b: {  	v12 =	vld [tilespmem:s28+$0x8860];
	v5 =	vadd.f32 v15, v5;
	v6 =	vmul.f32 $4.999999890e-03, v6  }
0x5c: {  	s25 =	sshrl.u32 s25, $0x2;
	v4 =	vadd.f32 v16, v4;
	v7 =	vmul.f32 $4.999999890e-03, v7  }
0x5d: {  	v2 =	vadd.f32 v9, v2;
	v3 =	vadd.f32 v17, v3;
	v5 =	vmul.f32 $4.999999890e-03, v5;
	[tilespmem:s25+$0xE800] =	vst v6  }
0x5e: {  	v1 =	vadd.f32 v10, v1;
	v4 =	vmul.f32 $4.999999890e-03, v4;
	v0 =	vadd.f32 v8, v0;
	[tilespmem:s25+$0xE810] =	vst v7  }
0x5f: {  	v3 =	vmul.f32 $4.999999890e-03, v3;
	[tilespmem:s25+$0xE820] =	vst v5;
	v2 =	vadd.f32 v11, v2  }
0x60: {  	[tilespmem:s25+$0xE830] =	vst v4;
	v0 =	vmul.f32 $4.999999890e-03, v0;
	v1 =	vadd.f32 v12, v1  }
0x61: {  	[tilespmem:s25+$0xE840] =	vst v3;
	v2 =	vmul.f32 $4.999999890e-03, v2  }
0x62: {  	[tilespmem:s25+$0xE870] =	vst v0;
	v1 =	vmul.f32 $4.999999890e-03, v1  }
0x63: {  	[tilespmem:s25+$0xE850] =	vst v2  }
0x64: {  	s29 =	simm.s32 @!p0 $0x60;
	s30 =	simm.s32 @!p0 $0x8800;
	s28 =	sadd.s32 @!p0 $0x1100, s26;
	[tilespmem:s25+$0xE860] =	vst v1  }
0x65: {  	[tilespmem:s30], [sflag:$0x2] =	stream.indirect.gather @!p0 [hbm4b:s2+s29], $0x80, s28, s29, $0xb8;
	[tilespmem:$0xF800] =	vst v63  }
0x66: {  	_ =	swait.ge [sflag:s20], $0x3400  }
0x67: {  	[sflag:s20] =	ssyncset.done $0x0  }
0x68: {  	s31 =	simm.s32 $0x0;
	[sflag:s20] =	ssyncadd.s32 $0xFFFFCC00  }
0x69: {  	v0 =	vld [tilespmem:s31+$0x5470]  }
0x6a: {  	v2 =	vld [tilespmem:s31+$0x5400]  }
0x6b: {  	v4 =	vld [tilespmem:s31+$0x5410]  }
0x6c: {  	v5 =	vld [tilespmem:s31+$0x5420]  }
0x6d: {  	v8 =	vld [tilespmem:s31+$0x5430]  }
0x6e: {  	v9 =	vimm.f32 $0.0e+00;
	v3 =	vimm.f32 $0.0e+00;
	v6 =	vld [tilespmem:s31+$0x5440]  }
0x6f: {  	v10 =	vimm.f32 $0.0e+00;
	v7 =	vimm.f32 $0.0e+00;
	v11 =	vld [tilespmem:s31+$0x5450];
	v1 =	vadd.f32 v0, v3  }
0x70: {  	s28 =	simm.s32 $0x80;
	s29 =	simm.s32 $0x400;
	v12 =	vld [tilespmem:s31+$0x5460];
	v0 =	vadd.f32 v2, v3;
	v2 =	vadd.f32 v4, v3;
	v4 =	vimm.f32 $0.0e+00  }
.LBB2_7:
0x71: {  	p1 =	sne.s32 s29, $0xCE00;
	v13 =	vld [tilespmem:s28+$0x5470];
	v3 =	vadd.f32 v5, v3  }
0x72: {  	v14 =	vld [tilespmem:s28+$0x5400];
	v4 =	vadd.f32 v8, v4  }
0x73: {  	v15 =	vld [tilespmem:s28+$0x5410];
	v9 =	vadd.f32 v6, v9  }
.Ltmp4:
0x74: {  	v5 =	vld [tilespmem:s28+$0x5420];
	v10 =	vadd.f32 v11, v10;
	(pc) =	sbr.rel @p1 .LBB2_7-.Ltmp4, $4  }
0x75: {  	v8 =	vld [tilespmem:s28+$0x5430];
	v7 =	vadd.f32 v12, v7  }
0x76: {  	v6 =	vld [tilespmem:s28+$0x5440];
	v1 =	vadd.f32 v13, v1  }
0x77: {  	v0 =	vadd.f32 v14, v0;
	v11 =	vld [tilespmem:s28+$0x5450]  }
0x78: {  	v2 =	vadd.f32 v15, v2;
	v12 =	vld [tilespmem:s28+$0x5460];
	s28 =	sshra.s32 s29, $0x2;
	s29 =	sadd.s32 $0x200, s29  }
0x79: {  	v13 =	vld [tilespmem:s28+$0x5470]  }
0x7a: {  	v14 =	vld [tilespmem:s28+$0x5400]  }
0x7b: {  	v15 =	vld [tilespmem:s28+$0x5410]  }
0x7c: {  	v16 =	vld [tilespmem:s28+$0x5420]  }
0x7d: {  	v17 =	vld [tilespmem:s28+$0x5430]  }
0x7e: {  	v18 =	vld [tilespmem:s28+$0x5440]  }
0x7f: {  	v19 =	vld [tilespmem:s28+$0x5450]  }
0x80: {  	v20 =	vld [tilespmem:s28+$0x5460];
	s26 =	sadd.s32 @!p0 $0x180, s26;
	s28 =	simm.s32 @!p0 $0x68;
	s29 =	simm.s32 @!p0 $0x5400  }
0x81: {  	[tilespmem:s29], [sflag:$0x3] =	stream.indirect.gather @!p0 [hbm4b:s2+s28], $0x80, s26, s28, $0xb8;
	[tilespmem:$0xF800] =	vst v63  }
0x82: {  	_ =	swait.ge [sflag:s21], $0x3000  }
0x83: {  	[sflag:s21] =	ssyncset.done $0x0  }
0x84: {  	s31 =	simm.s32 $0x0;
	[sflag:s21] =	ssyncadd.s32 $0xFFFFD000  }
0x85: {  	v3 =	vadd.f32 v5, v3;
	v4 =	vadd.f32 v8, v4;
	v21 =	vld [tilespmem:s31+$0xB870]  }
0x86: {  	v8 =	vadd.f32 v6, v9;
	v9 =	vadd.f32 v11, v10;
	v10 =	vld [tilespmem:s31+$0xB800]  }
0x87: {  	v11 =	vadd.f32 v12, v7;
	v12 =	vadd.f32 v13, v1;
	v13 =	vld [tilespmem:s31+$0xB810]  }
0x88: {  	v14 =	vadd.f32 v14, v0;
	v15 =	vadd.f32 v15, v2;
	v6 =	vld [tilespmem:s31+$0xB820]  }
0x89: {  	v5 =	vadd.f32 v16, v3;
	v4 =	vadd.f32 v17, v4;
	v7 =	vld [tilespmem:s31+$0xB830]  }
0x8a: {  	v3 =	vadd.f32 v18, v8;
	v2 =	vadd.f32 v19, v9;
	v8 =	vld [tilespmem:s31+$0xB840]  }
0x8b: {  	v9 =	vld [tilespmem:s31+$0xB850];
	v1 =	vadd.f32 v20, v11;
	v0 =	vadd.f32 v21, v12  }
0x8c: {  	s26 =	simm.s32 $0x80;
	s28 =	simm.s32 $0x400;
	v10 =	vadd.f32 v10, v14;
	v11 =	vadd.f32 v13, v15;
	v12 =	vld [tilespmem:s31+$0xB860]  }
.LBB2_9:
0x8d: {  	p1 =	sne.s32 s28, $0xBE00;
	v13 =	vld [tilespmem:s26+$0xB870];
	v5 =	vadd.f32 v6, v5  }
0x8e: {  	v14 =	vld [tilespmem:s26+$0xB800];
	v4 =	vadd.f32 v7, v4  }
0x8f: {  	v15 =	vld [tilespmem:s26+$0xB810];
	v3 =	vadd.f32 v8, v3  }
.Ltmp5:
0x90: {  	v6 =	vld [tilespmem:s26+$0xB820];
	v2 =	vadd.f32 v9, v2;
	(pc) =	sbr.rel @p1 .LBB2_9-.Ltmp5, $4  }
0x91: {  	v7 =	vld [tilespmem:s26+$0xB830];
	v1 =	vadd.f32 v12, v1  }
0x92: {  	v8 =	vld [tilespmem:s26+$0xB840];
	v0 =	vadd.f32 v13, v0  }
0x93: {  	v10 =	vadd.f32 v14, v10;
	v9 =	vld [tilespmem:s26+$0xB850]  }
0x94: {  	v11 =	vadd.f32 v15, v11;
	v12 =	vld [tilespmem:s26+$0xB860];
	s26 =	sshra.s32 s28, $0x2;
	s28 =	sadd.s32 $0x200, s28  }
0x95: {  	v13 =	vld [tilespmem:s26+$0xB800]  }
0x96: {  	v14 =	vld [tilespmem:s26+$0xB810]  }
0x97: {  	v15 =	vld [tilespmem:s26+$0xB820]  }
0x98: {  	v16 =	vld [tilespmem:s26+$0xB830]  }
0x99: {  	v17 =	vld [tilespmem:s26+$0xB840]  }
0x9a: {  	v5 =	vadd.f32 v6, v5;
	v60 =	vld [tilespmem:s26+$0xB850];
	v59 =	vadd.f32 v13, v10  }
0x9b: {  	v63 =	vld [tilespmem:s26+$0xB870];
	v4 =	vadd.f32 v7, v4;
	v61 =	vadd.f32 v14, v11  }
0x9c: {  	v62 =	vld [tilespmem:s26+$0xB860];
	v3 =	vadd.f32 v8, v3;
	v5 =	vadd.f32 v15, v5;
	v6 =	vmul.f32 $4.999999890e-03, v59  }
0x9d: {  	v2 =	vadd.f32 v9, v2;
	v4 =	vadd.f32 v16, v4;
	v7 =	vmul.f32 $4.999999890e-03, v61  }
0x9e: {  	v3 =	vadd.f32 v17, v3;
	v5 =	vmul.f32 $4.999999890e-03, v5;
	[tilespmem:s25+$0xE880] =	vst v6  }
0x9f: {  	v1 =	vadd.f32 v12, v1;
	v2 =	vadd.f32 v60, v2;
	v4 =	vmul.f32 $4.999999890e-03, v4;
	[tilespmem:s25+$0xE890] =	vst v7  }
0xa0: {  	v0 =	vadd.f32 v63, v0;
	v3 =	vmul.f32 $4.999999890e-03, v3;
	[tilespmem:s25+$0xE8A0] =	vst v5  }
.Ltmp6:
0xa1: {  	v1 =	vadd.f32 v62, v1;
	v2 =	vmul.f32 $4.999999890e-03, v2;
	[tilespmem:s25+$0xE8B0] =	vst v4;
	(pc) =	sbr.rel @p0 .LBB2_12-.Ltmp6, $4  }
0xa2: {  	v0 =	vmul.f32 $4.999999890e-03, v0;
	[tilespmem:s25+$0xE8C0] =	vst v3  }
0xa3: {  	v1 =	vmul.f32 $4.999999890e-03, v1;
	[tilespmem:s25+$0xE8D0] =	vst v2  }
0xa4: {  	[tilespmem:s25+$0xE8F0] =	vst v0  }
0xa5: {  	[tilespmem:s25+$0xE8E0] =	vst v1  }
.Ltmp7:
0xa6: {  	(pc) =	sbr.rel .LBB2_2-.Ltmp7, $3  }
0xa7: {  	_ =	sdelay $0x1  }
0xa8: {  	s25 =	sadd.s32 $0x1180, s25;
	s24 =	sadd.s32 $0x1, s24  }
0xa9: {  	[tilespmem:s17], [sflag:$0x4] =	stream.indirect.gather [hbm4b:s2+s12], $0x80, s25, s12, $0xb8;
	[tilespmem:$0xF800] =	vst v63  }
.LBB2_13:
0xaa: {  	_ =	sfence.sel $0x180000  }
0xab: {  	[bflag:$0x0] =	sbarrier.arrive $0xFFFF  }
0xac: {  	p0 =	sne.s32 s1, $0x0;
	_ =	strace $0x90000047  }
0xad: {  	s0 =	sadd.s32 @!p0 $0x100000, s0;
	[bflag:$0x2] =	sbarrier.arrive $0xFFFF  }
0xae: {  	[sflag:s0] =	ssyncadd.tile.s32 @!p0 $0x1;
	_ =	shalt  }
.Lfunc_end2:
_tile_overlayer_lowered:
.L_overlay_start_2:
0xaf: {  	(tag) =	ssettag $0x2  }
0xb0: {  	s0 =	rddreg [dreg:$0x0];
	s2 =	stileid.u32  }
0xb1: {  	s1 =	rddreg [dreg:$0x1];
	p0 =	sne.s32 s2, $0x0  }
0xb2: {  	s3 =	rddreg [dreg:$0x2];
	[bflag:$0x3] =	sbarrier.arrive $0xFFFF;
	s2 =	simm.s32 @!p0 $0x1C05  }
0xb3: {  	[timem:s3], [sflag:s2] =	dma.local @!p0 [hbm:s0], s1  }
0xb4: {  	s0 =	simm.s32 @!p0 $0x5  }
0xb5: {  	_ =	swait.ge @!p0 [sflag:s0], s1  }
0xb6: {  	s1 =	ssub.s32 @!p0 $0x0, s1;
	[sflag:s0] =	ssyncset.done @!p0 $0x0  }
0xb7: {  	[sflag:s0] =	ssyncadd.s32 @!p0 s1  }
0xb8: {  	[bflag:$0x3] =	sbarrier.arrive $0xFFFF  }
0xb9: {  	_ =	shalt  }

// kernel: kernel.13.cloned.1.call-start
scs
__scs_entry_jumppad:
0x0: {  	(pc) =	sbr.rel $0x88, $3  }
0x1: {  	(tag) =	ssettag $0x0;
	lr =	simm.s32 $0x1  }
0x2: {  	[smem:$0x3F9C] =	sst lr;
	_ =	strace $0xD0000000  }
0x3: {  	_ = 	snop  }
0x4: {  	_ = 	snop  }
0x5: {  	_ = 	snop  }
0x6: {  	_ = 	snop  }
0x7: {  	_ = 	snop  }
__scs_overlays_trampoline_lowered:
0x8: {  	[smem:$0x3FAB] =	sst s0  }
0x9: {  	[smem:$0x3FAC] =	sst s1  }
0xa: {  	[smem:$0x3FAD] =	sst s2  }
0xb: {  	[smem:$0x3FAE] =	sst s3  }
0xc: {  	[smem:$0x3FAF] =	sst s4  }
0xd: {  	[smem:$0x3FB0] =	sst s5  }
0xe: {  	[smem:$0x3FB1] =	sst s6  }
0xf: {  	[smem:$0x3FB2] =	sst s7  }
0x10: {  	[smem:$0x3FB3] =	sst s8  }
0x11: {  	[smem:$0x3FB4] =	sst s9;
	s0 =	simm.s32 @!p0 $0x0  }
0x12: {  	s1 =	sld [smem:$0x3F9A];
	s0 =	simm.s32 @p0 $0x1  }
0x13: {  	[smem:$0x3FB5] =	sst s0;
	s0 =	simm.s32 @!p1 $0x0  }
0x14: {  	s2 =	sld [smem:$0x3F99];
	s0 =	simm.s32 @p1 $0x1  }
0x15: {  	[smem:$0x3FB6] =	sst s0;
	s0 =	simm.s32 @!p2 $0x0  }
0x16: {  	s3 =	sld [smem:$0x3FDB];
	s0 =	simm.s32 @p2 $0x1  }
0x17: {  	s4 =	simm.s32 $0x1BF5;
	[smem:$0x3FB8] =	sst s0  }
0x18: {  	s0 =	sld [smem:$0x3F9B];
	_ =	swait.ge [sflag:s4], $0x0  }
0x19: {  	s7 =	sld [smem:$0x3F9C]  }
0x1a: {  	s8 =	sadd.s32 $0xFFFFE003, lr  }
0x1b: {  	s9 =	sadd.s32 $0xFFFFFEF7, lr;
	s5 =	simm.s32 $0xFFFFFFFF;
	p2 =	slt.u32 s8, $0xFFFFF086  }
0x1c: {  	p1 =	slt.u32 s9, $0xF7A;
	s5 =	simm.s32 @!p2 $0x0  }
0x1d: {  	s5 =	simm.s32 @p1 $0x1;
	p0 =	seq.s32 s7, s2  }
0x1e: {  	s7 =	smul.u32 @!p0 $0xF7A, s2;
	p2 =	seq.s32 @!p0 s5, $0x0  }
0x1f: {  	s9 =	smul.u32 $0xF7A, s1;
	s8 =	simm.s32 @!p0 $0x1BF5;
	p2 =	por !p2, p0  }
0x20: {  	[sflag:s8] =	ssyncset.s32 @!p0 $0xFFFFF086;
	s6 =	sadd.s32 @!p0 s3, s7;
	s7 =	simm.s32 @!p0 $0x108  }
0x21: {  	s3 =	sadd.s32 s3, s9;
	s6 =	sadd.s32 @!p0 $0x88, s6;
	s7 =	simm.s32 @p2 $0x1082  }
0x22: {  	[simem:s7], [sflag:s8] =	dma.local @!p0 [hbm:s6], $0xF7A  }
0x23: {  	s9 =	sor.u32 $0xD0000000, s2;
	s6 =	simm.s32 $0x108;
	_ =	swait.ge @!p0 [sflag:s8], $0x0  }
0x24: {  	s3 =	sadd.s32 $0x88, s3;
	s6 =	simm.s32 @!p1 $0x1082;
	[sflag:s4] =	ssyncset.s32 $0xFFFFF086  }
0x25: {  	[simem:s6], [sflag:s4] =	dma.local [hbm:s3], $0xF7A  }
0x26: {  	[smem:$0x3F9C] =	sst s1;
	(tag) =	ssettag s2;
	_ =	strace s9  }
0x27: {  	s1 =	sld [smem:$0x3FAC]  }
0x28: {  	s2 =	sld [smem:$0x3FAD]  }
0x29: {  	s4 =	sld [smem:$0x3FAF]  }
0x2a: {  	p0 =	seq.s32 s5, $0x0;
	s5 =	sld [smem:$0x3FB0]  }
0x2b: {  	s6 =	sld [smem:$0x3FB1]  }
0x2c: {  	s7 =	sld [smem:$0x3FB2]  }
0x2d: {  	s3 =	simm.s32 $0x108;
	s8 =	sld [smem:$0x3FB3]  }
0x2e: {  	s3 =	simm.s32 @!p0 $0x1082;
	s9 =	sld [smem:$0x3FB4]  }
0x2f: {  	lr =	sadd.s32 s0, s3;
	s0 =	sld [smem:$0x3FAB]  }
0x30: {  	s3 =	sld [smem:$0x3FAE]  }
0x31: {  	[smem:$0x3FB7] =	sst s10  }
0x32: {  	s10 =	sld [smem:$0x3FB5];
	_ =	sdelay $0x3  }
0x33: {  	p0 =	seq.s32 s10, $0x1;
	s10 =	sld [smem:$0x3FB7];
	_ =	sdelay $0x3  }
0x34: {  	[smem:$0x3FB7] =	sst s10  }
0x35: {  	s10 =	sld [smem:$0x3FB6];
	_ =	sdelay $0x3  }
0x36: {  	p1 =	seq.s32 s10, $0x1;
	s10 =	sld [smem:$0x3FB7];
	_ =	sdelay $0x3  }
0x37: {  	[smem:$0x3FB7] =	sst s10  }
0x38: {  	s10 =	sld [smem:$0x3FB8]  }
0x39: {  	_ = 	snop;
	(pc) =	sbr.ind lr, $3  }
0x3a: {  	_ = 	snop  }
0x3b: {  	_ = 	snop  }
0x3c: {  	p2 =	seq.s32 s10, $0x1;
	s10 =	sld [smem:$0x3FB7]  }
0x3d: {  	_ =	shalt  }
0x3e: {  	_ =	shalt  }
0x3f: {  	_ =	shalt  }
0x40: {  	_ =	shalt  }
0x41: {  	_ =	shalt  }
0x42: {  	_ =	shalt  }
0x43: {  	_ =	shalt  }
0x44: {  	_ =	shalt  }
0x45: {  	_ =	shalt  }
0x46: {  	_ =	shalt  }
0x47: {  	_ =	shalt  }
0x48: {  	_ =	shalt  }
0x49: {  	_ =	shalt  }
0x4a: {  	_ =	shalt  }
0x4b: {  	_ =	shalt  }
0x4c: {  	_ =	shalt  }
0x4d: {  	_ =	shalt  }
0x4e: {  	_ =	shalt  }
0x4f: {  	_ =	shalt  }
0x50: {  	_ =	shalt  }
0x51: {  	_ =	shalt  }
0x52: {  	_ =	shalt  }
0x53: {  	_ =	shalt  }
0x54: {  	_ =	shalt  }
0x55: {  	_ =	shalt  }
0x56: {  	_ =	shalt  }
0x57: {  	_ =	shalt  }
0x58: {  	_ =	shalt  }
0x59: {  	_ =	shalt  }
0x5a: {  	_ =	shalt  }
0x5b: {  	_ =	shalt  }
0x5c: {  	_ =	shalt  }
0x5d: {  	_ =	shalt  }
0x5e: {  	_ =	shalt  }
0x5f: {  	_ =	shalt  }
0x60: {  	_ =	shalt  }
0x61: {  	_ =	shalt  }
0x62: {  	_ =	shalt  }
0x63: {  	_ =	shalt  }
0x64: {  	_ =	shalt  }
0x65: {  	_ =	shalt  }
0x66: {  	_ =	shalt  }
0x67: {  	_ =	shalt  }
0x68: {  	_ =	shalt  }
0x69: {  	_ =	shalt  }
0x6a: {  	_ =	shalt  }
0x6b: {  	_ =	shalt  }
0x6c: {  	_ =	shalt  }
0x6d: {  	_ =	shalt  }
0x6e: {  	_ =	shalt  }
0x6f: {  	_ =	shalt  }
0x70: {  	_ =	shalt  }
0x71: {  	_ =	shalt  }
0x72: {  	_ =	shalt  }
0x73: {  	_ =	shalt  }
0x74: {  	_ =	shalt  }
0x75: {  	_ =	shalt  }
0x76: {  	_ =	shalt  }
0x77: {  	_ =	shalt  }
0x78: {  	_ =	shalt  }
0x79: {  	_ =	shalt  }
0x7a: {  	_ =	shalt  }
0x7b: {  	_ =	shalt  }
0x7c: {  	_ =	shalt  }
0x7d: {  	_ =	shalt  }
0x7e: {  	_ =	shalt  }
0x7f: {  	_ =	shalt  }
0x80: {  	_ =	shalt  }
0x81: {  	_ =	shalt  }
0x82: {  	_ =	shalt  }
0x83: {  	_ =	shalt  }
0x84: {  	_ =	shalt  }
0x85: {  	_ =	shalt  }
0x86: {  	_ =	shalt  }
0x87: {  	_ =	shalt  }
.Lfunc_end0:
.L_simem_size_0:
called_computation.2_lowered:
.L_overlay_start_0:
0x88: {  	s2 =	sld [smem:$0x3FD9]  }
0x89: {  	s3 =	sld [smem:$0x3FFE];
	_ =	sdelay $0x1  }
0x8a: {  	s1 =	srdreg.scid  }
0x8b: {  	s0 =	sand.u32 $0x1, s1  }
0x8c: {  	s17 =	sshll.u32 s0, $0xA;
	s2 =	sadd.s32 s3, s2  }
0x8d: {  	s2 =	sadd.s32 s2, s17  }
0x8e: {  	[smem:$0x3FC3] =	sst s2  }
0x8f: {  	_ = 	snop  }
0x90: {  	s18 =	sld [smem:$0x3FC7];
	(tm) =	ssettm $0x1  }
0x91: {  	s19 =	sld [smem:$0x3FFB];
	_ =	sdelay $0x3  }
0x92: {  	_ =	strace s19  }
0x93: {  	s2 =	sld [smem:$0x3FFC];
	_ =	sdelay $0x3  }
0x94: {  	_ =	strace s2  }
0x95: {  	s2 =	sld [smem:$0x3FFD];
	_ =	sdelay $0x3  }
0x96: {  	_ =	strace s2  }
0x97: {  	_ =	strace $0x8FFFFFFF  }
0x98: {  	s20 =	sld [smem:$0x3FDB];
	_ =	sdelay $0x1  }
0x99: {  	s4 =	simm.s32 $_scs_section_size  }
0x9a: {  	s5 =	simm.s32 $_size__tile_overlayer_lowered;
	s6 =	simm.s32 $_tile_overlayer_lowered  }
0x9b: {  	s7 =	simm.s32 $0x1BFF;
	s21 =	sshll.u32 s6, $0x1;
	s4 =	sadd.s32 s4, s20  }
0x9c: {  	s22 =	simm.s32 $0x0;
	s5 =	sshll.u32 s5, $0x1;
	s6 =	sadd.s32 s21, s4  }
0x9d: {  	[timem:s22], [sflag:s7] =	dma.local [hbm:s6], s5  }
0x9e: {  	_ =	swait.ge [sflag:s7], s5  }
0x9f: {  	s5 =	ssub.s32 $0x0, s5;
	[sflag:s7] =	ssyncset.done $0x0  }
0xa0: {  	[sflag:s7] =	ssyncadd.s32 s5;
	_ =	sdelay $0x1  }
0xa1: {  	s23 =	simm.s32 $0x1B8B  }
0xa2: {  	_ =	swait.ge [sflag:s23], $0x1  }
0xa3: {  	[sflag:s23] =	ssyncset.done $0x0  }
0xa4: {  	[sflag:s23] =	ssyncadd.s32 $0xFFFFFFFF  }
0xa5: {  	s5 =	sld [smem:$0x0]  }
0xa6: {  	s6 =	sand.u32 $0xFFFFFFFE, s1  }
0xa7: {  	p0 =	sne.s32 s1, s6  }
0xa8: {  	s6 =	sshll.u32 @p0 s6, $0xE  }
0xa9: {  	s6 =	sadd.s32 @p0 $0x11B8D, s6;
	s7 =	sshll.u32 @p0 s5, $0x11  }
0xaa: {  	s6 =	sor.u32 @p0 s7, s6  }
0xab: {  	[sflag:s6] =	ssyncadd.remote.s32 @p0 $0x1;
	_ =	sdelay $0x1  }
0xac: {  	s6 =	simm.s32 @p0 $0x1B8D  }
0xad: {  	_ =	swait.eq @p0 [sflag:s6], $0x1  }
0xae: {  	[sflag:s6] =	ssyncadd.s32 @p0 $0xFFFFFFFF  }
0xaf: {  	s7 =	sshll.u32 @!p0 s1, $0xE  }
0xb0: {  	s7 =	sor.u32 @!p0 $0x4000, s7;
	s6 =	simm.s32 @!p0 $0x1B8D  }
0xb1: {  	s5 =	sshll.u32 @!p0 s5, $0x11;
	s7 =	sadd.s32 @!p0 $0x11B8D, s7;
	_ =	swait.eq @!p0 [sflag:s6], $0x1  }
0xb2: {  	s5 =	sor.u32 @!p0 s5, s7;
	[sflag:s6] =	ssyncadd.s32 @!p0 $0xFFFFFFFF  }
0xb3: {  	s25 =	simm.s32 $0x1B8E;
	s24 =	sld [smem:$0x3FFE];
	[sflag:s5] =	ssyncadd.remote.s32 @!p0 $0x1  }
0xb4: {  	s26 =	simm.s32 $execute0_lowered;
	[smem:$0x3FD2] =	sst s25  }
0xb5: {  	s6 =	sshll.u32 s26, $0x1;
	_ =	strace $0x80000049;
	[dreg:$0x1] =	wrdreg $0xFFFFFFFF  }
0xb6: {  	s28 =	simm.s32 $_size_execute0_lowered;
	s4 =	sadd.s32 s4, s6;
	[dreg:$0x0] =	wrdreg $0x0  }
0xb7: {  	s6 =	sshll.u32 s28, $0x1;
	[dreg:$0x2] =	wrdreg s4  }
0xb8: {  	[dreg:$0x3] =	wrdreg s6  }
0xb9: {  	[dreg:$0x4] =	wrdreg $0xC0  }
0xba: {  	_ =	task [dreg:s22], $0x5FFFF  }
0xbb: {  	[dreg:$0x1] =	wrdreg $0xFFFFFFFF  }
0xbc: {  	[dreg:$0x0] =	wrdreg $0x60  }
0xbd: {  	[dreg:$0x2] =	wrdreg s18  }
0xbe: {  	[dreg:$0x3] =	wrdreg s24  }
0xbf: {  	[dreg:$0x4] =	wrdreg $0xB  }
0xc0: {  	_ =	task.clear_ibuf [dreg:s22], $0x5FFFF;
	_ =	strace $0x90000049  }
0xc1: {  	s29 =	simm.s32 $0xB;
	_ =	strace $0x8000004B  }
0xc2: {  	_ =	swait.ge [sflag:s29], $0x1  }
0xc3: {  	[sflag:s29] =	ssyncadd.s32 $0xFFFFFFFF  }
0xc4: {  	_ =	strace $0x9000004B  }
0xc5: {  	_ =	sfence  }
0xc6: {  	s30 =	sld [smem:$0x0];
	_ =	sdelay $0x2  }
0xc7: {  	s31 =	sshll.u32 s1, $0xD;
	s1 =	sshrl.u32 s1, $0x2  }
0xc8: {  	s4 =	sand.u32 $0x4000, s31;
	s1 =	sadd.s32 s1, s30  }
0xc9: {  	s0 =	sor.u32 s4, s0;
	s1 =	sshll.u32 s1, $0x11  }
0xca: {  	s0 =	sor.u32 s1, s0  }
0xcb: {  	s0 =	sadd.s32 $0x8F2B, s0  }
0xcc: {  	[sflag:s0] =	ssyncadd.remote.s32 $0x1  }
0xcd: {  	_ =	sfence.sel $0xFFFF  }
0xce: {  	[dreg:$0x0] =	wrdreg $0xFFFFFFFF;
	(pc) =	sbr.abs _section_cstart, $3  }
0xcf: {  	[dreg:$0x1] =	wrdreg $0xFFFFFFFF  }
0xd0: {  	_ =	task.clear_ibuf [dreg:s22], $0x2FFFF;
	_ =	strace $0x9FFFFFFF  }
0xd1: {  	(tm) =	ssettm $0x7FFFFFFF  }
tec
execute0_lowered:
.L_overlay_start_1:
0x0: {  	(tag) =	ssettag $0x1  }
0x1: {  	s2 =	rddreg [dreg:$0x0]  }
0x2: {  	s4 =	rddreg [dreg:$0x1]  }
0x3: {  	s3 =	srdreg.scid;
	s0 =	rddreg [dreg:$0x2]  }
0x4: {  	s1 =	stileid.u32;
	s8 =	simm.s32 $0x5;
	s9 =	simm.s32 $0x1000  }
0x5: {  	s10 =	simm.s32 $0x68;
	s11 =	simm.s32 $0x2000;
	s12 =	simm.s32 $0x60  }
0x6: {  	s13 =	simm.s32 $0x8800;
	s14 =	simm.s32 $0x80;
	s15 =	simm.s32 $0x5400  }
0x7: {  	s16 =	simm.s32 $0x1080;
	s17 =	simm.s32 $0xB800;
	s18 =	simm.s32 $0x1  }
0x8: {  	s19 =	simm.s32 $0x2;
	s20 =	simm.s32 $0x3;
	s21 =	simm.s32 $0x4  }
0x9: {  	s22 =	simm.s32 $0xE800;
	s23 =	simm.s32 $0x0;
	s5 =	sand.u32 $0x1, s3  }
.Ltmp0:
0xa: {  	s6 =	sshll.u32 s1, $0xA;
	s7 =	sshll.u32 s5, $0x9;
	(pc) =	sbr.rel .LBB2_1-.Ltmp0, $4  }
0xb: {  	s3 =	simm.s32 $0x0;
	s5 =	ssub.s32 $0x2, s5;
	s6 =	sor.u32 s7, s6  }
0xc: {  	[smem:$0x7FF] =	sst s3;
	s30 =	sshrl.u32 s5, $0x1;
	s6 =	sadd.s32 s6, s4  }
0xd: {  	_ =	strace $0x8000004A;
	s31 =	ssub.s32 s5, s30;
	s4 =	sadd.s32 $0x12400, s6  }
0xe: {  	s5 =	sadd.s32 $0xE400, s6;
	s6 =	sadd.s32 $0x16400, s6;
	s7 =	smax.u32 s31, $0x1  }
.LBB2_12:
0xf: {  	s23 =	sadd.s32 $0x1, s23  }
0x10: {  	p0 =	sne.s32 s23, s7  }
.Ltmp1:
0x11: {  	_ = 	snop;
	(pc) =	sbr.rel @!p0 .LBB2_13-.Ltmp1, $4  }
0x12: {  	[hbm4b:s6+s3] =	stream.linear.scatter [tilespmem:s22], [sflag:$0x5], $0x1000, $0x38;
	[tilespmem:$0xF800] =	vst v63  }
0x13: {  	_ =	swait.ge [sflag:s8], $0x1000  }
0x14: {  	[sflag:s8] =	ssyncset.done $0x0  }
0x15: {  	[sflag:s8] =	ssyncadd.s32 $0xFFFFF000  }
.LBB2_1:
0x16: {  	[tilespmem:s3], [sflag:$0x5] =	stream.linear.gather [hbm4b:s4+s3], $0x1000, $0x38;
	[tilespmem:$0xF800] =	vst v63  }
0x17: {  	_ =	swait.ge [sflag:s8], $0x1000  }
0x18: {  	[sflag:s8] =	ssyncset.done $0x0  }
0x19: {  	[sflag:s8] =	ssyncadd.s32 $0xFFFFF000  }
0x1a: {  	[tilespmem:s9], [sflag:$0x5] =	stream.linear.gather [hbm4b:s5+s3], $0x1000, $0x38;
	[tilespmem:$0xF800] =	vst v63  }
0x1b: {  	_ =	swait.ge [sflag:s8], $0x1000  }
0x1c: {  	[sflag:s8] =	ssyncset.done $0x0  }
0x1d: {  	[sflag:s8] =	ssyncadd.s32 $0xFFFFF000  }
0x1e: {  	[tilespmem:s11], [sflag:$0x1] =	stream.indirect.gather [hbm4b:s2+s10], $0x80, s3, s10, $0xb8;
	[tilespmem:$0xF800] =	vst v63  }
0x1f: {  	_ = 	snop  }
0x20: {  	[tilespmem:s13], [sflag:$0x2] =	stream.indirect.gather [hbm4b:s2+s12], $0x80, s9, s12, $0xb8;
	[tilespmem:$0xF800] =	vst v63  }
0x21: {  	_ = 	snop  }
0x22: {  	[tilespmem:s15], [sflag:$0x3] =	stream.indirect.gather [hbm4b:s2+s10], $0x80, s14, s10, $0xb8;
	[tilespmem:$0xF800] =	vst v63  }
0x23: {  	s24 =	simm.s32 $0x0  }
0x24: {  	[tilespmem:s17], [sflag:$0x4] =	stream.indirect.gather [hbm4b:s2+s12], $0x80, s16, s12, $0xb8;
	[tilespmem:$0xF800] =	vst v63  }
.LBB2_2:
0x25: {  	_ =	swait.ge [sflag:s18], $0x3400  }
0x26: {  	[sflag:s18] =	ssyncset.done $0x0  }
0x27: {  	s26 =	simm.s32 $0x0;
	[sflag:s18] =	ssyncadd.s32 $0xFFFFCC00  }
0x28: {  	v0 =	vld [tilespmem:s26+$0x2070]  }
0x29: {  	v2 =	vld [tilespmem:s26+$0x2000]  }
0x2a: {  	v4 =	vld [tilespmem:s26+$0x2010]  }
0x2b: {  	v5 =	vld [tilespmem:s26+$0x2020]  }
0x2c: {  	v8 =	vld [tilespmem:s26+$0x2030]  }
0x2d: {  	v3 =	vimm.f32 $0.0e+00;
	v9 =	vimm.f32 $0.0e+00;
	v6 =	vld [tilespmem:s26+$0x2040]  }
0x2e: {  	v10 =	vimm.f32 $0.0e+00;
	v7 =	vimm.f32 $0.0e+00;
	v11 =	vld [tilespmem:s26+$0x2050];
	v1 =	vadd.f32 v0, v3  }
0x2f: {  	s28 =	simm.s32 $0x80;
	s25 =	simm.s32 $0x400;
	v12 =	vld [tilespmem:s26+$0x2060];
	v0 =	vadd.f32 v2, v3;
	v2 =	vadd.f32 v4, v3;
	v4 =	vimm.f32 $0.0e+00  }
.LBB2_3:
0x30: {  	p0 =	sne.s32 s25, $0xCE00;
	v13 =	vld [tilespmem:s28+$0x2070];
	v3 =	vadd.f32 v5, v3  }
0x31: {  	v14 =	vld [tilespmem:s28+$0x2000];
	v4 =	vadd.f32 v8, v4  }
0x32: {  	v15 =	vld [tilespmem:s28+$0x2010];
	v9 =	vadd.f32 v6, v9  }
.Ltmp2:
0x33: {  	v5 =	vld [tilespmem:s28+$0x2020];
	v10 =	vadd.f32 v11, v10;
	(pc) =	sbr.rel @p0 .LBB2_3-.Ltmp2, $4  }
0x34: {  	v8 =	vld [tilespmem:s28+$0x2030];
	v7 =	vadd.f32 v12, v7  }
0x35: {  	v6 =	vld [tilespmem:s28+$0x2040];
	v1 =	vadd.f32 v13, v1  }
0x36: {  	v0 =	vadd.f32 v14, v0;
	v11 =	vld [tilespmem:s28+$0x2050]  }
0x37: {  	v2 =	vadd.f32 v15, v2;
	v12 =	vld [tilespmem:s28+$0x2060];
	s28 =	sshra.s32 s25, $0x2;
	s25 =	sadd.s32 $0x200, s25  }
0x38: {  	v13 =	vld [tilespmem:s28+$0x2070]  }
0x39: {  	v14 =	vld [tilespmem:s28+$0x2000]  }
0x3a: {  	v15 =	vld [tilespmem:s28+$0x2010]  }
0x3b: {  	v16 =	vld [tilespmem:s28+$0x2020]  }
0x3c: {  	v17 =	vld [tilespmem:s28+$0x2030]  }
0x3d: {  	v18 =	vld [tilespmem:s28+$0x2040];
	s25 =	sshll.u32 s24, $0xA;
	p0 =	seq.s32 s24, $0xF  }
0x3e: {  	v19 =	vld [tilespmem:s28+$0x2050];
	s26 =	sshrl.u32 @!p0 s25, $0x2  }
0x3f: {  	v20 =	vld [tilespmem:s28+$0x2060];
	s29 =	simm.s32 @!p0 $0x68;
	s30 =	simm.s32 @!p0 $0x2000;
	s28 =	sadd.s32 @!p0 $0x100, s26  }
0x40: {  	[tilespmem:s30], [sflag:$0x1] =	stream.indirect.gather @!p0 [hbm4b:s2+s29], $0x80, s28, s29, $0xb8;
	[tilespmem:$0xF800] =	vst v63  }
0x41: {  	_ =	swait.ge [sflag:s19], $0x3000  }
0x42: {  	[sflag:s19] =	ssyncset.done $0x0  }
0x43: {  	s31 =	simm.s32 $0x0;
	[sflag:s19] =	ssyncadd.s32 $0xFFFFD000  }
0x44: {  	v3 =	vadd.f32 v5, v3;
	v4 =	vadd.f32 v8, v4;
	v21 =	vld [tilespmem:s31+$0x8870]  }
0x45: {  	v8 =	vadd.f32 v6, v9;
	v9 =	vadd.f32 v11, v10;
	v10 =	vld [tilespmem:s31+$0x8800]  }
0x46: {  	v11 =	vadd.f32 v12, v7;
	v12 =	vadd.f32 v13, v1;
	v13 =	vld [tilespmem:s31+$0x8810]  }
0x47: {  	v14 =	vadd.f32 v14, v0;
	v15 =	vadd.f32 v15, v2;
	v6 =	vld [tilespmem:s31+$0x8820]  }
0x48: {  	v5 =	vadd.f32 v16, v3;
	v4 =	vadd.f32 v17, v4;
	v7 =	vld [tilespmem:s31+$0x8830]  }
0x49: {  	v3 =	vadd.f32 v18, v8;
	v2 =	vadd.f32 v19, v9;
	v8 =	vld [tilespmem:s31+$0x8840]  }
0x4a: {  	v1 =	vadd.f32 v20, v11;
	v9 =	vld [tilespmem:s31+$0x8850];
	v0 =	vadd.f32 v21, v12  }
0x4b: {  	s28 =	simm.s32 $0x80;
	s29 =	simm.s32 $0x400;
	v11 =	vadd.f32 v10, v14;
	v12 =	vadd.f32 v13, v15;
	v10 =	vld [tilespmem:s31+$0x8860]  }
.LBB2_5:
0x4c: {  	p1 =	sne.s32 s29, $0xBE00;
	v13 =	vld [tilespmem:s28+$0x8870];
	v5 =	vadd.f32 v6, v5  }
0x4d: {  	v14 =	vld [tilespmem:s28+$0x8800];
	v4 =	vadd.f32 v7, v4  }
0x4e: {  	v15 =	vld [tilespmem:s28+$0x8810];
	v3 =	vadd.f32 v8, v3  }
.Ltmp3:
0x4f: {  	v6 =	vld [tilespmem:s28+$0x8820];
	v2 =	vadd.f32 v9, v2;
	(pc) =	sbr.rel @p1 .LBB2_5-.Ltmp3, $4  }
0x50: {  	v7 =	vld [tilespmem:s28+$0x8830];
	v1 =	vadd.f32 v10, v1  }
0x51: {  	v8 =	vld [tilespmem:s28+$0x8840];
	v0 =	vadd.f32 v13, v0  }
0x52: {  	v11 =	vadd.f32 v14, v11;
	v9 =	vld [tilespmem:s28+$0x8850]  }
0x53: {  	v12 =	vadd.f32 v15, v12;
	v10 =	vld [tilespmem:s28+$0x8860];
	s28 =	sshra.s32 s29, $0x2;
	s29 =	sadd.s32 $0x200, s29  }
0x54: {  	v13 =	vld [tilespmem:s28+$0x8800]  }
0x55: {  	v14 =	vld [tilespmem:s28+$0x8810]  }
0x56: {  	v15 =	vld [tilespmem:s28+$0x8820]  }
0x57: {  	v16 =	vld [tilespmem:s28+$0x8830]  }
0x58: {  	v17 =	vld [tilespmem:s28+$0x8840];
	v5 =	vadd.f32 v6, v5  }
0x59: {  	v3 =	vadd.f32 v8, v3;
	v8 =	vld [tilespmem:s28+$0x8870];
	v6 =	vadd.f32 v13, v11  }
0x5a: {  	v4 =	vadd.f32 v7, v4;
	v11 =	vld [tilespmem:s28+$0x8850];
	v7 =	vadd.f32 v14, v12  }
0x5b: {  	v12 =	vld [tilespmem:s28+$0x8860];
	v5 =	vadd.f32 v15, v5;
	v6 =	vmul.f32 $4.999999890e-03, v6  }
0x5c: {  	s25 =	sshrl.u32 s25, $0x2;
	v4 =	vadd.f32 v16, v4;
	v7 =	vmul.f32 $4.999999890e-03, v7  }
0x5d: {  	v2 =	vadd.f32 v9, v2;
	v3 =	vadd.f32 v17, v3;
	v5 =	vmul.f32 $4.999999890e-03, v5;
	[tilespmem:s25+$0xE800] =	vst v6  }
0x5e: {  	v1 =	vadd.f32 v10, v1;
	v4 =	vmul.f32 $4.999999890e-03, v4;
	v0 =	vadd.f32 v8, v0;
	[tilespmem:s25+$0xE810] =	vst v7  }
0x5f: {  	v3 =	vmul.f32 $4.999999890e-03, v3;
	[tilespmem:s25+$0xE820] =	vst v5;
	v2 =	vadd.f32 v11, v2  }
0x60: {  	[tilespmem:s25+$0xE830] =	vst v4;
	v0 =	vmul.f32 $4.999999890e-03, v0;
	v1 =	vadd.f32 v12, v1  }
0x61: {  	[tilespmem:s25+$0xE840] =	vst v3;
	v2 =	vmul.f32 $4.999999890e-03, v2  }
0x62: {  	[tilespmem:s25+$0xE870] =	vst v0;
	v1 =	vmul.f32 $4.999999890e-03, v1  }
0x63: {  	[tilespmem:s25+$0xE850] =	vst v2  }
0x64: {  	s29 =	simm.s32 @!p0 $0x60;
	s30 =	simm.s32 @!p0 $0x8800;
	s28 =	sadd.s32 @!p0 $0x1100, s26;
	[tilespmem:s25+$0xE860] =	vst v1  }
0x65: {  	[tilespmem:s30], [sflag:$0x2] =	stream.indirect.gather @!p0 [hbm4b:s2+s29], $0x80, s28, s29, $0xb8;
	[tilespmem:$0xF800] =	vst v63  }
0x66: {  	_ =	swait.ge [sflag:s20], $0x3400  }
0x67: {  	[sflag:s20] =	ssyncset.done $0x0  }
0x68: {  	s31 =	simm.s32 $0x0;
	[sflag:s20] =	ssyncadd.s32 $0xFFFFCC00  }
0x69: {  	v0 =	vld [tilespmem:s31+$0x5470]  }
0x6a: {  	v2 =	vld [tilespmem:s31+$0x5400]  }
0x6b: {  	v4 =	vld [tilespmem:s31+$0x5410]  }
0x6c: {  	v5 =	vld [tilespmem:s31+$0x5420]  }
0x6d: {  	v8 =	vld [tilespmem:s31+$0x5430]  }
0x6e: {  	v9 =	vimm.f32 $0.0e+00;
	v3 =	vimm.f32 $0.0e+00;
	v6 =	vld [tilespmem:s31+$0x5440]  }
0x6f: {  	v10 =	vimm.f32 $0.0e+00;
	v7 =	vimm.f32 $0.0e+00;
	v11 =	vld [tilespmem:s31+$0x5450];
	v1 =	vadd.f32 v0, v3  }
0x70: {  	s28 =	simm.s32 $0x80;
	s29 =	simm.s32 $0x400;
	v12 =	vld [tilespmem:s31+$0x5460];
	v0 =	vadd.f32 v2, v3;
	v2 =	vadd.f32 v4, v3;
	v4 =	vimm.f32 $0.0e+00  }
.LBB2_7:
0x71: {  	p1 =	sne.s32 s29, $0xCE00;
	v13 =	vld [tilespmem:s28+$0x5470];
	v3 =	vadd.f32 v5, v3  }
0x72: {  	v14 =	vld [tilespmem:s28+$0x5400];
	v4 =	vadd.f32 v8, v4  }
0x73: {  	v15 =	vld [tilespmem:s28+$0x5410];
	v9 =	vadd.f32 v6, v9  }
.Ltmp4:
0x74: {  	v5 =	vld [tilespmem:s28+$0x5420];
	v10 =	vadd.f32 v11, v10;
	(pc) =	sbr.rel @p1 .LBB2_7-.Ltmp4, $4  }
0x75: {  	v8 =	vld [tilespmem:s28+$0x5430];
	v7 =	vadd.f32 v12, v7  }
0x76: {  	v6 =	vld [tilespmem:s28+$0x5440];
	v1 =	vadd.f32 v13, v1  }
0x77: {  	v0 =	vadd.f32 v14, v0;
	v11 =	vld [tilespmem:s28+$0x5450]  }
0x78: {  	v2 =	vadd.f32 v15, v2;
	v12 =	vld [tilespmem:s28+$0x5460];
	s28 =	sshra.s32 s29, $0x2;
	s29 =	sadd.s32 $0x200, s29  }
0x79: {  	v13 =	vld [tilespmem:s28+$0x5470]  }
0x7a: {  	v14 =	vld [tilespmem:s28+$0x5400]  }
0x7b: {  	v15 =	vld [tilespmem:s28+$0x5410]  }
0x7c: {  	v16 =	vld [tilespmem:s28+$0x5420]  }
0x7d: {  	v17 =	vld [tilespmem:s28+$0x5430]  }
0x7e: {  	v18 =	vld [tilespmem:s28+$0x5440]  }
0x7f: {  	v19 =	vld [tilespmem:s28+$0x5450]  }
0x80: {  	v20 =	vld [tilespmem:s28+$0x5460];
	s26 =	sadd.s32 @!p0 $0x180, s26;
	s28 =	simm.s32 @!p0 $0x68;
	s29 =	simm.s32 @!p0 $0x5400  }
0x81: {  	[tilespmem:s29], [sflag:$0x3] =	stream.indirect.gather @!p0 [hbm4b:s2+s28], $0x80, s26, s28, $0xb8;
	[tilespmem:$0xF800] =	vst v63  }
0x82: {  	_ =	swait.ge [sflag:s21], $0x3000  }
0x83: {  	[sflag:s21] =	ssyncset.done $0x0  }
0x84: {  	s31 =	simm.s32 $0x0;
	[sflag:s21] =	ssyncadd.s32 $0xFFFFD000  }
0x85: {  	v3 =	vadd.f32 v5, v3;
	v4 =	vadd.f32 v8, v4;
	v21 =	vld [tilespmem:s31+$0xB870]  }
0x86: {  	v8 =	vadd.f32 v6, v9;
	v9 =	vadd.f32 v11, v10;
	v10 =	vld [tilespmem:s31+$0xB800]  }
0x87: {  	v11 =	vadd.f32 v12, v7;
	v12 =	vadd.f32 v13, v1;
	v13 =	vld [tilespmem:s31+$0xB810]  }
0x88: {  	v14 =	vadd.f32 v14, v0;
	v15 =	vadd.f32 v15, v2;
	v6 =	vld [tilespmem:s31+$0xB820]  }
0x89: {  	v5 =	vadd.f32 v16, v3;
	v4 =	vadd.f32 v17, v4;
	v7 =	vld [tilespmem:s31+$0xB830]  }
0x8a: {  	v3 =	vadd.f32 v18, v8;
	v2 =	vadd.f32 v19, v9;
	v8 =	vld [tilespmem:s31+$0xB840]  }
0x8b: {  	v9 =	vld [tilespmem:s31+$0xB850];
	v1 =	vadd.f32 v20, v11;
	v0 =	vadd.f32 v21, v12  }
0x8c: {  	s26 =	simm.s32 $0x80;
	s28 =	simm.s32 $0x400;
	v10 =	vadd.f32 v10, v14;
	v11 =	vadd.f32 v13, v15;
	v12 =	vld [tilespmem:s31+$0xB860]  }
.LBB2_9:
0x8d: {  	p1 =	sne.s32 s28, $0xBE00;
	v13 =	vld [tilespmem:s26+$0xB870];
	v5 =	vadd.f32 v6, v5  }
0x8e: {  	v14 =	vld [tilespmem:s26+$0xB800];
	v4 =	vadd.f32 v7, v4  }
0x8f: {  	v15 =	vld [tilespmem:s26+$0xB810];
	v3 =	vadd.f32 v8, v3  }
.Ltmp5:
0x90: {  	v6 =	vld [tilespmem:s26+$0xB820];
	v2 =	vadd.f32 v9, v2;
	(pc) =	sbr.rel @p1 .LBB2_9-.Ltmp5, $4  }
0x91: {  	v7 =	vld [tilespmem:s26+$0xB830];
	v1 =	vadd.f32 v12, v1  }
0x92: {  	v8 =	vld [tilespmem:s26+$0xB840];
	v0 =	vadd.f32 v13, v0  }
0x93: {  	v10 =	vadd.f32 v14, v10;
	v9 =	vld [tilespmem:s26+$0xB850]  }
0x94: {  	v11 =	vadd.f32 v15, v11;
	v12 =	vld [tilespmem:s26+$0xB860];
	s26 =	sshra.s32 s28, $0x2;
	s28 =	sadd.s32 $0x200, s28  }
0x95: {  	v13 =	vld [tilespmem:s26+$0xB800]  }
0x96: {  	v14 =	vld [tilespmem:s26+$0xB810]  }
0x97: {  	v15 =	vld [tilespmem:s26+$0xB820]  }
0x98: {  	v16 =	vld [tilespmem:s26+$0xB830]  }
0x99: {  	v17 =	vld [tilespmem:s26+$0xB840]  }
0x9a: {  	v5 =	vadd.f32 v6, v5;
	v60 =	vld [tilespmem:s26+$0xB850];
	v59 =	vadd.f32 v13, v10  }
0x9b: {  	v63 =	vld [tilespmem:s26+$0xB870];
	v4 =	vadd.f32 v7, v4;
	v61 =	vadd.f32 v14, v11  }
0x9c: {  	v62 =	vld [tilespmem:s26+$0xB860];
	v3 =	vadd.f32 v8, v3;
	v5 =	vadd.f32 v15, v5;
	v6 =	vmul.f32 $4.999999890e-03, v59  }
0x9d: {  	v2 =	vadd.f32 v9, v2;
	v4 =	vadd.f32 v16, v4;
	v7 =	vmul.f32 $4.999999890e-03, v61  }
0x9e: {  	v3 =	vadd.f32 v17, v3;
	v5 =	vmul.f32 $4.999999890e-03, v5;
	[tilespmem:s25+$0xE880] =	vst v6  }
0x9f: {  	v1 =	vadd.f32 v12, v1;
	v2 =	vadd.f32 v60, v2;
	v4 =	vmul.f32 $4.999999890e-03, v4;
	[tilespmem:s25+$0xE890] =	vst v7  }
0xa0: {  	v0 =	vadd.f32 v63, v0;
	v3 =	vmul.f32 $4.999999890e-03, v3;
	[tilespmem:s25+$0xE8A0] =	vst v5  }
.Ltmp6:
0xa1: {  	v1 =	vadd.f32 v62, v1;
	v2 =	vmul.f32 $4.999999890e-03, v2;
	[tilespmem:s25+$0xE8B0] =	vst v4;
	(pc) =	sbr.rel @p0 .LBB2_12-.Ltmp6, $4  }
0xa2: {  	v0 =	vmul.f32 $4.999999890e-03, v0;
	[tilespmem:s25+$0xE8C0] =	vst v3  }
0xa3: {  	v1 =	vmul.f32 $4.999999890e-03, v1;
	[tilespmem:s25+$0xE8D0] =	vst v2  }
0xa4: {  	[tilespmem:s25+$0xE8F0] =	vst v0  }
0xa5: {  	[tilespmem:s25+$0xE8E0] =	vst v1  }
.Ltmp7:
0xa6: {  	(pc) =	sbr.rel .LBB2_2-.Ltmp7, $3  }
0xa7: {  	_ =	sdelay $0x1  }
0xa8: {  	s25 =	sadd.s32 $0x1180, s25;
	s24 =	sadd.s32 $0x1, s24  }
0xa9: {  	[tilespmem:s17], [sflag:$0x4] =	stream.indirect.gather [hbm4b:s2+s12], $0x80, s25, s12, $0xb8;
	[tilespmem:$0xF800] =	vst v63  }
.LBB2_13:
0xaa: {  	_ =	sfence.sel $0x180000  }
0xab: {  	[bflag:$0x0] =	sbarrier.arrive $0xFFFF  }
0xac: {  	p0 =	sne.s32 s1, $0x0;
	_ =	strace $0x9000004A  }
0xad: {  	s0 =	sadd.s32 @!p0 $0x100000, s0;
	[bflag:$0x2] =	sbarrier.arrive $0xFFFF  }
0xae: {  	[sflag:s0] =	ssyncadd.tile.s32 @!p0 $0x1;
	_ =	shalt  }
.Lfunc_end2:
_tile_overlayer_lowered:
.L_overlay_start_2:
0xaf: {  	(tag) =	ssettag $0x2  }
0xb0: {  	s0 =	rddreg [dreg:$0x0];
	s2 =	stileid.u32  }
0xb1: {  	s1 =	rddreg [dreg:$0x1];
	p0 =	sne.s32 s2, $0x0  }
0xb2: {  	s3 =	rddreg [dreg:$0x2];
	[bflag:$0x3] =	sbarrier.arrive $0xFFFF;
	s2 =	simm.s32 @!p0 $0x1C05  }
0xb3: {  	[timem:s3], [sflag:s2] =	dma.local @!p0 [hbm:s0], s1  }
0xb4: {  	s0 =	simm.s32 @!p0 $0x5  }
0xb5: {  	_ =	swait.ge @!p0 [sflag:s0], s1  }
0xb6: {  	s1 =	ssub.s32 @!p0 $0x0, s1;
	[sflag:s0] =	ssyncset.done @!p0 $0x0  }
0xb7: {  	[sflag:s0] =	ssyncadd.s32 @!p0 s1  }
0xb8: {  	[bflag:$0x3] =	sbarrier.arrive $0xFFFF  }
0xb9: {  	_ =	shalt  }

// kernel: kernel.16.cloned.1.call-start
scs
__scs_entry_jumppad:
0x0: {  	(pc) =	sbr.rel $0x88, $3  }
0x1: {  	(tag) =	ssettag $0x0;
	lr =	simm.s32 $0x1  }
0x2: {  	[smem:$0x3F9C] =	sst lr;
	_ =	strace $0xD0000000  }
0x3: {  	_ = 	snop  }
0x4: {  	_ = 	snop  }
0x5: {  	_ = 	snop  }
0x6: {  	_ = 	snop  }
0x7: {  	_ = 	snop  }
__scs_overlays_trampoline_lowered:
0x8: {  	[smem:$0x3FAB] =	sst s0  }
0x9: {  	[smem:$0x3FAC] =	sst s1  }
0xa: {  	[smem:$0x3FAD] =	sst s2  }
0xb: {  	[smem:$0x3FAE] =	sst s3  }
0xc: {  	[smem:$0x3FAF] =	sst s4  }
0xd: {  	[smem:$0x3FB0] =	sst s5  }
0xe: {  	[smem:$0x3FB1] =	sst s6  }
0xf: {  	[smem:$0x3FB2] =	sst s7  }
0x10: {  	[smem:$0x3FB3] =	sst s8  }
0x11: {  	[smem:$0x3FB4] =	sst s9;
	s0 =	simm.s32 @!p0 $0x0  }
0x12: {  	s1 =	sld [smem:$0x3F9A];
	s0 =	simm.s32 @p0 $0x1  }
0x13: {  	[smem:$0x3FB5] =	sst s0;
	s0 =	simm.s32 @!p1 $0x0  }
0x14: {  	s2 =	sld [smem:$0x3F99];
	s0 =	simm.s32 @p1 $0x1  }
0x15: {  	[smem:$0x3FB6] =	sst s0;
	s0 =	simm.s32 @!p2 $0x0  }
0x16: {  	s3 =	sld [smem:$0x3FDB];
	s0 =	simm.s32 @p2 $0x1  }
0x17: {  	s4 =	simm.s32 $0x1BF5;
	[smem:$0x3FB8] =	sst s0  }
0x18: {  	s0 =	sld [smem:$0x3F9B];
	_ =	swait.ge [sflag:s4], $0x0  }
0x19: {  	s7 =	sld [smem:$0x3F9C]  }
0x1a: {  	s8 =	sadd.s32 $0xFFFFE003, lr  }
0x1b: {  	s9 =	sadd.s32 $0xFFFFFEF7, lr;
	s5 =	simm.s32 $0xFFFFFFFF;
	p2 =	slt.u32 s8, $0xFFFFF086  }
0x1c: {  	p1 =	slt.u32 s9, $0xF7A;
	s5 =	simm.s32 @!p2 $0x0  }
0x1d: {  	s5 =	simm.s32 @p1 $0x1;
	p0 =	seq.s32 s7, s2  }
0x1e: {  	s7 =	smul.u32 @!p0 $0xF7A, s2;
	p2 =	seq.s32 @!p0 s5, $0x0  }
0x1f: {  	s9 =	smul.u32 $0xF7A, s1;
	s8 =	simm.s32 @!p0 $0x1BF5;
	p2 =	por !p2, p0  }
0x20: {  	[sflag:s8] =	ssyncset.s32 @!p0 $0xFFFFF086;
	s6 =	sadd.s32 @!p0 s3, s7;
	s7 =	simm.s32 @!p0 $0x108  }
0x21: {  	s3 =	sadd.s32 s3, s9;
	s6 =	sadd.s32 @!p0 $0x88, s6;
	s7 =	simm.s32 @p2 $0x1082  }
0x22: {  	[simem:s7], [sflag:s8] =	dma.local @!p0 [hbm:s6], $0xF7A  }
0x23: {  	s9 =	sor.u32 $0xD0000000, s2;
	s6 =	simm.s32 $0x108;
	_ =	swait.ge @!p0 [sflag:s8], $0x0  }
0x24: {  	s3 =	sadd.s32 $0x88, s3;
	s6 =	simm.s32 @!p1 $0x1082;
	[sflag:s4] =	ssyncset.s32 $0xFFFFF086  }
0x25: {  	[simem:s6], [sflag:s4] =	dma.local [hbm:s3], $0xF7A  }
0x26: {  	[smem:$0x3F9C] =	sst s1;
	(tag) =	ssettag s2;
	_ =	strace s9  }
0x27: {  	s1 =	sld [smem:$0x3FAC]  }
0x28: {  	s2 =	sld [smem:$0x3FAD]  }
0x29: {  	s4 =	sld [smem:$0x3FAF]  }
0x2a: {  	p0 =	seq.s32 s5, $0x0;
	s5 =	sld [smem:$0x3FB0]  }
0x2b: {  	s6 =	sld [smem:$0x3FB1]  }
0x2c: {  	s7 =	sld [smem:$0x3FB2]  }
0x2d: {  	s3 =	simm.s32 $0x108;
	s8 =	sld [smem:$0x3FB3]  }
0x2e: {  	s3 =	simm.s32 @!p0 $0x1082;
	s9 =	sld [smem:$0x3FB4]  }
0x2f: {  	lr =	sadd.s32 s0, s3;
	s0 =	sld [smem:$0x3FAB]  }
0x30: {  	s3 =	sld [smem:$0x3FAE]  }
0x31: {  	[smem:$0x3FB7] =	sst s10  }
0x32: {  	s10 =	sld [smem:$0x3FB5];
	_ =	sdelay $0x3  }
0x33: {  	p0 =	seq.s32 s10, $0x1;
	s10 =	sld [smem:$0x3FB7];
	_ =	sdelay $0x3  }
0x34: {  	[smem:$0x3FB7] =	sst s10  }
0x35: {  	s10 =	sld [smem:$0x3FB6];
	_ =	sdelay $0x3  }
0x36: {  	p1 =	seq.s32 s10, $0x1;
	s10 =	sld [smem:$0x3FB7];
	_ =	sdelay $0x3  }
0x37: {  	[smem:$0x3FB7] =	sst s10  }
0x38: {  	s10 =	sld [smem:$0x3FB8]  }
0x39: {  	_ = 	snop;
	(pc) =	sbr.ind lr, $3  }
0x3a: {  	_ = 	snop  }
0x3b: {  	_ = 	snop  }
0x3c: {  	p2 =	seq.s32 s10, $0x1;
	s10 =	sld [smem:$0x3FB7]  }
0x3d: {  	_ =	shalt  }
0x3e: {  	_ =	shalt  }
0x3f: {  	_ =	shalt  }
0x40: {  	_ =	shalt  }
0x41: {  	_ =	shalt  }
0x42: {  	_ =	shalt  }
0x43: {  	_ =	shalt  }
0x44: {  	_ =	shalt  }
0x45: {  	_ =	shalt  }
0x46: {  	_ =	shalt  }
0x47: {  	_ =	shalt  }
0x48: {  	_ =	shalt  }
0x49: {  	_ =	shalt  }
0x4a: {  	_ =	shalt  }
0x4b: {  	_ =	shalt  }
0x4c: {  	_ =	shalt  }
0x4d: {  	_ =	shalt  }
0x4e: {  	_ =	shalt  }
0x4f: {  	_ =	shalt  }
0x50: {  	_ =	shalt  }
0x51: {  	_ =	shalt  }
0x52: {  	_ =	shalt  }
0x53: {  	_ =	shalt  }
0x54: {  	_ =	shalt  }
0x55: {  	_ =	shalt  }
0x56: {  	_ =	shalt  }
0x57: {  	_ =	shalt  }
0x58: {  	_ =	shalt  }
0x59: {  	_ =	shalt  }
0x5a: {  	_ =	shalt  }
0x5b: {  	_ =	shalt  }
0x5c: {  	_ =	shalt  }
0x5d: {  	_ =	shalt  }
0x5e: {  	_ =	shalt  }
0x5f: {  	_ =	shalt  }
0x60: {  	_ =	shalt  }
0x61: {  	_ =	shalt  }
0x62: {  	_ =	shalt  }
0x63: {  	_ =	shalt  }
0x64: {  	_ =	shalt  }
0x65: {  	_ =	shalt  }
0x66: {  	_ =	shalt  }
0x67: {  	_ =	shalt  }
0x68: {  	_ =	shalt  }
0x69: {  	_ =	shalt  }
0x6a: {  	_ =	shalt  }
0x6b: {  	_ =	shalt  }
0x6c: {  	_ =	shalt  }
0x6d: {  	_ =	shalt  }
0x6e: {  	_ =	shalt  }
0x6f: {  	_ =	shalt  }
0x70: {  	_ =	shalt  }
0x71: {  	_ =	shalt  }
0x72: {  	_ =	shalt  }
0x73: {  	_ =	shalt  }
0x74: {  	_ =	shalt  }
0x75: {  	_ =	shalt  }
0x76: {  	_ =	shalt  }
0x77: {  	_ =	shalt  }
0x78: {  	_ =	shalt  }
0x79: {  	_ =	shalt  }
0x7a: {  	_ =	shalt  }
0x7b: {  	_ =	shalt  }
0x7c: {  	_ =	shalt  }
0x7d: {  	_ =	shalt  }
0x7e: {  	_ =	shalt  }
0x7f: {  	_ =	shalt  }
0x80: {  	_ =	shalt  }
0x81: {  	_ =	shalt  }
0x82: {  	_ =	shalt  }
0x83: {  	_ =	shalt  }
0x84: {  	_ =	shalt  }
0x85: {  	_ =	shalt  }
0x86: {  	_ =	shalt  }
0x87: {  	_ =	shalt  }
.Lfunc_end0:
.L_simem_size_0:
called_computation.3_lowered:
.L_overlay_start_0:
0x88: {  	s2 =	sld [smem:$0x3FD9]  }
0x89: {  	s3 =	sld [smem:$0x3FFE];
	_ =	sdelay $0x1  }
0x8a: {  	s1 =	srdreg.scid  }
0x8b: {  	s0 =	sand.u32 $0x1, s1  }
0x8c: {  	s17 =	sshll.u32 s0, $0xA;
	s2 =	sadd.s32 s3, s2  }
0x8d: {  	s2 =	sadd.s32 s2, s17  }
0x8e: {  	[smem:$0x3FC3] =	sst s2  }
0x8f: {  	_ = 	snop  }
0x90: {  	s18 =	sld [smem:$0x3FC7]  }
0x91: {  	s4 =	sld [smem:$0x3FD0];
	(tm) =	ssettm $0x1  }
0x92: {  	s19 =	sld [smem:$0x3FFB];
	_ =	sdelay $0x3  }
0x93: {  	_ =	strace s19  }
0x94: {  	s2 =	sld [smem:$0x3FFC];
	_ =	sdelay $0x3  }
0x95: {  	_ =	strace s2  }
0x96: {  	s2 =	sld [smem:$0x3FFD];
	_ =	sdelay $0x3  }
0x97: {  	_ =	strace s2  }
0x98: {  	_ =	strace $0x8FFFFFFF  }
0x99: {  	s20 =	sld [smem:$0x3FDB];
	_ =	sdelay $0x1  }
0x9a: {  	s5 =	simm.s32 $_scs_section_size  }
0x9b: {  	s6 =	simm.s32 $_size__tile_overlayer_lowered;
	s7 =	simm.s32 $_tile_overlayer_lowered  }
0x9c: {  	s8 =	simm.s32 $0x1BFF;
	s21 =	sshll.u32 s7, $0x1;
	s5 =	sadd.s32 s5, s20  }
0x9d: {  	s22 =	simm.s32 $0x0;
	s6 =	sshll.u32 s6, $0x1;
	s7 =	sadd.s32 s21, s5  }
0x9e: {  	[timem:s22], [sflag:s8] =	dma.local [hbm:s7], s6  }
0x9f: {  	_ =	swait.ge [sflag:s8], s6  }
0xa0: {  	s6 =	ssub.s32 $0x0, s6;
	[sflag:s8] =	ssyncset.done $0x0  }
0xa1: {  	[sflag:s8] =	ssyncadd.s32 s6;
	_ =	sdelay $0x1  }
0xa2: {  	s23 =	simm.s32 $0x1B8B  }
0xa3: {  	_ =	swait.ge [sflag:s23], $0x1  }
0xa4: {  	[sflag:s23] =	ssyncset.done $0x0  }
0xa5: {  	[sflag:s23] =	ssyncadd.s32 $0xFFFFFFFF  }
0xa6: {  	s6 =	sld [smem:$0x0]  }
0xa7: {  	s7 =	sand.u32 $0xFFFFFFFE, s1  }
0xa8: {  	p0 =	sne.s32 s1, s7  }
0xa9: {  	s7 =	sshll.u32 @p0 s7, $0xE  }
0xaa: {  	s7 =	sadd.s32 @p0 $0x11B8D, s7;
	s8 =	sshll.u32 @p0 s6, $0x11  }
0xab: {  	s7 =	sor.u32 @p0 s8, s7  }
0xac: {  	[sflag:s7] =	ssyncadd.remote.s32 @p0 $0x1;
	_ =	sdelay $0x1  }
0xad: {  	s7 =	simm.s32 @p0 $0x1B8D  }
0xae: {  	_ =	swait.eq @p0 [sflag:s7], $0x1  }
0xaf: {  	[sflag:s7] =	ssyncadd.s32 @p0 $0xFFFFFFFF  }
0xb0: {  	s8 =	sshll.u32 @!p0 s1, $0xE  }
0xb1: {  	s8 =	sor.u32 @!p0 $0x4000, s8;
	s7 =	simm.s32 @!p0 $0x1B8D  }
0xb2: {  	s6 =	sshll.u32 @!p0 s6, $0x11;
	s8 =	sadd.s32 @!p0 $0x11B8D, s8;
	_ =	swait.eq @!p0 [sflag:s7], $0x1  }
0xb3: {  	s6 =	sor.u32 @!p0 s6, s8;
	[sflag:s7] =	ssyncadd.s32 @!p0 $0xFFFFFFFF  }
0xb4: {  	s25 =	simm.s32 $0x1B8E;
	s24 =	sld [smem:$0x3FFE];
	[sflag:s6] =	ssyncadd.remote.s32 @!p0 $0x1  }
0xb5: {  	s26 =	simm.s32 $execute0_lowered;
	[smem:$0x3FD2] =	sst s25  }
0xb6: {  	s7 =	sshll.u32 s26, $0x1;
	_ =	strace $0x8000004C;
	[dreg:$0x1] =	wrdreg $0xFFFFFFFF  }
0xb7: {  	s28 =	simm.s32 $_size_execute0_lowered;
	s5 =	sadd.s32 s5, s7;
	[dreg:$0x0] =	wrdreg $0x0  }
0xb8: {  	s7 =	sshll.u32 s28, $0x1;
	[dreg:$0x2] =	wrdreg s5  }
0xb9: {  	[dreg:$0x3] =	wrdreg s7  }
0xba: {  	[dreg:$0x4] =	wrdreg $0xC0  }
0xbb: {  	_ =	task [dreg:s22], $0x5FFFF  }
0xbc: {  	[dreg:$0x1] =	wrdreg $0xFFFFFFFF  }
0xbd: {  	[dreg:$0x0] =	wrdreg $0x60  }
0xbe: {  	[dreg:$0x2] =	wrdreg s18  }
0xbf: {  	[dreg:$0x3] =	wrdreg s4  }
0xc0: {  	[dreg:$0x4] =	wrdreg s24  }
0xc1: {  	[dreg:$0x5] =	wrdreg $0xC  }
0xc2: {  	_ =	task.clear_ibuf [dreg:s22], $0x6FFFF;
	_ =	strace $0x9000004C  }
0xc3: {  	s29 =	simm.s32 $0xC;
	_ =	strace $0x8000004E  }
0xc4: {  	_ =	swait.ge [sflag:s29], $0x1  }
0xc5: {  	[sflag:s29] =	ssyncadd.s32 $0xFFFFFFFF  }
0xc6: {  	_ =	strace $0x9000004E  }
0xc7: {  	_ =	sfence  }
0xc8: {  	s30 =	sld [smem:$0x0];
	_ =	sdelay $0x2  }
0xc9: {  	s31 =	sshll.u32 s1, $0xD;
	s1 =	sshrl.u32 s1, $0x2  }
0xca: {  	s4 =	sand.u32 $0x4000, s31;
	s1 =	sadd.s32 s1, s30  }
0xcb: {  	s0 =	sor.u32 s4, s0;
	s1 =	sshll.u32 s1, $0x11  }
0xcc: {  	s0 =	sor.u32 s1, s0  }
0xcd: {  	s0 =	sadd.s32 $0x8F2B, s0  }
0xce: {  	[sflag:s0] =	ssyncadd.remote.s32 $0x1  }
0xcf: {  	_ =	sfence.sel $0xFFFF  }
0xd0: {  	[dreg:$0x0] =	wrdreg $0xFFFFFFFF;
	(pc) =	sbr.abs _section_cstart, $3  }
0xd1: {  	[dreg:$0x1] =	wrdreg $0xFFFFFFFF  }
0xd2: {  	_ =	task.clear_ibuf [dreg:s22], $0x2FFFF;
	_ =	strace $0x9FFFFFFF  }
0xd3: {  	(tm) =	ssettm $0x7FFFFFFF  }
tec
execute0_lowered:
.L_overlay_start_1:
0x0: {  	(tag) =	ssettag $0x1  }
0x1: {  	s1 =	rddreg [dreg:$0x0]  }
0x2: {  	s4 =	rddreg [dreg:$0x1]  }
0x3: {  	s5 =	rddreg [dreg:$0x2]  }
0x4: {  	s3 =	srdreg.scid;
	s0 =	rddreg [dreg:$0x3]  }
0x5: {  	s2 =	stileid.u32;
	s10 =	simm.s32 $0x68;
	s11 =	simm.s32 $0x2000  }
0x6: {  	s12 =	simm.s32 $0x60;
	s13 =	simm.s32 $0x8800;
	s14 =	simm.s32 $0x80  }
0x7: {  	s15 =	simm.s32 $0x5400;
	s16 =	simm.s32 $0x1080;
	s17 =	simm.s32 $0xB800  }
0x8: {  	s18 =	simm.s32 $0x1;
	s19 =	simm.s32 $0x2;
	s20 =	simm.s32 $0x3  }
0x9: {  	s21 =	simm.s32 $0x4;
	s22 =	simm.s32 $0xE800;
	s23 =	simm.s32 $0x0  }
0xa: {  	s6 =	sand.u32 $0x1, s3;
	s3 =	simm.s32 $0x0;
	s7 =	sshll.u32 s2, $0xA  }
.Ltmp0:
0xb: {  	s8 =	sshll.u32 s6, $0x9;
	s6 =	ssub.s32 $0x2, s6;
	(pc) =	sbr.rel .LBB2_1-.Ltmp0, $4  }
0xc: {  	[smem:$0x7FF] =	sst s3;
	s7 =	sor.u32 s8, s7;
	s31 =	sshrl.u32 s6, $0x1  }
0xd: {  	_ =	strace $0x8000004D;
	s8 =	sadd.s32 s7, s5;
	s9 =	ssub.s32 s6, s31  }
0xe: {  	s4 =	sadd.s32 s4, s7;
	s5 =	sadd.s32 $0x1A400, s8;
	s6 =	sadd.s32 $0x1E400, s8  }
0xf: {  	s7 =	smax.u32 s9, $0x1;
	s8 =	simm.s32 $0x5;
	s9 =	simm.s32 $0x1000  }
.LBB2_12:
0x10: {  	s23 =	sadd.s32 $0x1, s23  }
0x11: {  	p0 =	sne.s32 s23, s7  }
.Ltmp1:
0x12: {  	_ = 	snop;
	(pc) =	sbr.rel @!p0 .LBB2_13-.Ltmp1, $4  }
0x13: {  	[hbm4b:s6+s3] =	stream.linear.scatter [tilespmem:s22], [sflag:$0x5], $0x1000, $0x38;
	[tilespmem:$0xF800] =	vst v63  }
0x14: {  	_ =	swait.ge [sflag:s8], $0x1000  }
0x15: {  	[sflag:s8] =	ssyncset.done $0x0  }
0x16: {  	[sflag:s8] =	ssyncadd.s32 $0xFFFFF000  }
.LBB2_1:
0x17: {  	[tilespmem:s3], [sflag:$0x5] =	stream.linear.gather [hbm4b:s4+s3], $0x1000, $0x38;
	[tilespmem:$0xF800] =	vst v63  }
0x18: {  	_ =	swait.ge [sflag:s8], $0x1000  }
0x19: {  	[sflag:s8] =	ssyncset.done $0x0  }
0x1a: {  	[sflag:s8] =	ssyncadd.s32 $0xFFFFF000  }
0x1b: {  	[tilespmem:s9], [sflag:$0x5] =	stream.linear.gather [hbm4b:s5+s3], $0x1000, $0x38;
	[tilespmem:$0xF800] =	vst v63  }
0x1c: {  	_ =	swait.ge [sflag:s8], $0x1000  }
0x1d: {  	[sflag:s8] =	ssyncset.done $0x0  }
0x1e: {  	[sflag:s8] =	ssyncadd.s32 $0xFFFFF000  }
0x1f: {  	[tilespmem:s11], [sflag:$0x1] =	stream.indirect.gather [hbm4b:s1+s10], $0x80, s3, s10, $0xb8;
	[tilespmem:$0xF800] =	vst v63  }
0x20: {  	_ = 	snop  }
0x21: {  	[tilespmem:s13], [sflag:$0x2] =	stream.indirect.gather [hbm4b:s1+s12], $0x80, s9, s12, $0xb8;
	[tilespmem:$0xF800] =	vst v63  }
0x22: {  	_ = 	snop  }
0x23: {  	[tilespmem:s15], [sflag:$0x3] =	stream.indirect.gather [hbm4b:s1+s10], $0x80, s14, s10, $0xb8;
	[tilespmem:$0xF800] =	vst v63  }
0x24: {  	s24 =	simm.s32 $0x0  }
0x25: {  	[tilespmem:s17], [sflag:$0x4] =	stream.indirect.gather [hbm4b:s1+s12], $0x80, s16, s12, $0xb8;
	[tilespmem:$0xF800] =	vst v63  }
.LBB2_2:
0x26: {  	_ =	swait.ge [sflag:s18], $0x3400  }
0x27: {  	[sflag:s18] =	ssyncset.done $0x0  }
0x28: {  	s26 =	simm.s32 $0x0;
	[sflag:s18] =	ssyncadd.s32 $0xFFFFCC00  }
0x29: {  	v0 =	vld [tilespmem:s26+$0x2070]  }
0x2a: {  	v2 =	vld [tilespmem:s26+$0x2000]  }
0x2b: {  	v4 =	vld [tilespmem:s26+$0x2010]  }
0x2c: {  	v5 =	vld [tilespmem:s26+$0x2020]  }
0x2d: {  	v8 =	vld [tilespmem:s26+$0x2030]  }
0x2e: {  	v3 =	vimm.f32 $0.0e+00;
	v9 =	vimm.f32 $0.0e+00;
	v6 =	vld [tilespmem:s26+$0x2040]  }
0x2f: {  	v10 =	vimm.f32 $0.0e+00;
	v7 =	vimm.f32 $0.0e+00;
	v11 =	vld [tilespmem:s26+$0x2050];
	v1 =	vadd.f32 v0, v3  }
0x30: {  	s28 =	simm.s32 $0x80;
	s25 =	simm.s32 $0x400;
	v12 =	vld [tilespmem:s26+$0x2060];
	v0 =	vadd.f32 v2, v3;
	v2 =	vadd.f32 v4, v3;
	v4 =	vimm.f32 $0.0e+00  }
.LBB2_3:
0x31: {  	p0 =	sne.s32 s25, $0xCE00;
	v13 =	vld [tilespmem:s28+$0x2070];
	v3 =	vadd.f32 v5, v3  }
0x32: {  	v14 =	vld [tilespmem:s28+$0x2000];
	v4 =	vadd.f32 v8, v4  }
0x33: {  	v15 =	vld [tilespmem:s28+$0x2010];
	v9 =	vadd.f32 v6, v9  }
.Ltmp2:
0x34: {  	v5 =	vld [tilespmem:s28+$0x2020];
	v10 =	vadd.f32 v11, v10;
	(pc) =	sbr.rel @p0 .LBB2_3-.Ltmp2, $4  }
0x35: {  	v8 =	vld [tilespmem:s28+$0x2030];
	v7 =	vadd.f32 v12, v7  }
0x36: {  	v6 =	vld [tilespmem:s28+$0x2040];
	v1 =	vadd.f32 v13, v1  }
0x37: {  	v0 =	vadd.f32 v14, v0;
	v11 =	vld [tilespmem:s28+$0x2050]  }
0x38: {  	v2 =	vadd.f32 v15, v2;
	v12 =	vld [tilespmem:s28+$0x2060];
	s28 =	sshra.s32 s25, $0x2;
	s25 =	sadd.s32 $0x200, s25  }
0x39: {  	v13 =	vld [tilespmem:s28+$0x2070]  }
0x3a: {  	v14 =	vld [tilespmem:s28+$0x2000]  }
0x3b: {  	v15 =	vld [tilespmem:s28+$0x2010]  }
0x3c: {  	v16 =	vld [tilespmem:s28+$0x2020]  }
0x3d: {  	v17 =	vld [tilespmem:s28+$0x2030]  }
0x3e: {  	v18 =	vld [tilespmem:s28+$0x2040];
	s25 =	sshll.u32 s24, $0xA;
	p0 =	seq.s32 s24, $0xF  }
0x3f: {  	v19 =	vld [tilespmem:s28+$0x2050];
	s26 =	sshrl.u32 @!p0 s25, $0x2  }
0x40: {  	v20 =	vld [tilespmem:s28+$0x2060];
	s29 =	simm.s32 @!p0 $0x68;
	s30 =	simm.s32 @!p0 $0x2000;
	s28 =	sadd.s32 @!p0 $0x100, s26  }
0x41: {  	[tilespmem:s30], [sflag:$0x1] =	stream.indirect.gather @!p0 [hbm4b:s1+s29], $0x80, s28, s29, $0xb8;
	[tilespmem:$0xF800] =	vst v63  }
0x42: {  	_ =	swait.ge [sflag:s19], $0x3000  }
0x43: {  	[sflag:s19] =	ssyncset.done $0x0  }
0x44: {  	s31 =	simm.s32 $0x0;
	[sflag:s19] =	ssyncadd.s32 $0xFFFFD000  }
0x45: {  	v3 =	vadd.f32 v5, v3;
	v4 =	vadd.f32 v8, v4;
	v21 =	vld [tilespmem:s31+$0x8870]  }
0x46: {  	v8 =	vadd.f32 v6, v9;
	v9 =	vadd.f32 v11, v10;
	v10 =	vld [tilespmem:s31+$0x8800]  }
0x47: {  	v11 =	vadd.f32 v12, v7;
	v12 =	vadd.f32 v13, v1;
	v13 =	vld [tilespmem:s31+$0x8810]  }
0x48: {  	v14 =	vadd.f32 v14, v0;
	v15 =	vadd.f32 v15, v2;
	v6 =	vld [tilespmem:s31+$0x8820]  }
0x49: {  	v5 =	vadd.f32 v16, v3;
	v4 =	vadd.f32 v17, v4;
	v7 =	vld [tilespmem:s31+$0x8830]  }
0x4a: {  	v3 =	vadd.f32 v18, v8;
	v2 =	vadd.f32 v19, v9;
	v8 =	vld [tilespmem:s31+$0x8840]  }
0x4b: {  	v1 =	vadd.f32 v20, v11;
	v9 =	vld [tilespmem:s31+$0x8850];
	v0 =	vadd.f32 v21, v12  }
0x4c: {  	s28 =	simm.s32 $0x80;
	s29 =	simm.s32 $0x400;
	v11 =	vadd.f32 v10, v14;
	v12 =	vadd.f32 v13, v15;
	v10 =	vld [tilespmem:s31+$0x8860]  }
.LBB2_5:
0x4d: {  	p1 =	sne.s32 s29, $0xBE00;
	v13 =	vld [tilespmem:s28+$0x8870];
	v5 =	vadd.f32 v6, v5  }
0x4e: {  	v14 =	vld [tilespmem:s28+$0x8800];
	v4 =	vadd.f32 v7, v4  }
0x4f: {  	v15 =	vld [tilespmem:s28+$0x8810];
	v3 =	vadd.f32 v8, v3  }
.Ltmp3:
0x50: {  	v6 =	vld [tilespmem:s28+$0x8820];
	v2 =	vadd.f32 v9, v2;
	(pc) =	sbr.rel @p1 .LBB2_5-.Ltmp3, $4  }
0x51: {  	v7 =	vld [tilespmem:s28+$0x8830];
	v1 =	vadd.f32 v10, v1  }
0x52: {  	v8 =	vld [tilespmem:s28+$0x8840];
	v0 =	vadd.f32 v13, v0  }
0x53: {  	v11 =	vadd.f32 v14, v11;
	v9 =	vld [tilespmem:s28+$0x8850]  }
0x54: {  	v12 =	vadd.f32 v15, v12;
	v10 =	vld [tilespmem:s28+$0x8860];
	s28 =	sshra.s32 s29, $0x2;
	s29 =	sadd.s32 $0x200, s29  }
0x55: {  	v13 =	vld [tilespmem:s28+$0x8800]  }
0x56: {  	v14 =	vld [tilespmem:s28+$0x8810]  }
0x57: {  	v15 =	vld [tilespmem:s28+$0x8820]  }
0x58: {  	v16 =	vld [tilespmem:s28+$0x8830]  }
0x59: {  	v17 =	vld [tilespmem:s28+$0x8840];
	v5 =	vadd.f32 v6, v5  }
0x5a: {  	v3 =	vadd.f32 v8, v3;
	v8 =	vld [tilespmem:s28+$0x8870];
	v6 =	vadd.f32 v13, v11  }
0x5b: {  	v4 =	vadd.f32 v7, v4;
	v11 =	vld [tilespmem:s28+$0x8850];
	v7 =	vadd.f32 v14, v12  }
0x5c: {  	v12 =	vld [tilespmem:s28+$0x8860];
	v5 =	vadd.f32 v15, v5;
	v6 =	vmul.f32 $4.999999890e-03, v6  }
0x5d: {  	s25 =	sshrl.u32 s25, $0x2;
	v4 =	vadd.f32 v16, v4;
	v7 =	vmul.f32 $4.999999890e-03, v7  }
0x5e: {  	v2 =	vadd.f32 v9, v2;
	v3 =	vadd.f32 v17, v3;
	v5 =	vmul.f32 $4.999999890e-03, v5;
	[tilespmem:s25+$0xE800] =	vst v6  }
0x5f: {  	v1 =	vadd.f32 v10, v1;
	v4 =	vmul.f32 $4.999999890e-03, v4;
	v0 =	vadd.f32 v8, v0;
	[tilespmem:s25+$0xE810] =	vst v7  }
0x60: {  	v3 =	vmul.f32 $4.999999890e-03, v3;
	[tilespmem:s25+$0xE820] =	vst v5;
	v2 =	vadd.f32 v11, v2  }
0x61: {  	[tilespmem:s25+$0xE830] =	vst v4;
	v0 =	vmul.f32 $4.999999890e-03, v0;
	v1 =	vadd.f32 v12, v1  }
0x62: {  	[tilespmem:s25+$0xE840] =	vst v3;
	v2 =	vmul.f32 $4.999999890e-03, v2  }
0x63: {  	[tilespmem:s25+$0xE870] =	vst v0;
	v1 =	vmul.f32 $4.999999890e-03, v1  }
0x64: {  	[tilespmem:s25+$0xE850] =	vst v2  }
0x65: {  	s29 =	simm.s32 @!p0 $0x60;
	s30 =	simm.s32 @!p0 $0x8800;
	s28 =	sadd.s32 @!p0 $0x1100, s26;
	[tilespmem:s25+$0xE860] =	vst v1  }
0x66: {  	[tilespmem:s30], [sflag:$0x2] =	stream.indirect.gather @!p0 [hbm4b:s1+s29], $0x80, s28, s29, $0xb8;
	[tilespmem:$0xF800] =	vst v63  }
0x67: {  	_ =	swait.ge [sflag:s20], $0x3400  }
0x68: {  	[sflag:s20] =	ssyncset.done $0x0  }
0x69: {  	s31 =	simm.s32 $0x0;
	[sflag:s20] =	ssyncadd.s32 $0xFFFFCC00  }
0x6a: {  	v0 =	vld [tilespmem:s31+$0x5470]  }
0x6b: {  	v2 =	vld [tilespmem:s31+$0x5400]  }
0x6c: {  	v4 =	vld [tilespmem:s31+$0x5410]  }
0x6d: {  	v5 =	vld [tilespmem:s31+$0x5420]  }
0x6e: {  	v8 =	vld [tilespmem:s31+$0x5430]  }
0x6f: {  	v9 =	vimm.f32 $0.0e+00;
	v3 =	vimm.f32 $0.0e+00;
	v6 =	vld [tilespmem:s31+$0x5440]  }
0x70: {  	v10 =	vimm.f32 $0.0e+00;
	v7 =	vimm.f32 $0.0e+00;
	v11 =	vld [tilespmem:s31+$0x5450];
	v1 =	vadd.f32 v0, v3  }
0x71: {  	s28 =	simm.s32 $0x80;
	s29 =	simm.s32 $0x400;
	v12 =	vld [tilespmem:s31+$0x5460];
	v0 =	vadd.f32 v2, v3;
	v2 =	vadd.f32 v4, v3;
	v4 =	vimm.f32 $0.0e+00  }
.LBB2_7:
0x72: {  	p1 =	sne.s32 s29, $0xCE00;
	v13 =	vld [tilespmem:s28+$0x5470];
	v3 =	vadd.f32 v5, v3  }
0x73: {  	v14 =	vld [tilespmem:s28+$0x5400];
	v4 =	vadd.f32 v8, v4  }
0x74: {  	v15 =	vld [tilespmem:s28+$0x5410];
	v9 =	vadd.f32 v6, v9  }
.Ltmp4:
0x75: {  	v5 =	vld [tilespmem:s28+$0x5420];
	v10 =	vadd.f32 v11, v10;
	(pc) =	sbr.rel @p1 .LBB2_7-.Ltmp4, $4  }
0x76: {  	v8 =	vld [tilespmem:s28+$0x5430];
	v7 =	vadd.f32 v12, v7  }
0x77: {  	v6 =	vld [tilespmem:s28+$0x5440];
	v1 =	vadd.f32 v13, v1  }
0x78: {  	v0 =	vadd.f32 v14, v0;
	v11 =	vld [tilespmem:s28+$0x5450]  }
0x79: {  	v2 =	vadd.f32 v15, v2;
	v12 =	vld [tilespmem:s28+$0x5460];
	s28 =	sshra.s32 s29, $0x2;
	s29 =	sadd.s32 $0x200, s29  }
0x7a: {  	v13 =	vld [tilespmem:s28+$0x5470]  }
0x7b: {  	v14 =	vld [tilespmem:s28+$0x5400]  }
0x7c: {  	v15 =	vld [tilespmem:s28+$0x5410]  }
0x7d: {  	v16 =	vld [tilespmem:s28+$0x5420]  }
0x7e: {  	v17 =	vld [tilespmem:s28+$0x5430]  }
0x7f: {  	v18 =	vld [tilespmem:s28+$0x5440]  }
0x80: {  	v19 =	vld [tilespmem:s28+$0x5450]  }
0x81: {  	v20 =	vld [tilespmem:s28+$0x5460];
	s26 =	sadd.s32 @!p0 $0x180, s26;
	s28 =	simm.s32 @!p0 $0x68;
	s29 =	simm.s32 @!p0 $0x5400  }
0x82: {  	[tilespmem:s29], [sflag:$0x3] =	stream.indirect.gather @!p0 [hbm4b:s1+s28], $0x80, s26, s28, $0xb8;
	[tilespmem:$0xF800] =	vst v63  }
0x83: {  	_ =	swait.ge [sflag:s21], $0x3000  }
0x84: {  	[sflag:s21] =	ssyncset.done $0x0  }
0x85: {  	s31 =	simm.s32 $0x0;
	[sflag:s21] =	ssyncadd.s32 $0xFFFFD000  }
0x86: {  	v3 =	vadd.f32 v5, v3;
	v4 =	vadd.f32 v8, v4;
	v21 =	vld [tilespmem:s31+$0xB870]  }
0x87: {  	v8 =	vadd.f32 v6, v9;
	v9 =	vadd.f32 v11, v10;
	v10 =	vld [tilespmem:s31+$0xB800]  }
0x88: {  	v11 =	vadd.f32 v12, v7;
	v12 =	vadd.f32 v13, v1;
	v13 =	vld [tilespmem:s31+$0xB810]  }
0x89: {  	v14 =	vadd.f32 v14, v0;
	v15 =	vadd.f32 v15, v2;
	v6 =	vld [tilespmem:s31+$0xB820]  }
0x8a: {  	v5 =	vadd.f32 v16, v3;
	v4 =	vadd.f32 v17, v4;
	v7 =	vld [tilespmem:s31+$0xB830]  }
0x8b: {  	v3 =	vadd.f32 v18, v8;
	v2 =	vadd.f32 v19, v9;
	v8 =	vld [tilespmem:s31+$0xB840]  }
0x8c: {  	v9 =	vld [tilespmem:s31+$0xB850];
	v1 =	vadd.f32 v20, v11;
	v0 =	vadd.f32 v21, v12  }
0x8d: {  	s26 =	simm.s32 $0x80;
	s28 =	simm.s32 $0x400;
	v10 =	vadd.f32 v10, v14;
	v11 =	vadd.f32 v13, v15;
	v12 =	vld [tilespmem:s31+$0xB860]  }
.LBB2_9:
0x8e: {  	p1 =	sne.s32 s28, $0xBE00;
	v13 =	vld [tilespmem:s26+$0xB870];
	v5 =	vadd.f32 v6, v5  }
0x8f: {  	v14 =	vld [tilespmem:s26+$0xB800];
	v4 =	vadd.f32 v7, v4  }
0x90: {  	v15 =	vld [tilespmem:s26+$0xB810];
	v3 =	vadd.f32 v8, v3  }
.Ltmp5:
0x91: {  	v6 =	vld [tilespmem:s26+$0xB820];
	v2 =	vadd.f32 v9, v2;
	(pc) =	sbr.rel @p1 .LBB2_9-.Ltmp5, $4  }
0x92: {  	v7 =	vld [tilespmem:s26+$0xB830];
	v1 =	vadd.f32 v12, v1  }
0x93: {  	v8 =	vld [tilespmem:s26+$0xB840];
	v0 =	vadd.f32 v13, v0  }
0x94: {  	v10 =	vadd.f32 v14, v10;
	v9 =	vld [tilespmem:s26+$0xB850]  }
0x95: {  	v11 =	vadd.f32 v15, v11;
	v12 =	vld [tilespmem:s26+$0xB860];
	s26 =	sshra.s32 s28, $0x2;
	s28 =	sadd.s32 $0x200, s28  }
0x96: {  	v13 =	vld [tilespmem:s26+$0xB800]  }
0x97: {  	v14 =	vld [tilespmem:s26+$0xB810]  }
0x98: {  	v15 =	vld [tilespmem:s26+$0xB820]  }
0x99: {  	v16 =	vld [tilespmem:s26+$0xB830]  }
0x9a: {  	v17 =	vld [tilespmem:s26+$0xB840]  }
0x9b: {  	v5 =	vadd.f32 v6, v5;
	v60 =	vld [tilespmem:s26+$0xB850];
	v59 =	vadd.f32 v13, v10  }
0x9c: {  	v63 =	vld [tilespmem:s26+$0xB870];
	v4 =	vadd.f32 v7, v4;
	v61 =	vadd.f32 v14, v11  }
0x9d: {  	v62 =	vld [tilespmem:s26+$0xB860];
	v3 =	vadd.f32 v8, v3;
	v5 =	vadd.f32 v15, v5;
	v6 =	vmul.f32 $4.999999890e-03, v59  }
0x9e: {  	v2 =	vadd.f32 v9, v2;
	v4 =	vadd.f32 v16, v4;
	v7 =	vmul.f32 $4.999999890e-03, v61  }
0x9f: {  	v3 =	vadd.f32 v17, v3;
	v5 =	vmul.f32 $4.999999890e-03, v5;
	[tilespmem:s25+$0xE880] =	vst v6  }
0xa0: {  	v1 =	vadd.f32 v12, v1;
	v2 =	vadd.f32 v60, v2;
	v4 =	vmul.f32 $4.999999890e-03, v4;
	[tilespmem:s25+$0xE890] =	vst v7  }
0xa1: {  	v0 =	vadd.f32 v63, v0;
	v3 =	vmul.f32 $4.999999890e-03, v3;
	[tilespmem:s25+$0xE8A0] =	vst v5  }
.Ltmp6:
0xa2: {  	v1 =	vadd.f32 v62, v1;
	v2 =	vmul.f32 $4.999999890e-03, v2;
	[tilespmem:s25+$0xE8B0] =	vst v4;
	(pc) =	sbr.rel @p0 .LBB2_12-.Ltmp6, $4  }
0xa3: {  	v0 =	vmul.f32 $4.999999890e-03, v0;
	[tilespmem:s25+$0xE8C0] =	vst v3  }
0xa4: {  	v1 =	vmul.f32 $4.999999890e-03, v1;
	[tilespmem:s25+$0xE8D0] =	vst v2  }
0xa5: {  	[tilespmem:s25+$0xE8F0] =	vst v0  }
0xa6: {  	[tilespmem:s25+$0xE8E0] =	vst v1  }
.Ltmp7:
0xa7: {  	(pc) =	sbr.rel .LBB2_2-.Ltmp7, $3  }
0xa8: {  	_ =	sdelay $0x1  }
0xa9: {  	s25 =	sadd.s32 $0x1180, s25;
	s24 =	sadd.s32 $0x1, s24  }
0xaa: {  	[tilespmem:s17], [sflag:$0x4] =	stream.indirect.gather [hbm4b:s1+s12], $0x80, s25, s12, $0xb8;
	[tilespmem:$0xF800] =	vst v63  }
.LBB2_13:
0xab: {  	_ =	sfence.sel $0x180000  }
0xac: {  	[bflag:$0x0] =	sbarrier.arrive $0xFFFF  }
0xad: {  	p0 =	sne.s32 s2, $0x0;
	_ =	strace $0x9000004D  }
0xae: {  	s0 =	sadd.s32 @!p0 $0x100000, s0;
	[bflag:$0x2] =	sbarrier.arrive $0xFFFF  }
0xaf: {  	[sflag:s0] =	ssyncadd.tile.s32 @!p0 $0x1;
	_ =	shalt  }
.Lfunc_end2:
_tile_overlayer_lowered:
.L_overlay_start_2:
0xb0: {  	(tag) =	ssettag $0x2  }
0xb1: {  	s0 =	rddreg [dreg:$0x0];
	s2 =	stileid.u32  }
0xb2: {  	s1 =	rddreg [dreg:$0x1];
	p0 =	sne.s32 s2, $0x0  }
0xb3: {  	s3 =	rddreg [dreg:$0x2];
	[bflag:$0x3] =	sbarrier.arrive $0xFFFF;
	s2 =	simm.s32 @!p0 $0x1C05  }
0xb4: {  	[timem:s3], [sflag:s2] =	dma.local @!p0 [hbm:s0], s1  }
0xb5: {  	s0 =	simm.s32 @!p0 $0x5  }
0xb6: {  	_ =	swait.ge @!p0 [sflag:s0], s1  }
0xb7: {  	s1 =	ssub.s32 @!p0 $0x0, s1;
	[sflag:s0] =	ssyncset.done @!p0 $0x0  }
0xb8: {  	[sflag:s0] =	ssyncadd.s32 @!p0 s1  }
0xb9: {  	[bflag:$0x3] =	sbarrier.arrive $0xFFFF  }
0xba: {  	_ =	shalt  }

// kernel: kernel.7.cloned.1.call-start
scs
__scs_entry_jumppad:
0x0: {  	(pc) =	sbr.rel $0x88, $3  }
0x1: {  	(tag) =	ssettag $0x0;
	lr =	simm.s32 $0x1  }
0x2: {  	[smem:$0x3F9C] =	sst lr;
	_ =	strace $0xD0000000  }
0x3: {  	_ = 	snop  }
0x4: {  	_ = 	snop  }
0x5: {  	_ = 	snop  }
0x6: {  	_ = 	snop  }
0x7: {  	_ = 	snop  }
__scs_overlays_trampoline_lowered:
0x8: {  	[smem:$0x3FAB] =	sst s0  }
0x9: {  	[smem:$0x3FAC] =	sst s1  }
0xa: {  	[smem:$0x3FAD] =	sst s2  }
0xb: {  	[smem:$0x3FAE] =	sst s3  }
0xc: {  	[smem:$0x3FAF] =	sst s4  }
0xd: {  	[smem:$0x3FB0] =	sst s5  }
0xe: {  	[smem:$0x3FB1] =	sst s6  }
0xf: {  	[smem:$0x3FB2] =	sst s7  }
0x10: {  	[smem:$0x3FB3] =	sst s8  }
0x11: {  	[smem:$0x3FB4] =	sst s9;
	s0 =	simm.s32 @!p0 $0x0  }
0x12: {  	s1 =	sld [smem:$0x3F9A];
	s0 =	simm.s32 @p0 $0x1  }
0x13: {  	[smem:$0x3FB5] =	sst s0;
	s0 =	simm.s32 @!p1 $0x0  }
0x14: {  	s2 =	sld [smem:$0x3F99];
	s0 =	simm.s32 @p1 $0x1  }
0x15: {  	[smem:$0x3FB6] =	sst s0;
	s0 =	simm.s32 @!p2 $0x0  }
0x16: {  	s3 =	sld [smem:$0x3FDB];
	s0 =	simm.s32 @p2 $0x1  }
0x17: {  	s4 =	simm.s32 $0x1BF5;
	[smem:$0x3FB8] =	sst s0  }
0x18: {  	s0 =	sld [smem:$0x3F9B];
	_ =	swait.ge [sflag:s4], $0x0  }
0x19: {  	s7 =	sld [smem:$0x3F9C]  }
0x1a: {  	s8 =	sadd.s32 $0xFFFFE003, lr  }
0x1b: {  	s9 =	sadd.s32 $0xFFFFFEF7, lr;
	s5 =	simm.s32 $0xFFFFFFFF;
	p2 =	slt.u32 s8, $0xFFFFF086  }
0x1c: {  	p1 =	slt.u32 s9, $0xF7A;
	s5 =	simm.s32 @!p2 $0x0  }
0x1d: {  	s5 =	simm.s32 @p1 $0x1;
	p0 =	seq.s32 s7, s2  }
0x1e: {  	s7 =	smul.u32 @!p0 $0xF7A, s2;
	p2 =	seq.s32 @!p0 s5, $0x0  }
0x1f: {  	s9 =	smul.u32 $0xF7A, s1;
	s8 =	simm.s32 @!p0 $0x1BF5;
	p2 =	por !p2, p0  }
0x20: {  	[sflag:s8] =	ssyncset.s32 @!p0 $0xFFFFF086;
	s6 =	sadd.s32 @!p0 s3, s7;
	s7 =	simm.s32 @!p0 $0x108  }
0x21: {  	s3 =	sadd.s32 s3, s9;
	s6 =	sadd.s32 @!p0 $0x88, s6;
	s7 =	simm.s32 @p2 $0x1082  }
0x22: {  	[simem:s7], [sflag:s8] =	dma.local @!p0 [hbm:s6], $0xF7A  }
0x23: {  	s9 =	sor.u32 $0xD0000000, s2;
	s6 =	simm.s32 $0x108;
	_ =	swait.ge @!p0 [sflag:s8], $0x0  }
0x24: {  	s3 =	sadd.s32 $0x88, s3;
	s6 =	simm.s32 @!p1 $0x1082;
	[sflag:s4] =	ssyncset.s32 $0xFFFFF086  }
0x25: {  	[simem:s6], [sflag:s4] =	dma.local [hbm:s3], $0xF7A  }
0x26: {  	[smem:$0x3F9C] =	sst s1;
	(tag) =	ssettag s2;
	_ =	strace s9  }
0x27: {  	s1 =	sld [smem:$0x3FAC]  }
0x28: {  	s2 =	sld [smem:$0x3FAD]  }
0x29: {  	s4 =	sld [smem:$0x3FAF]  }
0x2a: {  	p0 =	seq.s32 s5, $0x0;
	s5 =	sld [smem:$0x3FB0]  }
0x2b: {  	s6 =	sld [smem:$0x3FB1]  }
0x2c: {  	s7 =	sld [smem:$0x3FB2]  }
0x2d: {  	s3 =	simm.s32 $0x108;
	s8 =	sld [smem:$0x3FB3]  }
0x2e: {  	s3 =	simm.s32 @!p0 $0x1082;
	s9 =	sld [smem:$0x3FB4]  }
0x2f: {  	lr =	sadd.s32 s0, s3;
	s0 =	sld [smem:$0x3FAB]  }
0x30: {  	s3 =	sld [smem:$0x3FAE]  }
0x31: {  	[smem:$0x3FB7] =	sst s10  }
0x32: {  	s10 =	sld [smem:$0x3FB5];
	_ =	sdelay $0x3  }
0x33: {  	p0 =	seq.s32 s10, $0x1;
	s10 =	sld [smem:$0x3FB7];
	_ =	sdelay $0x3  }
0x34: {  	[smem:$0x3FB7] =	sst s10  }
0x35: {  	s10 =	sld [smem:$0x3FB6];
	_ =	sdelay $0x3  }
0x36: {  	p1 =	seq.s32 s10, $0x1;
	s10 =	sld [smem:$0x3FB7];
	_ =	sdelay $0x3  }
0x37: {  	[smem:$0x3FB7] =	sst s10  }
0x38: {  	s10 =	sld [smem:$0x3FB8]  }
0x39: {  	_ = 	snop;
	(pc) =	sbr.ind lr, $3  }
0x3a: {  	_ = 	snop  }
0x3b: {  	_ = 	snop  }
0x3c: {  	p2 =	seq.s32 s10, $0x1;
	s10 =	sld [smem:$0x3FB7]  }
0x3d: {  	_ =	shalt  }
0x3e: {  	_ =	shalt  }
0x3f: {  	_ =	shalt  }
0x40: {  	_ =	shalt  }
0x41: {  	_ =	shalt  }
0x42: {  	_ =	shalt  }
0x43: {  	_ =	shalt  }
0x44: {  	_ =	shalt  }
0x45: {  	_ =	shalt  }
0x46: {  	_ =	shalt  }
0x47: {  	_ =	shalt  }
0x48: {  	_ =	shalt  }
0x49: {  	_ =	shalt  }
0x4a: {  	_ =	shalt  }
0x4b: {  	_ =	shalt  }
0x4c: {  	_ =	shalt  }
0x4d: {  	_ =	shalt  }
0x4e: {  	_ =	shalt  }
0x4f: {  	_ =	shalt  }
0x50: {  	_ =	shalt  }
0x51: {  	_ =	shalt  }
0x52: {  	_ =	shalt  }
0x53: {  	_ =	shalt  }
0x54: {  	_ =	shalt  }
0x55: {  	_ =	shalt  }
0x56: {  	_ =	shalt  }
0x57: {  	_ =	shalt  }
0x58: {  	_ =	shalt  }
0x59: {  	_ =	shalt  }
0x5a: {  	_ =	shalt  }
0x5b: {  	_ =	shalt  }
0x5c: {  	_ =	shalt  }
0x5d: {  	_ =	shalt  }
0x5e: {  	_ =	shalt  }
0x5f: {  	_ =	shalt  }
0x60: {  	_ =	shalt  }
0x61: {  	_ =	shalt  }
0x62: {  	_ =	shalt  }
0x63: {  	_ =	shalt  }
0x64: {  	_ =	shalt  }
0x65: {  	_ =	shalt  }
0x66: {  	_ =	shalt  }
0x67: {  	_ =	shalt  }
0x68: {  	_ =	shalt  }
0x69: {  	_ =	shalt  }
0x6a: {  	_ =	shalt  }
0x6b: {  	_ =	shalt  }
0x6c: {  	_ =	shalt  }
0x6d: {  	_ =	shalt  }
0x6e: {  	_ =	shalt  }
0x6f: {  	_ =	shalt  }
0x70: {  	_ =	shalt  }
0x71: {  	_ =	shalt  }
0x72: {  	_ =	shalt  }
0x73: {  	_ =	shalt  }
0x74: {  	_ =	shalt  }
0x75: {  	_ =	shalt  }
0x76: {  	_ =	shalt  }
0x77: {  	_ =	shalt  }
0x78: {  	_ =	shalt  }
0x79: {  	_ =	shalt  }
0x7a: {  	_ =	shalt  }
0x7b: {  	_ =	shalt  }
0x7c: {  	_ =	shalt  }
0x7d: {  	_ =	shalt  }
0x7e: {  	_ =	shalt  }
0x7f: {  	_ =	shalt  }
0x80: {  	_ =	shalt  }
0x81: {  	_ =	shalt  }
0x82: {  	_ =	shalt  }
0x83: {  	_ =	shalt  }
0x84: {  	_ =	shalt  }
0x85: {  	_ =	shalt  }
0x86: {  	_ =	shalt  }
0x87: {  	_ =	shalt  }
.Lfunc_end0:
.L_simem_size_0:
called_computation_lowered:
.L_overlay_start_0:
0x88: {  	s2 =	sld [smem:$0x3FD9]  }
0x89: {  	s3 =	sld [smem:$0x3FFE];
	_ =	sdelay $0x1  }
0x8a: {  	s1 =	srdreg.scid  }
0x8b: {  	s0 =	sand.u32 $0x1, s1  }
0x8c: {  	s17 =	sshll.u32 s0, $0xA;
	s2 =	sadd.s32 s3, s2  }
0x8d: {  	s2 =	sadd.s32 s2, s17  }
0x8e: {  	[smem:$0x3FC3] =	sst s2  }
0x8f: {  	_ = 	snop  }
0x90: {  	s18 =	sld [smem:$0x3FC7];
	(tm) =	ssettm $0x1  }
0x91: {  	s19 =	sld [smem:$0x3FFB];
	_ =	sdelay $0x3  }
0x92: {  	_ =	strace s19  }
0x93: {  	s2 =	sld [smem:$0x3FFC];
	_ =	sdelay $0x3  }
0x94: {  	_ =	strace s2  }
0x95: {  	s2 =	sld [smem:$0x3FFD];
	_ =	sdelay $0x3  }
0x96: {  	_ =	strace s2  }
0x97: {  	_ =	strace $0x8FFFFFFF  }
0x98: {  	s20 =	sld [smem:$0x3FDB];
	_ =	sdelay $0x1  }
0x99: {  	s4 =	simm.s32 $_scs_section_size  }
0x9a: {  	s5 =	simm.s32 $_size__tile_overlayer_lowered;
	s6 =	simm.s32 $_tile_overlayer_lowered  }
0x9b: {  	s7 =	simm.s32 $0x1BFF;
	s21 =	sshll.u32 s6, $0x1;
	s4 =	sadd.s32 s4, s20  }
0x9c: {  	s22 =	simm.s32 $0x0;
	s5 =	sshll.u32 s5, $0x1;
	s6 =	sadd.s32 s21, s4  }
0x9d: {  	[timem:s22], [sflag:s7] =	dma.local [hbm:s6], s5  }
0x9e: {  	_ =	swait.ge [sflag:s7], s5  }
0x9f: {  	s5 =	ssub.s32 $0x0, s5;
	[sflag:s7] =	ssyncset.done $0x0  }
0xa0: {  	[sflag:s7] =	ssyncadd.s32 s5;
	_ =	sdelay $0x1  }
0xa1: {  	s23 =	simm.s32 $0x1B8B  }
0xa2: {  	_ =	swait.ge [sflag:s23], $0x1  }
0xa3: {  	[sflag:s23] =	ssyncset.done $0x0  }
0xa4: {  	[sflag:s23] =	ssyncadd.s32 $0xFFFFFFFF  }
0xa5: {  	s5 =	sld [smem:$0x0]  }
0xa6: {  	s6 =	sand.u32 $0xFFFFFFFE, s1  }
0xa7: {  	p0 =	sne.s32 s1, s6  }
0xa8: {  	s6 =	sshll.u32 @p0 s6, $0xE  }
0xa9: {  	s6 =	sadd.s32 @p0 $0x11B8D, s6;
	s7 =	sshll.u32 @p0 s5, $0x11  }
0xaa: {  	s6 =	sor.u32 @p0 s7, s6  }
0xab: {  	[sflag:s6] =	ssyncadd.remote.s32 @p0 $0x1;
	_ =	sdelay $0x1  }
0xac: {  	s6 =	simm.s32 @p0 $0x1B8D  }
0xad: {  	_ =	swait.eq @p0 [sflag:s6], $0x1  }
0xae: {  	[sflag:s6] =	ssyncadd.s32 @p0 $0xFFFFFFFF  }
0xaf: {  	s7 =	sshll.u32 @!p0 s1, $0xE  }
0xb0: {  	s7 =	sor.u32 @!p0 $0x4000, s7;
	s6 =	simm.s32 @!p0 $0x1B8D  }
0xb1: {  	s5 =	sshll.u32 @!p0 s5, $0x11;
	s7 =	sadd.s32 @!p0 $0x11B8D, s7;
	_ =	swait.eq @!p0 [sflag:s6], $0x1  }
0xb2: {  	s5 =	sor.u32 @!p0 s5, s7;
	[sflag:s6] =	ssyncadd.s32 @!p0 $0xFFFFFFFF  }
0xb3: {  	s25 =	simm.s32 $0x1B8E;
	s24 =	sld [smem:$0x3FFE];
	[sflag:s5] =	ssyncadd.remote.s32 @!p0 $0x1  }
0xb4: {  	s26 =	simm.s32 $execute0_lowered;
	[smem:$0x3FD2] =	sst s25  }
0xb5: {  	s6 =	sshll.u32 s26, $0x1;
	_ =	strace $0x8000004F;
	[dreg:$0x1] =	wrdreg $0xFFFFFFFF  }
0xb6: {  	s28 =	simm.s32 $_size_execute0_lowered;
	s4 =	sadd.s32 s4, s6;
	[dreg:$0x0] =	wrdreg $0x0  }
0xb7: {  	s6 =	sshll.u32 s28, $0x1;
	[dreg:$0x2] =	wrdreg s4  }
0xb8: {  	[dreg:$0x3] =	wrdreg s6  }
0xb9: {  	[dreg:$0x4] =	wrdreg $0xC0  }
0xba: {  	_ =	task [dreg:s22], $0x5FFFF  }
0xbb: {  	[dreg:$0x1] =	wrdreg $0xFFFFFFFF  }
0xbc: {  	[dreg:$0x0] =	wrdreg $0x60  }
0xbd: {  	[dreg:$0x2] =	wrdreg s18  }
0xbe: {  	[dreg:$0x3] =	wrdreg s24  }
0xbf: {  	[dreg:$0x4] =	wrdreg $0x9  }
0xc0: {  	_ =	task.clear_ibuf [dreg:s22], $0x5FFFF;
	_ =	strace $0x9000004F  }
0xc1: {  	s29 =	simm.s32 $0x9;
	_ =	strace $0x80000051  }
0xc2: {  	_ =	swait.ge [sflag:s29], $0x1  }
0xc3: {  	[sflag:s29] =	ssyncadd.s32 $0xFFFFFFFF  }
0xc4: {  	_ =	strace $0x90000051  }
0xc5: {  	_ =	sfence  }
0xc6: {  	s30 =	sld [smem:$0x0];
	_ =	sdelay $0x2  }
0xc7: {  	s31 =	sshll.u32 s1, $0xD;
	s1 =	sshrl.u32 s1, $0x2  }
0xc8: {  	s4 =	sand.u32 $0x4000, s31;
	s1 =	sadd.s32 s1, s30  }
0xc9: {  	s0 =	sor.u32 s4, s0;
	s1 =	sshll.u32 s1, $0x11  }
0xca: {  	s0 =	sor.u32 s1, s0  }
0xcb: {  	s0 =	sadd.s32 $0x8F2B, s0  }
0xcc: {  	[sflag:s0] =	ssyncadd.remote.s32 $0x1  }
0xcd: {  	_ =	sfence.sel $0xFFFF  }
0xce: {  	[dreg:$0x0] =	wrdreg $0xFFFFFFFF;
	(pc) =	sbr.abs _section_cstart, $3  }
0xcf: {  	[dreg:$0x1] =	wrdreg $0xFFFFFFFF  }
0xd0: {  	_ =	task.clear_ibuf [dreg:s22], $0x2FFFF;
	_ =	strace $0x9FFFFFFF  }
0xd1: {  	(tm) =	ssettm $0x7FFFFFFF  }
tec
execute0_lowered:
.L_overlay_start_1:
0x0: {  	(tag) =	ssettag $0x1  }
0x1: {  	s2 =	rddreg [dreg:$0x0]  }
0x2: {  	s4 =	rddreg [dreg:$0x1]  }
0x3: {  	s3 =	srdreg.scid;
	s0 =	rddreg [dreg:$0x2]  }
0x4: {  	s1 =	stileid.u32;
	s8 =	simm.s32 $0x5;
	s9 =	simm.s32 $0x1000  }
0x5: {  	s10 =	simm.s32 $0x68;
	s11 =	simm.s32 $0x2000;
	s12 =	simm.s32 $0x60  }
0x6: {  	s13 =	simm.s32 $0x8800;
	s14 =	simm.s32 $0x80;
	s15 =	simm.s32 $0x5400  }
0x7: {  	s16 =	simm.s32 $0x1080;
	s17 =	simm.s32 $0xB800;
	s18 =	simm.s32 $0x1  }
0x8: {  	s19 =	simm.s32 $0x2;
	s20 =	simm.s32 $0x3;
	s21 =	simm.s32 $0x4  }
0x9: {  	s22 =	simm.s32 $0xE800;
	s23 =	simm.s32 $0x0;
	s5 =	sand.u32 $0x1, s3  }
.Ltmp0:
0xa: {  	s6 =	sshll.u32 s1, $0xA;
	s7 =	sshll.u32 s5, $0x9;
	(pc) =	sbr.rel .LBB2_1-.Ltmp0, $4  }
0xb: {  	s3 =	simm.s32 $0x0;
	s5 =	ssub.s32 $0x2, s5;
	s6 =	sor.u32 s7, s6  }
0xc: {  	[smem:$0x7FF] =	sst s3;
	s30 =	sshrl.u32 s5, $0x1;
	s6 =	sadd.s32 s6, s4  }
0xd: {  	_ =	strace $0x80000050;
	s31 =	ssub.s32 s5, s30;
	s4 =	sadd.s32 $0x26400, s6  }
0xe: {  	s5 =	sadd.s32 $0x22400, s6;
	s6 =	sadd.s32 $0x2A400, s6;
	s7 =	smax.u32 s31, $0x1  }
.LBB2_12:
0xf: {  	s23 =	sadd.s32 $0x1, s23  }
0x10: {  	p0 =	sne.s32 s23, s7  }
.Ltmp1:
0x11: {  	_ = 	snop;
	(pc) =	sbr.rel @!p0 .LBB2_13-.Ltmp1, $4  }
0x12: {  	[hbm4b:s6+s3] =	stream.linear.scatter [tilespmem:s22], [sflag:$0x5], $0x1000, $0x38;
	[tilespmem:$0xF800] =	vst v63  }
0x13: {  	_ =	swait.ge [sflag:s8], $0x1000  }
0x14: {  	[sflag:s8] =	ssyncset.done $0x0  }
0x15: {  	[sflag:s8] =	ssyncadd.s32 $0xFFFFF000  }
.LBB2_1:
0x16: {  	[tilespmem:s3], [sflag:$0x5] =	stream.linear.gather [hbm4b:s4+s3], $0x1000, $0x38;
	[tilespmem:$0xF800] =	vst v63  }
0x17: {  	_ =	swait.ge [sflag:s8], $0x1000  }
0x18: {  	[sflag:s8] =	ssyncset.done $0x0  }
0x19: {  	[sflag:s8] =	ssyncadd.s32 $0xFFFFF000  }
0x1a: {  	[tilespmem:s9], [sflag:$0x5] =	stream.linear.gather [hbm4b:s5+s3], $0x1000, $0x38;
	[tilespmem:$0xF800] =	vst v63  }
0x1b: {  	_ =	swait.ge [sflag:s8], $0x1000  }
0x1c: {  	[sflag:s8] =	ssyncset.done $0x0  }
0x1d: {  	[sflag:s8] =	ssyncadd.s32 $0xFFFFF000  }
0x1e: {  	[tilespmem:s11], [sflag:$0x1] =	stream.indirect.gather [hbm4b:s2+s10], $0x80, s3, s10, $0xb8;
	[tilespmem:$0xF800] =	vst v63  }
0x1f: {  	_ = 	snop  }
0x20: {  	[tilespmem:s13], [sflag:$0x2] =	stream.indirect.gather [hbm4b:s2+s12], $0x80, s9, s12, $0xb8;
	[tilespmem:$0xF800] =	vst v63  }
0x21: {  	_ = 	snop  }
0x22: {  	[tilespmem:s15], [sflag:$0x3] =	stream.indirect.gather [hbm4b:s2+s10], $0x80, s14, s10, $0xb8;
	[tilespmem:$0xF800] =	vst v63  }
0x23: {  	s24 =	simm.s32 $0x0  }
0x24: {  	[tilespmem:s17], [sflag:$0x4] =	stream.indirect.gather [hbm4b:s2+s12], $0x80, s16, s12, $0xb8;
	[tilespmem:$0xF800] =	vst v63  }
.LBB2_2:
0x25: {  	_ =	swait.ge [sflag:s18], $0x3400  }
0x26: {  	[sflag:s18] =	ssyncset.done $0x0  }
0x27: {  	s26 =	simm.s32 $0x0;
	[sflag:s18] =	ssyncadd.s32 $0xFFFFCC00  }
0x28: {  	v0 =	vld [tilespmem:s26+$0x2070]  }
0x29: {  	v2 =	vld [tilespmem:s26+$0x2000]  }
0x2a: {  	v4 =	vld [tilespmem:s26+$0x2010]  }
0x2b: {  	v5 =	vld [tilespmem:s26+$0x2020]  }
0x2c: {  	v8 =	vld [tilespmem:s26+$0x2030]  }
0x2d: {  	v3 =	vimm.f32 $0.0e+00;
	v9 =	vimm.f32 $0.0e+00;
	v6 =	vld [tilespmem:s26+$0x2040]  }
0x2e: {  	v10 =	vimm.f32 $0.0e+00;
	v7 =	vimm.f32 $0.0e+00;
	v11 =	vld [tilespmem:s26+$0x2050];
	v1 =	vadd.f32 v0, v3  }
0x2f: {  	s28 =	simm.s32 $0x80;
	s25 =	simm.s32 $0x400;
	v12 =	vld [tilespmem:s26+$0x2060];
	v0 =	vadd.f32 v2, v3;
	v2 =	vadd.f32 v4, v3;
	v4 =	vimm.f32 $0.0e+00  }
.LBB2_3:
0x30: {  	p0 =	sne.s32 s25, $0xCE00;
	v13 =	vld [tilespmem:s28+$0x2070];
	v3 =	vadd.f32 v5, v3  }
0x31: {  	v14 =	vld [tilespmem:s28+$0x2000];
	v4 =	vadd.f32 v8, v4  }
0x32: {  	v15 =	vld [tilespmem:s28+$0x2010];
	v9 =	vadd.f32 v6, v9  }
.Ltmp2:
0x33: {  	v5 =	vld [tilespmem:s28+$0x2020];
	v10 =	vadd.f32 v11, v10;
	(pc) =	sbr.rel @p0 .LBB2_3-.Ltmp2, $4  }
0x34: {  	v8 =	vld [tilespmem:s28+$0x2030];
	v7 =	vadd.f32 v12, v7  }
0x35: {  	v6 =	vld [tilespmem:s28+$0x2040];
	v1 =	vadd.f32 v13, v1  }
0x36: {  	v0 =	vadd.f32 v14, v0;
	v11 =	vld [tilespmem:s28+$0x2050]  }
0x37: {  	v2 =	vadd.f32 v15, v2;
	v12 =	vld [tilespmem:s28+$0x2060];
	s28 =	sshra.s32 s25, $0x2;
	s25 =	sadd.s32 $0x200, s25  }
0x38: {  	v13 =	vld [tilespmem:s28+$0x2070]  }
0x39: {  	v14 =	vld [tilespmem:s28+$0x2000]  }
0x3a: {  	v15 =	vld [tilespmem:s28+$0x2010]  }
0x3b: {  	v16 =	vld [tilespmem:s28+$0x2020]  }
0x3c: {  	v17 =	vld [tilespmem:s28+$0x2030]  }
0x3d: {  	v18 =	vld [tilespmem:s28+$0x2040];
	s25 =	sshll.u32 s24, $0xA;
	p0 =	seq.s32 s24, $0xF  }
0x3e: {  	v19 =	vld [tilespmem:s28+$0x2050];
	s26 =	sshrl.u32 @!p0 s25, $0x2  }
0x3f: {  	v20 =	vld [tilespmem:s28+$0x2060];
	s29 =	simm.s32 @!p0 $0x68;
	s30 =	simm.s32 @!p0 $0x2000;
	s28 =	sadd.s32 @!p0 $0x100, s26  }
0x40: {  	[tilespmem:s30], [sflag:$0x1] =	stream.indirect.gather @!p0 [hbm4b:s2+s29], $0x80, s28, s29, $0xb8;
	[tilespmem:$0xF800] =	vst v63  }
0x41: {  	_ =	swait.ge [sflag:s19], $0x3000  }
0x42: {  	[sflag:s19] =	ssyncset.done $0x0  }
0x43: {  	s31 =	simm.s32 $0x0;
	[sflag:s19] =	ssyncadd.s32 $0xFFFFD000  }
0x44: {  	v3 =	vadd.f32 v5, v3;
	v4 =	vadd.f32 v8, v4;
	v21 =	vld [tilespmem:s31+$0x8870]  }
0x45: {  	v8 =	vadd.f32 v6, v9;
	v9 =	vadd.f32 v11, v10;
	v10 =	vld [tilespmem:s31+$0x8800]  }
0x46: {  	v11 =	vadd.f32 v12, v7;
	v12 =	vadd.f32 v13, v1;
	v13 =	vld [tilespmem:s31+$0x8810]  }
0x47: {  	v14 =	vadd.f32 v14, v0;
	v15 =	vadd.f32 v15, v2;
	v6 =	vld [tilespmem:s31+$0x8820]  }
0x48: {  	v5 =	vadd.f32 v16, v3;
	v4 =	vadd.f32 v17, v4;
	v7 =	vld [tilespmem:s31+$0x8830]  }
0x49: {  	v3 =	vadd.f32 v18, v8;
	v2 =	vadd.f32 v19, v9;
	v8 =	vld [tilespmem:s31+$0x8840]  }
0x4a: {  	v1 =	vadd.f32 v20, v11;
	v9 =	vld [tilespmem:s31+$0x8850];
	v0 =	vadd.f32 v21, v12  }
0x4b: {  	s28 =	simm.s32 $0x80;
	s29 =	simm.s32 $0x400;
	v11 =	vadd.f32 v10, v14;
	v12 =	vadd.f32 v13, v15;
	v10 =	vld [tilespmem:s31+$0x8860]  }
.LBB2_5:
0x4c: {  	p1 =	sne.s32 s29, $0xBE00;
	v13 =	vld [tilespmem:s28+$0x8870];
	v5 =	vadd.f32 v6, v5  }
0x4d: {  	v14 =	vld [tilespmem:s28+$0x8800];
	v4 =	vadd.f32 v7, v4  }
0x4e: {  	v15 =	vld [tilespmem:s28+$0x8810];
	v3 =	vadd.f32 v8, v3  }
.Ltmp3:
0x4f: {  	v6 =	vld [tilespmem:s28+$0x8820];
	v2 =	vadd.f32 v9, v2;
	(pc) =	sbr.rel @p1 .LBB2_5-.Ltmp3, $4  }
0x50: {  	v7 =	vld [tilespmem:s28+$0x8830];
	v1 =	vadd.f32 v10, v1  }
0x51: {  	v8 =	vld [tilespmem:s28+$0x8840];
	v0 =	vadd.f32 v13, v0  }
0x52: {  	v11 =	vadd.f32 v14, v11;
	v9 =	vld [tilespmem:s28+$0x8850]  }
0x53: {  	v12 =	vadd.f32 v15, v12;
	v10 =	vld [tilespmem:s28+$0x8860];
	s28 =	sshra.s32 s29, $0x2;
	s29 =	sadd.s32 $0x200, s29  }
0x54: {  	v13 =	vld [tilespmem:s28+$0x8800]  }
0x55: {  	v14 =	vld [tilespmem:s28+$0x8810]  }
0x56: {  	v15 =	vld [tilespmem:s28+$0x8820]  }
0x57: {  	v16 =	vld [tilespmem:s28+$0x8830]  }
0x58: {  	v17 =	vld [tilespmem:s28+$0x8840];
	v5 =	vadd.f32 v6, v5  }
0x59: {  	v3 =	vadd.f32 v8, v3;
	v8 =	vld [tilespmem:s28+$0x8870];
	v6 =	vadd.f32 v13, v11  }
0x5a: {  	v4 =	vadd.f32 v7, v4;
	v11 =	vld [tilespmem:s28+$0x8850];
	v7 =	vadd.f32 v14, v12  }
0x5b: {  	v12 =	vld [tilespmem:s28+$0x8860];
	v5 =	vadd.f32 v15, v5;
	v6 =	vmul.f32 $4.999999890e-03, v6  }
0x5c: {  	s25 =	sshrl.u32 s25, $0x2;
	v4 =	vadd.f32 v16, v4;
	v7 =	vmul.f32 $4.999999890e-03, v7  }
0x5d: {  	v2 =	vadd.f32 v9, v2;
	v3 =	vadd.f32 v17, v3;
	v5 =	vmul.f32 $4.999999890e-03, v5;
	[tilespmem:s25+$0xE800] =	vst v6  }
0x5e: {  	v1 =	vadd.f32 v10, v1;
	v4 =	vmul.f32 $4.999999890e-03, v4;
	v0 =	vadd.f32 v8, v0;
	[tilespmem:s25+$0xE810] =	vst v7  }
0x5f: {  	v3 =	vmul.f32 $4.999999890e-03, v3;
	[tilespmem:s25+$0xE820] =	vst v5;
	v2 =	vadd.f32 v11, v2  }
0x60: {  	[tilespmem:s25+$0xE830] =	vst v4;
	v0 =	vmul.f32 $4.999999890e-03, v0;
	v1 =	vadd.f32 v12, v1  }
0x61: {  	[tilespmem:s25+$0xE840] =	vst v3;
	v2 =	vmul.f32 $4.999999890e-03, v2  }
0x62: {  	[tilespmem:s25+$0xE870] =	vst v0;
	v1 =	vmul.f32 $4.999999890e-03, v1  }
0x63: {  	[tilespmem:s25+$0xE850] =	vst v2  }
0x64: {  	s29 =	simm.s32 @!p0 $0x60;
	s30 =	simm.s32 @!p0 $0x8800;
	s28 =	sadd.s32 @!p0 $0x1100, s26;
	[tilespmem:s25+$0xE860] =	vst v1  }
0x65: {  	[tilespmem:s30], [sflag:$0x2] =	stream.indirect.gather @!p0 [hbm4b:s2+s29], $0x80, s28, s29, $0xb8;
	[tilespmem:$0xF800] =	vst v63  }
0x66: {  	_ =	swait.ge [sflag:s20], $0x3400  }
0x67: {  	[sflag:s20] =	ssyncset.done $0x0  }
0x68: {  	s31 =	simm.s32 $0x0;
	[sflag:s20] =	ssyncadd.s32 $0xFFFFCC00  }
0x69: {  	v0 =	vld [tilespmem:s31+$0x5470]  }
0x6a: {  	v2 =	vld [tilespmem:s31+$0x5400]  }
0x6b: {  	v4 =	vld [tilespmem:s31+$0x5410]  }
0x6c: {  	v5 =	vld [tilespmem:s31+$0x5420]  }
0x6d: {  	v8 =	vld [tilespmem:s31+$0x5430]  }
0x6e: {  	v9 =	vimm.f32 $0.0e+00;
	v3 =	vimm.f32 $0.0e+00;
	v6 =	vld [tilespmem:s31+$0x5440]  }
0x6f: {  	v10 =	vimm.f32 $0.0e+00;
	v7 =	vimm.f32 $0.0e+00;
	v11 =	vld [tilespmem:s31+$0x5450];
	v1 =	vadd.f32 v0, v3  }
0x70: {  	s28 =	simm.s32 $0x80;
	s29 =	simm.s32 $0x400;
	v12 =	vld [tilespmem:s31+$0x5460];
	v0 =	vadd.f32 v2, v3;
	v2 =	vadd.f32 v4, v3;
	v4 =	vimm.f32 $0.0e+00  }
.LBB2_7:
0x71: {  	p1 =	sne.s32 s29, $0xCE00;
	v13 =	vld [tilespmem:s28+$0x5470];
	v3 =	vadd.f32 v5, v3  }
0x72: {  	v14 =	vld [tilespmem:s28+$0x5400];
	v4 =	vadd.f32 v8, v4  }
0x73: {  	v15 =	vld [tilespmem:s28+$0x5410];
	v9 =	vadd.f32 v6, v9  }
.Ltmp4:
0x74: {  	v5 =	vld [tilespmem:s28+$0x5420];
	v10 =	vadd.f32 v11, v10;
	(pc) =	sbr.rel @p1 .LBB2_7-.Ltmp4, $4  }
0x75: {  	v8 =	vld [tilespmem:s28+$0x5430];
	v7 =	vadd.f32 v12, v7  }
0x76: {  	v6 =	vld [tilespmem:s28+$0x5440];
	v1 =	vadd.f32 v13, v1  }
0x77: {  	v0 =	vadd.f32 v14, v0;
	v11 =	vld [tilespmem:s28+$0x5450]  }
0x78: {  	v2 =	vadd.f32 v15, v2;
	v12 =	vld [tilespmem:s28+$0x5460];
	s28 =	sshra.s32 s29, $0x2;
	s29 =	sadd.s32 $0x200, s29  }
0x79: {  	v13 =	vld [tilespmem:s28+$0x5470]  }
0x7a: {  	v14 =	vld [tilespmem:s28+$0x5400]  }
0x7b: {  	v15 =	vld [tilespmem:s28+$0x5410]  }
0x7c: {  	v16 =	vld [tilespmem:s28+$0x5420]  }
0x7d: {  	v17 =	vld [tilespmem:s28+$0x5430]  }
0x7e: {  	v18 =	vld [tilespmem:s28+$0x5440]  }
0x7f: {  	v19 =	vld [tilespmem:s28+$0x5450]  }
0x80: {  	v20 =	vld [tilespmem:s28+$0x5460];
	s26 =	sadd.s32 @!p0 $0x180, s26;
	s28 =	simm.s32 @!p0 $0x68;
	s29 =	simm.s32 @!p0 $0x5400  }
0x81: {  	[tilespmem:s29], [sflag:$0x3] =	stream.indirect.gather @!p0 [hbm4b:s2+s28], $0x80, s26, s28, $0xb8;
	[tilespmem:$0xF800] =	vst v63  }
0x82: {  	_ =	swait.ge [sflag:s21], $0x3000  }
0x83: {  	[sflag:s21] =	ssyncset.done $0x0  }
0x84: {  	s31 =	simm.s32 $0x0;
	[sflag:s21] =	ssyncadd.s32 $0xFFFFD000  }
0x85: {  	v3 =	vadd.f32 v5, v3;
	v4 =	vadd.f32 v8, v4;
	v21 =	vld [tilespmem:s31+$0xB870]  }
0x86: {  	v8 =	vadd.f32 v6, v9;
	v9 =	vadd.f32 v11, v10;
	v10 =	vld [tilespmem:s31+$0xB800]  }
0x87: {  	v11 =	vadd.f32 v12, v7;
	v12 =	vadd.f32 v13, v1;
	v13 =	vld [tilespmem:s31+$0xB810]  }
0x88: {  	v14 =	vadd.f32 v14, v0;
	v15 =	vadd.f32 v15, v2;
	v6 =	vld [tilespmem:s31+$0xB820]  }
0x89: {  	v5 =	vadd.f32 v16, v3;
	v4 =	vadd.f32 v17, v4;
	v7 =	vld [tilespmem:s31+$0xB830]  }
0x8a: {  	v3 =	vadd.f32 v18, v8;
	v2 =	vadd.f32 v19, v9;
	v8 =	vld [tilespmem:s31+$0xB840]  }
0x8b: {  	v9 =	vld [tilespmem:s31+$0xB850];
	v1 =	vadd.f32 v20, v11;
	v0 =	vadd.f32 v21, v12  }
0x8c: {  	s26 =	simm.s32 $0x80;
	s28 =	simm.s32 $0x400;
	v10 =	vadd.f32 v10, v14;
	v11 =	vadd.f32 v13, v15;
	v12 =	vld [tilespmem:s31+$0xB860]  }
.LBB2_9:
0x8d: {  	p1 =	sne.s32 s28, $0xBE00;
	v13 =	vld [tilespmem:s26+$0xB870];
	v5 =	vadd.f32 v6, v5  }
0x8e: {  	v14 =	vld [tilespmem:s26+$0xB800];
	v4 =	vadd.f32 v7, v4  }
0x8f: {  	v15 =	vld [tilespmem:s26+$0xB810];
	v3 =	vadd.f32 v8, v3  }
.Ltmp5:
0x90: {  	v6 =	vld [tilespmem:s26+$0xB820];
	v2 =	vadd.f32 v9, v2;
	(pc) =	sbr.rel @p1 .LBB2_9-.Ltmp5, $4  }
0x91: {  	v7 =	vld [tilespmem:s26+$0xB830];
	v1 =	vadd.f32 v12, v1  }
0x92: {  	v8 =	vld [tilespmem:s26+$0xB840];
	v0 =	vadd.f32 v13, v0  }
0x93: {  	v10 =	vadd.f32 v14, v10;
	v9 =	vld [tilespmem:s26+$0xB850]  }
0x94: {  	v11 =	vadd.f32 v15, v11;
	v12 =	vld [tilespmem:s26+$0xB860];
	s26 =	sshra.s32 s28, $0x2;
	s28 =	sadd.s32 $0x200, s28  }
0x95: {  	v13 =	vld [tilespmem:s26+$0xB800]  }
0x96: {  	v14 =	vld [tilespmem:s26+$0xB810]  }
0x97: {  	v15 =	vld [tilespmem:s26+$0xB820]  }
0x98: {  	v16 =	vld [tilespmem:s26+$0xB830]  }
0x99: {  	v17 =	vld [tilespmem:s26+$0xB840]  }
0x9a: {  	v5 =	vadd.f32 v6, v5;
	v60 =	vld [tilespmem:s26+$0xB850];
	v59 =	vadd.f32 v13, v10  }
0x9b: {  	v63 =	vld [tilespmem:s26+$0xB870];
	v4 =	vadd.f32 v7, v4;
	v61 =	vadd.f32 v14, v11  }
0x9c: {  	v62 =	vld [tilespmem:s26+$0xB860];
	v3 =	vadd.f32 v8, v3;
	v5 =	vadd.f32 v15, v5;
	v6 =	vmul.f32 $4.999999890e-03, v59  }
0x9d: {  	v2 =	vadd.f32 v9, v2;
	v4 =	vadd.f32 v16, v4;
	v7 =	vmul.f32 $4.999999890e-03, v61  }
0x9e: {  	v3 =	vadd.f32 v17, v3;
	v5 =	vmul.f32 $4.999999890e-03, v5;
	[tilespmem:s25+$0xE880] =	vst v6  }
0x9f: {  	v1 =	vadd.f32 v12, v1;
	v2 =	vadd.f32 v60, v2;
	v4 =	vmul.f32 $4.999999890e-03, v4;
	[tilespmem:s25+$0xE890] =	vst v7  }
0xa0: {  	v0 =	vadd.f32 v63, v0;
	v3 =	vmul.f32 $4.999999890e-03, v3;
	[tilespmem:s25+$0xE8A0] =	vst v5  }
.Ltmp6:
0xa1: {  	v1 =	vadd.f32 v62, v1;
	v2 =	vmul.f32 $4.999999890e-03, v2;
	[tilespmem:s25+$0xE8B0] =	vst v4;
	(pc) =	sbr.rel @p0 .LBB2_12-.Ltmp6, $4  }
0xa2: {  	v0 =	vmul.f32 $4.999999890e-03, v0;
	[tilespmem:s25+$0xE8C0] =	vst v3  }
0xa3: {  	v1 =	vmul.f32 $4.999999890e-03, v1;
	[tilespmem:s25+$0xE8D0] =	vst v2  }
0xa4: {  	[tilespmem:s25+$0xE8F0] =	vst v0  }
0xa5: {  	[tilespmem:s25+$0xE8E0] =	vst v1  }
.Ltmp7:
0xa6: {  	(pc) =	sbr.rel .LBB2_2-.Ltmp7, $3  }
0xa7: {  	_ =	sdelay $0x1  }
0xa8: {  	s25 =	sadd.s32 $0x1180, s25;
	s24 =	sadd.s32 $0x1, s24  }
0xa9: {  	[tilespmem:s17], [sflag:$0x4] =	stream.indirect.gather [hbm4b:s2+s12], $0x80, s25, s12, $0xb8;
	[tilespmem:$0xF800] =	vst v63  }
.LBB2_13:
0xaa: {  	_ =	sfence.sel $0x180000  }
0xab: {  	[bflag:$0x0] =	sbarrier.arrive $0xFFFF  }
0xac: {  	p0 =	sne.s32 s1, $0x0;
	_ =	strace $0x90000050  }
0xad: {  	s0 =	sadd.s32 @!p0 $0x100000, s0;
	[bflag:$0x2] =	sbarrier.arrive $0xFFFF  }
0xae: {  	[sflag:s0] =	ssyncadd.tile.s32 @!p0 $0x1;
	_ =	shalt  }
.Lfunc_end2:
_tile_overlayer_lowered:
.L_overlay_start_2:
0xaf: {  	(tag) =	ssettag $0x2  }
0xb0: {  	s0 =	rddreg [dreg:$0x0];
	s2 =	stileid.u32  }
0xb1: {  	s1 =	rddreg [dreg:$0x1];
	p0 =	sne.s32 s2, $0x0  }
0xb2: {  	s3 =	rddreg [dreg:$0x2];
	[bflag:$0x3] =	sbarrier.arrive $0xFFFF;
	s2 =	simm.s32 @!p0 $0x1C05  }
0xb3: {  	[timem:s3], [sflag:s2] =	dma.local @!p0 [hbm:s0], s1  }
0xb4: {  	s0 =	simm.s32 @!p0 $0x5  }
0xb5: {  	_ =	swait.ge @!p0 [sflag:s0], s1  }
0xb6: {  	s1 =	ssub.s32 @!p0 $0x0, s1;
	[sflag:s0] =	ssyncset.done @!p0 $0x0  }
0xb7: {  	[sflag:s0] =	ssyncadd.s32 @!p0 s1  }
0xb8: {  	[bflag:$0x3] =	sbarrier.arrive $0xFFFF  }
0xb9: {  	_ =	shalt  }

</sc_bundles>
